<compile_context>
chip_gen: v7x
topology: tpu7x:2x2x1
jax: 0.10.2.dev20260603
libtpu: 0.0.44.dev20260713+nightly
codegen_flags: <defaults>
</compile_context>

<pallas_src>
import functools

import jax
import jax.numpy as jnp
from jax import lax
from jax.experimental import pallas as pl
from jax.experimental.pallas import tpu as pltpu
from jax.experimental.pallas import tpu_sc as plsc

B = 4
S = 8192
H = 1024
LANES = 16
NC = 2
NS = 16
NW = NC * NS
TOK = B * S
TPW = TOK // NW
K = 8
NCHUNK = TPW // K
NBUF = 4
NITER = NCHUNK // NBUF
VECS_PER_ROW = H // LANES


def _add_rows_inplace(dst, src):
    def row_body(r, carry):
        for j in range(VECS_PER_ROW):
            col = j * LANES
            dst[r, pl.ds(col, LANES)] = (
                dst[r, pl.ds(col, LANES)] + src[r, pl.ds(col, LANES)]
            )
        return carry
    lax.fori_loop(0, K, row_body, 0)


def _sc_kernel(ids_hbm, t1_hbm, t2_hbm, out_hbm,
               idx1, idx2, *bufs_and_sems):
    a = bufs_and_sems[0:NBUF]
    bsuf = bufs_and_sems[NBUF:2 * NBUF]
    gsem = bufs_and_sems[2 * NBUF:3 * NBUF]
    ssem = bufs_and_sems[3 * NBUF:4 * NBUF]

    wid = lax.axis_index("s") * NC + lax.axis_index("c")
    b = wid // (S // TPW)
    sbase = (wid % (S // TPW)) * TPW
    pltpu.sync_copy(ids_hbm.at[pl.ds(b * 2 * S + sbase, TPW)], idx1)
    pltpu.sync_copy(ids_hbm.at[pl.ds(b * 2 * S + S + sbase, TPW)], idx2)

    def gathers(c, t):
        pltpu.async_copy(t1_hbm.at[idx1.at[pl.ds(c * K, K)]], a[t], gsem[t])
        pltpu.async_copy(t2_hbm.at[idx2.at[pl.ds(c * K, K)]], bsuf[t], gsem[t])

    def wait_gathers(t):
        pltpu.make_async_copy(t1_hbm.at[pl.ds(0, K)], a[t], gsem[t]).wait()
        pltpu.make_async_copy(t2_hbm.at[pl.ds(0, K)], bsuf[t], gsem[t]).wait()

    def wait_store(t):
        pltpu.make_async_copy(out_hbm.at[pl.ds(0, K)], a[t], ssem[t]).wait()

    for t in range(3):
        gathers(t, t)

    def body(i, carry):
        for t in range(NBUF):
            c = NBUF * i + t
            nt = (t + 3) % NBUF

            @pl.when(c >= 1)
            def _():
                wait_store(nt)

            @pl.when(c < NCHUNK - 3)
            def _():
                gathers(c + 3, nt)

            wait_gathers(t)
            _add_rows_inplace(a[t], bsuf[t])
            pltpu.async_copy(a[t], out_hbm.at[pl.ds(wid * TPW + c * K, K)],
                             ssem[t])
        return carry

    lax.fori_loop(0, NITER, body, 0)
    wait_store((NCHUNK - 1) % NBUF)


@jax.jit
def _run(ids_flat, position_table, block_position_table):
    mesh = plsc.VectorSubcoreMesh(core_axis_name="c", subcore_axis_name="s")
    fn = functools.partial(
        pl.kernel,
        mesh=mesh,
        out_type=jax.ShapeDtypeStruct((TOK, H), jnp.float32),
        scratch_types=(
            [pltpu.VMEM((TPW,), jnp.int32)] * 2
            + [pltpu.VMEM((K, H), jnp.float32)] * (2 * NBUF)
            + [pltpu.SemaphoreType.DMA] * (2 * NBUF)
        ),
    )(_sc_kernel)
    return fn(ids_flat, position_table, block_position_table)


def kernel(position_ids, position_table, block_position_table):
    ids_flat = position_ids.astype(jnp.int32).reshape(-1)
    out = _run(ids_flat, position_table, block_position_table)
    return out.reshape(B, S, H)

# --- scband reference (transcript-rebuilt; emitter-appended) ---
"""Pipeline reference for scband-block-position-embedding-mixin-51556787421551 (READ-ONLY COPY).

The authoritative reference and input builder live on the scoring server;
editing this copy changes nothing except your own understanding.
"""

import jax, jax.numpy as jnp
import numpy as np

MAX_SEQ = 8192
HIDDEN = 1024
BATCH = 4
SEQ = 8192


def setup_inputs(seed: int = 0) -> dict:
    key = jax.random.key(seed)
    k1, k2, k3 = jax.random.split(key, 3)
    position_ids = jax.random.randint(k1, (BATCH, 2, SEQ), 0, MAX_SEQ, dtype=jnp.int64 if jax.config.jax_enable_x64 else jnp.int32)
    # learned parameters: the mixin's block_position_embeddings table and the
    # parent transformer's position_embeddings table (both [max_seq, hidden])
    position_table = jax.random.normal(k2, (MAX_SEQ, HIDDEN), dtype=jnp.float32) * 0.02
    block_position_table = jax.random.normal(k3, (MAX_SEQ, HIDDEN), dtype=jnp.float32) * 0.02
    return {
        "position_ids": position_ids,
        "position_table": position_table,
        "block_position_table": block_position_table,
    }


def reference(position_ids, position_table, block_position_table):
    # position_ids: [B, 2, S] -> split into positions and block positions
    pos_ids = position_ids[:, 0]        # [B, S]
    block_pos_ids = position_ids[:, 1]  # [B, S]
    # embedding lookup == gather rows of the table
    position_embeddings = jnp.take(position_table, pos_ids, axis=0)              # [B, S, H]
    block_position_embeddings = jnp.take(block_position_table, block_pos_ids, axis=0)  # [B, S, H]
    return position_embeddings + block_position_embeddings

if __name__ == "__main__":
    import jax
    _d = setup_inputs()
    print(jax.jit(kernel)(*tuple(_d.values())))

</pallas_src>

<mosaic_0001>
#map = affine_map<(d0, d1) -> (0)>
#map1 = affine_map<(d0, d1) -> (0, 0)>
module attributes {stable_mosaic.version = 14 : i64} {
  func.func @_sc_kernel(%arg0: i32, %arg1: i32, %arg2: memref<65536xi32, #tpu.memory_space<hbm>>, %arg3: memref<8192x1024xf32, #tpu.memory_space<hbm>>, %arg4: memref<8192x1024xf32, #tpu.memory_space<hbm>>, %arg5: memref<32768x1024xf32, #tpu.memory_space<hbm>>, %arg6: memref<1024xi32, #tpu.memory_space<vmem>>, %arg7: memref<1024xi32, #tpu.memory_space<vmem>>, %arg8: memref<8x1024xf32, #tpu.memory_space<vmem>>, %arg9: memref<8x1024xf32, #tpu.memory_space<vmem>>, %arg10: memref<8x1024xf32, #tpu.memory_space<vmem>>, %arg11: memref<8x1024xf32, #tpu.memory_space<vmem>>, %arg12: memref<8x1024xf32, #tpu.memory_space<vmem>>, %arg13: memref<8x1024xf32, #tpu.memory_space<vmem>>, %arg14: memref<8x1024xf32, #tpu.memory_space<vmem>>, %arg15: memref<8x1024xf32, #tpu.memory_space<vmem>>, %arg16: memref<!tpu.dma_semaphore, #tpu.memory_space<semaphore_mem>>, %arg17: memref<!tpu.dma_semaphore, #tpu.memory_space<semaphore_mem>>, %arg18: memref<!tpu.dma_semaphore, #tpu.memory_space<semaphore_mem>>, %arg19: memref<!tpu.dma_semaphore, #tpu.memory_space<semaphore_mem>>, %arg20: memref<!tpu.dma_semaphore, #tpu.memory_space<semaphore_mem>>, %arg21: memref<!tpu.dma_semaphore, #tpu.memory_space<semaphore_mem>>, %arg22: memref<!tpu.dma_semaphore, #tpu.memory_space<semaphore_mem>>, %arg23: memref<!tpu.dma_semaphore, #tpu.memory_space<semaphore_mem>>) attributes {dimension_semantics = [#tpu.dimension_semantics<core_parallel>, #tpu.dimension_semantics<subcore_parallel>], iteration_bounds = array<i64: 2, 16>, scalar_prefetch = 0 : i64, scratch_operands = 18 : i64, tpu.core_type = #tpu.core_type<sc_vector_subcore>, window_params = [{transform_indices = #map}, {transform_indices = #map1}, {transform_indices = #map1}, {transform_indices = #map1}]} {
    %mul3A = arith.constant 2 : i32
    %mul3A_0 = arith.muli %arg1, %mul3A : i32
    %add3A = arith.addi %mul3A_0, %arg0 : i32
    %jit3A = arith.constant 8 : i32
    %div3A = arith.divsi %add3A, %jit3A : i32
    %sign3A = arith.constant 0 : i32
    %sign3A_1 = arith.cmpi sgt, %add3A, %sign3A : i32
    %sign3A_2 = arith.extui %sign3A_1 : i1 to i32
    %sign3A_3 = arith.constant 0 : i32
    %sign3A_4 = arith.cmpi slt, %add3A, %sign3A_3 : i32
    %sign3A_5 = arith.extui %sign3A_4 : i1 to i32
    %sign3A_6 = arith.subi %sign3A_2, %sign3A_5 : i32
    %sign3A_7 = arith.constant 0 : i32
    %sign3A_8 = arith.cmpi sgt, %jit3A, %sign3A_7 : i32
    %sign3A_9 = arith.extui %sign3A_8 : i1 to i32
    %sign3A_10 = arith.constant 0 : i32
    %sign3A_11 = arith.cmpi slt, %jit3A, %sign3A_10 : i32
    %sign3A_12 = arith.extui %sign3A_11 : i1 to i32
    %sign3A_13 = arith.subi %sign3A_9, %sign3A_12 : i32
    %ne3A = arith.cmpi ne, %sign3A_6, %sign3A_13 : i32
    %rem3A = arith.remsi %add3A, %jit3A : i32
    %ne3A_14 = arith.constant 0 : i32
    %ne3A_15 = arith.cmpi ne, %rem3A, %ne3A_14 : i32
    %and3A = arith.andi %ne3A, %ne3A_15 : i1
    %sub3A = arith.constant 1 : i32
    %sub3A_16 = arith.subi %div3A, %sub3A : i32
    %select_n3A = arith.select %and3A, %sub3A_16, %div3A : i32
    %jit3A_17 = arith.constant 8 : i32
    %eq3A = arith.constant 0 : i32
    %eq3A_18 = arith.cmpi eq, %jit3A_17, %eq3A : i32
    %jit3A_19 = arith.constant 1 : i32
    %select_n3A_20 = arith.select %eq3A_18, %jit3A_19, %jit3A_17 : i32
    %rem3A_21 = arith.remsi %add3A, %select_n3A_20 : i32
    %ne3A_22 = arith.constant 0 : i32
    %ne3A_23 = arith.cmpi ne, %rem3A_21, %ne3A_22 : i32
    %lt3A = arith.constant 0 : i32
    %lt3A_24 = arith.cmpi slt, %rem3A_21, %lt3A : i32
    %lt3A_25 = arith.constant 0 : i32
    %lt3A_26 = arith.cmpi slt, %select_n3A_20, %lt3A_25 : i32
    %ne3A_27 = arith.xori %lt3A_24, %lt3A_26 : i1
    %and3A_28 = arith.andi %ne3A_27, %ne3A_23 : i1
    %add3A_29 = arith.addi %rem3A_21, %select_n3A_20 : i32
    %select_n3A_30 = arith.select %and3A_28, %add3A_29, %rem3A_21 : i32
    %mul3A_31 = arith.constant 1024 : i32
    %mul3A_32 = arith.muli %select_n3A_30, %mul3A_31 : i32
    %mul3A_33 = arith.constant 2 : i32
    %mul3A_34 = arith.muli %select_n3A, %mul3A_33 : i32
    %mul3A_35 = arith.constant 8192 : i32
    %mul3A_36 = arith.muli %mul3A_34, %mul3A_35 : i32
    %add3A_37 = arith.addi %mul3A_36, %mul3A_32 : i32
    "tpu.region"() ({
      %run_scoped3A = tpu.sem_alloc : memref<!tpu.dma_semaphore, #tpu.memory_space<semaphore_mem>>
      %dma_start3A_84 = tpu.memref_slice %arg2[%add3A_37] : memref<65536xi32, #tpu.memory_space<hbm>> -> memref<1024xi32, #tpu.memory_space<hbm>>
      %dma_start3A_85 = tpu.memref_slice %arg2[%add3A_37] : memref<65536xi32, #tpu.memory_space<hbm>> -> memref<1024xi32, #tpu.memory_space<hbm>>
      tpu.enqueue_dma source(%dma_start3A_85 : memref<1024xi32, #tpu.memory_space<hbm>>) target(%arg6 : memref<1024xi32, #tpu.memory_space<vmem>>) target_semaphore(%run_scoped3A : memref<!tpu.dma_semaphore, #tpu.memory_space<semaphore_mem>>)
      %dma_wait3A_86 = tpu.memref_slice %arg2[%add3A_37] : memref<65536xi32, #tpu.memory_space<hbm>> -> memref<1024xi32, #tpu.memory_space<hbm>>
      %dma_wait3A_87 = tpu.memref_slice %arg2[%add3A_37] : memref<65536xi32, #tpu.memory_space<hbm>> -> memref<1024xi32, #tpu.memory_space<hbm>>
      tpu.wait_dma2 semaphore(%run_scoped3A : memref<!tpu.dma_semaphore, #tpu.memory_space<semaphore_mem>>) src(%dma_wait3A_87 : memref<1024xi32, #tpu.memory_space<hbm>>) dst(%arg6 : memref<1024xi32, #tpu.memory_space<vmem>>)
      tpu.yield
    }) : () -> ()
    %mul3A_38 = arith.constant 2 : i32
    %mul3A_39 = arith.muli %select_n3A, %mul3A_38 : i32
    %mul3A_40 = arith.constant 8192 : i32
    %mul3A_41 = arith.muli %mul3A_39, %mul3A_40 : i32
    %add3A_42 = arith.constant 8192 : i32
    %add3A_43 = arith.addi %mul3A_41, %add3A_42 : i32
    %add3A_44 = arith.addi %add3A_43, %mul3A_32 : i32
    "tpu.region"() ({
      %run_scoped3A = tpu.sem_alloc : memref<!tpu.dma_semaphore, #tpu.memory_space<semaphore_mem>>
      %dma_start3A_84 = tpu.memref_slice %arg2[%add3A_44] : memref<65536xi32, #tpu.memory_space<hbm>> -> memref<1024xi32, #tpu.memory_space<hbm>>
      %dma_start3A_85 = tpu.memref_slice %arg2[%add3A_44] : memref<65536xi32, #tpu.memory_space<hbm>> -> memref<1024xi32, #tpu.memory_space<hbm>>
      tpu.enqueue_dma source(%dma_start3A_85 : memref<1024xi32, #tpu.memory_space<hbm>>) target(%arg7 : memref<1024xi32, #tpu.memory_space<vmem>>) target_semaphore(%run_scoped3A : memref<!tpu.dma_semaphore, #tpu.memory_space<semaphore_mem>>)
      %dma_wait3A_86 = tpu.memref_slice %arg2[%add3A_44] : memref<65536xi32, #tpu.memory_space<hbm>> -> memref<1024xi32, #tpu.memory_space<hbm>>
      %dma_wait3A_87 = tpu.memref_slice %arg2[%add3A_44] : memref<65536xi32, #tpu.memory_space<hbm>> -> memref<1024xi32, #tpu.memory_space<hbm>>
      tpu.wait_dma2 semaphore(%run_scoped3A : memref<!tpu.dma_semaphore, #tpu.memory_space<semaphore_mem>>) src(%dma_wait3A_87 : memref<1024xi32, #tpu.memory_space<hbm>>) dst(%arg7 : memref<1024xi32, #tpu.memory_space<vmem>>)
      tpu.yield
    }) : () -> ()
    %dma_start3A = arith.constant 0 : i32
    %dma_start3A_45 = tpu.memref_slice %arg6[%dma_start3A] : memref<1024xi32, #tpu.memory_space<vmem>> -> memref<8xi32, #tpu.memory_space<vmem>>
    %dma_start3A_46 = arith.constant 0 : i32
    %dma_start3A_47 = arith.constant 0 : i32
    %dma_start3A_48 = tpu.memref_slice %arg3[%dma_start3A_46, %dma_start3A_47] : memref<8192x1024xf32, #tpu.memory_space<hbm>> -> memref<8192x1024xf32, #tpu.memory_space<hbm>>
    tpu.enqueue_indirect_dma source(%dma_start3A_48 : memref<8192x1024xf32, #tpu.memory_space<hbm>>) target(%arg8 : memref<8x1024xf32, #tpu.memory_space<vmem>>) offsets(%dma_start3A_45 : memref<8xi32, #tpu.memory_space<vmem>>) semaphore(%arg16 : memref<!tpu.dma_semaphore, #tpu.memory_space<semaphore_mem>>)
    %dma_start3A_49 = arith.constant 0 : i32
    %dma_start3A_50 = tpu.memref_slice %arg7[%dma_start3A_49] : memref<1024xi32, #tpu.memory_space<vmem>> -> memref<8xi32, #tpu.memory_space<vmem>>
    %dma_start3A_51 = arith.constant 0 : i32
    %dma_start3A_52 = arith.constant 0 : i32
    %dma_start3A_53 = tpu.memref_slice %arg4[%dma_start3A_51, %dma_start3A_52] : memref<8192x1024xf32, #tpu.memory_space<hbm>> -> memref<8192x1024xf32, #tpu.memory_space<hbm>>
    tpu.enqueue_indirect_dma source(%dma_start3A_53 : memref<8192x1024xf32, #tpu.memory_space<hbm>>) target(%arg12 : memref<8x1024xf32, #tpu.memory_space<vmem>>) offsets(%dma_start3A_50 : memref<8xi32, #tpu.memory_space<vmem>>) semaphore(%arg16 : memref<!tpu.dma_semaphore, #tpu.memory_space<semaphore_mem>>)
    %dma_start3A_54 = arith.constant 8 : i32
    %dma_start3A_55 = tpu.memref_slice %arg6[%dma_start3A_54] : memref<1024xi32, #tpu.memory_space<vmem>> -> memref<8xi32, #tpu.memory_space<vmem>>
    %dma_start3A_56 = arith.constant 0 : i32
    %dma_start3A_57 = arith.constant 0 : i32
    %dma_start3A_58 = tpu.memref_slice %arg3[%dma_start3A_56, %dma_start3A_57] : memref<8192x1024xf32, #tpu.memory_space<hbm>> -> memref<8192x1024xf32, #tpu.memory_space<hbm>>
    tpu.enqueue_indirect_dma source(%dma_start3A_58 : memref<8192x1024xf32, #tpu.memory_space<hbm>>) target(%arg9 : memref<8x1024xf32, #tpu.memory_space<vmem>>) offsets(%dma_start3A_55 : memref<8xi32, #tpu.memory_space<vmem>>) semaphore(%arg17 : memref<!tpu.dma_semaphore, #tpu.memory_space<semaphore_mem>>)
    %dma_start3A_59 = arith.constant 8 : i32
    %dma_start3A_60 = tpu.memref_slice %arg7[%dma_start3A_59] : memref<1024xi32, #tpu.memory_space<vmem>> -> memref<8xi32, #tpu.memory_space<vmem>>
    %dma_start3A_61 = arith.constant 0 : i32
    %dma_start3A_62 = arith.constant 0 : i32
    %dma_start3A_63 = tpu.memref_slice %arg4[%dma_start3A_61, %dma_start3A_62] : memref<8192x1024xf32, #tpu.memory_space<hbm>> -> memref<8192x1024xf32, #tpu.memory_space<hbm>>
    tpu.enqueue_indirect_dma source(%dma_start3A_63 : memref<8192x1024xf32, #tpu.memory_space<hbm>>) target(%arg13 : memref<8x1024xf32, #tpu.memory_space<vmem>>) offsets(%dma_start3A_60 : memref<8xi32, #tpu.memory_space<vmem>>) semaphore(%arg17 : memref<!tpu.dma_semaphore, #tpu.memory_space<semaphore_mem>>)
    %dma_start3A_64 = arith.constant 16 : i32
    %dma_start3A_65 = tpu.memref_slice %arg6[%dma_start3A_64] : memref<1024xi32, #tpu.memory_space<vmem>> -> memref<8xi32, #tpu.memory_space<vmem>>
    %dma_start3A_66 = arith.constant 0 : i32
    %dma_start3A_67 = arith.constant 0 : i32
    %dma_start3A_68 = tpu.memref_slice %arg3[%dma_start3A_66, %dma_start3A_67] : memref<8192x1024xf32, #tpu.memory_space<hbm>> -> memref<8192x1024xf32, #tpu.memory_space<hbm>>
    tpu.enqueue_indirect_dma source(%dma_start3A_68 : memref<8192x1024xf32, #tpu.memory_space<hbm>>) target(%arg10 : memref<8x1024xf32, #tpu.memory_space<vmem>>) offsets(%dma_start3A_65 : memref<8xi32, #tpu.memory_space<vmem>>) semaphore(%arg18 : memref<!tpu.dma_semaphore, #tpu.memory_space<semaphore_mem>>)
    %dma_start3A_69 = arith.constant 16 : i32
    %dma_start3A_70 = tpu.memref_slice %arg7[%dma_start3A_69] : memref<1024xi32, #tpu.memory_space<vmem>> -> memref<8xi32, #tpu.memory_space<vmem>>
    %dma_start3A_71 = arith.constant 0 : i32
    %dma_start3A_72 = arith.constant 0 : i32
    %dma_start3A_73 = tpu.memref_slice %arg4[%dma_start3A_71, %dma_start3A_72] : memref<8192x1024xf32, #tpu.memory_space<hbm>> -> memref<8192x1024xf32, #tpu.memory_space<hbm>>
    tpu.enqueue_indirect_dma source(%dma_start3A_73 : memref<8192x1024xf32, #tpu.memory_space<hbm>>) target(%arg14 : memref<8x1024xf32, #tpu.memory_space<vmem>>) offsets(%dma_start3A_70 : memref<8xi32, #tpu.memory_space<vmem>>) semaphore(%arg18 : memref<!tpu.dma_semaphore, #tpu.memory_space<semaphore_mem>>)
    %scan3A = arith.constant 0 : i32
    %scan3A_74 = arith.constant 0 : i32
    %scan3A_75 = arith.constant 32 : i32
    %scan3A_76 = arith.addi %scan3A_74, %scan3A_75 : i32
    %scan3A_77 = arith.constant 1 : i32
    scf.for %scan3A_84 = %scan3A_74 to %scan3A_76 step %scan3A_77  : i32 {
      %mul3A_85 = arith.constant 4 : i32
      %mul3A_86 = arith.muli %mul3A_85, %scan3A_84 : i32
      %add3A_87 = arith.constant 0 : i32
      %add3A_88 = arith.addi %mul3A_86, %add3A_87 : i32
      %ge3A = arith.constant 1 : i32
      %ge3A_89 = arith.cmpi sge, %add3A_88, %ge3A : i32
      %convert_element_type3A = arith.extui %ge3A_89 : i1 to i32
      %cond3A = arith.constant 0 : i32
      %cond3A_90 = arith.cmpi ne, %convert_element_type3A, %cond3A : i32
      scf.if %cond3A_90 {
        %dma_wait3A_246 = arith.constant 0 : i32
        %dma_wait3A_247 = arith.constant 0 : i32
        %dma_wait3A_248 = tpu.memref_slice %arg5[%dma_wait3A_246, %dma_wait3A_247] : memref<32768x1024xf32, #tpu.memory_space<hbm>> -> memref<8x1024xf32, #tpu.memory_space<hbm>>
        %dma_wait3A_249 = arith.constant 0 : i32
        %dma_wait3A_250 = arith.constant 0 : i32
        %dma_wait3A_251 = tpu.memref_slice %arg5[%dma_wait3A_249, %dma_wait3A_250] : memref<32768x1024xf32, #tpu.memory_space<hbm>> -> memref<8x1024xf32, #tpu.memory_space<hbm>>
        tpu.wait_dma2 semaphore(%arg23 : memref<!tpu.dma_semaphore, #tpu.memory_space<semaphore_mem>>) src(%dma_wait3A_251 : memref<8x1024xf32, #tpu.memory_space<hbm>>) dst(%arg11 : memref<8x1024xf32, #tpu.memory_space<vmem>>)
      } else {
      }
      %lt3A_91 = arith.constant 125 : i32
      %lt3A_92 = arith.cmpi slt, %add3A_88, %lt3A_91 : i32
      %convert_element_type3A_93 = arith.extui %lt3A_92 : i1 to i32
      %cond3A_94 = arith.constant 0 : i32
      %cond3A_95 = arith.cmpi ne, %convert_element_type3A_93, %cond3A_94 : i32
      scf.if %cond3A_95 {
        %add3A_246 = arith.constant 3 : i32
        %add3A_247 = arith.addi %add3A_88, %add3A_246 : i32
        %mul3A_248 = arith.constant 8 : i32
        %mul3A_249 = arith.muli %add3A_247, %mul3A_248 : i32
        %dma_start3A_250 = tpu.memref_slice %arg6[%mul3A_249] : memref<1024xi32, #tpu.memory_space<vmem>> -> memref<8xi32, #tpu.memory_space<vmem>>
        %dma_start3A_251 = arith.constant 0 : i32
        %dma_start3A_252 = arith.constant 0 : i32
        %dma_start3A_253 = tpu.memref_slice %arg3[%dma_start3A_251, %dma_start3A_252] : memref<8192x1024xf32, #tpu.memory_space<hbm>> -> memref<8192x1024xf32, #tpu.memory_space<hbm>>
        tpu.enqueue_indirect_dma source(%dma_start3A_253 : memref<8192x1024xf32, #tpu.memory_space<hbm>>) target(%arg11 : memref<8x1024xf32, #tpu.memory_space<vmem>>) offsets(%dma_start3A_250 : memref<8xi32, #tpu.memory_space<vmem>>) semaphore(%arg19 : memref<!tpu.dma_semaphore, #tpu.memory_space<semaphore_mem>>)
        %mul3A_254 = arith.constant 8 : i32
        %mul3A_255 = arith.muli %add3A_247, %mul3A_254 : i32
        %dma_start3A_256 = tpu.memref_slice %arg7[%mul3A_255] : memref<1024xi32, #tpu.memory_space<vmem>> -> memref<8xi32, #tpu.memory_space<vmem>>
        %dma_start3A_257 = arith.constant 0 : i32
        %dma_start3A_258 = arith.constant 0 : i32
        %dma_start3A_259 = tpu.memref_slice %arg4[%dma_start3A_257, %dma_start3A_258] : memref<8192x1024xf32, #tpu.memory_space<hbm>> -> memref<8192x1024xf32, #tpu.memory_space<hbm>>
        tpu.enqueue_indirect_dma source(%dma_start3A_259 : memref<8192x1024xf32, #tpu.memory_space<hbm>>) target(%arg15 : memref<8x1024xf32, #tpu.memory_space<vmem>>) offsets(%dma_start3A_256 : memref<8xi32, #tpu.memory_space<vmem>>) semaphore(%arg19 : memref<!tpu.dma_semaphore, #tpu.memory_space<semaphore_mem>>)
      } else {
      }
      %dma_wait3A_96 = arith.constant 0 : i32
      %dma_wait3A_97 = arith.constant 0 : i32
      %dma_wait3A_98 = tpu.memref_slice %arg3[%dma_wait3A_96, %dma_wait3A_97] : memref<8192x1024xf32, #tpu.memory_space<hbm>> -> memref<8x1024xf32, #tpu.memory_space<hbm>>
      %dma_wait3A_99 = arith.constant 0 : i32
      %dma_wait3A_100 = arith.constant 0 : i32
      %dma_wait3A_101 = tpu.memref_slice %arg3[%dma_wait3A_99, %dma_wait3A_100] : memref<8192x1024xf32, #tpu.memory_space<hbm>> -> memref<8x1024xf32, #tpu.memory_space<hbm>>
      tpu.wait_dma2 semaphore(%arg16 : memref<!tpu.dma_semaphore, #tpu.memory_space<semaphore_mem>>) src(%dma_wait3A_101 : memref<8x1024xf32, #tpu.memory_space<hbm>>) dst(%arg8 : memref<8x1024xf32, #tpu.memory_space<vmem>>)
      %dma_wait3A_102 = arith.constant 0 : i32
      %dma_wait3A_103 = arith.constant 0 : i32
      %dma_wait3A_104 = tpu.memref_slice %arg4[%dma_wait3A_102, %dma_wait3A_103] : memref<8192x1024xf32, #tpu.memory_space<hbm>> -> memref<8x1024xf32, #tpu.memory_space<hbm>>
      %dma_wait3A_105 = arith.constant 0 : i32
      %dma_wait3A_106 = arith.constant 0 : i32
      %dma_wait3A_107 = tpu.memref_slice %arg4[%dma_wait3A_105, %dma_wait3A_106] : memref<8192x1024xf32, #tpu.memory_space<hbm>> -> memref<8x1024xf32, #tpu.memory_space<hbm>>
      tpu.wait_dma2 semaphore(%arg16 : memref<!tpu.dma_semaphore, #tpu.memory_space<semaphore_mem>>) src(%dma_wait3A_107 : memref<8x1024xf32, #tpu.memory_space<hbm>>) dst(%arg12 : memref<8x1024xf32, #tpu.memory_space<vmem>>)
      %scan3A_108 = arith.constant 0 : i32
      %scan3A_109 = arith.constant 0 : i32
      %scan3A_110 = arith.constant 8 : i32
      %scan3A_111 = arith.addi %scan3A_109, %scan3A_110 : i32
      %scan3A_112 = arith.constant 1 : i32
      scf.for %scan3A_246 = %scan3A_109 to %scan3A_111 step %scan3A_112  : i32 {
        %get3A = arith.index_cast %scan3A_246 : i32 to index
        %get3A_247 = arith.constant 0 : index
        %get3A_248 = tpu.vector_load %arg8[%get3A, %get3A_247] {strides = array<i32>} : memref<8x1024xf32, #tpu.memory_space<vmem>>, vector<1x16xf32>,
        %get3A_249 = vector.shape_cast %get3A_248 : vector<1x16xf32> to vector<16xf32>
        %get3A_250 = arith.index_cast %scan3A_246 : i32 to index
        %get3A_251 = arith.constant 0 : index
        %get3A_252 = tpu.vector_load %arg12[%get3A_250, %get3A_251] {strides = array<i32>} : memref<8x1024xf32, #tpu.memory_space<vmem>>, vector<1x16xf32>,
        %get3A_253 = vector.shape_cast %get3A_252 : vector<1x16xf32> to vector<16xf32>
        %add3A_254 = arith.addf %get3A_249, %get3A_253 : vector<16xf32>
        %swap3A = arith.index_cast %scan3A_246 : i32 to index
        %swap3A_255 = arith.constant 0 : index
        %swap3A_256 = tpu.vector_load %arg8[%swap3A, %swap3A_255] {strides = array<i32>} : memref<8x1024xf32, #tpu.memory_space<vmem>>, vector<1x16xf32>,
        %swap3A_257 = vector.shape_cast %swap3A_256 : vector<1x16xf32> to vector<16xf32>
        %swap3A_258 = vector.shape_cast %add3A_254 : vector<16xf32> to vector<1x16xf32>
        tpu.vector_store %arg8[%swap3A, %swap3A_255], %swap3A_258 {strides = array<i32>} : memref<8x1024xf32, #tpu.memory_space<vmem>>, vector<1x16xf32>,
        %get3A_259 = arith.index_cast %scan3A_246 : i32 to index
        %get3A_260 = arith.constant 16 : index
        %get3A_261 = tpu.vector_load %arg8[%get3A_259, %get3A_260] {strides = array<i32>} : memref<8x1024xf32, #tpu.memory_space<vmem>>, vector<1x16xf32>,
        %get3A_262 = vector.shape_cast %get3A_261 : vector<1x16xf32> to vector<16xf32>
        %get3A_263 = arith.index_cast %scan3A_246 : i32 to index
        %get3A_264 = arith.constant 16 : index
        %get3A_265 = tpu.vector_load %arg12[%get3A_263, %get3A_264] {strides = array<i32>} : memref<8x1024xf32, #tpu.memory_space<vmem>>, vector<1x16xf32>,
        %get3A_266 = vector.shape_cast %get3A_265 : vector<1x16xf32> to vector<16xf32>
        %add3A_267 = arith.addf %get3A_262, %get3A_266 : vector<16xf32>
        %swap3A_268 = arith.index_cast %scan3A_246 : i32 to index
        %swap3A_269 = arith.constant 16 : index
        %swap3A_270 = tpu.vector_load %arg8[%swap3A_268, %swap3A_269] {strides = array<i32>} : memref<8x1024xf32, #tpu.memory_space<vmem>>, vector<1x16xf32>,
        %swap3A_271 = vector.shape_cast %swap3A_270 : vector<1x16xf32> to vector<16xf32>
        %swap3A_272 = vector.shape_cast %add3A_267 : vector<16xf32> to vector<1x16xf32>
        tpu.vector_store %arg8[%swap3A_268, %swap3A_269], %swap3A_272 {strides = array<i32>} : memref<8x1024xf32, #tpu.memory_space<vmem>>, vector<1x16xf32>,
        %get3A_273 = arith.index_cast %scan3A_246 : i32 to index
        %get3A_274 = arith.constant 32 : index
        %get3A_275 = tpu.vector_load %arg8[%get3A_273, %get3A_274] {strides = array<i32>} : memref<8x1024xf32, #tpu.memory_space<vmem>>, vector<1x16xf32>,
        %get3A_276 = vector.shape_cast %get3A_275 : vector<1x16xf32> to vector<16xf32>
        %get3A_277 = arith.index_cast %scan3A_246 : i32 to index
        %get3A_278 = arith.constant 32 : index
        %get3A_279 = tpu.vector_load %arg12[%get3A_277, %get3A_278] {strides = array<i32>} : memref<8x1024xf32, #tpu.memory_space<vmem>>, vector<1x16xf32>,
        %get3A_280 = vector.shape_cast %get3A_279 : vector<1x16xf32> to vector<16xf32>
        %add3A_281 = arith.addf %get3A_276, %get3A_280 : vector<16xf32>
        %swap3A_282 = arith.index_cast %scan3A_246 : i32 to index
        %swap3A_283 = arith.constant 32 : index
        %swap3A_284 = tpu.vector_load %arg8[%swap3A_282, %swap3A_283] {strides = array<i32>} : memref<8x1024xf32, #tpu.memory_space<vmem>>, vector<1x16xf32>,
        %swap3A_285 = vector.shape_cast %swap3A_284 : vector<1x16xf32> to vector<16xf32>
        %swap3A_286 = vector.shape_cast %add3A_281 : vector<16xf32> to vector<1x16xf32>
        tpu.vector_store %arg8[%swap3A_282, %swap3A_283], %swap3A_286 {strides = array<i32>} : memref<8x1024xf32, #tpu.memory_space<vmem>>, vector<1x16xf32>,
        %get3A_287 = arith.index_cast %scan3A_246 : i32 to index
        %get3A_288 = arith.constant 48 : index
        %get3A_289 = tpu.vector_load %arg8[%get3A_287, %get3A_288] {strides = array<i32>} : memref<8x1024xf32, #tpu.memory_space<vmem>>, vector<1x16xf32>,
        %get3A_290 = vector.shape_cast %get3A_289 : vector<1x16xf32> to vector<16xf32>
        %get3A_291 = arith.index_cast %scan3A_246 : i32 to index
        %get3A_292 = arith.constant 48 : index
        %get3A_293 = tpu.vector_load %arg12[%get3A_291, %get3A_292] {strides = array<i32>} : memref<8x1024xf32, #tpu.memory_space<vmem>>, vector<1x16xf32>,
        %get3A_294 = vector.shape_cast %get3A_293 : vector<1x16xf32> to vector<16xf32>
        %add3A_295 = arith.addf %get3A_290, %get3A_294 : vector<16xf32>
        %swap3A_296 = arith.index_cast %scan3A_246 : i32 to index
        %swap3A_297 = arith.constant 48 : index
        %swap3A_298 = tpu.vector_load %arg8[%swap3A_296, %swap3A_297] {strides = array<i32>} : memref<8x1024xf32, #tpu.memory_space<vmem>>, vector<1x16xf32>,
        %swap3A_299 = vector.shape_cast %swap3A_298 : vector<1x16xf32> to vector<16xf32>
        %swap3A_300 = vector.shape_cast %add3A_295 : vector<16xf32> to vector<1x16xf32>
        tpu.vector_store %arg8[%swap3A_296, %swap3A_297], %swap3A_300 {strides = array<i32>} : memref<8x1024xf32, #tpu.memory_space<vmem>>, vector<1x16xf32>,
        %get3A_301 = arith.index_cast %scan3A_246 : i32 to index
        %get3A_302 = arith.constant 64 : index
        %get3A_303 = tpu.vector_load %arg8[%get3A_301, %get3A_302] {strides = array<i32>} : memref<8x1024xf32, #tpu.memory_space<vmem>>, vector<1x16xf32>,
        %get3A_304 = vector.shape_cast %get3A_303 : vector<1x16xf32> to vector<16xf32>
        %get3A_305 = arith.index_cast %scan3A_246 : i32 to index
        %get3A_306 = arith.constant 64 : index
        %get3A_307 = tpu.vector_load %arg12[%get3A_305, %get3A_306] {strides = array<i32>} : memref<8x1024xf32, #tpu.memory_space<vmem>>, vector<1x16xf32>,
        %get3A_308 = vector.shape_cast %get3A_307 : vector<1x16xf32> to vector<16xf32>
        %add3A_309 = arith.addf %get3A_304, %get3A_308 : vector<16xf32>
        %swap3A_310 = arith.index_cast %scan3A_246 : i32 to index
        %swap3A_311 = arith.constant 64 : index
        %swap3A_312 = tpu.vector_load %arg8[%swap3A_310, %swap3A_311] {strides = array<i32>} : memref<8x1024xf32, #tpu.memory_space<vmem>>, vector<1x16xf32>,
        %swap3A_313 = vector.shape_cast %swap3A_312 : vector<1x16xf32> to vector<16xf32>
        %swap3A_314 = vector.shape_cast %add3A_309 : vector<16xf32> to vector<1x16xf32>
        tpu.vector_store %arg8[%swap3A_310, %swap3A_311], %swap3A_314 {strides = array<i32>} : memref<8x1024xf32, #tpu.memory_space<vmem>>, vector<1x16xf32>,
        %get3A_315 = arith.index_cast %scan3A_246 : i32 to index
        %get3A_316 = arith.constant 80 : index
        %get3A_317 = tpu.vector_load %arg8[%get3A_315, %get3A_316] {strides = array<i32>} : memref<8x1024xf32, #tpu.memory_space<vmem>>, vector<1x16xf32>,
        %get3A_318 = vector.shape_cast %get3A_317 : vector<1x16xf32> to vector<16xf32>
        %get3A_319 = arith.index_cast %scan3A_246 : i32 to index
        %get3A_320 = arith.constant 80 : index
        %get3A_321 = tpu.vector_load %arg12[%get3A_319, %get3A_320] {strides = array<i32>} : memref<8x1024xf32, #tpu.memory_space<vmem>>, vector<1x16xf32>,
        %get3A_322 = vector.shape_cast %get3A_321 : vector<1x16xf32> to vector<16xf32>
        %add3A_323 = arith.addf %get3A_318, %get3A_322 : vector<16xf32>
        %swap3A_324 = arith.index_cast %scan3A_246 : i32 to index
        %swap3A_325 = arith.constant 80 : index
        %swap3A_326 = tpu.vector_load %arg8[%swap3A_324, %swap3A_325] {strides = array<i32>} : memref<8x1024xf32, #tpu.memory_space<vmem>>, vector<1x16xf32>,
        %swap3A_327 = vector.shape_cast %swap3A_326 : vector<1x16xf32> to vector<16xf32>
        %swap3A_328 = vector.shape_cast %add3A_323 : vector<16xf32> to vector<1x16xf32>
        tpu.vector_store %arg8[%swap3A_324, %swap3A_325], %swap3A_328 {strides = array<i32>} : memref<8x1024xf32, #tpu.memory_space<vmem>>, vector<1x16xf32>,
        %get3A_329 = arith.index_cast %scan3A_246 : i32 to index
        %get3A_330 = arith.constant 96 : index
        %get3A_331 = tpu.vector_load %arg8[%get3A_329, %get3A_330] {strides = array<i32>} : memref<8x1024xf32, #tpu.memory_space<vmem>>, vector<1x16xf32>,
        %get3A_332 = vector.shape_cast %get3A_331 : vector<1x16xf32> to vector<16xf32>
        %get3A_333 = arith.index_cast %scan3A_246 : i32 to index
        %get3A_334 = arith.constant 96 : index
        %get3A_335 = tpu.vector_load %arg12[%get3A_333, %get3A_334] {strides = array<i32>} : memref<8x1024xf32, #tpu.memory_space<vmem>>, vector<1x16xf32>,
        %get3A_336 = vector.shape_cast %get3A_335 : vector<1x16xf32> to vector<16xf32>
        %add3A_337 = arith.addf %get3A_332, %get3A_336 : vector<16xf32>
        %swap3A_338 = arith.index_cast %scan3A_246 : i32 to index
        %swap3A_339 = arith.constant 96 : index
        %swap3A_340 = tpu.vector_load %arg8[%swap3A_338, %swap3A_339] {strides = array<i32>} : memref<8x1024xf32, #tpu.memory_space<vmem>>, vector<1x16xf32>,
        %swap3A_341 = vector.shape_cast %swap3A_340 : vector<1x16xf32> to vector<16xf32>
        %swap3A_342 = vector.shape_cast %add3A_337 : vector<16xf32> to vector<1x16xf32>
        tpu.vector_store %arg8[%swap3A_338, %swap3A_339], %swap3A_342 {strides = array<i32>} : memref<8x1024xf32, #tpu.memory_space<vmem>>, vector<1x16xf32>,
        %get3A_343 = arith.index_cast %scan3A_246 : i32 to index
        %get3A_344 = arith.constant 112 : index
        %get3A_345 = tpu.vector_load %arg8[%get3A_343, %get3A_344] {strides = array<i32>} : memref<8x1024xf32, #tpu.memory_space<vmem>>, vector<1x16xf32>,
        %get3A_346 = vector.shape_cast %get3A_345 : vector<1x16xf32> to vector<16xf32>
        %get3A_347 = arith.index_cast %scan3A_246 : i32 to index
        %get3A_348 = arith.constant 112 : index
        %get3A_349 = tpu.vector_load %arg12[%get3A_347, %get3A_348] {strides = array<i32>} : memref<8x1024xf32, #tpu.memory_space<vmem>>, vector<1x16xf32>,
        %get3A_350 = vector.shape_cast %get3A_349 : vector<1x16xf32> to vector<16xf32>
        %add3A_351 = arith.addf %get3A_346, %get3A_350 : vector<16xf32>
        %swap3A_352 = arith.index_cast %scan3A_246 : i32 to index
        %swap3A_353 = arith.constant 112 : index
        %swap3A_354 = tpu.vector_load %arg8[%swap3A_352, %swap3A_353] {strides = array<i32>} : memref<8x1024xf32, #tpu.memory_space<vmem>>, vector<1x16xf32>,
        %swap3A_355 = vector.shape_cast %swap3A_354 : vector<1x16xf32> to vector<16xf32>
        %swap3A_356 = vector.shape_cast %add3A_351 : vector<16xf32> to vector<1x16xf32>
        tpu.vector_store %arg8[%swap3A_352, %swap3A_353], %swap3A_356 {strides = array<i32>} : memref<8x1024xf32, #tpu.memory_space<vmem>>, vector<1x16xf32>,
        %get3A_357 = arith.index_cast %scan3A_246 : i32 to index
        %get3A_358 = arith.constant 128 : index
        %get3A_359 = tpu.vector_load %arg8[%get3A_357, %get3A_358] {strides = array<i32>} : memref<8x1024xf32, #tpu.memory_space<vmem>>, vector<1x16xf32>,
        %get3A_360 = vector.shape_cast %get3A_359 : vector<1x16xf32> to vector<16xf32>
        %get3A_361 = arith.index_cast %scan3A_246 : i32 to index
        %get3A_362 = arith.constant 128 : index
        %get3A_363 = tpu.vector_load %arg12[%get3A_361, %get3A_362] {strides = array<i32>} : memref<8x1024xf32, #tpu.memory_space<vmem>>, vector<1x16xf32>,
        %get3A_364 = vector.shape_cast %get3A_363 : vector<1x16xf32> to vector<16xf32>
        %add3A_365 = arith.addf %get3A_360, %get3A_364 : vector<16xf32>
        %swap3A_366 = arith.index_cast %scan3A_246 : i32 to index
        %swap3A_367 = arith.constant 128 : index
        %swap3A_368 = tpu.vector_load %arg8[%swap3A_366, %swap3A_367] {strides = array<i32>} : memref<8x1024xf32, #tpu.memory_space<vmem>>, vector<1x16xf32>,
        %swap3A_369 = vector.shape_cast %swap3A_368 : vector<1x16xf32> to vector<16xf32>
        %swap3A_370 = vector.shape_cast %add3A_365 : vector<16xf32> to vector<1x16xf32>
        tpu.vector_store %arg8[%swap3A_366, %swap3A_367], %swap3A_370 {strides = array<i32>} : memref<8x1024xf32, #tpu.memory_space<vmem>>, vector<1x16xf32>,
        %get3A_371 = arith.index_cast %scan3A_246 : i32 to index
        %get3A_372 = arith.constant 144 : index
        %get3A_373 = tpu.vector_load %arg8[%get3A_371, %get3A_372] {strides = array<i32>} : memref<8x1024xf32, #tpu.memory_space<vmem>>, vector<1x16xf32>,
        %get3A_374 = vector.shape_cast %get3A_373 : vector<1x16xf32> to vector<16xf32>
        %get3A_375 = arith.index_cast %scan3A_246 : i32 to index
        %get3A_376 = arith.constant 144 : index
        %get3A_377 = tpu.vector_load %arg12[%get3A_375, %get3A_376] {strides = array<i32>} : memref<8x1024xf32, #tpu.memory_space<vmem>>, vector<1x16xf32>,
        %get3A_378 = vector.shape_cast %get3A_377 : vector<1x16xf32> to vector<16xf32>
        %add3A_379 = arith.addf %get3A_374, %get3A_378 : vector<16xf32>
        %swap3A_380 = arith.index_cast %scan3A_246 : i32 to index
        %swap3A_381 = arith.constant 144 : index
        %swap3A_382 = tpu.vector_load %arg8[%swap3A_380, %swap3A_381] {strides = array<i32>} : memref<8x1024xf32, #tpu.memory_space<vmem>>, vector<1x16xf32>,
        %swap3A_383 = vector.shape_cast %swap3A_382 : vector<1x16xf32> to vector<16xf32>
        %swap3A_384 = vector.shape_cast %add3A_379 : vector<16xf32> to vector<1x16xf32>
        tpu.vector_store %arg8[%swap3A_380, %swap3A_381], %swap3A_384 {strides = array<i32>} : memref<8x1024xf32, #tpu.memory_space<vmem>>, vector<1x16xf32>,
        %get3A_385 = arith.index_cast %scan3A_246 : i32 to index
        %get3A_386 = arith.constant 160 : index
        %get3A_387 = tpu.vector_load %arg8[%get3A_385, %get3A_386] {strides = array<i32>} : memref<8x1024xf32, #tpu.memory_space<vmem>>, vector<1x16xf32>,
        %get3A_388 = vector.shape_cast %get3A_387 : vector<1x16xf32> to vector<16xf32>
        %get3A_389 = arith.index_cast %scan3A_246 : i32 to index
        %get3A_390 = arith.constant 160 : index
        %get3A_391 = tpu.vector_load %arg12[%get3A_389, %get3A_390] {strides = array<i32>} : memref<8x1024xf32, #tpu.memory_space<vmem>>, vector<1x16xf32>,
        %get3A_392 = vector.shape_cast %get3A_391 : vector<1x16xf32> to vector<16xf32>
        %add3A_393 = arith.addf %get3A_388, %get3A_392 : vector<16xf32>
        %swap3A_394 = arith.index_cast %scan3A_246 : i32 to index
        %swap3A_395 = arith.constant 160 : index
        %swap3A_396 = tpu.vector_load %arg8[%swap3A_394, %swap3A_395] {strides = array<i32>} : memref<8x1024xf32, #tpu.memory_space<vmem>>, vector<1x16xf32>,
        %swap3A_397 = vector.shape_cast %swap3A_396 : vector<1x16xf32> to vector<16xf32>
        %swap3A_398 = vector.shape_cast %add3A_393 : vector<16xf32> to vector<1x16xf32>
        tpu.vector_store %arg8[%swap3A_394, %swap3A_395], %swap3A_398 {strides = array<i32>} : memref<8x1024xf32, #tpu.memory_space<vmem>>, vector<1x16xf32>,
        %get3A_399 = arith.index_cast %scan3A_246 : i32 to index
        %get3A_400 = arith.constant 176 : index
        %get3A_401 = tpu.vector_load %arg8[%get3A_399, %get3A_400] {strides = array<i32>} : memref<8x1024xf32, #tpu.memory_space<vmem>>, vector<1x16xf32>,
        %get3A_402 = vector.shape_cast %get3A_401 : vector<1x16xf32> to vector<16xf32>
        %get3A_403 = arith.index_cast %scan3A_246 : i32 to index
        %get3A_404 = arith.constant 176 : index
        %get3A_405 = tpu.vector_load %arg12[%get3A_403, %get3A_404] {strides = array<i32>} : memref<8x1024xf32, #tpu.memory_space<vmem>>, vector<1x16xf32>,
        %get3A_406 = vector.shape_cast %get3A_405 : vector<1x16xf32> to vector<16xf32>
        %add3A_407 = arith.addf %get3A_402, %get3A_406 : vector<16xf32>
        %swap3A_408 = arith.index_cast %scan3A_246 : i32 to index
        %swap3A_409 = arith.constant 176 : index
        %swap3A_410 = tpu.vector_load %arg8[%swap3A_408, %swap3A_409] {strides = array<i32>} : memref<8x1024xf32, #tpu.memory_space<vmem>>, vector<1x16xf32>,
        %swap3A_411 = vector.shape_cast %swap3A_410 : vector<1x16xf32> to vector<16xf32>
        %swap3A_412 = vector.shape_cast %add3A_407 : vector<16xf32> to vector<1x16xf32>
        tpu.vector_store %arg8[%swap3A_408, %swap3A_409], %swap3A_412 {strides = array<i32>} : memref<8x1024xf32, #tpu.memory_space<vmem>>, vector<1x16xf32>,
        %get3A_413 = arith.index_cast %scan3A_246 : i32 to index
        %get3A_414 = arith.constant 192 : index
        %get3A_415 = tpu.vector_load %arg8[%get3A_413, %get3A_414] {strides = array<i32>} : memref<8x1024xf32, #tpu.memory_space<vmem>>, vector<1x16xf32>,
        %get3A_416 = vector.shape_cast %get3A_415 : vector<1x16xf32> to vector<16xf32>
        %get3A_417 = arith.index_cast %scan3A_246 : i32 to index
        %get3A_418 = arith.constant 192 : index
        %get3A_419 = tpu.vector_load %arg12[%get3A_417, %get3A_418] {strides = array<i32>} : memref<8x1024xf32, #tpu.memory_space<vmem>>, vector<1x16xf32>,
        %get3A_420 = vector.shape_cast %get3A_419 : vector<1x16xf32> to vector<16xf32>
        %add3A_421 = arith.addf %get3A_416, %get3A_420 : vector<16xf32>
        %swap3A_422 = arith.index_cast %scan3A_246 : i32 to index
        %swap3A_423 = arith.constant 192 : index
        %swap3A_424 = tpu.vector_load %arg8[%swap3A_422, %swap3A_423] {strides = array<i32>} : memref<8x1024xf32, #tpu.memory_space<vmem>>, vector<1x16xf32>,
        %swap3A_425 = vector.shape_cast %swap3A_424 : vector<1x16xf32> to vector<16xf32>
        %swap3A_426 = vector.shape_cast %add3A_421 : vector<16xf32> to vector<1x16xf32>
        tpu.vector_store %arg8[%swap3A_422, %swap3A_423], %swap3A_426 {strides = array<i32>} : memref<8x1024xf32, #tpu.memory_space<vmem>>, vector<1x16xf32>,
        %get3A_427 = arith.index_cast %scan3A_246 : i32 to index
        %get3A_428 = arith.constant 208 : index
        %get3A_429 = tpu.vector_load %arg8[%get3A_427, %get3A_428] {strides = array<i32>} : memref<8x1024xf32, #tpu.memory_space<vmem>>, vector<1x16xf32>,
        %get3A_430 = vector.shape_cast %get3A_429 : vector<1x16xf32> to vector<16xf32>
        %get3A_431 = arith.index_cast %scan3A_246 : i32 to index
        %get3A_432 = arith.constant 208 : index
        %get3A_433 = tpu.vector_load %arg12[%get3A_431, %get3A_432] {strides = array<i32>} : memref<8x1024xf32, #tpu.memory_space<vmem>>, vector<1x16xf32>,
        %get3A_434 = vector.shape_cast %get3A_433 : vector<1x16xf32> to vector<16xf32>
        %add3A_435 = arith.addf %get3A_430, %get3A_434 : vector<16xf32>
        %swap3A_436 = arith.index_cast %scan3A_246 : i32 to index
        %swap3A_437 = arith.constant 208 : index
        %swap3A_438 = tpu.vector_load %arg8[%swap3A_436, %swap3A_437] {strides = array<i32>} : memref<8x1024xf32, #tpu.memory_space<vmem>>, vector<1x16xf32>,
        %swap3A_439 = vector.shape_cast %swap3A_438 : vector<1x16xf32> to vector<16xf32>
        %swap3A_440 = vector.shape_cast %add3A_435 : vector<16xf32> to vector<1x16xf32>
        tpu.vector_store %arg8[%swap3A_436, %swap3A_437], %swap3A_440 {strides = array<i32>} : memref<8x1024xf32, #tpu.memory_space<vmem>>, vector<1x16xf32>,
        %get3A_441 = arith.index_cast %scan3A_246 : i32 to index
        %get3A_442 = arith.constant 224 : index
        %get3A_443 = tpu.vector_load %arg8[%get3A_441, %get3A_442] {strides = array<i32>} : memref<8x1024xf32, #tpu.memory_space<vmem>>, vector<1x16xf32>,
        %get3A_444 = vector.shape_cast %get3A_443 : vector<1x16xf32> to vector<16xf32>
        %get3A_445 = arith.index_cast %scan3A_246 : i32 to index
        %get3A_446 = arith.constant 224 : index
        %get3A_447 = tpu.vector_load %arg12[%get3A_445, %get3A_446] {strides = array<i32>} : memref<8x1024xf32, #tpu.memory_space<vmem>>, vector<1x16xf32>,
        %get3A_448 = vector.shape_cast %get3A_447 : vector<1x16xf32> to vector<16xf32>
        %add3A_449 = arith.addf %get3A_444, %get3A_448 : vector<16xf32>
        %swap3A_450 = arith.index_cast %scan3A_246 : i32 to index
        %swap3A_451 = arith.constant 224 : index
        %swap3A_452 = tpu.vector_load %arg8[%swap3A_450, %swap3A_451] {strides = array<i32>} : memref<8x1024xf32, #tpu.memory_space<vmem>>, vector<1x16xf32>,
        %swap3A_453 = vector.shape_cast %swap3A_452 : vector<1x16xf32> to vector<16xf32>
        %swap3A_454 = vector.shape_cast %add3A_449 : vector<16xf32> to vector<1x16xf32>
        tpu.vector_store %arg8[%swap3A_450, %swap3A_451], %swap3A_454 {strides = array<i32>} : memref<8x1024xf32, #tpu.memory_space<vmem>>, vector<1x16xf32>,
        %get3A_455 = arith.index_cast %scan3A_246 : i32 to index
        %get3A_456 = arith.constant 240 : index
        %get3A_457 = tpu.vector_load %arg8[%get3A_455, %get3A_456] {strides = array<i32>} : memref<8x1024xf32, #tpu.memory_space<vmem>>, vector<1x16xf32>,
        %get3A_458 = vector.shape_cast %get3A_457 : vector<1x16xf32> to vector<16xf32>
        %get3A_459 = arith.index_cast %scan3A_246 : i32 to index
        %get3A_460 = arith.constant 240 : index
        %get3A_461 = tpu.vector_load %arg12[%get3A_459, %get3A_460] {strides = array<i32>} : memref<8x1024xf32, #tpu.memory_space<vmem>>, vector<1x16xf32>,
        %get3A_462 = vector.shape_cast %get3A_461 : vector<1x16xf32> to vector<16xf32>
        %add3A_463 = arith.addf %get3A_458, %get3A_462 : vector<16xf32>
        %swap3A_464 = arith.index_cast %scan3A_246 : i32 to index
        %swap3A_465 = arith.constant 240 : index
        %swap3A_466 = tpu.vector_load %arg8[%swap3A_464, %swap3A_465] {strides = array<i32>} : memref<8x1024xf32, #tpu.memory_space<vmem>>, vector<1x16xf32>,
        %swap3A_467 = vector.shape_cast %swap3A_466 : vector<1x16xf32> to vector<16xf32>
        %swap3A_468 = vector.shape_cast %add3A_463 : vector<16xf32> to vector<1x16xf32>
        tpu.vector_store %arg8[%swap3A_464, %swap3A_465], %swap3A_468 {strides = array<i32>} : memref<8x1024xf32, #tpu.memory_space<vmem>>, vector<1x16xf32>,
        %get3A_469 = arith.index_cast %scan3A_246 : i32 to index
        %get3A_470 = arith.constant 256 : index
        %get3A_471 = tpu.vector_load %arg8[%get3A_469, %get3A_470] {strides = array<i32>} : memref<8x1024xf32, #tpu.memory_space<vmem>>, vector<1x16xf32>,
        %get3A_472 = vector.shape_cast %get3A_471 : vector<1x16xf32> to vector<16xf32>
        %get3A_473 = arith.index_cast %scan3A_246 : i32 to index
        %get3A_474 = arith.constant 256 : index
        %get3A_475 = tpu.vector_load %arg12[%get3A_473, %get3A_474] {strides = array<i32>} : memref<8x1024xf32, #tpu.memory_space<vmem>>, vector<1x16xf32>,
        %get3A_476 = vector.shape_cast %get3A_475 : vector<1x16xf32> to vector<16xf32>
        %add3A_477 = arith.addf %get3A_472, %get3A_476 : vector<16xf32>
        %swap3A_478 = arith.index_cast %scan3A_246 : i32 to index
        %swap3A_479 = arith.constant 256 : index
        %swap3A_480 = tpu.vector_load %arg8[%swap3A_478, %swap3A_479] {strides = array<i32>} : memref<8x1024xf32, #tpu.memory_space<vmem>>, vector<1x16xf32>,
        %swap3A_481 = vector.shape_cast %swap3A_480 : vector<1x16xf32> to vector<16xf32>
        %swap3A_482 = vector.shape_cast %add3A_477 : vector<16xf32> to vector<1x16xf32>
        tpu.vector_store %arg8[%swap3A_478, %swap3A_479], %swap3A_482 {strides = array<i32>} : memref<8x1024xf32, #tpu.memory_space<vmem>>, vector<1x16xf32>,
        %get3A_483 = arith.index_cast %scan3A_246 : i32 to index
        %get3A_484 = arith.constant 272 : index
        %get3A_485 = tpu.vector_load %arg8[%get3A_483, %get3A_484] {strides = array<i32>} : memref<8x1024xf32, #tpu.memory_space<vmem>>, vector<1x16xf32>,
        %get3A_486 = vector.shape_cast %get3A_485 : vector<1x16xf32> to vector<16xf32>
        %get3A_487 = arith.index_cast %scan3A_246 : i32 to index
        %get3A_488 = arith.constant 272 : index
        %get3A_489 = tpu.vector_load %arg12[%get3A_487, %get3A_488] {strides = array<i32>} : memref<8x1024xf32, #tpu.memory_space<vmem>>, vector<1x16xf32>,
        %get3A_490 = vector.shape_cast %get3A_489 : vector<1x16xf32> to vector<16xf32>
        %add3A_491 = arith.addf %get3A_486, %get3A_490 : vector<16xf32>
        %swap3A_492 = arith.index_cast %scan3A_246 : i32 to index
        %swap3A_493 = arith.constant 272 : index
        %swap3A_494 = tpu.vector_load %arg8[%swap3A_492, %swap3A_493] {strides = array<i32>} : memref<8x1024xf32, #tpu.memory_space<vmem>>, vector<1x16xf32>,
        %swap3A_495 = vector.shape_cast %swap3A_494 : vector<1x16xf32> to vector<16xf32>
        %swap3A_496 = vector.shape_cast %add3A_491 : vector<16xf32> to vector<1x16xf32>
        tpu.vector_store %arg8[%swap3A_492, %swap3A_493], %swap3A_496 {strides = array<i32>} : memref<8x1024xf32, #tpu.memory_space<vmem>>, vector<1x16xf32>,
        %get3A_497 = arith.index_cast %scan3A_246 : i32 to index
        %get3A_498 = arith.constant 288 : index
        %get3A_499 = tpu.vector_load %arg8[%get3A_497, %get3A_498] {strides = array<i32>} : memref<8x1024xf32, #tpu.memory_space<vmem>>, vector<1x16xf32>,
        %get3A_500 = vector.shape_cast %get3A_499 : vector<1x16xf32> to vector<16xf32>
        %get3A_501 = arith.index_cast %scan3A_246 : i32 to index
        %get3A_502 = arith.constant 288 : index
        %get3A_503 = tpu.vector_load %arg12[%get3A_501, %get3A_502] {strides = array<i32>} : memref<8x1024xf32, #tpu.memory_space<vmem>>, vector<1x16xf32>,
        %get3A_504 = vector.shape_cast %get3A_503 : vector<1x16xf32> to vector<16xf32>
        %add3A_505 = arith.addf %get3A_500, %get3A_504 : vector<16xf32>
        %swap3A_506 = arith.index_cast %scan3A_246 : i32 to index
        %swap3A_507 = arith.constant 288 : index
        %swap3A_508 = tpu.vector_load %arg8[%swap3A_506, %swap3A_507] {strides = array<i32>} : memref<8x1024xf32, #tpu.memory_space<vmem>>, vector<1x16xf32>,
        %swap3A_509 = vector.shape_cast %swap3A_508 : vector<1x16xf32> to vector<16xf32>
        %swap3A_510 = vector.shape_cast %add3A_505 : vector<16xf32> to vector<1x16xf32>
        tpu.vector_store %arg8[%swap3A_506, %swap3A_507], %swap3A_510 {strides = array<i32>} : memref<8x1024xf32, #tpu.memory_space<vmem>>, vector<1x16xf32>,
        %get3A_511 = arith.index_cast %scan3A_246 : i32 to index
        %get3A_512 = arith.constant 304 : index
        %get3A_513 = tpu.vector_load %arg8[%get3A_511, %get3A_512] {strides = array<i32>} : memref<8x1024xf32, #tpu.memory_space<vmem>>, vector<1x16xf32>,
        %get3A_514 = vector.shape_cast %get3A_513 : vector<1x16xf32> to vector<16xf32>
        %get3A_515 = arith.index_cast %scan3A_246 : i32 to index
        %get3A_516 = arith.constant 304 : index
        %get3A_517 = tpu.vector_load %arg12[%get3A_515, %get3A_516] {strides = array<i32>} : memref<8x1024xf32, #tpu.memory_space<vmem>>, vector<1x16xf32>,
        %get3A_518 = vector.shape_cast %get3A_517 : vector<1x16xf32> to vector<16xf32>
        %add3A_519 = arith.addf %get3A_514, %get3A_518 : vector<16xf32>
        %swap3A_520 = arith.index_cast %scan3A_246 : i32 to index
        %swap3A_521 = arith.constant 304 : index
        %swap3A_522 = tpu.vector_load %arg8[%swap3A_520, %swap3A_521] {strides = array<i32>} : memref<8x1024xf32, #tpu.memory_space<vmem>>, vector<1x16xf32>,
        %swap3A_523 = vector.shape_cast %swap3A_522 : vector<1x16xf32> to vector<16xf32>
        %swap3A_524 = vector.shape_cast %add3A_519 : vector<16xf32> to vector<1x16xf32>
        tpu.vector_store %arg8[%swap3A_520, %swap3A_521], %swap3A_524 {strides = array<i32>} : memref<8x1024xf32, #tpu.memory_space<vmem>>, vector<1x16xf32>,
        %get3A_525 = arith.index_cast %scan3A_246 : i32 to index
        %get3A_526 = arith.constant 320 : index
        %get3A_527 = tpu.vector_load %arg8[%get3A_525, %get3A_526] {strides = array<i32>} : memref<8x1024xf32, #tpu.memory_space<vmem>>, vector<1x16xf32>,
        %get3A_528 = vector.shape_cast %get3A_527 : vector<1x16xf32> to vector<16xf32>
        %get3A_529 = arith.index_cast %scan3A_246 : i32 to index
        %get3A_530 = arith.constant 320 : index
        %get3A_531 = tpu.vector_load %arg12[%get3A_529, %get3A_530] {strides = array<i32>} : memref<8x1024xf32, #tpu.memory_space<vmem>>, vector<1x16xf32>,
        %get3A_532 = vector.shape_cast %get3A_531 : vector<1x16xf32> to vector<16xf32>
        %add3A_533 = arith.addf %get3A_528, %get3A_532 : vector<16xf32>
        %swap3A_534 = arith.index_cast %scan3A_246 : i32 to index
        %swap3A_535 = arith.constant 320 : index
        %swap3A_536 = tpu.vector_load %arg8[%swap3A_534, %swap3A_535] {strides = array<i32>} : memref<8x1024xf32, #tpu.memory_space<vmem>>, vector<1x16xf32>,
        %swap3A_537 = vector.shape_cast %swap3A_536 : vector<1x16xf32> to vector<16xf32>
        %swap3A_538 = vector.shape_cast %add3A_533 : vector<16xf32> to vector<1x16xf32>
        tpu.vector_store %arg8[%swap3A_534, %swap3A_535], %swap3A_538 {strides = array<i32>} : memref<8x1024xf32, #tpu.memory_space<vmem>>, vector<1x16xf32>,
        %get3A_539 = arith.index_cast %scan3A_246 : i32 to index
        %get3A_540 = arith.constant 336 : index
        %get3A_541 = tpu.vector_load %arg8[%get3A_539, %get3A_540] {strides = array<i32>} : memref<8x1024xf32, #tpu.memory_space<vmem>>, vector<1x16xf32>,
        %get3A_542 = vector.shape_cast %get3A_541 : vector<1x16xf32> to vector<16xf32>
        %get3A_543 = arith.index_cast %scan3A_246 : i32 to index
        %get3A_544 = arith.constant 336 : index
        %get3A_545 = tpu.vector_load %arg12[%get3A_543, %get3A_544] {strides = array<i32>} : memref<8x1024xf32, #tpu.memory_space<vmem>>, vector<1x16xf32>,
        %get3A_546 = vector.shape_cast %get3A_545 : vector<1x16xf32> to vector<16xf32>
        %add3A_547 = arith.addf %get3A_542, %get3A_546 : vector<16xf32>
        %swap3A_548 = arith.index_cast %scan3A_246 : i32 to index
        %swap3A_549 = arith.constant 336 : index
        %swap3A_550 = tpu.vector_load %arg8[%swap3A_548, %swap3A_549] {strides = array<i32>} : memref<8x1024xf32, #tpu.memory_space<vmem>>, vector<1x16xf32>,
        %swap3A_551 = vector.shape_cast %swap3A_550 : vector<1x16xf32> to vector<16xf32>
        %swap3A_552 = vector.shape_cast %add3A_547 : vector<16xf32> to vector<1x16xf32>
        tpu.vector_store %arg8[%swap3A_548, %swap3A_549], %swap3A_552 {strides = array<i32>} : memref<8x1024xf32, #tpu.memory_space<vmem>>, vector<1x16xf32>,
        %get3A_553 = arith.index_cast %scan3A_246 : i32 to index
        %get3A_554 = arith.constant 352 : index
        %get3A_555 = tpu.vector_load %arg8[%get3A_553, %get3A_554] {strides = array<i32>} : memref<8x1024xf32, #tpu.memory_space<vmem>>, vector<1x16xf32>,
        %get3A_556 = vector.shape_cast %get3A_555 : vector<1x16xf32> to vector<16xf32>
        %get3A_557 = arith.index_cast %scan3A_246 : i32 to index
        %get3A_558 = arith.constant 352 : index
        %get3A_559 = tpu.vector_load %arg12[%get3A_557, %get3A_558] {strides = array<i32>} : memref<8x1024xf32, #tpu.memory_space<vmem>>, vector<1x16xf32>,
        %get3A_560 = vector.shape_cast %get3A_559 : vector<1x16xf32> to vector<16xf32>
        %add3A_561 = arith.addf %get3A_556, %get3A_560 : vector<16xf32>
        %swap3A_562 = arith.index_cast %scan3A_246 : i32 to index
        %swap3A_563 = arith.constant 352 : index
        %swap3A_564 = tpu.vector_load %arg8[%swap3A_562, %swap3A_563] {strides = array<i32>} : memref<8x1024xf32, #tpu.memory_space<vmem>>, vector<1x16xf32>,
        %swap3A_565 = vector.shape_cast %swap3A_564 : vector<1x16xf32> to vector<16xf32>
        %swap3A_566 = vector.shape_cast %add3A_561 : vector<16xf32> to vector<1x16xf32>
        tpu.vector_store %arg8[%swap3A_562, %swap3A_563], %swap3A_566 {strides = array<i32>} : memref<8x1024xf32, #tpu.memory_space<vmem>>, vector<1x16xf32>,
        %get3A_567 = arith.index_cast %scan3A_246 : i32 to index
        %get3A_568 = arith.constant 368 : index
        %get3A_569 = tpu.vector_load %arg8[%get3A_567, %get3A_568] {strides = array<i32>} : memref<8x1024xf32, #tpu.memory_space<vmem>>, vector<1x16xf32>,
        %get3A_570 = vector.shape_cast %get3A_569 : vector<1x16xf32> to vector<16xf32>
        %get3A_571 = arith.index_cast %scan3A_246 : i32 to index
        %get3A_572 = arith.constant 368 : index
        %get3A_573 = tpu.vector_load %arg12[%get3A_571, %get3A_572] {strides = array<i32>} : memref<8x1024xf32, #tpu.memory_space<vmem>>, vector<1x16xf32>,
        %get3A_574 = vector.shape_cast %get3A_573 : vector<1x16xf32> to vector<16xf32>
        %add3A_575 = arith.addf %get3A_570, %get3A_574 : vector<16xf32>
        %swap3A_576 = arith.index_cast %scan3A_246 : i32 to index
        %swap3A_577 = arith.constant 368 : index
        %swap3A_578 = tpu.vector_load %arg8[%swap3A_576, %swap3A_577] {strides = array<i32>} : memref<8x1024xf32, #tpu.memory_space<vmem>>, vector<1x16xf32>,
        %swap3A_579 = vector.shape_cast %swap3A_578 : vector<1x16xf32> to vector<16xf32>
        %swap3A_580 = vector.shape_cast %add3A_575 : vector<16xf32> to vector<1x16xf32>
        tpu.vector_store %arg8[%swap3A_576, %swap3A_577], %swap3A_580 {strides = array<i32>} : memref<8x1024xf32, #tpu.memory_space<vmem>>, vector<1x16xf32>,
        %get3A_581 = arith.index_cast %scan3A_246 : i32 to index
        %get3A_582 = arith.constant 384 : index
        %get3A_583 = tpu.vector_load %arg8[%get3A_581, %get3A_582] {strides = array<i32>} : memref<8x1024xf32, #tpu.memory_space<vmem>>, vector<1x16xf32>,
        %get3A_584 = vector.shape_cast %get3A_583 : vector<1x16xf32> to vector<16xf32>
        %get3A_585 = arith.index_cast %scan3A_246 : i32 to index
        %get3A_586 = arith.constant 384 : index
        %get3A_587 = tpu.vector_load %arg12[%get3A_585, %get3A_586] {strides = array<i32>} : memref<8x1024xf32, #tpu.memory_space<vmem>>, vector<1x16xf32>,
        %get3A_588 = vector.shape_cast %get3A_587 : vector<1x16xf32> to vector<16xf32>
        %add3A_589 = arith.addf %get3A_584, %get3A_588 : vector<16xf32>
        %swap3A_590 = arith.index_cast %scan3A_246 : i32 to index
        %swap3A_591 = arith.constant 384 : index
        %swap3A_592 = tpu.vector_load %arg8[%swap3A_590, %swap3A_591] {strides = array<i32>} : memref<8x1024xf32, #tpu.memory_space<vmem>>, vector<1x16xf32>,
        %swap3A_593 = vector.shape_cast %swap3A_592 : vector<1x16xf32> to vector<16xf32>
        %swap3A_594 = vector.shape_cast %add3A_589 : vector<16xf32> to vector<1x16xf32>
        tpu.vector_store %arg8[%swap3A_590, %swap3A_591], %swap3A_594 {strides = array<i32>} : memref<8x1024xf32, #tpu.memory_space<vmem>>, vector<1x16xf32>,
        %get3A_595 = arith.index_cast %scan3A_246 : i32 to index
        %get3A_596 = arith.constant 400 : index
        %get3A_597 = tpu.vector_load %arg8[%get3A_595, %get3A_596] {strides = array<i32>} : memref<8x1024xf32, #tpu.memory_space<vmem>>, vector<1x16xf32>,
        %get3A_598 = vector.shape_cast %get3A_597 : vector<1x16xf32> to vector<16xf32>
        %get3A_599 = arith.index_cast %scan3A_246 : i32 to index
        %get3A_600 = arith.constant 400 : index
        %get3A_601 = tpu.vector_load %arg12[%get3A_599, %get3A_600] {strides = array<i32>} : memref<8x1024xf32, #tpu.memory_space<vmem>>, vector<1x16xf32>,
        %get3A_602 = vector.shape_cast %get3A_601 : vector<1x16xf32> to vector<16xf32>
        %add3A_603 = arith.addf %get3A_598, %get3A_602 : vector<16xf32>
        %swap3A_604 = arith.index_cast %scan3A_246 : i32 to index
        %swap3A_605 = arith.constant 400 : index
        %swap3A_606 = tpu.vector_load %arg8[%swap3A_604, %swap3A_605] {strides = array<i32>} : memref<8x1024xf32, #tpu.memory_space<vmem>>, vector<1x16xf32>,
        %swap3A_607 = vector.shape_cast %swap3A_606 : vector<1x16xf32> to vector<16xf32>
        %swap3A_608 = vector.shape_cast %add3A_603 : vector<16xf32> to vector<1x16xf32>
        tpu.vector_store %arg8[%swap3A_604, %swap3A_605], %swap3A_608 {strides = array<i32>} : memref<8x1024xf32, #tpu.memory_space<vmem>>, vector<1x16xf32>,
        %get3A_609 = arith.index_cast %scan3A_246 : i32 to index
        %get3A_610 = arith.constant 416 : index
        %get3A_611 = tpu.vector_load %arg8[%get3A_609, %get3A_610] {strides = array<i32>} : memref<8x1024xf32, #tpu.memory_space<vmem>>, vector<1x16xf32>,
        %get3A_612 = vector.shape_cast %get3A_611 : vector<1x16xf32> to vector<16xf32>
        %get3A_613 = arith.index_cast %scan3A_246 : i32 to index
        %get3A_614 = arith.constant 416 : index
        %get3A_615 = tpu.vector_load %arg12[%get3A_613, %get3A_614] {strides = array<i32>} : memref<8x1024xf32, #tpu.memory_space<vmem>>, vector<1x16xf32>,
        %get3A_616 = vector.shape_cast %get3A_615 : vector<1x16xf32> to vector<16xf32>
        %add3A_617 = arith.addf %get3A_612, %get3A_616 : vector<16xf32>
        %swap3A_618 = arith.index_cast %scan3A_246 : i32 to index
        %swap3A_619 = arith.constant 416 : index
        %swap3A_620 = tpu.vector_load %arg8[%swap3A_618, %swap3A_619] {strides = array<i32>} : memref<8x1024xf32, #tpu.memory_space<vmem>>, vector<1x16xf32>,
        %swap3A_621 = vector.shape_cast %swap3A_620 : vector<1x16xf32> to vector<16xf32>
        %swap3A_622 = vector.shape_cast %add3A_617 : vector<16xf32> to vector<1x16xf32>
        tpu.vector_store %arg8[%swap3A_618, %swap3A_619], %swap3A_622 {strides = array<i32>} : memref<8x1024xf32, #tpu.memory_space<vmem>>, vector<1x16xf32>,
        %get3A_623 = arith.index_cast %scan3A_246 : i32 to index
        %get3A_624 = arith.constant 432 : index
        %get3A_625 = tpu.vector_load %arg8[%get3A_623, %get3A_624] {strides = array<i32>} : memref<8x1024xf32, #tpu.memory_space<vmem>>, vector<1x16xf32>,
        %get3A_626 = vector.shape_cast %get3A_625 : vector<1x16xf32> to vector<16xf32>
        %get3A_627 = arith.index_cast %scan3A_246 : i32 to index
        %get3A_628 = arith.constant 432 : index
        %get3A_629 = tpu.vector_load %arg12[%get3A_627, %get3A_628] {strides = array<i32>} : memref<8x1024xf32, #tpu.memory_space<vmem>>, vector<1x16xf32>,
        %get3A_630 = vector.shape_cast %get3A_629 : vector<1x16xf32> to vector<16xf32>
        %add3A_631 = arith.addf %get3A_626, %get3A_630 : vector<16xf32>
        %swap3A_632 = arith.index_cast %scan3A_246 : i32 to index
        %swap3A_633 = arith.constant 432 : index
        %swap3A_634 = tpu.vector_load %arg8[%swap3A_632, %swap3A_633] {strides = array<i32>} : memref<8x1024xf32, #tpu.memory_space<vmem>>, vector<1x16xf32>,
        %swap3A_635 = vector.shape_cast %swap3A_634 : vector<1x16xf32> to vector<16xf32>
        %swap3A_636 = vector.shape_cast %add3A_631 : vector<16xf32> to vector<1x16xf32>
        tpu.vector_store %arg8[%swap3A_632, %swap3A_633], %swap3A_636 {strides = array<i32>} : memref<8x1024xf32, #tpu.memory_space<vmem>>, vector<1x16xf32>,
        %get3A_637 = arith.index_cast %scan3A_246 : i32 to index
        %get3A_638 = arith.constant 448 : index
        %get3A_639 = tpu.vector_load %arg8[%get3A_637, %get3A_638] {strides = array<i32>} : memref<8x1024xf32, #tpu.memory_space<vmem>>, vector<1x16xf32>,
        %get3A_640 = vector.shape_cast %get3A_639 : vector<1x16xf32> to vector<16xf32>
        %get3A_641 = arith.index_cast %scan3A_246 : i32 to index
        %get3A_642 = arith.constant 448 : index
        %get3A_643 = tpu.vector_load %arg12[%get3A_641, %get3A_642] {strides = array<i32>} : memref<8x1024xf32, #tpu.memory_space<vmem>>, vector<1x16xf32>,
        %get3A_644 = vector.shape_cast %get3A_643 : vector<1x16xf32> to vector<16xf32>
        %add3A_645 = arith.addf %get3A_640, %get3A_644 : vector<16xf32>
        %swap3A_646 = arith.index_cast %scan3A_246 : i32 to index
        %swap3A_647 = arith.constant 448 : index
        %swap3A_648 = tpu.vector_load %arg8[%swap3A_646, %swap3A_647] {strides = array<i32>} : memref<8x1024xf32, #tpu.memory_space<vmem>>, vector<1x16xf32>,
        %swap3A_649 = vector.shape_cast %swap3A_648 : vector<1x16xf32> to vector<16xf32>
        %swap3A_650 = vector.shape_cast %add3A_645 : vector<16xf32> to vector<1x16xf32>
        tpu.vector_store %arg8[%swap3A_646, %swap3A_647], %swap3A_650 {strides = array<i32>} : memref<8x1024xf32, #tpu.memory_space<vmem>>, vector<1x16xf32>,
        %get3A_651 = arith.index_cast %scan3A_246 : i32 to index
        %get3A_652 = arith.constant 464 : index
        %get3A_653 = tpu.vector_load %arg8[%get3A_651, %get3A_652] {strides = array<i32>} : memref<8x1024xf32, #tpu.memory_space<vmem>>, vector<1x16xf32>,
        %get3A_654 = vector.shape_cast %get3A_653 : vector<1x16xf32> to vector<16xf32>
        %get3A_655 = arith.index_cast %scan3A_246 : i32 to index
        %get3A_656 = arith.constant 464 : index
        %get3A_657 = tpu.vector_load %arg12[%get3A_655, %get3A_656] {strides = array<i32>} : memref<8x1024xf32, #tpu.memory_space<vmem>>, vector<1x16xf32>,
        %get3A_658 = vector.shape_cast %get3A_657 : vector<1x16xf32> to vector<16xf32>
        %add3A_659 = arith.addf %get3A_654, %get3A_658 : vector<16xf32>
        %swap3A_660 = arith.index_cast %scan3A_246 : i32 to index
        %swap3A_661 = arith.constant 464 : index
        %swap3A_662 = tpu.vector_load %arg8[%swap3A_660, %swap3A_661] {strides = array<i32>} : memref<8x1024xf32, #tpu.memory_space<vmem>>, vector<1x16xf32>,
        %swap3A_663 = vector.shape_cast %swap3A_662 : vector<1x16xf32> to vector<16xf32>
        %swap3A_664 = vector.shape_cast %add3A_659 : vector<16xf32> to vector<1x16xf32>
        tpu.vector_store %arg8[%swap3A_660, %swap3A_661], %swap3A_664 {strides = array<i32>} : memref<8x1024xf32, #tpu.memory_space<vmem>>, vector<1x16xf32>,
        %get3A_665 = arith.index_cast %scan3A_246 : i32 to index
        %get3A_666 = arith.constant 480 : index
        %get3A_667 = tpu.vector_load %arg8[%get3A_665, %get3A_666] {strides = array<i32>} : memref<8x1024xf32, #tpu.memory_space<vmem>>, vector<1x16xf32>,
        %get3A_668 = vector.shape_cast %get3A_667 : vector<1x16xf32> to vector<16xf32>
        %get3A_669 = arith.index_cast %scan3A_246 : i32 to index
        %get3A_670 = arith.constant 480 : index
        %get3A_671 = tpu.vector_load %arg12[%get3A_669, %get3A_670] {strides = array<i32>} : memref<8x1024xf32, #tpu.memory_space<vmem>>, vector<1x16xf32>,
        %get3A_672 = vector.shape_cast %get3A_671 : vector<1x16xf32> to vector<16xf32>
        %add3A_673 = arith.addf %get3A_668, %get3A_672 : vector<16xf32>
        %swap3A_674 = arith.index_cast %scan3A_246 : i32 to index
        %swap3A_675 = arith.constant 480 : index
        %swap3A_676 = tpu.vector_load %arg8[%swap3A_674, %swap3A_675] {strides = array<i32>} : memref<8x1024xf32, #tpu.memory_space<vmem>>, vector<1x16xf32>,
        %swap3A_677 = vector.shape_cast %swap3A_676 : vector<1x16xf32> to vector<16xf32>
        %swap3A_678 = vector.shape_cast %add3A_673 : vector<16xf32> to vector<1x16xf32>
        tpu.vector_store %arg8[%swap3A_674, %swap3A_675], %swap3A_678 {strides = array<i32>} : memref<8x1024xf32, #tpu.memory_space<vmem>>, vector<1x16xf32>,
        %get3A_679 = arith.index_cast %scan3A_246 : i32 to index
        %get3A_680 = arith.constant 496 : index
        %get3A_681 = tpu.vector_load %arg8[%get3A_679, %get3A_680] {strides = array<i32>} : memref<8x1024xf32, #tpu.memory_space<vmem>>, vector<1x16xf32>,
        %get3A_682 = vector.shape_cast %get3A_681 : vector<1x16xf32> to vector<16xf32>
        %get3A_683 = arith.index_cast %scan3A_246 : i32 to index
        %get3A_684 = arith.constant 496 : index
        %get3A_685 = tpu.vector_load %arg12[%get3A_683, %get3A_684] {strides = array<i32>} : memref<8x1024xf32, #tpu.memory_space<vmem>>, vector<1x16xf32>,
        %get3A_686 = vector.shape_cast %get3A_685 : vector<1x16xf32> to vector<16xf32>
        %add3A_687 = arith.addf %get3A_682, %get3A_686 : vector<16xf32>
        %swap3A_688 = arith.index_cast %scan3A_246 : i32 to index
        %swap3A_689 = arith.constant 496 : index
        %swap3A_690 = tpu.vector_load %arg8[%swap3A_688, %swap3A_689] {strides = array<i32>} : memref<8x1024xf32, #tpu.memory_space<vmem>>, vector<1x16xf32>,
        %swap3A_691 = vector.shape_cast %swap3A_690 : vector<1x16xf32> to vector<16xf32>
        %swap3A_692 = vector.shape_cast %add3A_687 : vector<16xf32> to vector<1x16xf32>
        tpu.vector_store %arg8[%swap3A_688, %swap3A_689], %swap3A_692 {strides = array<i32>} : memref<8x1024xf32, #tpu.memory_space<vmem>>, vector<1x16xf32>,
        %get3A_693 = arith.index_cast %scan3A_246 : i32 to index
        %get3A_694 = arith.constant 512 : index
        %get3A_695 = tpu.vector_load %arg8[%get3A_693, %get3A_694] {strides = array<i32>} : memref<8x1024xf32, #tpu.memory_space<vmem>>, vector<1x16xf32>,
        %get3A_696 = vector.shape_cast %get3A_695 : vector<1x16xf32> to vector<16xf32>
        %get3A_697 = arith.index_cast %scan3A_246 : i32 to index
        %get3A_698 = arith.constant 512 : index
        %get3A_699 = tpu.vector_load %arg12[%get3A_697, %get3A_698] {strides = array<i32>} : memref<8x1024xf32, #tpu.memory_space<vmem>>, vector<1x16xf32>,
        %get3A_700 = vector.shape_cast %get3A_699 : vector<1x16xf32> to vector<16xf32>
        %add3A_701 = arith.addf %get3A_696, %get3A_700 : vector<16xf32>
        %swap3A_702 = arith.index_cast %scan3A_246 : i32 to index
        %swap3A_703 = arith.constant 512 : index
        %swap3A_704 = tpu.vector_load %arg8[%swap3A_702, %swap3A_703] {strides = array<i32>} : memref<8x1024xf32, #tpu.memory_space<vmem>>, vector<1x16xf32>,
        %swap3A_705 = vector.shape_cast %swap3A_704 : vector<1x16xf32> to vector<16xf32>
        %swap3A_706 = vector.shape_cast %add3A_701 : vector<16xf32> to vector<1x16xf32>
        tpu.vector_store %arg8[%swap3A_702, %swap3A_703], %swap3A_706 {strides = array<i32>} : memref<8x1024xf32, #tpu.memory_space<vmem>>, vector<1x16xf32>,
        %get3A_707 = arith.index_cast %scan3A_246 : i32 to index
        %get3A_708 = arith.constant 528 : index
        %get3A_709 = tpu.vector_load %arg8[%get3A_707, %get3A_708] {strides = array<i32>} : memref<8x1024xf32, #tpu.memory_space<vmem>>, vector<1x16xf32>,
        %get3A_710 = vector.shape_cast %get3A_709 : vector<1x16xf32> to vector<16xf32>
        %get3A_711 = arith.index_cast %scan3A_246 : i32 to index
        %get3A_712 = arith.constant 528 : index
        %get3A_713 = tpu.vector_load %arg12[%get3A_711, %get3A_712] {strides = array<i32>} : memref<8x1024xf32, #tpu.memory_space<vmem>>, vector<1x16xf32>,
        %get3A_714 = vector.shape_cast %get3A_713 : vector<1x16xf32> to vector<16xf32>
        %add3A_715 = arith.addf %get3A_710, %get3A_714 : vector<16xf32>
        %swap3A_716 = arith.index_cast %scan3A_246 : i32 to index
        %swap3A_717 = arith.constant 528 : index
        %swap3A_718 = tpu.vector_load %arg8[%swap3A_716, %swap3A_717] {strides = array<i32>} : memref<8x1024xf32, #tpu.memory_space<vmem>>, vector<1x16xf32>,
        %swap3A_719 = vector.shape_cast %swap3A_718 : vector<1x16xf32> to vector<16xf32>
        %swap3A_720 = vector.shape_cast %add3A_715 : vector<16xf32> to vector<1x16xf32>
        tpu.vector_store %arg8[%swap3A_716, %swap3A_717], %swap3A_720 {strides = array<i32>} : memref<8x1024xf32, #tpu.memory_space<vmem>>, vector<1x16xf32>,
        %get3A_721 = arith.index_cast %scan3A_246 : i32 to index
        %get3A_722 = arith.constant 544 : index
        %get3A_723 = tpu.vector_load %arg8[%get3A_721, %get3A_722] {strides = array<i32>} : memref<8x1024xf32, #tpu.memory_space<vmem>>, vector<1x16xf32>,
        %get3A_724 = vector.shape_cast %get3A_723 : vector<1x16xf32> to vector<16xf32>
        %get3A_725 = arith.index_cast %scan3A_246 : i32 to index
        %get3A_726 = arith.constant 544 : index
        %get3A_727 = tpu.vector_load %arg12[%get3A_725, %get3A_726] {strides = array<i32>} : memref<8x1024xf32, #tpu.memory_space<vmem>>, vector<1x16xf32>,
        %get3A_728 = vector.shape_cast %get3A_727 : vector<1x16xf32> to vector<16xf32>
        %add3A_729 = arith.addf %get3A_724, %get3A_728 : vector<16xf32>
        %swap3A_730 = arith.index_cast %scan3A_246 : i32 to index
        %swap3A_731 = arith.constant 544 : index
        %swap3A_732 = tpu.vector_load %arg8[%swap3A_730, %swap3A_731] {strides = array<i32>} : memref<8x1024xf32, #tpu.memory_space<vmem>>, vector<1x16xf32>,
        %swap3A_733 = vector.shape_cast %swap3A_732 : vector<1x16xf32> to vector<16xf32>
        %swap3A_734 = vector.shape_cast %add3A_729 : vector<16xf32> to vector<1x16xf32>
        tpu.vector_store %arg8[%swap3A_730, %swap3A_731], %swap3A_734 {strides = array<i32>} : memref<8x1024xf32, #tpu.memory_space<vmem>>, vector<1x16xf32>,
        %get3A_735 = arith.index_cast %scan3A_246 : i32 to index
        %get3A_736 = arith.constant 560 : index
        %get3A_737 = tpu.vector_load %arg8[%get3A_735, %get3A_736] {strides = array<i32>} : memref<8x1024xf32, #tpu.memory_space<vmem>>, vector<1x16xf32>,
        %get3A_738 = vector.shape_cast %get3A_737 : vector<1x16xf32> to vector<16xf32>
        %get3A_739 = arith.index_cast %scan3A_246 : i32 to index
        %get3A_740 = arith.constant 560 : index
        %get3A_741 = tpu.vector_load %arg12[%get3A_739, %get3A_740] {strides = array<i32>} : memref<8x1024xf32, #tpu.memory_space<vmem>>, vector<1x16xf32>,
        %get3A_742 = vector.shape_cast %get3A_741 : vector<1x16xf32> to vector<16xf32>
        %add3A_743 = arith.addf %get3A_738, %get3A_742 : vector<16xf32>
        %swap3A_744 = arith.index_cast %scan3A_246 : i32 to index
        %swap3A_745 = arith.constant 560 : index
        %swap3A_746 = tpu.vector_load %arg8[%swap3A_744, %swap3A_745] {strides = array<i32>} : memref<8x1024xf32, #tpu.memory_space<vmem>>, vector<1x16xf32>,
        %swap3A_747 = vector.shape_cast %swap3A_746 : vector<1x16xf32> to vector<16xf32>
        %swap3A_748 = vector.shape_cast %add3A_743 : vector<16xf32> to vector<1x16xf32>
        tpu.vector_store %arg8[%swap3A_744, %swap3A_745], %swap3A_748 {strides = array<i32>} : memref<8x1024xf32, #tpu.memory_space<vmem>>, vector<1x16xf32>,
        %get3A_749 = arith.index_cast %scan3A_246 : i32 to index
        %get3A_750 = arith.constant 576 : index
        %get3A_751 = tpu.vector_load %arg8[%get3A_749, %get3A_750] {strides = array<i32>} : memref<8x1024xf32, #tpu.memory_space<vmem>>, vector<1x16xf32>,
        %get3A_752 = vector.shape_cast %get3A_751 : vector<1x16xf32> to vector<16xf32>
        %get3A_753 = arith.index_cast %scan3A_246 : i32 to index
        %get3A_754 = arith.constant 576 : index
        %get3A_755 = tpu.vector_load %arg12[%get3A_753, %get3A_754] {strides = array<i32>} : memref<8x1024xf32, #tpu.memory_space<vmem>>, vector<1x16xf32>,
        %get3A_756 = vector.shape_cast %get3A_755 : vector<1x16xf32> to vector<16xf32>
        %add3A_757 = arith.addf %get3A_752, %get3A_756 : vector<16xf32>
        %swap3A_758 = arith.index_cast %scan3A_246 : i32 to index
        %swap3A_759 = arith.constant 576 : index
        %swap3A_760 = tpu.vector_load %arg8[%swap3A_758, %swap3A_759] {strides = array<i32>} : memref<8x1024xf32, #tpu.memory_space<vmem>>, vector<1x16xf32>,
        %swap3A_761 = vector.shape_cast %swap3A_760 : vector<1x16xf32> to vector<16xf32>
        %swap3A_762 = vector.shape_cast %add3A_757 : vector<16xf32> to vector<1x16xf32>
        tpu.vector_store %arg8[%swap3A_758, %swap3A_759], %swap3A_762 {strides = array<i32>} : memref<8x1024xf32, #tpu.memory_space<vmem>>, vector<1x16xf32>,
        %get3A_763 = arith.index_cast %scan3A_246 : i32 to index
        %get3A_764 = arith.constant 592 : index
        %get3A_765 = tpu.vector_load %arg8[%get3A_763, %get3A_764] {strides = array<i32>} : memref<8x1024xf32, #tpu.memory_space<vmem>>, vector<1x16xf32>,
        %get3A_766 = vector.shape_cast %get3A_765 : vector<1x16xf32> to vector<16xf32>
        %get3A_767 = arith.index_cast %scan3A_246 : i32 to index
        %get3A_768 = arith.constant 592 : index
        %get3A_769 = tpu.vector_load %arg12[%get3A_767, %get3A_768] {strides = array<i32>} : memref<8x1024xf32, #tpu.memory_space<vmem>>, vector<1x16xf32>,
        %get3A_770 = vector.shape_cast %get3A_769 : vector<1x16xf32> to vector<16xf32>
        %add3A_771 = arith.addf %get3A_766, %get3A_770 : vector<16xf32>
        %swap3A_772 = arith.index_cast %scan3A_246 : i32 to index
        %swap3A_773 = arith.constant 592 : index
        %swap3A_774 = tpu.vector_load %arg8[%swap3A_772, %swap3A_773] {strides = array<i32>} : memref<8x1024xf32, #tpu.memory_space<vmem>>, vector<1x16xf32>,
        %swap3A_775 = vector.shape_cast %swap3A_774 : vector<1x16xf32> to vector<16xf32>
        %swap3A_776 = vector.shape_cast %add3A_771 : vector<16xf32> to vector<1x16xf32>
        tpu.vector_store %arg8[%swap3A_772, %swap3A_773], %swap3A_776 {strides = array<i32>} : memref<8x1024xf32, #tpu.memory_space<vmem>>, vector<1x16xf32>,
        %get3A_777 = arith.index_cast %scan3A_246 : i32 to index
        %get3A_778 = arith.constant 608 : index
        %get3A_779 = tpu.vector_load %arg8[%get3A_777, %get3A_778] {strides = array<i32>} : memref<8x1024xf32, #tpu.memory_space<vmem>>, vector<1x16xf32>,
        %get3A_780 = vector.shape_cast %get3A_779 : vector<1x16xf32> to vector<16xf32>
        %get3A_781 = arith.index_cast %scan3A_246 : i32 to index
        %get3A_782 = arith.constant 608 : index
        %get3A_783 = tpu.vector_load %arg12[%get3A_781, %get3A_782] {strides = array<i32>} : memref<8x1024xf32, #tpu.memory_space<vmem>>, vector<1x16xf32>,
        %get3A_784 = vector.shape_cast %get3A_783 : vector<1x16xf32> to vector<16xf32>
        %add3A_785 = arith.addf %get3A_780, %get3A_784 : vector<16xf32>
        %swap3A_786 = arith.index_cast %scan3A_246 : i32 to index
        %swap3A_787 = arith.constant 608 : index
        %swap3A_788 = tpu.vector_load %arg8[%swap3A_786, %swap3A_787] {strides = array<i32>} : memref<8x1024xf32, #tpu.memory_space<vmem>>, vector<1x16xf32>,
        %swap3A_789 = vector.shape_cast %swap3A_788 : vector<1x16xf32> to vector<16xf32>
        %swap3A_790 = vector.shape_cast %add3A_785 : vector<16xf32> to vector<1x16xf32>
        tpu.vector_store %arg8[%swap3A_786, %swap3A_787], %swap3A_790 {strides = array<i32>} : memref<8x1024xf32, #tpu.memory_space<vmem>>, vector<1x16xf32>,
        %get3A_791 = arith.index_cast %scan3A_246 : i32 to index
        %get3A_792 = arith.constant 624 : index
        %get3A_793 = tpu.vector_load %arg8[%get3A_791, %get3A_792] {strides = array<i32>} : memref<8x1024xf32, #tpu.memory_space<vmem>>, vector<1x16xf32>,
        %get3A_794 = vector.shape_cast %get3A_793 : vector<1x16xf32> to vector<16xf32>
        %get3A_795 = arith.index_cast %scan3A_246 : i32 to index
        %get3A_796 = arith.constant 624 : index
        %get3A_797 = tpu.vector_load %arg12[%get3A_795, %get3A_796] {strides = array<i32>} : memref<8x1024xf32, #tpu.memory_space<vmem>>, vector<1x16xf32>,
        %get3A_798 = vector.shape_cast %get3A_797 : vector<1x16xf32> to vector<16xf32>
        %add3A_799 = arith.addf %get3A_794, %get3A_798 : vector<16xf32>
        %swap3A_800 = arith.index_cast %scan3A_246 : i32 to index
        %swap3A_801 = arith.constant 624 : index
        %swap3A_802 = tpu.vector_load %arg8[%swap3A_800, %swap3A_801] {strides = array<i32>} : memref<8x1024xf32, #tpu.memory_space<vmem>>, vector<1x16xf32>,
        %swap3A_803 = vector.shape_cast %swap3A_802 : vector<1x16xf32> to vector<16xf32>
        %swap3A_804 = vector.shape_cast %add3A_799 : vector<16xf32> to vector<1x16xf32>
        tpu.vector_store %arg8[%swap3A_800, %swap3A_801], %swap3A_804 {strides = array<i32>} : memref<8x1024xf32, #tpu.memory_space<vmem>>, vector<1x16xf32>,
        %get3A_805 = arith.index_cast %scan3A_246 : i32 to index
        %get3A_806 = arith.constant 640 : index
        %get3A_807 = tpu.vector_load %arg8[%get3A_805, %get3A_806] {strides = array<i32>} : memref<8x1024xf32, #tpu.memory_space<vmem>>, vector<1x16xf32>,
        %get3A_808 = vector.shape_cast %get3A_807 : vector<1x16xf32> to vector<16xf32>
        %get3A_809 = arith.index_cast %scan3A_246 : i32 to index
        %get3A_810 = arith.constant 640 : index
        %get3A_811 = tpu.vector_load %arg12[%get3A_809, %get3A_810] {strides = array<i32>} : memref<8x1024xf32, #tpu.memory_space<vmem>>, vector<1x16xf32>,
        %get3A_812 = vector.shape_cast %get3A_811 : vector<1x16xf32> to vector<16xf32>
        %add3A_813 = arith.addf %get3A_808, %get3A_812 : vector<16xf32>
        %swap3A_814 = arith.index_cast %scan3A_246 : i32 to index
        %swap3A_815 = arith.constant 640 : index
        %swap3A_816 = tpu.vector_load %arg8[%swap3A_814, %swap3A_815] {strides = array<i32>} : memref<8x1024xf32, #tpu.memory_space<vmem>>, vector<1x16xf32>,
        %swap3A_817 = vector.shape_cast %swap3A_816 : vector<1x16xf32> to vector<16xf32>
        %swap3A_818 = vector.shape_cast %add3A_813 : vector<16xf32> to vector<1x16xf32>
        tpu.vector_store %arg8[%swap3A_814, %swap3A_815], %swap3A_818 {strides = array<i32>} : memref<8x1024xf32, #tpu.memory_space<vmem>>, vector<1x16xf32>,
        %get3A_819 = arith.index_cast %scan3A_246 : i32 to index
        %get3A_820 = arith.constant 656 : index
        %get3A_821 = tpu.vector_load %arg8[%get3A_819, %get3A_820] {strides = array<i32>} : memref<8x1024xf32, #tpu.memory_space<vmem>>, vector<1x16xf32>,
        %get3A_822 = vector.shape_cast %get3A_821 : vector<1x16xf32> to vector<16xf32>
        %get3A_823 = arith.index_cast %scan3A_246 : i32 to index
        %get3A_824 = arith.constant 656 : index
        %get3A_825 = tpu.vector_load %arg12[%get3A_823, %get3A_824] {strides = array<i32>} : memref<8x1024xf32, #tpu.memory_space<vmem>>, vector<1x16xf32>,
        %get3A_826 = vector.shape_cast %get3A_825 : vector<1x16xf32> to vector<16xf32>
        %add3A_827 = arith.addf %get3A_822, %get3A_826 : vector<16xf32>
        %swap3A_828 = arith.index_cast %scan3A_246 : i32 to index
        %swap3A_829 = arith.constant 656 : index
        %swap3A_830 = tpu.vector_load %arg8[%swap3A_828, %swap3A_829] {strides = array<i32>} : memref<8x1024xf32, #tpu.memory_space<vmem>>, vector<1x16xf32>,
        %swap3A_831 = vector.shape_cast %swap3A_830 : vector<1x16xf32> to vector<16xf32>
        %swap3A_832 = vector.shape_cast %add3A_827 : vector<16xf32> to vector<1x16xf32>
        tpu.vector_store %arg8[%swap3A_828, %swap3A_829], %swap3A_832 {strides = array<i32>} : memref<8x1024xf32, #tpu.memory_space<vmem>>, vector<1x16xf32>,
        %get3A_833 = arith.index_cast %scan3A_246 : i32 to index
        %get3A_834 = arith.constant 672 : index
        %get3A_835 = tpu.vector_load %arg8[%get3A_833, %get3A_834] {strides = array<i32>} : memref<8x1024xf32, #tpu.memory_space<vmem>>, vector<1x16xf32>,
        %get3A_836 = vector.shape_cast %get3A_835 : vector<1x16xf32> to vector<16xf32>
        %get3A_837 = arith.index_cast %scan3A_246 : i32 to index
        %get3A_838 = arith.constant 672 : index
        %get3A_839 = tpu.vector_load %arg12[%get3A_837, %get3A_838] {strides = array<i32>} : memref<8x1024xf32, #tpu.memory_space<vmem>>, vector<1x16xf32>,
        %get3A_840 = vector.shape_cast %get3A_839 : vector<1x16xf32> to vector<16xf32>
        %add3A_841 = arith.addf %get3A_836, %get3A_840 : vector<16xf32>
        %swap3A_842 = arith.index_cast %scan3A_246 : i32 to index
        %swap3A_843 = arith.constant 672 : index
        %swap3A_844 = tpu.vector_load %arg8[%swap3A_842, %swap3A_843] {strides = array<i32>} : memref<8x1024xf32, #tpu.memory_space<vmem>>, vector<1x16xf32>,
        %swap3A_845 = vector.shape_cast %swap3A_844 : vector<1x16xf32> to vector<16xf32>
        %swap3A_846 = vector.shape_cast %add3A_841 : vector<16xf32> to vector<1x16xf32>
        tpu.vector_store %arg8[%swap3A_842, %swap3A_843], %swap3A_846 {strides = array<i32>} : memref<8x1024xf32, #tpu.memory_space<vmem>>, vector<1x16xf32>,
        %get3A_847 = arith.index_cast %scan3A_246 : i32 to index
        %get3A_848 = arith.constant 688 : index
        %get3A_849 = tpu.vector_load %arg8[%get3A_847, %get3A_848] {strides = array<i32>} : memref<8x1024xf32, #tpu.memory_space<vmem>>, vector<1x16xf32>,
        %get3A_850 = vector.shape_cast %get3A_849 : vector<1x16xf32> to vector<16xf32>
        %get3A_851 = arith.index_cast %scan3A_246 : i32 to index
        %get3A_852 = arith.constant 688 : index
        %get3A_853 = tpu.vector_load %arg12[%get3A_851, %get3A_852] {strides = array<i32>} : memref<8x1024xf32, #tpu.memory_space<vmem>>, vector<1x16xf32>,
        %get3A_854 = vector.shape_cast %get3A_853 : vector<1x16xf32> to vector<16xf32>
        %add3A_855 = arith.addf %get3A_850, %get3A_854 : vector<16xf32>
        %swap3A_856 = arith.index_cast %scan3A_246 : i32 to index
        %swap3A_857 = arith.constant 688 : index
        %swap3A_858 = tpu.vector_load %arg8[%swap3A_856, %swap3A_857] {strides = array<i32>} : memref<8x1024xf32, #tpu.memory_space<vmem>>, vector<1x16xf32>,
        %swap3A_859 = vector.shape_cast %swap3A_858 : vector<1x16xf32> to vector<16xf32>
        %swap3A_860 = vector.shape_cast %add3A_855 : vector<16xf32> to vector<1x16xf32>
        tpu.vector_store %arg8[%swap3A_856, %swap3A_857], %swap3A_860 {strides = array<i32>} : memref<8x1024xf32, #tpu.memory_space<vmem>>, vector<1x16xf32>,
        %get3A_861 = arith.index_cast %scan3A_246 : i32 to index
        %get3A_862 = arith.constant 704 : index
        %get3A_863 = tpu.vector_load %arg8[%get3A_861, %get3A_862] {strides = array<i32>} : memref<8x1024xf32, #tpu.memory_space<vmem>>, vector<1x16xf32>,
        %get3A_864 = vector.shape_cast %get3A_863 : vector<1x16xf32> to vector<16xf32>
        %get3A_865 = arith.index_cast %scan3A_246 : i32 to index
        %get3A_866 = arith.constant 704 : index
        %get3A_867 = tpu.vector_load %arg12[%get3A_865, %get3A_866] {strides = array<i32>} : memref<8x1024xf32, #tpu.memory_space<vmem>>, vector<1x16xf32>,
        %get3A_868 = vector.shape_cast %get3A_867 : vector<1x16xf32> to vector<16xf32>
        %add3A_869 = arith.addf %get3A_864, %get3A_868 : vector<16xf32>
        %swap3A_870 = arith.index_cast %scan3A_246 : i32 to index
        %swap3A_871 = arith.constant 704 : index
        %swap3A_872 = tpu.vector_load %arg8[%swap3A_870, %swap3A_871] {strides = array<i32>} : memref<8x1024xf32, #tpu.memory_space<vmem>>, vector<1x16xf32>,
        %swap3A_873 = vector.shape_cast %swap3A_872 : vector<1x16xf32> to vector<16xf32>
        %swap3A_874 = vector.shape_cast %add3A_869 : vector<16xf32> to vector<1x16xf32>
        tpu.vector_store %arg8[%swap3A_870, %swap3A_871], %swap3A_874 {strides = array<i32>} : memref<8x1024xf32, #tpu.memory_space<vmem>>, vector<1x16xf32>,
        %get3A_875 = arith.index_cast %scan3A_246 : i32 to index
        %get3A_876 = arith.constant 720 : index
        %get3A_877 = tpu.vector_load %arg8[%get3A_875, %get3A_876] {strides = array<i32>} : memref<8x1024xf32, #tpu.memory_space<vmem>>, vector<1x16xf32>,
        %get3A_878 = vector.shape_cast %get3A_877 : vector<1x16xf32> to vector<16xf32>
        %get3A_879 = arith.index_cast %scan3A_246 : i32 to index
        %get3A_880 = arith.constant 720 : index
        %get3A_881 = tpu.vector_load %arg12[%get3A_879, %get3A_880] {strides = array<i32>} : memref<8x1024xf32, #tpu.memory_space<vmem>>, vector<1x16xf32>,
        %get3A_882 = vector.shape_cast %get3A_881 : vector<1x16xf32> to vector<16xf32>
        %add3A_883 = arith.addf %get3A_878, %get3A_882 : vector<16xf32>
        %swap3A_884 = arith.index_cast %scan3A_246 : i32 to index
        %swap3A_885 = arith.constant 720 : index
        %swap3A_886 = tpu.vector_load %arg8[%swap3A_884, %swap3A_885] {strides = array<i32>} : memref<8x1024xf32, #tpu.memory_space<vmem>>, vector<1x16xf32>,
        %swap3A_887 = vector.shape_cast %swap3A_886 : vector<1x16xf32> to vector<16xf32>
        %swap3A_888 = vector.shape_cast %add3A_883 : vector<16xf32> to vector<1x16xf32>
        tpu.vector_store %arg8[%swap3A_884, %swap3A_885], %swap3A_888 {strides = array<i32>} : memref<8x1024xf32, #tpu.memory_space<vmem>>, vector<1x16xf32>,
        %get3A_889 = arith.index_cast %scan3A_246 : i32 to index
        %get3A_890 = arith.constant 736 : index
        %get3A_891 = tpu.vector_load %arg8[%get3A_889, %get3A_890] {strides = array<i32>} : memref<8x1024xf32, #tpu.memory_space<vmem>>, vector<1x16xf32>,
        %get3A_892 = vector.shape_cast %get3A_891 : vector<1x16xf32> to vector<16xf32>
        %get3A_893 = arith.index_cast %scan3A_246 : i32 to index
        %get3A_894 = arith.constant 736 : index
        %get3A_895 = tpu.vector_load %arg12[%get3A_893, %get3A_894] {strides = array<i32>} : memref<8x1024xf32, #tpu.memory_space<vmem>>, vector<1x16xf32>,
        %get3A_896 = vector.shape_cast %get3A_895 : vector<1x16xf32> to vector<16xf32>
        %add3A_897 = arith.addf %get3A_892, %get3A_896 : vector<16xf32>
        %swap3A_898 = arith.index_cast %scan3A_246 : i32 to index
        %swap3A_899 = arith.constant 736 : index
        %swap3A_900 = tpu.vector_load %arg8[%swap3A_898, %swap3A_899] {strides = array<i32>} : memref<8x1024xf32, #tpu.memory_space<vmem>>, vector<1x16xf32>,
        %swap3A_901 = vector.shape_cast %swap3A_900 : vector<1x16xf32> to vector<16xf32>
        %swap3A_902 = vector.shape_cast %add3A_897 : vector<16xf32> to vector<1x16xf32>
        tpu.vector_store %arg8[%swap3A_898, %swap3A_899], %swap3A_902 {strides = array<i32>} : memref<8x1024xf32, #tpu.memory_space<vmem>>, vector<1x16xf32>,
        %get3A_903 = arith.index_cast %scan3A_246 : i32 to index
        %get3A_904 = arith.constant 752 : index
        %get3A_905 = tpu.vector_load %arg8[%get3A_903, %get3A_904] {strides = array<i32>} : memref<8x1024xf32, #tpu.memory_space<vmem>>, vector<1x16xf32>,
        %get3A_906 = vector.shape_cast %get3A_905 : vector<1x16xf32> to vector<16xf32>
        %get3A_907 = arith.index_cast %scan3A_246 : i32 to index
        %get3A_908 = arith.constant 752 : index
        %get3A_909 = tpu.vector_load %arg12[%get3A_907, %get3A_908] {strides = array<i32>} : memref<8x1024xf32, #tpu.memory_space<vmem>>, vector<1x16xf32>,
        %get3A_910 = vector.shape_cast %get3A_909 : vector<1x16xf32> to vector<16xf32>
        %add3A_911 = arith.addf %get3A_906, %get3A_910 : vector<16xf32>
        %swap3A_912 = arith.index_cast %scan3A_246 : i32 to index
        %swap3A_913 = arith.constant 752 : index
        %swap3A_914 = tpu.vector_load %arg8[%swap3A_912, %swap3A_913] {strides = array<i32>} : memref<8x1024xf32, #tpu.memory_space<vmem>>, vector<1x16xf32>,
        %swap3A_915 = vector.shape_cast %swap3A_914 : vector<1x16xf32> to vector<16xf32>
        %swap3A_916 = vector.shape_cast %add3A_911 : vector<16xf32> to vector<1x16xf32>
        tpu.vector_store %arg8[%swap3A_912, %swap3A_913], %swap3A_916 {strides = array<i32>} : memref<8x1024xf32, #tpu.memory_space<vmem>>, vector<1x16xf32>,
        %get3A_917 = arith.index_cast %scan3A_246 : i32 to index
        %get3A_918 = arith.constant 768 : index
        %get3A_919 = tpu.vector_load %arg8[%get3A_917, %get3A_918] {strides = array<i32>} : memref<8x1024xf32, #tpu.memory_space<vmem>>, vector<1x16xf32>,
        %get3A_920 = vector.shape_cast %get3A_919 : vector<1x16xf32> to vector<16xf32>
        %get3A_921 = arith.index_cast %scan3A_246 : i32 to index
        %get3A_922 = arith.constant 768 : index
        %get3A_923 = tpu.vector_load %arg12[%get3A_921, %get3A_922] {strides = array<i32>} : memref<8x1024xf32, #tpu.memory_space<vmem>>, vector<1x16xf32>,
        %get3A_924 = vector.shape_cast %get3A_923 : vector<1x16xf32> to vector<16xf32>
        %add3A_925 = arith.addf %get3A_920, %get3A_924 : vector<16xf32>
        %swap3A_926 = arith.index_cast %scan3A_246 : i32 to index
        %swap3A_927 = arith.constant 768 : index
        %swap3A_928 = tpu.vector_load %arg8[%swap3A_926, %swap3A_927] {strides = array<i32>} : memref<8x1024xf32, #tpu.memory_space<vmem>>, vector<1x16xf32>,
        %swap3A_929 = vector.shape_cast %swap3A_928 : vector<1x16xf32> to vector<16xf32>
        %swap3A_930 = vector.shape_cast %add3A_925 : vector<16xf32> to vector<1x16xf32>
        tpu.vector_store %arg8[%swap3A_926, %swap3A_927], %swap3A_930 {strides = array<i32>} : memref<8x1024xf32, #tpu.memory_space<vmem>>, vector<1x16xf32>,
        %get3A_931 = arith.index_cast %scan3A_246 : i32 to index
        %get3A_932 = arith.constant 784 : index
        %get3A_933 = tpu.vector_load %arg8[%get3A_931, %get3A_932] {strides = array<i32>} : memref<8x1024xf32, #tpu.memory_space<vmem>>, vector<1x16xf32>,
        %get3A_934 = vector.shape_cast %get3A_933 : vector<1x16xf32> to vector<16xf32>
        %get3A_935 = arith.index_cast %scan3A_246 : i32 to index
        %get3A_936 = arith.constant 784 : index
        %get3A_937 = tpu.vector_load %arg12[%get3A_935, %get3A_936] {strides = array<i32>} : memref<8x1024xf32, #tpu.memory_space<vmem>>, vector<1x16xf32>,
        %get3A_938 = vector.shape_cast %get3A_937 : vector<1x16xf32> to vector<16xf32>
        %add3A_939 = arith.addf %get3A_934, %get3A_938 : vector<16xf32>
        %swap3A_940 = arith.index_cast %scan3A_246 : i32 to index
        %swap3A_941 = arith.constant 784 : index
        %swap3A_942 = tpu.vector_load %arg8[%swap3A_940, %swap3A_941] {strides = array<i32>} : memref<8x1024xf32, #tpu.memory_space<vmem>>, vector<1x16xf32>,
        %swap3A_943 = vector.shape_cast %swap3A_942 : vector<1x16xf32> to vector<16xf32>
        %swap3A_944 = vector.shape_cast %add3A_939 : vector<16xf32> to vector<1x16xf32>
        tpu.vector_store %arg8[%swap3A_940, %swap3A_941], %swap3A_944 {strides = array<i32>} : memref<8x1024xf32, #tpu.memory_space<vmem>>, vector<1x16xf32>,
        %get3A_945 = arith.index_cast %scan3A_246 : i32 to index
        %get3A_946 = arith.constant 800 : index
        %get3A_947 = tpu.vector_load %arg8[%get3A_945, %get3A_946] {strides = array<i32>} : memref<8x1024xf32, #tpu.memory_space<vmem>>, vector<1x16xf32>,
        %get3A_948 = vector.shape_cast %get3A_947 : vector<1x16xf32> to vector<16xf32>
        %get3A_949 = arith.index_cast %scan3A_246 : i32 to index
        %get3A_950 = arith.constant 800 : index
        %get3A_951 = tpu.vector_load %arg12[%get3A_949, %get3A_950] {strides = array<i32>} : memref<8x1024xf32, #tpu.memory_space<vmem>>, vector<1x16xf32>,
        %get3A_952 = vector.shape_cast %get3A_951 : vector<1x16xf32> to vector<16xf32>
        %add3A_953 = arith.addf %get3A_948, %get3A_952 : vector<16xf32>
        %swap3A_954 = arith.index_cast %scan3A_246 : i32 to index
        %swap3A_955 = arith.constant 800 : index
        %swap3A_956 = tpu.vector_load %arg8[%swap3A_954, %swap3A_955] {strides = array<i32>} : memref<8x1024xf32, #tpu.memory_space<vmem>>, vector<1x16xf32>,
        %swap3A_957 = vector.shape_cast %swap3A_956 : vector<1x16xf32> to vector<16xf32>
        %swap3A_958 = vector.shape_cast %add3A_953 : vector<16xf32> to vector<1x16xf32>
        tpu.vector_store %arg8[%swap3A_954, %swap3A_955], %swap3A_958 {strides = array<i32>} : memref<8x1024xf32, #tpu.memory_space<vmem>>, vector<1x16xf32>,
        %get3A_959 = arith.index_cast %scan3A_246 : i32 to index
        %get3A_960 = arith.constant 816 : index
        %get3A_961 = tpu.vector_load %arg8[%get3A_959, %get3A_960] {strides = array<i32>} : memref<8x1024xf32, #tpu.memory_space<vmem>>, vector<1x16xf32>,
        %get3A_962 = vector.shape_cast %get3A_961 : vector<1x16xf32> to vector<16xf32>
        %get3A_963 = arith.index_cast %scan3A_246 : i32 to index
        %get3A_964 = arith.constant 816 : index
        %get3A_965 = tpu.vector_load %arg12[%get3A_963, %get3A_964] {strides = array<i32>} : memref<8x1024xf32, #tpu.memory_space<vmem>>, vector<1x16xf32>,
        %get3A_966 = vector.shape_cast %get3A_965 : vector<1x16xf32> to vector<16xf32>
        %add3A_967 = arith.addf %get3A_962, %get3A_966 : vector<16xf32>
        %swap3A_968 = arith.index_cast %scan3A_246 : i32 to index
        %swap3A_969 = arith.constant 816 : index
        %swap3A_970 = tpu.vector_load %arg8[%swap3A_968, %swap3A_969] {strides = array<i32>} : memref<8x1024xf32, #tpu.memory_space<vmem>>, vector<1x16xf32>,
        %swap3A_971 = vector.shape_cast %swap3A_970 : vector<1x16xf32> to vector<16xf32>
        %swap3A_972 = vector.shape_cast %add3A_967 : vector<16xf32> to vector<1x16xf32>
        tpu.vector_store %arg8[%swap3A_968, %swap3A_969], %swap3A_972 {strides = array<i32>} : memref<8x1024xf32, #tpu.memory_space<vmem>>, vector<1x16xf32>,
        %get3A_973 = arith.index_cast %scan3A_246 : i32 to index
        %get3A_974 = arith.constant 832 : index
        %get3A_975 = tpu.vector_load %arg8[%get3A_973, %get3A_974] {strides = array<i32>} : memref<8x1024xf32, #tpu.memory_space<vmem>>, vector<1x16xf32>,
        %get3A_976 = vector.shape_cast %get3A_975 : vector<1x16xf32> to vector<16xf32>
        %get3A_977 = arith.index_cast %scan3A_246 : i32 to index
        %get3A_978 = arith.constant 832 : index
        %get3A_979 = tpu.vector_load %arg12[%get3A_977, %get3A_978] {strides = array<i32>} : memref<8x1024xf32, #tpu.memory_space<vmem>>, vector<1x16xf32>,
        %get3A_980 = vector.shape_cast %get3A_979 : vector<1x16xf32> to vector<16xf32>
        %add3A_981 = arith.addf %get3A_976, %get3A_980 : vector<16xf32>
        %swap3A_982 = arith.index_cast %scan3A_246 : i32 to index
        %swap3A_983 = arith.constant 832 : index
        %swap3A_984 = tpu.vector_load %arg8[%swap3A_982, %swap3A_983] {strides = array<i32>} : memref<8x1024xf32, #tpu.memory_space<vmem>>, vector<1x16xf32>,
        %swap3A_985 = vector.shape_cast %swap3A_984 : vector<1x16xf32> to vector<16xf32>
        %swap3A_986 = vector.shape_cast %add3A_981 : vector<16xf32> to vector<1x16xf32>
        tpu.vector_store %arg8[%swap3A_982, %swap3A_983], %swap3A_986 {strides = array<i32>} : memref<8x1024xf32, #tpu.memory_space<vmem>>, vector<1x16xf32>,
        %get3A_987 = arith.index_cast %scan3A_246 : i32 to index
        %get3A_988 = arith.constant 848 : index
        %get3A_989 = tpu.vector_load %arg8[%get3A_987, %get3A_988] {strides = array<i32>} : memref<8x1024xf32, #tpu.memory_space<vmem>>, vector<1x16xf32>,
        %get3A_990 = vector.shape_cast %get3A_989 : vector<1x16xf32> to vector<16xf32>
        %get3A_991 = arith.index_cast %scan3A_246 : i32 to index
        %get3A_992 = arith.constant 848 : index
        %get3A_993 = tpu.vector_load %arg12[%get3A_991, %get3A_992] {strides = array<i32>} : memref<8x1024xf32, #tpu.memory_space<vmem>>, vector<1x16xf32>,
        %get3A_994 = vector.shape_cast %get3A_993 : vector<1x16xf32> to vector<16xf32>
        %add3A_995 = arith.addf %get3A_990, %get3A_994 : vector<16xf32>
        %swap3A_996 = arith.index_cast %scan3A_246 : i32 to index
        %swap3A_997 = arith.constant 848 : index
        %swap3A_998 = tpu.vector_load %arg8[%swap3A_996, %swap3A_997] {strides = array<i32>} : memref<8x1024xf32, #tpu.memory_space<vmem>>, vector<1x16xf32>,
        %swap3A_999 = vector.shape_cast %swap3A_998 : vector<1x16xf32> to vector<16xf32>
        %swap3A_1000 = vector.shape_cast %add3A_995 : vector<16xf32> to vector<1x16xf32>
        tpu.vector_store %arg8[%swap3A_996, %swap3A_997], %swap3A_1000 {strides = array<i32>} : memref<8x1024xf32, #tpu.memory_space<vmem>>, vector<1x16xf32>,
        %get3A_1001 = arith.index_cast %scan3A_246 : i32 to index
        %get3A_1002 = arith.constant 864 : index
        %get3A_1003 = tpu.vector_load %arg8[%get3A_1001, %get3A_1002] {strides = array<i32>} : memref<8x1024xf32, #tpu.memory_space<vmem>>, vector<1x16xf32>,
        %get3A_1004 = vector.shape_cast %get3A_1003 : vector<1x16xf32> to vector<16xf32>
        %get3A_1005 = arith.index_cast %scan3A_246 : i32 to index
        %get3A_1006 = arith.constant 864 : index
        %get3A_1007 = tpu.vector_load %arg12[%get3A_1005, %get3A_1006] {strides = array<i32>} : memref<8x1024xf32, #tpu.memory_space<vmem>>, vector<1x16xf32>,
        %get3A_1008 = vector.shape_cast %get3A_1007 : vector<1x16xf32> to vector<16xf32>
        %add3A_1009 = arith.addf %get3A_1004, %get3A_1008 : vector<16xf32>
        %swap3A_1010 = arith.index_cast %scan3A_246 : i32 to index
        %swap3A_1011 = arith.constant 864 : index
        %swap3A_1012 = tpu.vector_load %arg8[%swap3A_1010, %swap3A_1011] {strides = array<i32>} : memref<8x1024xf32, #tpu.memory_space<vmem>>, vector<1x16xf32>,
        %swap3A_1013 = vector.shape_cast %swap3A_1012 : vector<1x16xf32> to vector<16xf32>
        %swap3A_1014 = vector.shape_cast %add3A_1009 : vector<16xf32> to vector<1x16xf32>
        tpu.vector_store %arg8[%swap3A_1010, %swap3A_1011], %swap3A_1014 {strides = array<i32>} : memref<8x1024xf32, #tpu.memory_space<vmem>>, vector<1x16xf32>,
        %get3A_1015 = arith.index_cast %scan3A_246 : i32 to index
        %get3A_1016 = arith.constant 880 : index
        %get3A_1017 = tpu.vector_load %arg8[%get3A_1015, %get3A_1016] {strides = array<i32>} : memref<8x1024xf32, #tpu.memory_space<vmem>>, vector<1x16xf32>,
        %get3A_1018 = vector.shape_cast %get3A_1017 : vector<1x16xf32> to vector<16xf32>
        %get3A_1019 = arith.index_cast %scan3A_246 : i32 to index
        %get3A_1020 = arith.constant 880 : index
        %get3A_1021 = tpu.vector_load %arg12[%get3A_1019, %get3A_1020] {strides = array<i32>} : memref<8x1024xf32, #tpu.memory_space<vmem>>, vector<1x16xf32>,
        %get3A_1022 = vector.shape_cast %get3A_1021 : vector<1x16xf32> to vector<16xf32>
        %add3A_1023 = arith.addf %get3A_1018, %get3A_1022 : vector<16xf32>
        %swap3A_1024 = arith.index_cast %scan3A_246 : i32 to index
        %swap3A_1025 = arith.constant 880 : index
        %swap3A_1026 = tpu.vector_load %arg8[%swap3A_1024, %swap3A_1025] {strides = array<i32>} : memref<8x1024xf32, #tpu.memory_space<vmem>>, vector<1x16xf32>,
        %swap3A_1027 = vector.shape_cast %swap3A_1026 : vector<1x16xf32> to vector<16xf32>
        %swap3A_1028 = vector.shape_cast %add3A_1023 : vector<16xf32> to vector<1x16xf32>
        tpu.vector_store %arg8[%swap3A_1024, %swap3A_1025], %swap3A_1028 {strides = array<i32>} : memref<8x1024xf32, #tpu.memory_space<vmem>>, vector<1x16xf32>,
        %get3A_1029 = arith.index_cast %scan3A_246 : i32 to index
        %get3A_1030 = arith.constant 896 : index
        %get3A_1031 = tpu.vector_load %arg8[%get3A_1029, %get3A_1030] {strides = array<i32>} : memref<8x1024xf32, #tpu.memory_space<vmem>>, vector<1x16xf32>,
        %get3A_1032 = vector.shape_cast %get3A_1031 : vector<1x16xf32> to vector<16xf32>
        %get3A_1033 = arith.index_cast %scan3A_246 : i32 to index
        %get3A_1034 = arith.constant 896 : index
        %get3A_1035 = tpu.vector_load %arg12[%get3A_1033, %get3A_1034] {strides = array<i32>} : memref<8x1024xf32, #tpu.memory_space<vmem>>, vector<1x16xf32>,
        %get3A_1036 = vector.shape_cast %get3A_1035 : vector<1x16xf32> to vector<16xf32>
        %add3A_1037 = arith.addf %get3A_1032, %get3A_1036 : vector<16xf32>
        %swap3A_1038 = arith.index_cast %scan3A_246 : i32 to index
        %swap3A_1039 = arith.constant 896 : index
        %swap3A_1040 = tpu.vector_load %arg8[%swap3A_1038, %swap3A_1039] {strides = array<i32>} : memref<8x1024xf32, #tpu.memory_space<vmem>>, vector<1x16xf32>,
        %swap3A_1041 = vector.shape_cast %swap3A_1040 : vector<1x16xf32> to vector<16xf32>
        %swap3A_1042 = vector.shape_cast %add3A_1037 : vector<16xf32> to vector<1x16xf32>
        tpu.vector_store %arg8[%swap3A_1038, %swap3A_1039], %swap3A_1042 {strides = array<i32>} : memref<8x1024xf32, #tpu.memory_space<vmem>>, vector<1x16xf32>,
        %get3A_1043 = arith.index_cast %scan3A_246 : i32 to index
        %get3A_1044 = arith.constant 912 : index
        %get3A_1045 = tpu.vector_load %arg8[%get3A_1043, %get3A_1044] {strides = array<i32>} : memref<8x1024xf32, #tpu.memory_space<vmem>>, vector<1x16xf32>,
        %get3A_1046 = vector.shape_cast %get3A_1045 : vector<1x16xf32> to vector<16xf32>
        %get3A_1047 = arith.index_cast %scan3A_246 : i32 to index
        %get3A_1048 = arith.constant 912 : index
        %get3A_1049 = tpu.vector_load %arg12[%get3A_1047, %get3A_1048] {strides = array<i32>} : memref<8x1024xf32, #tpu.memory_space<vmem>>, vector<1x16xf32>,
        %get3A_1050 = vector.shape_cast %get3A_1049 : vector<1x16xf32> to vector<16xf32>
        %add3A_1051 = arith.addf %get3A_1046, %get3A_1050 : vector<16xf32>
        %swap3A_1052 = arith.index_cast %scan3A_246 : i32 to index
        %swap3A_1053 = arith.constant 912 : index
        %swap3A_1054 = tpu.vector_load %arg8[%swap3A_1052, %swap3A_1053] {strides = array<i32>} : memref<8x1024xf32, #tpu.memory_space<vmem>>, vector<1x16xf32>,
        %swap3A_1055 = vector.shape_cast %swap3A_1054 : vector<1x16xf32> to vector<16xf32>
        %swap3A_1056 = vector.shape_cast %add3A_1051 : vector<16xf32> to vector<1x16xf32>
        tpu.vector_store %arg8[%swap3A_1052, %swap3A_1053], %swap3A_1056 {strides = array<i32>} : memref<8x1024xf32, #tpu.memory_space<vmem>>, vector<1x16xf32>,
        %get3A_1057 = arith.index_cast %scan3A_246 : i32 to index
        %get3A_1058 = arith.constant 928 : index
        %get3A_1059 = tpu.vector_load %arg8[%get3A_1057, %get3A_1058] {strides = array<i32>} : memref<8x1024xf32, #tpu.memory_space<vmem>>, vector<1x16xf32>,
        %get3A_1060 = vector.shape_cast %get3A_1059 : vector<1x16xf32> to vector<16xf32>
        %get3A_1061 = arith.index_cast %scan3A_246 : i32 to index
        %get3A_1062 = arith.constant 928 : index
        %get3A_1063 = tpu.vector_load %arg12[%get3A_1061, %get3A_1062] {strides = array<i32>} : memref<8x1024xf32, #tpu.memory_space<vmem>>, vector<1x16xf32>,
        %get3A_1064 = vector.shape_cast %get3A_1063 : vector<1x16xf32> to vector<16xf32>
        %add3A_1065 = arith.addf %get3A_1060, %get3A_1064 : vector<16xf32>
        %swap3A_1066 = arith.index_cast %scan3A_246 : i32 to index
        %swap3A_1067 = arith.constant 928 : index
        %swap3A_1068 = tpu.vector_load %arg8[%swap3A_1066, %swap3A_1067] {strides = array<i32>} : memref<8x1024xf32, #tpu.memory_space<vmem>>, vector<1x16xf32>,
        %swap3A_1069 = vector.shape_cast %swap3A_1068 : vector<1x16xf32> to vector<16xf32>
        %swap3A_1070 = vector.shape_cast %add3A_1065 : vector<16xf32> to vector<1x16xf32>
        tpu.vector_store %arg8[%swap3A_1066, %swap3A_1067], %swap3A_1070 {strides = array<i32>} : memref<8x1024xf32, #tpu.memory_space<vmem>>, vector<1x16xf32>,
        %get3A_1071 = arith.index_cast %scan3A_246 : i32 to index
        %get3A_1072 = arith.constant 944 : index
        %get3A_1073 = tpu.vector_load %arg8[%get3A_1071, %get3A_1072] {strides = array<i32>} : memref<8x1024xf32, #tpu.memory_space<vmem>>, vector<1x16xf32>,
        %get3A_1074 = vector.shape_cast %get3A_1073 : vector<1x16xf32> to vector<16xf32>
        %get3A_1075 = arith.index_cast %scan3A_246 : i32 to index
        %get3A_1076 = arith.constant 944 : index
        %get3A_1077 = tpu.vector_load %arg12[%get3A_1075, %get3A_1076] {strides = array<i32>} : memref<8x1024xf32, #tpu.memory_space<vmem>>, vector<1x16xf32>,
        %get3A_1078 = vector.shape_cast %get3A_1077 : vector<1x16xf32> to vector<16xf32>
        %add3A_1079 = arith.addf %get3A_1074, %get3A_1078 : vector<16xf32>
        %swap3A_1080 = arith.index_cast %scan3A_246 : i32 to index
        %swap3A_1081 = arith.constant 944 : index
        %swap3A_1082 = tpu.vector_load %arg8[%swap3A_1080, %swap3A_1081] {strides = array<i32>} : memref<8x1024xf32, #tpu.memory_space<vmem>>, vector<1x16xf32>,
        %swap3A_1083 = vector.shape_cast %swap3A_1082 : vector<1x16xf32> to vector<16xf32>
        %swap3A_1084 = vector.shape_cast %add3A_1079 : vector<16xf32> to vector<1x16xf32>
        tpu.vector_store %arg8[%swap3A_1080, %swap3A_1081], %swap3A_1084 {strides = array<i32>} : memref<8x1024xf32, #tpu.memory_space<vmem>>, vector<1x16xf32>,
        %get3A_1085 = arith.index_cast %scan3A_246 : i32 to index
        %get3A_1086 = arith.constant 960 : index
        %get3A_1087 = tpu.vector_load %arg8[%get3A_1085, %get3A_1086] {strides = array<i32>} : memref<8x1024xf32, #tpu.memory_space<vmem>>, vector<1x16xf32>,
        %get3A_1088 = vector.shape_cast %get3A_1087 : vector<1x16xf32> to vector<16xf32>
        %get3A_1089 = arith.index_cast %scan3A_246 : i32 to index
        %get3A_1090 = arith.constant 960 : index
        %get3A_1091 = tpu.vector_load %arg12[%get3A_1089, %get3A_1090] {strides = array<i32>} : memref<8x1024xf32, #tpu.memory_space<vmem>>, vector<1x16xf32>,
        %get3A_1092 = vector.shape_cast %get3A_1091 : vector<1x16xf32> to vector<16xf32>
        %add3A_1093 = arith.addf %get3A_1088, %get3A_1092 : vector<16xf32>
        %swap3A_1094 = arith.index_cast %scan3A_246 : i32 to index
        %swap3A_1095 = arith.constant 960 : index
        %swap3A_1096 = tpu.vector_load %arg8[%swap3A_1094, %swap3A_1095] {strides = array<i32>} : memref<8x1024xf32, #tpu.memory_space<vmem>>, vector<1x16xf32>,
        %swap3A_1097 = vector.shape_cast %swap3A_1096 : vector<1x16xf32> to vector<16xf32>
        %swap3A_1098 = vector.shape_cast %add3A_1093 : vector<16xf32> to vector<1x16xf32>
        tpu.vector_store %arg8[%swap3A_1094, %swap3A_1095], %swap3A_1098 {strides = array<i32>} : memref<8x1024xf32, #tpu.memory_space<vmem>>, vector<1x16xf32>,
        %get3A_1099 = arith.index_cast %scan3A_246 : i32 to index
        %get3A_1100 = arith.constant 976 : index
        %get3A_1101 = tpu.vector_load %arg8[%get3A_1099, %get3A_1100] {strides = array<i32>} : memref<8x1024xf32, #tpu.memory_space<vmem>>, vector<1x16xf32>,
        %get3A_1102 = vector.shape_cast %get3A_1101 : vector<1x16xf32> to vector<16xf32>
        %get3A_1103 = arith.index_cast %scan3A_246 : i32 to index
        %get3A_1104 = arith.constant 976 : index
        %get3A_1105 = tpu.vector_load %arg12[%get3A_1103, %get3A_1104] {strides = array<i32>} : memref<8x1024xf32, #tpu.memory_space<vmem>>, vector<1x16xf32>,
        %get3A_1106 = vector.shape_cast %get3A_1105 : vector<1x16xf32> to vector<16xf32>
        %add3A_1107 = arith.addf %get3A_1102, %get3A_1106 : vector<16xf32>
        %swap3A_1108 = arith.index_cast %scan3A_246 : i32 to index
        %swap3A_1109 = arith.constant 976 : index
        %swap3A_1110 = tpu.vector_load %arg8[%swap3A_1108, %swap3A_1109] {strides = array<i32>} : memref<8x1024xf32, #tpu.memory_space<vmem>>, vector<1x16xf32>,
        %swap3A_1111 = vector.shape_cast %swap3A_1110 : vector<1x16xf32> to vector<16xf32>
        %swap3A_1112 = vector.shape_cast %add3A_1107 : vector<16xf32> to vector<1x16xf32>
        tpu.vector_store %arg8[%swap3A_1108, %swap3A_1109], %swap3A_1112 {strides = array<i32>} : memref<8x1024xf32, #tpu.memory_space<vmem>>, vector<1x16xf32>,
        %get3A_1113 = arith.index_cast %scan3A_246 : i32 to index
        %get3A_1114 = arith.constant 992 : index
        %get3A_1115 = tpu.vector_load %arg8[%get3A_1113, %get3A_1114] {strides = array<i32>} : memref<8x1024xf32, #tpu.memory_space<vmem>>, vector<1x16xf32>,
        %get3A_1116 = vector.shape_cast %get3A_1115 : vector<1x16xf32> to vector<16xf32>
        %get3A_1117 = arith.index_cast %scan3A_246 : i32 to index
        %get3A_1118 = arith.constant 992 : index
        %get3A_1119 = tpu.vector_load %arg12[%get3A_1117, %get3A_1118] {strides = array<i32>} : memref<8x1024xf32, #tpu.memory_space<vmem>>, vector<1x16xf32>,
        %get3A_1120 = vector.shape_cast %get3A_1119 : vector<1x16xf32> to vector<16xf32>
        %add3A_1121 = arith.addf %get3A_1116, %get3A_1120 : vector<16xf32>
        %swap3A_1122 = arith.index_cast %scan3A_246 : i32 to index
        %swap3A_1123 = arith.constant 992 : index
        %swap3A_1124 = tpu.vector_load %arg8[%swap3A_1122, %swap3A_1123] {strides = array<i32>} : memref<8x1024xf32, #tpu.memory_space<vmem>>, vector<1x16xf32>,
        %swap3A_1125 = vector.shape_cast %swap3A_1124 : vector<1x16xf32> to vector<16xf32>
        %swap3A_1126 = vector.shape_cast %add3A_1121 : vector<16xf32> to vector<1x16xf32>
        tpu.vector_store %arg8[%swap3A_1122, %swap3A_1123], %swap3A_1126 {strides = array<i32>} : memref<8x1024xf32, #tpu.memory_space<vmem>>, vector<1x16xf32>,
        %get3A_1127 = arith.index_cast %scan3A_246 : i32 to index
        %get3A_1128 = arith.constant 1008 : index
        %get3A_1129 = tpu.vector_load %arg8[%get3A_1127, %get3A_1128] {strides = array<i32>} : memref<8x1024xf32, #tpu.memory_space<vmem>>, vector<1x16xf32>,
        %get3A_1130 = vector.shape_cast %get3A_1129 : vector<1x16xf32> to vector<16xf32>
        %get3A_1131 = arith.index_cast %scan3A_246 : i32 to index
        %get3A_1132 = arith.constant 1008 : index
        %get3A_1133 = tpu.vector_load %arg12[%get3A_1131, %get3A_1132] {strides = array<i32>} : memref<8x1024xf32, #tpu.memory_space<vmem>>, vector<1x16xf32>,
        %get3A_1134 = vector.shape_cast %get3A_1133 : vector<1x16xf32> to vector<16xf32>
        %add3A_1135 = arith.addf %get3A_1130, %get3A_1134 : vector<16xf32>
        %swap3A_1136 = arith.index_cast %scan3A_246 : i32 to index
        %swap3A_1137 = arith.constant 1008 : index
        %swap3A_1138 = tpu.vector_load %arg8[%swap3A_1136, %swap3A_1137] {strides = array<i32>} : memref<8x1024xf32, #tpu.memory_space<vmem>>, vector<1x16xf32>,
        %swap3A_1139 = vector.shape_cast %swap3A_1138 : vector<1x16xf32> to vector<16xf32>
        %swap3A_1140 = vector.shape_cast %add3A_1135 : vector<16xf32> to vector<1x16xf32>
        tpu.vector_store %arg8[%swap3A_1136, %swap3A_1137], %swap3A_1140 {strides = array<i32>} : memref<8x1024xf32, #tpu.memory_space<vmem>>, vector<1x16xf32>,
      }
      %scan3A_113 = arith.constant 8 : i32
      %mul3A_114 = arith.constant 1024 : i32
      %mul3A_115 = arith.muli %add3A, %mul3A_114 : i32
      %mul3A_116 = arith.constant 8 : i32
      %mul3A_117 = arith.muli %add3A_88, %mul3A_116 : i32
      %add3A_118 = arith.addi %mul3A_115, %mul3A_117 : i32
      %dma_start3A_119 = arith.constant 0 : i32
      %dma_start3A_120 = tpu.memref_slice %arg5[%add3A_118, %dma_start3A_119] : memref<32768x1024xf32, #tpu.memory_space<hbm>> -> memref<8x1024xf32, #tpu.memory_space<hbm>>
      %dma_start3A_121 = arith.constant 0 : i32
      %dma_start3A_122 = tpu.memref_slice %arg5[%add3A_118, %dma_start3A_121] : memref<32768x1024xf32, #tpu.memory_space<hbm>> -> memref<8x1024xf32, #tpu.memory_space<hbm>>
      tpu.enqueue_dma source(%arg8 : memref<8x1024xf32, #tpu.memory_space<vmem>>) target(%dma_start3A_122 : memref<8x1024xf32, #tpu.memory_space<hbm>>) target_semaphore(%arg20 : memref<!tpu.dma_semaphore, #tpu.memory_space<semaphore_mem>>)
      %mul3A_123 = arith.constant 4 : i32
      %mul3A_124 = arith.muli %mul3A_123, %scan3A_84 : i32
      %add3A_125 = arith.constant 1 : i32
      %add3A_126 = arith.addi %mul3A_124, %add3A_125 : i32
      %ge3A_127 = arith.constant 1 : i32
      %ge3A_128 = arith.cmpi sge, %add3A_126, %ge3A_127 : i32
      %convert_element_type3A_129 = arith.extui %ge3A_128 : i1 to i32
      %cond3A_130 = arith.constant 0 : i32
      %cond3A_131 = arith.cmpi ne, %convert_element_type3A_129, %cond3A_130 : i32
      scf.if %cond3A_131 {
        %dma_wait3A_246 = arith.constant 0 : i32
        %dma_wait3A_247 = arith.constant 0 : i32
        %dma_wait3A_248 = tpu.memref_slice %arg5[%dma_wait3A_246, %dma_wait3A_247] : memref<32768x1024xf32, #tpu.memory_space<hbm>> -> memref<8x1024xf32, #tpu.memory_space<hbm>>
        %dma_wait3A_249 = arith.constant 0 : i32
        %dma_wait3A_250 = arith.constant 0 : i32
        %dma_wait3A_251 = tpu.memref_slice %arg5[%dma_wait3A_249, %dma_wait3A_250] : memref<32768x1024xf32, #tpu.memory_space<hbm>> -> memref<8x1024xf32, #tpu.memory_space<hbm>>
        tpu.wait_dma2 semaphore(%arg20 : memref<!tpu.dma_semaphore, #tpu.memory_space<semaphore_mem>>) src(%dma_wait3A_251 : memref<8x1024xf32, #tpu.memory_space<hbm>>) dst(%arg8 : memref<8x1024xf32, #tpu.memory_space<vmem>>)
      } else {
      }
      %lt3A_132 = arith.constant 125 : i32
      %lt3A_133 = arith.cmpi slt, %add3A_126, %lt3A_132 : i32
      %convert_element_type3A_134 = arith.extui %lt3A_133 : i1 to i32
      %cond3A_135 = arith.constant 0 : i32
      %cond3A_136 = arith.cmpi ne, %convert_element_type3A_134, %cond3A_135 : i32
      scf.if %cond3A_136 {
        %add3A_246 = arith.constant 3 : i32
        %add3A_247 = arith.addi %add3A_126, %add3A_246 : i32
        %mul3A_248 = arith.constant 8 : i32
        %mul3A_249 = arith.muli %add3A_247, %mul3A_248 : i32
        %dma_start3A_250 = tpu.memref_slice %arg6[%mul3A_249] : memref<1024xi32, #tpu.memory_space<vmem>> -> memref<8xi32, #tpu.memory_space<vmem>>
        %dma_start3A_251 = arith.constant 0 : i32
        %dma_start3A_252 = arith.constant 0 : i32
        %dma_start3A_253 = tpu.memref_slice %arg3[%dma_start3A_251, %dma_start3A_252] : memref<8192x1024xf32, #tpu.memory_space<hbm>> -> memref<8192x1024xf32, #tpu.memory_space<hbm>>
        tpu.enqueue_indirect_dma source(%dma_start3A_253 : memref<8192x1024xf32, #tpu.memory_space<hbm>>) target(%arg8 : memref<8x1024xf32, #tpu.memory_space<vmem>>) offsets(%dma_start3A_250 : memref<8xi32, #tpu.memory_space<vmem>>) semaphore(%arg16 : memref<!tpu.dma_semaphore, #tpu.memory_space<semaphore_mem>>)
        %mul3A_254 = arith.constant 8 : i32
        %mul3A_255 = arith.muli %add3A_247, %mul3A_254 : i32
        %dma_start3A_256 = tpu.memref_slice %arg7[%mul3A_255] : memref<1024xi32, #tpu.memory_space<vmem>> -> memref<8xi32, #tpu.memory_space<vmem>>
        %dma_start3A_257 = arith.constant 0 : i32
        %dma_start3A_258 = arith.constant 0 : i32
        %dma_start3A_259 = tpu.memref_slice %arg4[%dma_start3A_257, %dma_start3A_258] : memref<8192x1024xf32, #tpu.memory_space<hbm>> -> memref<8192x1024xf32, #tpu.memory_space<hbm>>
        tpu.enqueue_indirect_dma source(%dma_start3A_259 : memref<8192x1024xf32, #tpu.memory_space<hbm>>) target(%arg12 : memref<8x1024xf32, #tpu.memory_space<vmem>>) offsets(%dma_start3A_256 : memref<8xi32, #tpu.memory_space<vmem>>) semaphore(%arg16 : memref<!tpu.dma_semaphore, #tpu.memory_space<semaphore_mem>>)
      } else {
      }
      %dma_wait3A_137 = arith.constant 0 : i32
      %dma_wait3A_138 = arith.constant 0 : i32
      %dma_wait3A_139 = tpu.memref_slice %arg3[%dma_wait3A_137, %dma_wait3A_138] : memref<8192x1024xf32, #tpu.memory_space<hbm>> -> memref<8x1024xf32, #tpu.memory_space<hbm>>
      %dma_wait3A_140 = arith.constant 0 : i32
      %dma_wait3A_141 = arith.constant 0 : i32
      %dma_wait3A_142 = tpu.memref_slice %arg3[%dma_wait3A_140, %dma_wait3A_141] : memref<8192x1024xf32, #tpu.memory_space<hbm>> -> memref<8x1024xf32, #tpu.memory_space<hbm>>
      tpu.wait_dma2 semaphore(%arg17 : memref<!tpu.dma_semaphore, #tpu.memory_space<semaphore_mem>>) src(%dma_wait3A_142 : memref<8x1024xf32, #tpu.memory_space<hbm>>) dst(%arg9 : memref<8x1024xf32, #tpu.memory_space<vmem>>)
      %dma_wait3A_143 = arith.constant 0 : i32
      %dma_wait3A_144 = arith.constant 0 : i32
      %dma_wait3A_145 = tpu.memref_slice %arg4[%dma_wait3A_143, %dma_wait3A_144] : memref<8192x1024xf32, #tpu.memory_space<hbm>> -> memref<8x1024xf32, #tpu.memory_space<hbm>>
      %dma_wait3A_146 = arith.constant 0 : i32
      %dma_wait3A_147 = arith.constant 0 : i32
      %dma_wait3A_148 = tpu.memref_slice %arg4[%dma_wait3A_146, %dma_wait3A_147] : memref<8192x1024xf32, #tpu.memory_space<hbm>> -> memref<8x1024xf32, #tpu.memory_space<hbm>>
      tpu.wait_dma2 semaphore(%arg17 : memref<!tpu.dma_semaphore, #tpu.memory_space<semaphore_mem>>) src(%dma_wait3A_148 : memref<8x1024xf32, #tpu.memory_space<hbm>>) dst(%arg13 : memref<8x1024xf32, #tpu.memory_space<vmem>>)
      %scan3A_149 = arith.constant 0 : i32
      %scan3A_150 = arith.constant 0 : i32
      %scan3A_151 = arith.constant 8 : i32
      %scan3A_152 = arith.addi %scan3A_150, %scan3A_151 : i32
      %scan3A_153 = arith.constant 1 : i32
      scf.for %scan3A_246 = %scan3A_150 to %scan3A_152 step %scan3A_153  : i32 {
        %get3A = arith.index_cast %scan3A_246 : i32 to index
        %get3A_247 = arith.constant 0 : index
        %get3A_248 = tpu.vector_load %arg9[%get3A, %get3A_247] {strides = array<i32>} : memref<8x1024xf32, #tpu.memory_space<vmem>>, vector<1x16xf32>,
        %get3A_249 = vector.shape_cast %get3A_248 : vector<1x16xf32> to vector<16xf32>
        %get3A_250 = arith.index_cast %scan3A_246 : i32 to index
        %get3A_251 = arith.constant 0 : index
        %get3A_252 = tpu.vector_load %arg13[%get3A_250, %get3A_251] {strides = array<i32>} : memref<8x1024xf32, #tpu.memory_space<vmem>>, vector<1x16xf32>,
        %get3A_253 = vector.shape_cast %get3A_252 : vector<1x16xf32> to vector<16xf32>
        %add3A_254 = arith.addf %get3A_249, %get3A_253 : vector<16xf32>
        %swap3A = arith.index_cast %scan3A_246 : i32 to index
        %swap3A_255 = arith.constant 0 : index
        %swap3A_256 = tpu.vector_load %arg9[%swap3A, %swap3A_255] {strides = array<i32>} : memref<8x1024xf32, #tpu.memory_space<vmem>>, vector<1x16xf32>,
        %swap3A_257 = vector.shape_cast %swap3A_256 : vector<1x16xf32> to vector<16xf32>
        %swap3A_258 = vector.shape_cast %add3A_254 : vector<16xf32> to vector<1x16xf32>
        tpu.vector_store %arg9[%swap3A, %swap3A_255], %swap3A_258 {strides = array<i32>} : memref<8x1024xf32, #tpu.memory_space<vmem>>, vector<1x16xf32>,
        %get3A_259 = arith.index_cast %scan3A_246 : i32 to index
        %get3A_260 = arith.constant 16 : index
        %get3A_261 = tpu.vector_load %arg9[%get3A_259, %get3A_260] {strides = array<i32>} : memref<8x1024xf32, #tpu.memory_space<vmem>>, vector<1x16xf32>,
        %get3A_262 = vector.shape_cast %get3A_261 : vector<1x16xf32> to vector<16xf32>
        %get3A_263 = arith.index_cast %scan3A_246 : i32 to index
        %get3A_264 = arith.constant 16 : index
        %get3A_265 = tpu.vector_load %arg13[%get3A_263, %get3A_264] {strides = array<i32>} : memref<8x1024xf32, #tpu.memory_space<vmem>>, vector<1x16xf32>,
        %get3A_266 = vector.shape_cast %get3A_265 : vector<1x16xf32> to vector<16xf32>
        %add3A_267 = arith.addf %get3A_262, %get3A_266 : vector<16xf32>
        %swap3A_268 = arith.index_cast %scan3A_246 : i32 to index
        %swap3A_269 = arith.constant 16 : index
        %swap3A_270 = tpu.vector_load %arg9[%swap3A_268, %swap3A_269] {strides = array<i32>} : memref<8x1024xf32, #tpu.memory_space<vmem>>, vector<1x16xf32>,
        %swap3A_271 = vector.shape_cast %swap3A_270 : vector<1x16xf32> to vector<16xf32>
        %swap3A_272 = vector.shape_cast %add3A_267 : vector<16xf32> to vector<1x16xf32>
        tpu.vector_store %arg9[%swap3A_268, %swap3A_269], %swap3A_272 {strides = array<i32>} : memref<8x1024xf32, #tpu.memory_space<vmem>>, vector<1x16xf32>,
        %get3A_273 = arith.index_cast %scan3A_246 : i32 to index
        %get3A_274 = arith.constant 32 : index
        %get3A_275 = tpu.vector_load %arg9[%get3A_273, %get3A_274] {strides = array<i32>} : memref<8x1024xf32, #tpu.memory_space<vmem>>, vector<1x16xf32>,
        %get3A_276 = vector.shape_cast %get3A_275 : vector<1x16xf32> to vector<16xf32>
        %get3A_277 = arith.index_cast %scan3A_246 : i32 to index
        %get3A_278 = arith.constant 32 : index
        %get3A_279 = tpu.vector_load %arg13[%get3A_277, %get3A_278] {strides = array<i32>} : memref<8x1024xf32, #tpu.memory_space<vmem>>, vector<1x16xf32>,
        %get3A_280 = vector.shape_cast %get3A_279 : vector<1x16xf32> to vector<16xf32>
        %add3A_281 = arith.addf %get3A_276, %get3A_280 : vector<16xf32>
        %swap3A_282 = arith.index_cast %scan3A_246 : i32 to index
        %swap3A_283 = arith.constant 32 : index
        %swap3A_284 = tpu.vector_load %arg9[%swap3A_282, %swap3A_283] {strides = array<i32>} : memref<8x1024xf32, #tpu.memory_space<vmem>>, vector<1x16xf32>,
        %swap3A_285 = vector.shape_cast %swap3A_284 : vector<1x16xf32> to vector<16xf32>
        %swap3A_286 = vector.shape_cast %add3A_281 : vector<16xf32> to vector<1x16xf32>
        tpu.vector_store %arg9[%swap3A_282, %swap3A_283], %swap3A_286 {strides = array<i32>} : memref<8x1024xf32, #tpu.memory_space<vmem>>, vector<1x16xf32>,
        %get3A_287 = arith.index_cast %scan3A_246 : i32 to index
        %get3A_288 = arith.constant 48 : index
        %get3A_289 = tpu.vector_load %arg9[%get3A_287, %get3A_288] {strides = array<i32>} : memref<8x1024xf32, #tpu.memory_space<vmem>>, vector<1x16xf32>,
        %get3A_290 = vector.shape_cast %get3A_289 : vector<1x16xf32> to vector<16xf32>
        %get3A_291 = arith.index_cast %scan3A_246 : i32 to index
        %get3A_292 = arith.constant 48 : index
        %get3A_293 = tpu.vector_load %arg13[%get3A_291, %get3A_292] {strides = array<i32>} : memref<8x1024xf32, #tpu.memory_space<vmem>>, vector<1x16xf32>,
        %get3A_294 = vector.shape_cast %get3A_293 : vector<1x16xf32> to vector<16xf32>
        %add3A_295 = arith.addf %get3A_290, %get3A_294 : vector<16xf32>
        %swap3A_296 = arith.index_cast %scan3A_246 : i32 to index
        %swap3A_297 = arith.constant 48 : index
        %swap3A_298 = tpu.vector_load %arg9[%swap3A_296, %swap3A_297] {strides = array<i32>} : memref<8x1024xf32, #tpu.memory_space<vmem>>, vector<1x16xf32>,
        %swap3A_299 = vector.shape_cast %swap3A_298 : vector<1x16xf32> to vector<16xf32>
        %swap3A_300 = vector.shape_cast %add3A_295 : vector<16xf32> to vector<1x16xf32>
        tpu.vector_store %arg9[%swap3A_296, %swap3A_297], %swap3A_300 {strides = array<i32>} : memref<8x1024xf32, #tpu.memory_space<vmem>>, vector<1x16xf32>,
        %get3A_301 = arith.index_cast %scan3A_246 : i32 to index
        %get3A_302 = arith.constant 64 : index
        %get3A_303 = tpu.vector_load %arg9[%get3A_301, %get3A_302] {strides = array<i32>} : memref<8x1024xf32, #tpu.memory_space<vmem>>, vector<1x16xf32>,
        %get3A_304 = vector.shape_cast %get3A_303 : vector<1x16xf32> to vector<16xf32>
        %get3A_305 = arith.index_cast %scan3A_246 : i32 to index
        %get3A_306 = arith.constant 64 : index
        %get3A_307 = tpu.vector_load %arg13[%get3A_305, %get3A_306] {strides = array<i32>} : memref<8x1024xf32, #tpu.memory_space<vmem>>, vector<1x16xf32>,
        %get3A_308 = vector.shape_cast %get3A_307 : vector<1x16xf32> to vector<16xf32>
        %add3A_309 = arith.addf %get3A_304, %get3A_308 : vector<16xf32>
        %swap3A_310 = arith.index_cast %scan3A_246 : i32 to index
        %swap3A_311 = arith.constant 64 : index
        %swap3A_312 = tpu.vector_load %arg9[%swap3A_310, %swap3A_311] {strides = array<i32>} : memref<8x1024xf32, #tpu.memory_space<vmem>>, vector<1x16xf32>,
        %swap3A_313 = vector.shape_cast %swap3A_312 : vector<1x16xf32> to vector<16xf32>
        %swap3A_314 = vector.shape_cast %add3A_309 : vector<16xf32> to vector<1x16xf32>
        tpu.vector_store %arg9[%swap3A_310, %swap3A_311], %swap3A_314 {strides = array<i32>} : memref<8x1024xf32, #tpu.memory_space<vmem>>, vector<1x16xf32>,
        %get3A_315 = arith.index_cast %scan3A_246 : i32 to index
        %get3A_316 = arith.constant 80 : index
        %get3A_317 = tpu.vector_load %arg9[%get3A_315, %get3A_316] {strides = array<i32>} : memref<8x1024xf32, #tpu.memory_space<vmem>>, vector<1x16xf32>,
        %get3A_318 = vector.shape_cast %get3A_317 : vector<1x16xf32> to vector<16xf32>
        %get3A_319 = arith.index_cast %scan3A_246 : i32 to index
        %get3A_320 = arith.constant 80 : index
        %get3A_321 = tpu.vector_load %arg13[%get3A_319, %get3A_320] {strides = array<i32>} : memref<8x1024xf32, #tpu.memory_space<vmem>>, vector<1x16xf32>,
        %get3A_322 = vector.shape_cast %get3A_321 : vector<1x16xf32> to vector<16xf32>
        %add3A_323 = arith.addf %get3A_318, %get3A_322 : vector<16xf32>
        %swap3A_324 = arith.index_cast %scan3A_246 : i32 to index
        %swap3A_325 = arith.constant 80 : index
        %swap3A_326 = tpu.vector_load %arg9[%swap3A_324, %swap3A_325] {strides = array<i32>} : memref<8x1024xf32, #tpu.memory_space<vmem>>, vector<1x16xf32>,
        %swap3A_327 = vector.shape_cast %swap3A_326 : vector<1x16xf32> to vector<16xf32>
        %swap3A_328 = vector.shape_cast %add3A_323 : vector<16xf32> to vector<1x16xf32>
        tpu.vector_store %arg9[%swap3A_324, %swap3A_325], %swap3A_328 {strides = array<i32>} : memref<8x1024xf32, #tpu.memory_space<vmem>>, vector<1x16xf32>,
        %get3A_329 = arith.index_cast %scan3A_246 : i32 to index
        %get3A_330 = arith.constant 96 : index
        %get3A_331 = tpu.vector_load %arg9[%get3A_329, %get3A_330] {strides = array<i32>} : memref<8x1024xf32, #tpu.memory_space<vmem>>, vector<1x16xf32>,
        %get3A_332 = vector.shape_cast %get3A_331 : vector<1x16xf32> to vector<16xf32>
        %get3A_333 = arith.index_cast %scan3A_246 : i32 to index
        %get3A_334 = arith.constant 96 : index
        %get3A_335 = tpu.vector_load %arg13[%get3A_333, %get3A_334] {strides = array<i32>} : memref<8x1024xf32, #tpu.memory_space<vmem>>, vector<1x16xf32>,
        %get3A_336 = vector.shape_cast %get3A_335 : vector<1x16xf32> to vector<16xf32>
        %add3A_337 = arith.addf %get3A_332, %get3A_336 : vector<16xf32>
        %swap3A_338 = arith.index_cast %scan3A_246 : i32 to index
        %swap3A_339 = arith.constant 96 : index
        %swap3A_340 = tpu.vector_load %arg9[%swap3A_338, %swap3A_339] {strides = array<i32>} : memref<8x1024xf32, #tpu.memory_space<vmem>>, vector<1x16xf32>,
        %swap3A_341 = vector.shape_cast %swap3A_340 : vector<1x16xf32> to vector<16xf32>
        %swap3A_342 = vector.shape_cast %add3A_337 : vector<16xf32> to vector<1x16xf32>
        tpu.vector_store %arg9[%swap3A_338, %swap3A_339], %swap3A_342 {strides = array<i32>} : memref<8x1024xf32, #tpu.memory_space<vmem>>, vector<1x16xf32>,
        %get3A_343 = arith.index_cast %scan3A_246 : i32 to index
        %get3A_344 = arith.constant 112 : index
        %get3A_345 = tpu.vector_load %arg9[%get3A_343, %get3A_344] {strides = array<i32>} : memref<8x1024xf32, #tpu.memory_space<vmem>>, vector<1x16xf32>,
        %get3A_346 = vector.shape_cast %get3A_345 : vector<1x16xf32> to vector<16xf32>
        %get3A_347 = arith.index_cast %scan3A_246 : i32 to index
        %get3A_348 = arith.constant 112 : index
        %get3A_349 = tpu.vector_load %arg13[%get3A_347, %get3A_348] {strides = array<i32>} : memref<8x1024xf32, #tpu.memory_space<vmem>>, vector<1x16xf32>,
        %get3A_350 = vector.shape_cast %get3A_349 : vector<1x16xf32> to vector<16xf32>
        %add3A_351 = arith.addf %get3A_346, %get3A_350 : vector<16xf32>
        %swap3A_352 = arith.index_cast %scan3A_246 : i32 to index
        %swap3A_353 = arith.constant 112 : index
        %swap3A_354 = tpu.vector_load %arg9[%swap3A_352, %swap3A_353] {strides = array<i32>} : memref<8x1024xf32, #tpu.memory_space<vmem>>, vector<1x16xf32>,
        %swap3A_355 = vector.shape_cast %swap3A_354 : vector<1x16xf32> to vector<16xf32>
        %swap3A_356 = vector.shape_cast %add3A_351 : vector<16xf32> to vector<1x16xf32>
        tpu.vector_store %arg9[%swap3A_352, %swap3A_353], %swap3A_356 {strides = array<i32>} : memref<8x1024xf32, #tpu.memory_space<vmem>>, vector<1x16xf32>,
        %get3A_357 = arith.index_cast %scan3A_246 : i32 to index
        %get3A_358 = arith.constant 128 : index
        %get3A_359 = tpu.vector_load %arg9[%get3A_357, %get3A_358] {strides = array<i32>} : memref<8x1024xf32, #tpu.memory_space<vmem>>, vector<1x16xf32>,
        %get3A_360 = vector.shape_cast %get3A_359 : vector<1x16xf32> to vector<16xf32>
        %get3A_361 = arith.index_cast %scan3A_246 : i32 to index
        %get3A_362 = arith.constant 128 : index
        %get3A_363 = tpu.vector_load %arg13[%get3A_361, %get3A_362] {strides = array<i32>} : memref<8x1024xf32, #tpu.memory_space<vmem>>, vector<1x16xf32>,
        %get3A_364 = vector.shape_cast %get3A_363 : vector<1x16xf32> to vector<16xf32>
        %add3A_365 = arith.addf %get3A_360, %get3A_364 : vector<16xf32>
        %swap3A_366 = arith.index_cast %scan3A_246 : i32 to index
        %swap3A_367 = arith.constant 128 : index
        %swap3A_368 = tpu.vector_load %arg9[%swap3A_366, %swap3A_367] {strides = array<i32>} : memref<8x1024xf32, #tpu.memory_space<vmem>>, vector<1x16xf32>,
        %swap3A_369 = vector.shape_cast %swap3A_368 : vector<1x16xf32> to vector<16xf32>
        %swap3A_370 = vector.shape_cast %add3A_365 : vector<16xf32> to vector<1x16xf32>
        tpu.vector_store %arg9[%swap3A_366, %swap3A_367], %swap3A_370 {strides = array<i32>} : memref<8x1024xf32, #tpu.memory_space<vmem>>, vector<1x16xf32>,
        %get3A_371 = arith.index_cast %scan3A_246 : i32 to index
        %get3A_372 = arith.constant 144 : index
        %get3A_373 = tpu.vector_load %arg9[%get3A_371, %get3A_372] {strides = array<i32>} : memref<8x1024xf32, #tpu.memory_space<vmem>>, vector<1x16xf32>,
        %get3A_374 = vector.shape_cast %get3A_373 : vector<1x16xf32> to vector<16xf32>
        %get3A_375 = arith.index_cast %scan3A_246 : i32 to index
        %get3A_376 = arith.constant 144 : index
        %get3A_377 = tpu.vector_load %arg13[%get3A_375, %get3A_376] {strides = array<i32>} : memref<8x1024xf32, #tpu.memory_space<vmem>>, vector<1x16xf32>,
        %get3A_378 = vector.shape_cast %get3A_377 : vector<1x16xf32> to vector<16xf32>
        %add3A_379 = arith.addf %get3A_374, %get3A_378 : vector<16xf32>
        %swap3A_380 = arith.index_cast %scan3A_246 : i32 to index
        %swap3A_381 = arith.constant 144 : index
        %swap3A_382 = tpu.vector_load %arg9[%swap3A_380, %swap3A_381] {strides = array<i32>} : memref<8x1024xf32, #tpu.memory_space<vmem>>, vector<1x16xf32>,
        %swap3A_383 = vector.shape_cast %swap3A_382 : vector<1x16xf32> to vector<16xf32>
        %swap3A_384 = vector.shape_cast %add3A_379 : vector<16xf32> to vector<1x16xf32>
        tpu.vector_store %arg9[%swap3A_380, %swap3A_381], %swap3A_384 {strides = array<i32>} : memref<8x1024xf32, #tpu.memory_space<vmem>>, vector<1x16xf32>,
        %get3A_385 = arith.index_cast %scan3A_246 : i32 to index
        %get3A_386 = arith.constant 160 : index
        %get3A_387 = tpu.vector_load %arg9[%get3A_385, %get3A_386] {strides = array<i32>} : memref<8x1024xf32, #tpu.memory_space<vmem>>, vector<1x16xf32>,
        %get3A_388 = vector.shape_cast %get3A_387 : vector<1x16xf32> to vector<16xf32>
        %get3A_389 = arith.index_cast %scan3A_246 : i32 to index
        %get3A_390 = arith.constant 160 : index
        %get3A_391 = tpu.vector_load %arg13[%get3A_389, %get3A_390] {strides = array<i32>} : memref<8x1024xf32, #tpu.memory_space<vmem>>, vector<1x16xf32>,
        %get3A_392 = vector.shape_cast %get3A_391 : vector<1x16xf32> to vector<16xf32>
        %add3A_393 = arith.addf %get3A_388, %get3A_392 : vector<16xf32>
        %swap3A_394 = arith.index_cast %scan3A_246 : i32 to index
        %swap3A_395 = arith.constant 160 : index
        %swap3A_396 = tpu.vector_load %arg9[%swap3A_394, %swap3A_395] {strides = array<i32>} : memref<8x1024xf32, #tpu.memory_space<vmem>>, vector<1x16xf32>,
        %swap3A_397 = vector.shape_cast %swap3A_396 : vector<1x16xf32> to vector<16xf32>
        %swap3A_398 = vector.shape_cast %add3A_393 : vector<16xf32> to vector<1x16xf32>
        tpu.vector_store %arg9[%swap3A_394, %swap3A_395], %swap3A_398 {strides = array<i32>} : memref<8x1024xf32, #tpu.memory_space<vmem>>, vector<1x16xf32>,
        %get3A_399 = arith.index_cast %scan3A_246 : i32 to index
        %get3A_400 = arith.constant 176 : index
        %get3A_401 = tpu.vector_load %arg9[%get3A_399, %get3A_400] {strides = array<i32>} : memref<8x1024xf32, #tpu.memory_space<vmem>>, vector<1x16xf32>,
        %get3A_402 = vector.shape_cast %get3A_401 : vector<1x16xf32> to vector<16xf32>
        %get3A_403 = arith.index_cast %scan3A_246 : i32 to index
        %get3A_404 = arith.constant 176 : index
        %get3A_405 = tpu.vector_load %arg13[%get3A_403, %get3A_404] {strides = array<i32>} : memref<8x1024xf32, #tpu.memory_space<vmem>>, vector<1x16xf32>,
        %get3A_406 = vector.shape_cast %get3A_405 : vector<1x16xf32> to vector<16xf32>
        %add3A_407 = arith.addf %get3A_402, %get3A_406 : vector<16xf32>
        %swap3A_408 = arith.index_cast %scan3A_246 : i32 to index
        %swap3A_409 = arith.constant 176 : index
        %swap3A_410 = tpu.vector_load %arg9[%swap3A_408, %swap3A_409] {strides = array<i32>} : memref<8x1024xf32, #tpu.memory_space<vmem>>, vector<1x16xf32>,
        %swap3A_411 = vector.shape_cast %swap3A_410 : vector<1x16xf32> to vector<16xf32>
        %swap3A_412 = vector.shape_cast %add3A_407 : vector<16xf32> to vector<1x16xf32>
        tpu.vector_store %arg9[%swap3A_408, %swap3A_409], %swap3A_412 {strides = array<i32>} : memref<8x1024xf32, #tpu.memory_space<vmem>>, vector<1x16xf32>,
        %get3A_413 = arith.index_cast %scan3A_246 : i32 to index
        %get3A_414 = arith.constant 192 : index
        %get3A_415 = tpu.vector_load %arg9[%get3A_413, %get3A_414] {strides = array<i32>} : memref<8x1024xf32, #tpu.memory_space<vmem>>, vector<1x16xf32>,
        %get3A_416 = vector.shape_cast %get3A_415 : vector<1x16xf32> to vector<16xf32>
        %get3A_417 = arith.index_cast %scan3A_246 : i32 to index
        %get3A_418 = arith.constant 192 : index
        %get3A_419 = tpu.vector_load %arg13[%get3A_417, %get3A_418] {strides = array<i32>} : memref<8x1024xf32, #tpu.memory_space<vmem>>, vector<1x16xf32>,
        %get3A_420 = vector.shape_cast %get3A_419 : vector<1x16xf32> to vector<16xf32>
        %add3A_421 = arith.addf %get3A_416, %get3A_420 : vector<16xf32>
        %swap3A_422 = arith.index_cast %scan3A_246 : i32 to index
        %swap3A_423 = arith.constant 192 : index
        %swap3A_424 = tpu.vector_load %arg9[%swap3A_422, %swap3A_423] {strides = array<i32>} : memref<8x1024xf32, #tpu.memory_space<vmem>>, vector<1x16xf32>,
        %swap3A_425 = vector.shape_cast %swap3A_424 : vector<1x16xf32> to vector<16xf32>
        %swap3A_426 = vector.shape_cast %add3A_421 : vector<16xf32> to vector<1x16xf32>
        tpu.vector_store %arg9[%swap3A_422, %swap3A_423], %swap3A_426 {strides = array<i32>} : memref<8x1024xf32, #tpu.memory_space<vmem>>, vector<1x16xf32>,
        %get3A_427 = arith.index_cast %scan3A_246 : i32 to index
        %get3A_428 = arith.constant 208 : index
        %get3A_429 = tpu.vector_load %arg9[%get3A_427, %get3A_428] {strides = array<i32>} : memref<8x1024xf32, #tpu.memory_space<vmem>>, vector<1x16xf32>,
        %get3A_430 = vector.shape_cast %get3A_429 : vector<1x16xf32> to vector<16xf32>
        %get3A_431 = arith.index_cast %scan3A_246 : i32 to index
        %get3A_432 = arith.constant 208 : index
        %get3A_433 = tpu.vector_load %arg13[%get3A_431, %get3A_432] {strides = array<i32>} : memref<8x1024xf32, #tpu.memory_space<vmem>>, vector<1x16xf32>,
        %get3A_434 = vector.shape_cast %get3A_433 : vector<1x16xf32> to vector<16xf32>
        %add3A_435 = arith.addf %get3A_430, %get3A_434 : vector<16xf32>
        %swap3A_436 = arith.index_cast %scan3A_246 : i32 to index
        %swap3A_437 = arith.constant 208 : index
        %swap3A_438 = tpu.vector_load %arg9[%swap3A_436, %swap3A_437] {strides = array<i32>} : memref<8x1024xf32, #tpu.memory_space<vmem>>, vector<1x16xf32>,
        %swap3A_439 = vector.shape_cast %swap3A_438 : vector<1x16xf32> to vector<16xf32>
        %swap3A_440 = vector.shape_cast %add3A_435 : vector<16xf32> to vector<1x16xf32>
        tpu.vector_store %arg9[%swap3A_436, %swap3A_437], %swap3A_440 {strides = array<i32>} : memref<8x1024xf32, #tpu.memory_space<vmem>>, vector<1x16xf32>,
        %get3A_441 = arith.index_cast %scan3A_246 : i32 to index
        %get3A_442 = arith.constant 224 : index
        %get3A_443 = tpu.vector_load %arg9[%get3A_441, %get3A_442] {strides = array<i32>} : memref<8x1024xf32, #tpu.memory_space<vmem>>, vector<1x16xf32>,
        %get3A_444 = vector.shape_cast %get3A_443 : vector<1x16xf32> to vector<16xf32>
        %get3A_445 = arith.index_cast %scan3A_246 : i32 to index
        %get3A_446 = arith.constant 224 : index
        %get3A_447 = tpu.vector_load %arg13[%get3A_445, %get3A_446] {strides = array<i32>} : memref<8x1024xf32, #tpu.memory_space<vmem>>, vector<1x16xf32>,
        %get3A_448 = vector.shape_cast %get3A_447 : vector<1x16xf32> to vector<16xf32>
        %add3A_449 = arith.addf %get3A_444, %get3A_448 : vector<16xf32>
        %swap3A_450 = arith.index_cast %scan3A_246 : i32 to index
        %swap3A_451 = arith.constant 224 : index
        %swap3A_452 = tpu.vector_load %arg9[%swap3A_450, %swap3A_451] {strides = array<i32>} : memref<8x1024xf32, #tpu.memory_space<vmem>>, vector<1x16xf32>,
        %swap3A_453 = vector.shape_cast %swap3A_452 : vector<1x16xf32> to vector<16xf32>
        %swap3A_454 = vector.shape_cast %add3A_449 : vector<16xf32> to vector<1x16xf32>
        tpu.vector_store %arg9[%swap3A_450, %swap3A_451], %swap3A_454 {strides = array<i32>} : memref<8x1024xf32, #tpu.memory_space<vmem>>, vector<1x16xf32>,
        %get3A_455 = arith.index_cast %scan3A_246 : i32 to index
        %get3A_456 = arith.constant 240 : index
        %get3A_457 = tpu.vector_load %arg9[%get3A_455, %get3A_456] {strides = array<i32>} : memref<8x1024xf32, #tpu.memory_space<vmem>>, vector<1x16xf32>,
        %get3A_458 = vector.shape_cast %get3A_457 : vector<1x16xf32> to vector<16xf32>
        %get3A_459 = arith.index_cast %scan3A_246 : i32 to index
        %get3A_460 = arith.constant 240 : index
        %get3A_461 = tpu.vector_load %arg13[%get3A_459, %get3A_460] {strides = array<i32>} : memref<8x1024xf32, #tpu.memory_space<vmem>>, vector<1x16xf32>,
        %get3A_462 = vector.shape_cast %get3A_461 : vector<1x16xf32> to vector<16xf32>
        %add3A_463 = arith.addf %get3A_458, %get3A_462 : vector<16xf32>
        %swap3A_464 = arith.index_cast %scan3A_246 : i32 to index
        %swap3A_465 = arith.constant 240 : index
        %swap3A_466 = tpu.vector_load %arg9[%swap3A_464, %swap3A_465] {strides = array<i32>} : memref<8x1024xf32, #tpu.memory_space<vmem>>, vector<1x16xf32>,
        %swap3A_467 = vector.shape_cast %swap3A_466 : vector<1x16xf32> to vector<16xf32>
        %swap3A_468 = vector.shape_cast %add3A_463 : vector<16xf32> to vector<1x16xf32>
        tpu.vector_store %arg9[%swap3A_464, %swap3A_465], %swap3A_468 {strides = array<i32>} : memref<8x1024xf32, #tpu.memory_space<vmem>>, vector<1x16xf32>,
        %get3A_469 = arith.index_cast %scan3A_246 : i32 to index
        %get3A_470 = arith.constant 256 : index
        %get3A_471 = tpu.vector_load %arg9[%get3A_469, %get3A_470] {strides = array<i32>} : memref<8x1024xf32, #tpu.memory_space<vmem>>, vector<1x16xf32>,
        %get3A_472 = vector.shape_cast %get3A_471 : vector<1x16xf32> to vector<16xf32>
        %get3A_473 = arith.index_cast %scan3A_246 : i32 to index
        %get3A_474 = arith.constant 256 : index
        %get3A_475 = tpu.vector_load %arg13[%get3A_473, %get3A_474] {strides = array<i32>} : memref<8x1024xf32, #tpu.memory_space<vmem>>, vector<1x16xf32>,
        %get3A_476 = vector.shape_cast %get3A_475 : vector<1x16xf32> to vector<16xf32>
        %add3A_477 = arith.addf %get3A_472, %get3A_476 : vector<16xf32>
        %swap3A_478 = arith.index_cast %scan3A_246 : i32 to index
        %swap3A_479 = arith.constant 256 : index
        %swap3A_480 = tpu.vector_load %arg9[%swap3A_478, %swap3A_479] {strides = array<i32>} : memref<8x1024xf32, #tpu.memory_space<vmem>>, vector<1x16xf32>,
        %swap3A_481 = vector.shape_cast %swap3A_480 : vector<1x16xf32> to vector<16xf32>
        %swap3A_482 = vector.shape_cast %add3A_477 : vector<16xf32> to vector<1x16xf32>
        tpu.vector_store %arg9[%swap3A_478, %swap3A_479], %swap3A_482 {strides = array<i32>} : memref<8x1024xf32, #tpu.memory_space<vmem>>, vector<1x16xf32>,
        %get3A_483 = arith.index_cast %scan3A_246 : i32 to index
        %get3A_484 = arith.constant 272 : index
        %get3A_485 = tpu.vector_load %arg9[%get3A_483, %get3A_484] {strides = array<i32>} : memref<8x1024xf32, #tpu.memory_space<vmem>>, vector<1x16xf32>,
        %get3A_486 = vector.shape_cast %get3A_485 : vector<1x16xf32> to vector<16xf32>
        %get3A_487 = arith.index_cast %scan3A_246 : i32 to index
        %get3A_488 = arith.constant 272 : index
        %get3A_489 = tpu.vector_load %arg13[%get3A_487, %get3A_488] {strides = array<i32>} : memref<8x1024xf32, #tpu.memory_space<vmem>>, vector<1x16xf32>,
        %get3A_490 = vector.shape_cast %get3A_489 : vector<1x16xf32> to vector<16xf32>
        %add3A_491 = arith.addf %get3A_486, %get3A_490 : vector<16xf32>
        %swap3A_492 = arith.index_cast %scan3A_246 : i32 to index
        %swap3A_493 = arith.constant 272 : index
        %swap3A_494 = tpu.vector_load %arg9[%swap3A_492, %swap3A_493] {strides = array<i32>} : memref<8x1024xf32, #tpu.memory_space<vmem>>, vector<1x16xf32>,
        %swap3A_495 = vector.shape_cast %swap3A_494 : vector<1x16xf32> to vector<16xf32>
        %swap3A_496 = vector.shape_cast %add3A_491 : vector<16xf32> to vector<1x16xf32>
        tpu.vector_store %arg9[%swap3A_492, %swap3A_493], %swap3A_496 {strides = array<i32>} : memref<8x1024xf32, #tpu.memory_space<vmem>>, vector<1x16xf32>,
        %get3A_497 = arith.index_cast %scan3A_246 : i32 to index
        %get3A_498 = arith.constant 288 : index
        %get3A_499 = tpu.vector_load %arg9[%get3A_497, %get3A_498] {strides = array<i32>} : memref<8x1024xf32, #tpu.memory_space<vmem>>, vector<1x16xf32>,
        %get3A_500 = vector.shape_cast %get3A_499 : vector<1x16xf32> to vector<16xf32>
        %get3A_501 = arith.index_cast %scan3A_246 : i32 to index
        %get3A_502 = arith.constant 288 : index
        %get3A_503 = tpu.vector_load %arg13[%get3A_501, %get3A_502] {strides = array<i32>} : memref<8x1024xf32, #tpu.memory_space<vmem>>, vector<1x16xf32>,
        %get3A_504 = vector.shape_cast %get3A_503 : vector<1x16xf32> to vector<16xf32>
        %add3A_505 = arith.addf %get3A_500, %get3A_504 : vector<16xf32>
        %swap3A_506 = arith.index_cast %scan3A_246 : i32 to index
        %swap3A_507 = arith.constant 288 : index
        %swap3A_508 = tpu.vector_load %arg9[%swap3A_506, %swap3A_507] {strides = array<i32>} : memref<8x1024xf32, #tpu.memory_space<vmem>>, vector<1x16xf32>,
        %swap3A_509 = vector.shape_cast %swap3A_508 : vector<1x16xf32> to vector<16xf32>
        %swap3A_510 = vector.shape_cast %add3A_505 : vector<16xf32> to vector<1x16xf32>
        tpu.vector_store %arg9[%swap3A_506, %swap3A_507], %swap3A_510 {strides = array<i32>} : memref<8x1024xf32, #tpu.memory_space<vmem>>, vector<1x16xf32>,
        %get3A_511 = arith.index_cast %scan3A_246 : i32 to index
        %get3A_512 = arith.constant 304 : index
        %get3A_513 = tpu.vector_load %arg9[%get3A_511, %get3A_512] {strides = array<i32>} : memref<8x1024xf32, #tpu.memory_space<vmem>>, vector<1x16xf32>,
        %get3A_514 = vector.shape_cast %get3A_513 : vector<1x16xf32> to vector<16xf32>
        %get3A_515 = arith.index_cast %scan3A_246 : i32 to index
        %get3A_516 = arith.constant 304 : index
        %get3A_517 = tpu.vector_load %arg13[%get3A_515, %get3A_516] {strides = array<i32>} : memref<8x1024xf32, #tpu.memory_space<vmem>>, vector<1x16xf32>,
        %get3A_518 = vector.shape_cast %get3A_517 : vector<1x16xf32> to vector<16xf32>
        %add3A_519 = arith.addf %get3A_514, %get3A_518 : vector<16xf32>
        %swap3A_520 = arith.index_cast %scan3A_246 : i32 to index
        %swap3A_521 = arith.constant 304 : index
        %swap3A_522 = tpu.vector_load %arg9[%swap3A_520, %swap3A_521] {strides = array<i32>} : memref<8x1024xf32, #tpu.memory_space<vmem>>, vector<1x16xf32>,
        %swap3A_523 = vector.shape_cast %swap3A_522 : vector<1x16xf32> to vector<16xf32>
        %swap3A_524 = vector.shape_cast %add3A_519 : vector<16xf32> to vector<1x16xf32>
        tpu.vector_store %arg9[%swap3A_520, %swap3A_521], %swap3A_524 {strides = array<i32>} : memref<8x1024xf32, #tpu.memory_space<vmem>>, vector<1x16xf32>,
        %get3A_525 = arith.index_cast %scan3A_246 : i32 to index
        %get3A_526 = arith.constant 320 : index
        %get3A_527 = tpu.vector_load %arg9[%get3A_525, %get3A_526] {strides = array<i32>} : memref<8x1024xf32, #tpu.memory_space<vmem>>, vector<1x16xf32>,
        %get3A_528 = vector.shape_cast %get3A_527 : vector<1x16xf32> to vector<16xf32>
        %get3A_529 = arith.index_cast %scan3A_246 : i32 to index
        %get3A_530 = arith.constant 320 : index
        %get3A_531 = tpu.vector_load %arg13[%get3A_529, %get3A_530] {strides = array<i32>} : memref<8x1024xf32, #tpu.memory_space<vmem>>, vector<1x16xf32>,
        %get3A_532 = vector.shape_cast %get3A_531 : vector<1x16xf32> to vector<16xf32>
        %add3A_533 = arith.addf %get3A_528, %get3A_532 : vector<16xf32>
        %swap3A_534 = arith.index_cast %scan3A_246 : i32 to index
        %swap3A_535 = arith.constant 320 : index
        %swap3A_536 = tpu.vector_load %arg9[%swap3A_534, %swap3A_535] {strides = array<i32>} : memref<8x1024xf32, #tpu.memory_space<vmem>>, vector<1x16xf32>,
        %swap3A_537 = vector.shape_cast %swap3A_536 : vector<1x16xf32> to vector<16xf32>
        %swap3A_538 = vector.shape_cast %add3A_533 : vector<16xf32> to vector<1x16xf32>
        tpu.vector_store %arg9[%swap3A_534, %swap3A_535], %swap3A_538 {strides = array<i32>} : memref<8x1024xf32, #tpu.memory_space<vmem>>, vector<1x16xf32>,
        %get3A_539 = arith.index_cast %scan3A_246 : i32 to index
        %get3A_540 = arith.constant 336 : index
        %get3A_541 = tpu.vector_load %arg9[%get3A_539, %get3A_540] {strides = array<i32>} : memref<8x1024xf32, #tpu.memory_space<vmem>>, vector<1x16xf32>,
        %get3A_542 = vector.shape_cast %get3A_541 : vector<1x16xf32> to vector<16xf32>
        %get3A_543 = arith.index_cast %scan3A_246 : i32 to index
        %get3A_544 = arith.constant 336 : index
        %get3A_545 = tpu.vector_load %arg13[%get3A_543, %get3A_544] {strides = array<i32>} : memref<8x1024xf32, #tpu.memory_space<vmem>>, vector<1x16xf32>,
        %get3A_546 = vector.shape_cast %get3A_545 : vector<1x16xf32> to vector<16xf32>
        %add3A_547 = arith.addf %get3A_542, %get3A_546 : vector<16xf32>
        %swap3A_548 = arith.index_cast %scan3A_246 : i32 to index
        %swap3A_549 = arith.constant 336 : index
        %swap3A_550 = tpu.vector_load %arg9[%swap3A_548, %swap3A_549] {strides = array<i32>} : memref<8x1024xf32, #tpu.memory_space<vmem>>, vector<1x16xf32>,
        %swap3A_551 = vector.shape_cast %swap3A_550 : vector<1x16xf32> to vector<16xf32>
        %swap3A_552 = vector.shape_cast %add3A_547 : vector<16xf32> to vector<1x16xf32>
        tpu.vector_store %arg9[%swap3A_548, %swap3A_549], %swap3A_552 {strides = array<i32>} : memref<8x1024xf32, #tpu.memory_space<vmem>>, vector<1x16xf32>,
        %get3A_553 = arith.index_cast %scan3A_246 : i32 to index
        %get3A_554 = arith.constant 352 : index
        %get3A_555 = tpu.vector_load %arg9[%get3A_553, %get3A_554] {strides = array<i32>} : memref<8x1024xf32, #tpu.memory_space<vmem>>, vector<1x16xf32>,
        %get3A_556 = vector.shape_cast %get3A_555 : vector<1x16xf32> to vector<16xf32>
        %get3A_557 = arith.index_cast %scan3A_246 : i32 to index
        %get3A_558 = arith.constant 352 : index
        %get3A_559 = tpu.vector_load %arg13[%get3A_557, %get3A_558] {strides = array<i32>} : memref<8x1024xf32, #tpu.memory_space<vmem>>, vector<1x16xf32>,
        %get3A_560 = vector.shape_cast %get3A_559 : vector<1x16xf32> to vector<16xf32>
        %add3A_561 = arith.addf %get3A_556, %get3A_560 : vector<16xf32>
        %swap3A_562 = arith.index_cast %scan3A_246 : i32 to index
        %swap3A_563 = arith.constant 352 : index
        %swap3A_564 = tpu.vector_load %arg9[%swap3A_562, %swap3A_563] {strides = array<i32>} : memref<8x1024xf32, #tpu.memory_space<vmem>>, vector<1x16xf32>,
        %swap3A_565 = vector.shape_cast %swap3A_564 : vector<1x16xf32> to vector<16xf32>
        %swap3A_566 = vector.shape_cast %add3A_561 : vector<16xf32> to vector<1x16xf32>
        tpu.vector_store %arg9[%swap3A_562, %swap3A_563], %swap3A_566 {strides = array<i32>} : memref<8x1024xf32, #tpu.memory_space<vmem>>, vector<1x16xf32>,
        %get3A_567 = arith.index_cast %scan3A_246 : i32 to index
        %get3A_568 = arith.constant 368 : index
        %get3A_569 = tpu.vector_load %arg9[%get3A_567, %get3A_568] {strides = array<i32>} : memref<8x1024xf32, #tpu.memory_space<vmem>>, vector<1x16xf32>,
        %get3A_570 = vector.shape_cast %get3A_569 : vector<1x16xf32> to vector<16xf32>
        %get3A_571 = arith.index_cast %scan3A_246 : i32 to index
        %get3A_572 = arith.constant 368 : index
        %get3A_573 = tpu.vector_load %arg13[%get3A_571, %get3A_572] {strides = array<i32>} : memref<8x1024xf32, #tpu.memory_space<vmem>>, vector<1x16xf32>,
        %get3A_574 = vector.shape_cast %get3A_573 : vector<1x16xf32> to vector<16xf32>
        %add3A_575 = arith.addf %get3A_570, %get3A_574 : vector<16xf32>
        %swap3A_576 = arith.index_cast %scan3A_246 : i32 to index
        %swap3A_577 = arith.constant 368 : index
        %swap3A_578 = tpu.vector_load %arg9[%swap3A_576, %swap3A_577] {strides = array<i32>} : memref<8x1024xf32, #tpu.memory_space<vmem>>, vector<1x16xf32>,
        %swap3A_579 = vector.shape_cast %swap3A_578 : vector<1x16xf32> to vector<16xf32>
        %swap3A_580 = vector.shape_cast %add3A_575 : vector<16xf32> to vector<1x16xf32>
        tpu.vector_store %arg9[%swap3A_576, %swap3A_577], %swap3A_580 {strides = array<i32>} : memref<8x1024xf32, #tpu.memory_space<vmem>>, vector<1x16xf32>,
        %get3A_581 = arith.index_cast %scan3A_246 : i32 to index
        %get3A_582 = arith.constant 384 : index
        %get3A_583 = tpu.vector_load %arg9[%get3A_581, %get3A_582] {strides = array<i32>} : memref<8x1024xf32, #tpu.memory_space<vmem>>, vector<1x16xf32>,
        %get3A_584 = vector.shape_cast %get3A_583 : vector<1x16xf32> to vector<16xf32>
        %get3A_585 = arith.index_cast %scan3A_246 : i32 to index
        %get3A_586 = arith.constant 384 : index
        %get3A_587 = tpu.vector_load %arg13[%get3A_585, %get3A_586] {strides = array<i32>} : memref<8x1024xf32, #tpu.memory_space<vmem>>, vector<1x16xf32>,
        %get3A_588 = vector.shape_cast %get3A_587 : vector<1x16xf32> to vector<16xf32>
        %add3A_589 = arith.addf %get3A_584, %get3A_588 : vector<16xf32>
        %swap3A_590 = arith.index_cast %scan3A_246 : i32 to index
        %swap3A_591 = arith.constant 384 : index
        %swap3A_592 = tpu.vector_load %arg9[%swap3A_590, %swap3A_591] {strides = array<i32>} : memref<8x1024xf32, #tpu.memory_space<vmem>>, vector<1x16xf32>,
        %swap3A_593 = vector.shape_cast %swap3A_592 : vector<1x16xf32> to vector<16xf32>
        %swap3A_594 = vector.shape_cast %add3A_589 : vector<16xf32> to vector<1x16xf32>
        tpu.vector_store %arg9[%swap3A_590, %swap3A_591], %swap3A_594 {strides = array<i32>} : memref<8x1024xf32, #tpu.memory_space<vmem>>, vector<1x16xf32>,
        %get3A_595 = arith.index_cast %scan3A_246 : i32 to index
        %get3A_596 = arith.constant 400 : index
        %get3A_597 = tpu.vector_load %arg9[%get3A_595, %get3A_596] {strides = array<i32>} : memref<8x1024xf32, #tpu.memory_space<vmem>>, vector<1x16xf32>,
        %get3A_598 = vector.shape_cast %get3A_597 : vector<1x16xf32> to vector<16xf32>
        %get3A_599 = arith.index_cast %scan3A_246 : i32 to index
        %get3A_600 = arith.constant 400 : index
        %get3A_601 = tpu.vector_load %arg13[%get3A_599, %get3A_600] {strides = array<i32>} : memref<8x1024xf32, #tpu.memory_space<vmem>>, vector<1x16xf32>,
        %get3A_602 = vector.shape_cast %get3A_601 : vector<1x16xf32> to vector<16xf32>
        %add3A_603 = arith.addf %get3A_598, %get3A_602 : vector<16xf32>
        %swap3A_604 = arith.index_cast %scan3A_246 : i32 to index
        %swap3A_605 = arith.constant 400 : index
        %swap3A_606 = tpu.vector_load %arg9[%swap3A_604, %swap3A_605] {strides = array<i32>} : memref<8x1024xf32, #tpu.memory_space<vmem>>, vector<1x16xf32>,
        %swap3A_607 = vector.shape_cast %swap3A_606 : vector<1x16xf32> to vector<16xf32>
        %swap3A_608 = vector.shape_cast %add3A_603 : vector<16xf32> to vector<1x16xf32>
        tpu.vector_store %arg9[%swap3A_604, %swap3A_605], %swap3A_608 {strides = array<i32>} : memref<8x1024xf32, #tpu.memory_space<vmem>>, vector<1x16xf32>,
        %get3A_609 = arith.index_cast %scan3A_246 : i32 to index
        %get3A_610 = arith.constant 416 : index
        %get3A_611 = tpu.vector_load %arg9[%get3A_609, %get3A_610] {strides = array<i32>} : memref<8x1024xf32, #tpu.memory_space<vmem>>, vector<1x16xf32>,
        %get3A_612 = vector.shape_cast %get3A_611 : vector<1x16xf32> to vector<16xf32>
        %get3A_613 = arith.index_cast %scan3A_246 : i32 to index
        %get3A_614 = arith.constant 416 : index
        %get3A_615 = tpu.vector_load %arg13[%get3A_613, %get3A_614] {strides = array<i32>} : memref<8x1024xf32, #tpu.memory_space<vmem>>, vector<1x16xf32>,
        %get3A_616 = vector.shape_cast %get3A_615 : vector<1x16xf32> to vector<16xf32>
        %add3A_617 = arith.addf %get3A_612, %get3A_616 : vector<16xf32>
        %swap3A_618 = arith.index_cast %scan3A_246 : i32 to index
        %swap3A_619 = arith.constant 416 : index
        %swap3A_620 = tpu.vector_load %arg9[%swap3A_618, %swap3A_619] {strides = array<i32>} : memref<8x1024xf32, #tpu.memory_space<vmem>>, vector<1x16xf32>,
        %swap3A_621 = vector.shape_cast %swap3A_620 : vector<1x16xf32> to vector<16xf32>
        %swap3A_622 = vector.shape_cast %add3A_617 : vector<16xf32> to vector<1x16xf32>
        tpu.vector_store %arg9[%swap3A_618, %swap3A_619], %swap3A_622 {strides = array<i32>} : memref<8x1024xf32, #tpu.memory_space<vmem>>, vector<1x16xf32>,
        %get3A_623 = arith.index_cast %scan3A_246 : i32 to index
        %get3A_624 = arith.constant 432 : index
        %get3A_625 = tpu.vector_load %arg9[%get3A_623, %get3A_624] {strides = array<i32>} : memref<8x1024xf32, #tpu.memory_space<vmem>>, vector<1x16xf32>,
        %get3A_626 = vector.shape_cast %get3A_625 : vector<1x16xf32> to vector<16xf32>
        %get3A_627 = arith.index_cast %scan3A_246 : i32 to index
        %get3A_628 = arith.constant 432 : index
        %get3A_629 = tpu.vector_load %arg13[%get3A_627, %get3A_628] {strides = array<i32>} : memref<8x1024xf32, #tpu.memory_space<vmem>>, vector<1x16xf32>,
        %get3A_630 = vector.shape_cast %get3A_629 : vector<1x16xf32> to vector<16xf32>
        %add3A_631 = arith.addf %get3A_626, %get3A_630 : vector<16xf32>
        %swap3A_632 = arith.index_cast %scan3A_246 : i32 to index
        %swap3A_633 = arith.constant 432 : index
        %swap3A_634 = tpu.vector_load %arg9[%swap3A_632, %swap3A_633] {strides = array<i32>} : memref<8x1024xf32, #tpu.memory_space<vmem>>, vector<1x16xf32>,
        %swap3A_635 = vector.shape_cast %swap3A_634 : vector<1x16xf32> to vector<16xf32>
        %swap3A_636 = vector.shape_cast %add3A_631 : vector<16xf32> to vector<1x16xf32>
        tpu.vector_store %arg9[%swap3A_632, %swap3A_633], %swap3A_636 {strides = array<i32>} : memref<8x1024xf32, #tpu.memory_space<vmem>>, vector<1x16xf32>,
        %get3A_637 = arith.index_cast %scan3A_246 : i32 to index
        %get3A_638 = arith.constant 448 : index
        %get3A_639 = tpu.vector_load %arg9[%get3A_637, %get3A_638] {strides = array<i32>} : memref<8x1024xf32, #tpu.memory_space<vmem>>, vector<1x16xf32>,
        %get3A_640 = vector.shape_cast %get3A_639 : vector<1x16xf32> to vector<16xf32>
        %get3A_641 = arith.index_cast %scan3A_246 : i32 to index
        %get3A_642 = arith.constant 448 : index
        %get3A_643 = tpu.vector_load %arg13[%get3A_641, %get3A_642] {strides = array<i32>} : memref<8x1024xf32, #tpu.memory_space<vmem>>, vector<1x16xf32>,
        %get3A_644 = vector.shape_cast %get3A_643 : vector<1x16xf32> to vector<16xf32>
        %add3A_645 = arith.addf %get3A_640, %get3A_644 : vector<16xf32>
        %swap3A_646 = arith.index_cast %scan3A_246 : i32 to index
        %swap3A_647 = arith.constant 448 : index
        %swap3A_648 = tpu.vector_load %arg9[%swap3A_646, %swap3A_647] {strides = array<i32>} : memref<8x1024xf32, #tpu.memory_space<vmem>>, vector<1x16xf32>,
        %swap3A_649 = vector.shape_cast %swap3A_648 : vector<1x16xf32> to vector<16xf32>
        %swap3A_650 = vector.shape_cast %add3A_645 : vector<16xf32> to vector<1x16xf32>
        tpu.vector_store %arg9[%swap3A_646, %swap3A_647], %swap3A_650 {strides = array<i32>} : memref<8x1024xf32, #tpu.memory_space<vmem>>, vector<1x16xf32>,
        %get3A_651 = arith.index_cast %scan3A_246 : i32 to index
        %get3A_652 = arith.constant 464 : index
        %get3A_653 = tpu.vector_load %arg9[%get3A_651, %get3A_652] {strides = array<i32>} : memref<8x1024xf32, #tpu.memory_space<vmem>>, vector<1x16xf32>,
        %get3A_654 = vector.shape_cast %get3A_653 : vector<1x16xf32> to vector<16xf32>
        %get3A_655 = arith.index_cast %scan3A_246 : i32 to index
        %get3A_656 = arith.constant 464 : index
        %get3A_657 = tpu.vector_load %arg13[%get3A_655, %get3A_656] {strides = array<i32>} : memref<8x1024xf32, #tpu.memory_space<vmem>>, vector<1x16xf32>,
        %get3A_658 = vector.shape_cast %get3A_657 : vector<1x16xf32> to vector<16xf32>
        %add3A_659 = arith.addf %get3A_654, %get3A_658 : vector<16xf32>
        %swap3A_660 = arith.index_cast %scan3A_246 : i32 to index
        %swap3A_661 = arith.constant 464 : index
        %swap3A_662 = tpu.vector_load %arg9[%swap3A_660, %swap3A_661] {strides = array<i32>} : memref<8x1024xf32, #tpu.memory_space<vmem>>, vector<1x16xf32>,
        %swap3A_663 = vector.shape_cast %swap3A_662 : vector<1x16xf32> to vector<16xf32>
        %swap3A_664 = vector.shape_cast %add3A_659 : vector<16xf32> to vector<1x16xf32>
        tpu.vector_store %arg9[%swap3A_660, %swap3A_661], %swap3A_664 {strides = array<i32>} : memref<8x1024xf32, #tpu.memory_space<vmem>>, vector<1x16xf32>,
        %get3A_665 = arith.index_cast %scan3A_246 : i32 to index
        %get3A_666 = arith.constant 480 : index
        %get3A_667 = tpu.vector_load %arg9[%get3A_665, %get3A_666] {strides = array<i32>} : memref<8x1024xf32, #tpu.memory_space<vmem>>, vector<1x16xf32>,
        %get3A_668 = vector.shape_cast %get3A_667 : vector<1x16xf32> to vector<16xf32>
        %get3A_669 = arith.index_cast %scan3A_246 : i32 to index
        %get3A_670 = arith.constant 480 : index
        %get3A_671 = tpu.vector_load %arg13[%get3A_669, %get3A_670] {strides = array<i32>} : memref<8x1024xf32, #tpu.memory_space<vmem>>, vector<1x16xf32>,
        %get3A_672 = vector.shape_cast %get3A_671 : vector<1x16xf32> to vector<16xf32>
        %add3A_673 = arith.addf %get3A_668, %get3A_672 : vector<16xf32>
        %swap3A_674 = arith.index_cast %scan3A_246 : i32 to index
        %swap3A_675 = arith.constant 480 : index
        %swap3A_676 = tpu.vector_load %arg9[%swap3A_674, %swap3A_675] {strides = array<i32>} : memref<8x1024xf32, #tpu.memory_space<vmem>>, vector<1x16xf32>,
        %swap3A_677 = vector.shape_cast %swap3A_676 : vector<1x16xf32> to vector<16xf32>
        %swap3A_678 = vector.shape_cast %add3A_673 : vector<16xf32> to vector<1x16xf32>
        tpu.vector_store %arg9[%swap3A_674, %swap3A_675], %swap3A_678 {strides = array<i32>} : memref<8x1024xf32, #tpu.memory_space<vmem>>, vector<1x16xf32>,
        %get3A_679 = arith.index_cast %scan3A_246 : i32 to index
        %get3A_680 = arith.constant 496 : index
        %get3A_681 = tpu.vector_load %arg9[%get3A_679, %get3A_680] {strides = array<i32>} : memref<8x1024xf32, #tpu.memory_space<vmem>>, vector<1x16xf32>,
        %get3A_682 = vector.shape_cast %get3A_681 : vector<1x16xf32> to vector<16xf32>
        %get3A_683 = arith.index_cast %scan3A_246 : i32 to index
        %get3A_684 = arith.constant 496 : index
        %get3A_685 = tpu.vector_load %arg13[%get3A_683, %get3A_684] {strides = array<i32>} : memref<8x1024xf32, #tpu.memory_space<vmem>>, vector<1x16xf32>,
        %get3A_686 = vector.shape_cast %get3A_685 : vector<1x16xf32> to vector<16xf32>
        %add3A_687 = arith.addf %get3A_682, %get3A_686 : vector<16xf32>
        %swap3A_688 = arith.index_cast %scan3A_246 : i32 to index
        %swap3A_689 = arith.constant 496 : index
        %swap3A_690 = tpu.vector_load %arg9[%swap3A_688, %swap3A_689] {strides = array<i32>} : memref<8x1024xf32, #tpu.memory_space<vmem>>, vector<1x16xf32>,
        %swap3A_691 = vector.shape_cast %swap3A_690 : vector<1x16xf32> to vector<16xf32>
        %swap3A_692 = vector.shape_cast %add3A_687 : vector<16xf32> to vector<1x16xf32>
        tpu.vector_store %arg9[%swap3A_688, %swap3A_689], %swap3A_692 {strides = array<i32>} : memref<8x1024xf32, #tpu.memory_space<vmem>>, vector<1x16xf32>,
        %get3A_693 = arith.index_cast %scan3A_246 : i32 to index
        %get3A_694 = arith.constant 512 : index
        %get3A_695 = tpu.vector_load %arg9[%get3A_693, %get3A_694] {strides = array<i32>} : memref<8x1024xf32, #tpu.memory_space<vmem>>, vector<1x16xf32>,
        %get3A_696 = vector.shape_cast %get3A_695 : vector<1x16xf32> to vector<16xf32>
        %get3A_697 = arith.index_cast %scan3A_246 : i32 to index
        %get3A_698 = arith.constant 512 : index
        %get3A_699 = tpu.vector_load %arg13[%get3A_697, %get3A_698] {strides = array<i32>} : memref<8x1024xf32, #tpu.memory_space<vmem>>, vector<1x16xf32>,
        %get3A_700 = vector.shape_cast %get3A_699 : vector<1x16xf32> to vector<16xf32>
        %add3A_701 = arith.addf %get3A_696, %get3A_700 : vector<16xf32>
        %swap3A_702 = arith.index_cast %scan3A_246 : i32 to index
        %swap3A_703 = arith.constant 512 : index
        %swap3A_704 = tpu.vector_load %arg9[%swap3A_702, %swap3A_703] {strides = array<i32>} : memref<8x1024xf32, #tpu.memory_space<vmem>>, vector<1x16xf32>,
        %swap3A_705 = vector.shape_cast %swap3A_704 : vector<1x16xf32> to vector<16xf32>
        %swap3A_706 = vector.shape_cast %add3A_701 : vector<16xf32> to vector<1x16xf32>
        tpu.vector_store %arg9[%swap3A_702, %swap3A_703], %swap3A_706 {strides = array<i32>} : memref<8x1024xf32, #tpu.memory_space<vmem>>, vector<1x16xf32>,
        %get3A_707 = arith.index_cast %scan3A_246 : i32 to index
        %get3A_708 = arith.constant 528 : index
        %get3A_709 = tpu.vector_load %arg9[%get3A_707, %get3A_708] {strides = array<i32>} : memref<8x1024xf32, #tpu.memory_space<vmem>>, vector<1x16xf32>,
        %get3A_710 = vector.shape_cast %get3A_709 : vector<1x16xf32> to vector<16xf32>
        %get3A_711 = arith.index_cast %scan3A_246 : i32 to index
        %get3A_712 = arith.constant 528 : index
        %get3A_713 = tpu.vector_load %arg13[%get3A_711, %get3A_712] {strides = array<i32>} : memref<8x1024xf32, #tpu.memory_space<vmem>>, vector<1x16xf32>,
        %get3A_714 = vector.shape_cast %get3A_713 : vector<1x16xf32> to vector<16xf32>
        %add3A_715 = arith.addf %get3A_710, %get3A_714 : vector<16xf32>
        %swap3A_716 = arith.index_cast %scan3A_246 : i32 to index
        %swap3A_717 = arith.constant 528 : index
        %swap3A_718 = tpu.vector_load %arg9[%swap3A_716, %swap3A_717] {strides = array<i32>} : memref<8x1024xf32, #tpu.memory_space<vmem>>, vector<1x16xf32>,
        %swap3A_719 = vector.shape_cast %swap3A_718 : vector<1x16xf32> to vector<16xf32>
        %swap3A_720 = vector.shape_cast %add3A_715 : vector<16xf32> to vector<1x16xf32>
        tpu.vector_store %arg9[%swap3A_716, %swap3A_717], %swap3A_720 {strides = array<i32>} : memref<8x1024xf32, #tpu.memory_space<vmem>>, vector<1x16xf32>,
        %get3A_721 = arith.index_cast %scan3A_246 : i32 to index
        %get3A_722 = arith.constant 544 : index
        %get3A_723 = tpu.vector_load %arg9[%get3A_721, %get3A_722] {strides = array<i32>} : memref<8x1024xf32, #tpu.memory_space<vmem>>, vector<1x16xf32>,
        %get3A_724 = vector.shape_cast %get3A_723 : vector<1x16xf32> to vector<16xf32>
        %get3A_725 = arith.index_cast %scan3A_246 : i32 to index
        %get3A_726 = arith.constant 544 : index
        %get3A_727 = tpu.vector_load %arg13[%get3A_725, %get3A_726] {strides = array<i32>} : memref<8x1024xf32, #tpu.memory_space<vmem>>, vector<1x16xf32>,
        %get3A_728 = vector.shape_cast %get3A_727 : vector<1x16xf32> to vector<16xf32>
        %add3A_729 = arith.addf %get3A_724, %get3A_728 : vector<16xf32>
        %swap3A_730 = arith.index_cast %scan3A_246 : i32 to index
        %swap3A_731 = arith.constant 544 : index
        %swap3A_732 = tpu.vector_load %arg9[%swap3A_730, %swap3A_731] {strides = array<i32>} : memref<8x1024xf32, #tpu.memory_space<vmem>>, vector<1x16xf32>,
        %swap3A_733 = vector.shape_cast %swap3A_732 : vector<1x16xf32> to vector<16xf32>
        %swap3A_734 = vector.shape_cast %add3A_729 : vector<16xf32> to vector<1x16xf32>
        tpu.vector_store %arg9[%swap3A_730, %swap3A_731], %swap3A_734 {strides = array<i32>} : memref<8x1024xf32, #tpu.memory_space<vmem>>, vector<1x16xf32>,
        %get3A_735 = arith.index_cast %scan3A_246 : i32 to index
        %get3A_736 = arith.constant 560 : index
        %get3A_737 = tpu.vector_load %arg9[%get3A_735, %get3A_736] {strides = array<i32>} : memref<8x1024xf32, #tpu.memory_space<vmem>>, vector<1x16xf32>,
        %get3A_738 = vector.shape_cast %get3A_737 : vector<1x16xf32> to vector<16xf32>
        %get3A_739 = arith.index_cast %scan3A_246 : i32 to index
        %get3A_740 = arith.constant 560 : index
        %get3A_741 = tpu.vector_load %arg13[%get3A_739, %get3A_740] {strides = array<i32>} : memref<8x1024xf32, #tpu.memory_space<vmem>>, vector<1x16xf32>,
        %get3A_742 = vector.shape_cast %get3A_741 : vector<1x16xf32> to vector<16xf32>
        %add3A_743 = arith.addf %get3A_738, %get3A_742 : vector<16xf32>
        %swap3A_744 = arith.index_cast %scan3A_246 : i32 to index
        %swap3A_745 = arith.constant 560 : index
        %swap3A_746 = tpu.vector_load %arg9[%swap3A_744, %swap3A_745] {strides = array<i32>} : memref<8x1024xf32, #tpu.memory_space<vmem>>, vector<1x16xf32>,
        %swap3A_747 = vector.shape_cast %swap3A_746 : vector<1x16xf32> to vector<16xf32>
        %swap3A_748 = vector.shape_cast %add3A_743 : vector<16xf32> to vector<1x16xf32>
        tpu.vector_store %arg9[%swap3A_744, %swap3A_745], %swap3A_748 {strides = array<i32>} : memref<8x1024xf32, #tpu.memory_space<vmem>>, vector<1x16xf32>,
        %get3A_749 = arith.index_cast %scan3A_246 : i32 to index
        %get3A_750 = arith.constant 576 : index
        %get3A_751 = tpu.vector_load %arg9[%get3A_749, %get3A_750] {strides = array<i32>} : memref<8x1024xf32, #tpu.memory_space<vmem>>, vector<1x16xf32>,
        %get3A_752 = vector.shape_cast %get3A_751 : vector<1x16xf32> to vector<16xf32>
        %get3A_753 = arith.index_cast %scan3A_246 : i32 to index
        %get3A_754 = arith.constant 576 : index
        %get3A_755 = tpu.vector_load %arg13[%get3A_753, %get3A_754] {strides = array<i32>} : memref<8x1024xf32, #tpu.memory_space<vmem>>, vector<1x16xf32>,
        %get3A_756 = vector.shape_cast %get3A_755 : vector<1x16xf32> to vector<16xf32>
        %add3A_757 = arith.addf %get3A_752, %get3A_756 : vector<16xf32>
        %swap3A_758 = arith.index_cast %scan3A_246 : i32 to index
        %swap3A_759 = arith.constant 576 : index
        %swap3A_760 = tpu.vector_load %arg9[%swap3A_758, %swap3A_759] {strides = array<i32>} : memref<8x1024xf32, #tpu.memory_space<vmem>>, vector<1x16xf32>,
        %swap3A_761 = vector.shape_cast %swap3A_760 : vector<1x16xf32> to vector<16xf32>
        %swap3A_762 = vector.shape_cast %add3A_757 : vector<16xf32> to vector<1x16xf32>
        tpu.vector_store %arg9[%swap3A_758, %swap3A_759], %swap3A_762 {strides = array<i32>} : memref<8x1024xf32, #tpu.memory_space<vmem>>, vector<1x16xf32>,
        %get3A_763 = arith.index_cast %scan3A_246 : i32 to index
        %get3A_764 = arith.constant 592 : index
        %get3A_765 = tpu.vector_load %arg9[%get3A_763, %get3A_764] {strides = array<i32>} : memref<8x1024xf32, #tpu.memory_space<vmem>>, vector<1x16xf32>,
        %get3A_766 = vector.shape_cast %get3A_765 : vector<1x16xf32> to vector<16xf32>
        %get3A_767 = arith.index_cast %scan3A_246 : i32 to index
        %get3A_768 = arith.constant 592 : index
        %get3A_769 = tpu.vector_load %arg13[%get3A_767, %get3A_768] {strides = array<i32>} : memref<8x1024xf32, #tpu.memory_space<vmem>>, vector<1x16xf32>,
        %get3A_770 = vector.shape_cast %get3A_769 : vector<1x16xf32> to vector<16xf32>
        %add3A_771 = arith.addf %get3A_766, %get3A_770 : vector<16xf32>
        %swap3A_772 = arith.index_cast %scan3A_246 : i32 to index
        %swap3A_773 = arith.constant 592 : index
        %swap3A_774 = tpu.vector_load %arg9[%swap3A_772, %swap3A_773] {strides = array<i32>} : memref<8x1024xf32, #tpu.memory_space<vmem>>, vector<1x16xf32>,
        %swap3A_775 = vector.shape_cast %swap3A_774 : vector<1x16xf32> to vector<16xf32>
        %swap3A_776 = vector.shape_cast %add3A_771 : vector<16xf32> to vector<1x16xf32>
        tpu.vector_store %arg9[%swap3A_772, %swap3A_773], %swap3A_776 {strides = array<i32>} : memref<8x1024xf32, #tpu.memory_space<vmem>>, vector<1x16xf32>,
        %get3A_777 = arith.index_cast %scan3A_246 : i32 to index
        %get3A_778 = arith.constant 608 : index
        %get3A_779 = tpu.vector_load %arg9[%get3A_777, %get3A_778] {strides = array<i32>} : memref<8x1024xf32, #tpu.memory_space<vmem>>, vector<1x16xf32>,
        %get3A_780 = vector.shape_cast %get3A_779 : vector<1x16xf32> to vector<16xf32>
        %get3A_781 = arith.index_cast %scan3A_246 : i32 to index
        %get3A_782 = arith.constant 608 : index
        %get3A_783 = tpu.vector_load %arg13[%get3A_781, %get3A_782] {strides = array<i32>} : memref<8x1024xf32, #tpu.memory_space<vmem>>, vector<1x16xf32>,
        %get3A_784 = vector.shape_cast %get3A_783 : vector<1x16xf32> to vector<16xf32>
        %add3A_785 = arith.addf %get3A_780, %get3A_784 : vector<16xf32>
        %swap3A_786 = arith.index_cast %scan3A_246 : i32 to index
        %swap3A_787 = arith.constant 608 : index
        %swap3A_788 = tpu.vector_load %arg9[%swap3A_786, %swap3A_787] {strides = array<i32>} : memref<8x1024xf32, #tpu.memory_space<vmem>>, vector<1x16xf32>,
        %swap3A_789 = vector.shape_cast %swap3A_788 : vector<1x16xf32> to vector<16xf32>
        %swap3A_790 = vector.shape_cast %add3A_785 : vector<16xf32> to vector<1x16xf32>
        tpu.vector_store %arg9[%swap3A_786, %swap3A_787], %swap3A_790 {strides = array<i32>} : memref<8x1024xf32, #tpu.memory_space<vmem>>, vector<1x16xf32>,
        %get3A_791 = arith.index_cast %scan3A_246 : i32 to index
        %get3A_792 = arith.constant 624 : index
        %get3A_793 = tpu.vector_load %arg9[%get3A_791, %get3A_792] {strides = array<i32>} : memref<8x1024xf32, #tpu.memory_space<vmem>>, vector<1x16xf32>,
        %get3A_794 = vector.shape_cast %get3A_793 : vector<1x16xf32> to vector<16xf32>
        %get3A_795 = arith.index_cast %scan3A_246 : i32 to index
        %get3A_796 = arith.constant 624 : index
        %get3A_797 = tpu.vector_load %arg13[%get3A_795, %get3A_796] {strides = array<i32>} : memref<8x1024xf32, #tpu.memory_space<vmem>>, vector<1x16xf32>,
        %get3A_798 = vector.shape_cast %get3A_797 : vector<1x16xf32> to vector<16xf32>
        %add3A_799 = arith.addf %get3A_794, %get3A_798 : vector<16xf32>
        %swap3A_800 = arith.index_cast %scan3A_246 : i32 to index
        %swap3A_801 = arith.constant 624 : index
        %swap3A_802 = tpu.vector_load %arg9[%swap3A_800, %swap3A_801] {strides = array<i32>} : memref<8x1024xf32, #tpu.memory_space<vmem>>, vector<1x16xf32>,
        %swap3A_803 = vector.shape_cast %swap3A_802 : vector<1x16xf32> to vector<16xf32>
        %swap3A_804 = vector.shape_cast %add3A_799 : vector<16xf32> to vector<1x16xf32>
        tpu.vector_store %arg9[%swap3A_800, %swap3A_801], %swap3A_804 {strides = array<i32>} : memref<8x1024xf32, #tpu.memory_space<vmem>>, vector<1x16xf32>,
        %get3A_805 = arith.index_cast %scan3A_246 : i32 to index
        %get3A_806 = arith.constant 640 : index
        %get3A_807 = tpu.vector_load %arg9[%get3A_805, %get3A_806] {strides = array<i32>} : memref<8x1024xf32, #tpu.memory_space<vmem>>, vector<1x16xf32>,
        %get3A_808 = vector.shape_cast %get3A_807 : vector<1x16xf32> to vector<16xf32>
        %get3A_809 = arith.index_cast %scan3A_246 : i32 to index
        %get3A_810 = arith.constant 640 : index
        %get3A_811 = tpu.vector_load %arg13[%get3A_809, %get3A_810] {strides = array<i32>} : memref<8x1024xf32, #tpu.memory_space<vmem>>, vector<1x16xf32>,
        %get3A_812 = vector.shape_cast %get3A_811 : vector<1x16xf32> to vector<16xf32>
        %add3A_813 = arith.addf %get3A_808, %get3A_812 : vector<16xf32>
        %swap3A_814 = arith.index_cast %scan3A_246 : i32 to index
        %swap3A_815 = arith.constant 640 : index
        %swap3A_816 = tpu.vector_load %arg9[%swap3A_814, %swap3A_815] {strides = array<i32>} : memref<8x1024xf32, #tpu.memory_space<vmem>>, vector<1x16xf32>,
        %swap3A_817 = vector.shape_cast %swap3A_816 : vector<1x16xf32> to vector<16xf32>
        %swap3A_818 = vector.shape_cast %add3A_813 : vector<16xf32> to vector<1x16xf32>
        tpu.vector_store %arg9[%swap3A_814, %swap3A_815], %swap3A_818 {strides = array<i32>} : memref<8x1024xf32, #tpu.memory_space<vmem>>, vector<1x16xf32>,
        %get3A_819 = arith.index_cast %scan3A_246 : i32 to index
        %get3A_820 = arith.constant 656 : index
        %get3A_821 = tpu.vector_load %arg9[%get3A_819, %get3A_820] {strides = array<i32>} : memref<8x1024xf32, #tpu.memory_space<vmem>>, vector<1x16xf32>,
        %get3A_822 = vector.shape_cast %get3A_821 : vector<1x16xf32> to vector<16xf32>
        %get3A_823 = arith.index_cast %scan3A_246 : i32 to index
        %get3A_824 = arith.constant 656 : index
        %get3A_825 = tpu.vector_load %arg13[%get3A_823, %get3A_824] {strides = array<i32>} : memref<8x1024xf32, #tpu.memory_space<vmem>>, vector<1x16xf32>,
        %get3A_826 = vector.shape_cast %get3A_825 : vector<1x16xf32> to vector<16xf32>
        %add3A_827 = arith.addf %get3A_822, %get3A_826 : vector<16xf32>
        %swap3A_828 = arith.index_cast %scan3A_246 : i32 to index
        %swap3A_829 = arith.constant 656 : index
        %swap3A_830 = tpu.vector_load %arg9[%swap3A_828, %swap3A_829] {strides = array<i32>} : memref<8x1024xf32, #tpu.memory_space<vmem>>, vector<1x16xf32>,
        %swap3A_831 = vector.shape_cast %swap3A_830 : vector<1x16xf32> to vector<16xf32>
        %swap3A_832 = vector.shape_cast %add3A_827 : vector<16xf32> to vector<1x16xf32>
        tpu.vector_store %arg9[%swap3A_828, %swap3A_829], %swap3A_832 {strides = array<i32>} : memref<8x1024xf32, #tpu.memory_space<vmem>>, vector<1x16xf32>,
        %get3A_833 = arith.index_cast %scan3A_246 : i32 to index
        %get3A_834 = arith.constant 672 : index
        %get3A_835 = tpu.vector_load %arg9[%get3A_833, %get3A_834] {strides = array<i32>} : memref<8x1024xf32, #tpu.memory_space<vmem>>, vector<1x16xf32>,
        %get3A_836 = vector.shape_cast %get3A_835 : vector<1x16xf32> to vector<16xf32>
        %get3A_837 = arith.index_cast %scan3A_246 : i32 to index
        %get3A_838 = arith.constant 672 : index
        %get3A_839 = tpu.vector_load %arg13[%get3A_837, %get3A_838] {strides = array<i32>} : memref<8x1024xf32, #tpu.memory_space<vmem>>, vector<1x16xf32>,
        %get3A_840 = vector.shape_cast %get3A_839 : vector<1x16xf32> to vector<16xf32>
        %add3A_841 = arith.addf %get3A_836, %get3A_840 : vector<16xf32>
        %swap3A_842 = arith.index_cast %scan3A_246 : i32 to index
        %swap3A_843 = arith.constant 672 : index
        %swap3A_844 = tpu.vector_load %arg9[%swap3A_842, %swap3A_843] {strides = array<i32>} : memref<8x1024xf32, #tpu.memory_space<vmem>>, vector<1x16xf32>,
        %swap3A_845 = vector.shape_cast %swap3A_844 : vector<1x16xf32> to vector<16xf32>
        %swap3A_846 = vector.shape_cast %add3A_841 : vector<16xf32> to vector<1x16xf32>
        tpu.vector_store %arg9[%swap3A_842, %swap3A_843], %swap3A_846 {strides = array<i32>} : memref<8x1024xf32, #tpu.memory_space<vmem>>, vector<1x16xf32>,
        %get3A_847 = arith.index_cast %scan3A_246 : i32 to index
        %get3A_848 = arith.constant 688 : index
        %get3A_849 = tpu.vector_load %arg9[%get3A_847, %get3A_848] {strides = array<i32>} : memref<8x1024xf32, #tpu.memory_space<vmem>>, vector<1x16xf32>,
        %get3A_850 = vector.shape_cast %get3A_849 : vector<1x16xf32> to vector<16xf32>
        %get3A_851 = arith.index_cast %scan3A_246 : i32 to index
        %get3A_852 = arith.constant 688 : index
        %get3A_853 = tpu.vector_load %arg13[%get3A_851, %get3A_852] {strides = array<i32>} : memref<8x1024xf32, #tpu.memory_space<vmem>>, vector<1x16xf32>,
        %get3A_854 = vector.shape_cast %get3A_853 : vector<1x16xf32> to vector<16xf32>
        %add3A_855 = arith.addf %get3A_850, %get3A_854 : vector<16xf32>
        %swap3A_856 = arith.index_cast %scan3A_246 : i32 to index
        %swap3A_857 = arith.constant 688 : index
        %swap3A_858 = tpu.vector_load %arg9[%swap3A_856, %swap3A_857] {strides = array<i32>} : memref<8x1024xf32, #tpu.memory_space<vmem>>, vector<1x16xf32>,
        %swap3A_859 = vector.shape_cast %swap3A_858 : vector<1x16xf32> to vector<16xf32>
        %swap3A_860 = vector.shape_cast %add3A_855 : vector<16xf32> to vector<1x16xf32>
        tpu.vector_store %arg9[%swap3A_856, %swap3A_857], %swap3A_860 {strides = array<i32>} : memref<8x1024xf32, #tpu.memory_space<vmem>>, vector<1x16xf32>,
        %get3A_861 = arith.index_cast %scan3A_246 : i32 to index
        %get3A_862 = arith.constant 704 : index
        %get3A_863 = tpu.vector_load %arg9[%get3A_861, %get3A_862] {strides = array<i32>} : memref<8x1024xf32, #tpu.memory_space<vmem>>, vector<1x16xf32>,
        %get3A_864 = vector.shape_cast %get3A_863 : vector<1x16xf32> to vector<16xf32>
        %get3A_865 = arith.index_cast %scan3A_246 : i32 to index
        %get3A_866 = arith.constant 704 : index
        %get3A_867 = tpu.vector_load %arg13[%get3A_865, %get3A_866] {strides = array<i32>} : memref<8x1024xf32, #tpu.memory_space<vmem>>, vector<1x16xf32>,
        %get3A_868 = vector.shape_cast %get3A_867 : vector<1x16xf32> to vector<16xf32>
        %add3A_869 = arith.addf %get3A_864, %get3A_868 : vector<16xf32>
        %swap3A_870 = arith.index_cast %scan3A_246 : i32 to index
        %swap3A_871 = arith.constant 704 : index
        %swap3A_872 = tpu.vector_load %arg9[%swap3A_870, %swap3A_871] {strides = array<i32>} : memref<8x1024xf32, #tpu.memory_space<vmem>>, vector<1x16xf32>,
        %swap3A_873 = vector.shape_cast %swap3A_872 : vector<1x16xf32> to vector<16xf32>
        %swap3A_874 = vector.shape_cast %add3A_869 : vector<16xf32> to vector<1x16xf32>
        tpu.vector_store %arg9[%swap3A_870, %swap3A_871], %swap3A_874 {strides = array<i32>} : memref<8x1024xf32, #tpu.memory_space<vmem>>, vector<1x16xf32>,
        %get3A_875 = arith.index_cast %scan3A_246 : i32 to index
        %get3A_876 = arith.constant 720 : index
        %get3A_877 = tpu.vector_load %arg9[%get3A_875, %get3A_876] {strides = array<i32>} : memref<8x1024xf32, #tpu.memory_space<vmem>>, vector<1x16xf32>,
        %get3A_878 = vector.shape_cast %get3A_877 : vector<1x16xf32> to vector<16xf32>
        %get3A_879 = arith.index_cast %scan3A_246 : i32 to index
        %get3A_880 = arith.constant 720 : index
        %get3A_881 = tpu.vector_load %arg13[%get3A_879, %get3A_880] {strides = array<i32>} : memref<8x1024xf32, #tpu.memory_space<vmem>>, vector<1x16xf32>,
        %get3A_882 = vector.shape_cast %get3A_881 : vector<1x16xf32> to vector<16xf32>
        %add3A_883 = arith.addf %get3A_878, %get3A_882 : vector<16xf32>
        %swap3A_884 = arith.index_cast %scan3A_246 : i32 to index
        %swap3A_885 = arith.constant 720 : index
        %swap3A_886 = tpu.vector_load %arg9[%swap3A_884, %swap3A_885] {strides = array<i32>} : memref<8x1024xf32, #tpu.memory_space<vmem>>, vector<1x16xf32>,
        %swap3A_887 = vector.shape_cast %swap3A_886 : vector<1x16xf32> to vector<16xf32>
        %swap3A_888 = vector.shape_cast %add3A_883 : vector<16xf32> to vector<1x16xf32>
        tpu.vector_store %arg9[%swap3A_884, %swap3A_885], %swap3A_888 {strides = array<i32>} : memref<8x1024xf32, #tpu.memory_space<vmem>>, vector<1x16xf32>,
        %get3A_889 = arith.index_cast %scan3A_246 : i32 to index
        %get3A_890 = arith.constant 736 : index
        %get3A_891 = tpu.vector_load %arg9[%get3A_889, %get3A_890] {strides = array<i32>} : memref<8x1024xf32, #tpu.memory_space<vmem>>, vector<1x16xf32>,
        %get3A_892 = vector.shape_cast %get3A_891 : vector<1x16xf32> to vector<16xf32>
        %get3A_893 = arith.index_cast %scan3A_246 : i32 to index
        %get3A_894 = arith.constant 736 : index
        %get3A_895 = tpu.vector_load %arg13[%get3A_893, %get3A_894] {strides = array<i32>} : memref<8x1024xf32, #tpu.memory_space<vmem>>, vector<1x16xf32>,
        %get3A_896 = vector.shape_cast %get3A_895 : vector<1x16xf32> to vector<16xf32>
        %add3A_897 = arith.addf %get3A_892, %get3A_896 : vector<16xf32>
        %swap3A_898 = arith.index_cast %scan3A_246 : i32 to index
        %swap3A_899 = arith.constant 736 : index
        %swap3A_900 = tpu.vector_load %arg9[%swap3A_898, %swap3A_899] {strides = array<i32>} : memref<8x1024xf32, #tpu.memory_space<vmem>>, vector<1x16xf32>,
        %swap3A_901 = vector.shape_cast %swap3A_900 : vector<1x16xf32> to vector<16xf32>
        %swap3A_902 = vector.shape_cast %add3A_897 : vector<16xf32> to vector<1x16xf32>
        tpu.vector_store %arg9[%swap3A_898, %swap3A_899], %swap3A_902 {strides = array<i32>} : memref<8x1024xf32, #tpu.memory_space<vmem>>, vector<1x16xf32>,
        %get3A_903 = arith.index_cast %scan3A_246 : i32 to index
        %get3A_904 = arith.constant 752 : index
        %get3A_905 = tpu.vector_load %arg9[%get3A_903, %get3A_904] {strides = array<i32>} : memref<8x1024xf32, #tpu.memory_space<vmem>>, vector<1x16xf32>,
        %get3A_906 = vector.shape_cast %get3A_905 : vector<1x16xf32> to vector<16xf32>
        %get3A_907 = arith.index_cast %scan3A_246 : i32 to index
        %get3A_908 = arith.constant 752 : index
        %get3A_909 = tpu.vector_load %arg13[%get3A_907, %get3A_908] {strides = array<i32>} : memref<8x1024xf32, #tpu.memory_space<vmem>>, vector<1x16xf32>,
        %get3A_910 = vector.shape_cast %get3A_909 : vector<1x16xf32> to vector<16xf32>
        %add3A_911 = arith.addf %get3A_906, %get3A_910 : vector<16xf32>
        %swap3A_912 = arith.index_cast %scan3A_246 : i32 to index
        %swap3A_913 = arith.constant 752 : index
        %swap3A_914 = tpu.vector_load %arg9[%swap3A_912, %swap3A_913] {strides = array<i32>} : memref<8x1024xf32, #tpu.memory_space<vmem>>, vector<1x16xf32>,
        %swap3A_915 = vector.shape_cast %swap3A_914 : vector<1x16xf32> to vector<16xf32>
        %swap3A_916 = vector.shape_cast %add3A_911 : vector<16xf32> to vector<1x16xf32>
        tpu.vector_store %arg9[%swap3A_912, %swap3A_913], %swap3A_916 {strides = array<i32>} : memref<8x1024xf32, #tpu.memory_space<vmem>>, vector<1x16xf32>,
        %get3A_917 = arith.index_cast %scan3A_246 : i32 to index
        %get3A_918 = arith.constant 768 : index
        %get3A_919 = tpu.vector_load %arg9[%get3A_917, %get3A_918] {strides = array<i32>} : memref<8x1024xf32, #tpu.memory_space<vmem>>, vector<1x16xf32>,
        %get3A_920 = vector.shape_cast %get3A_919 : vector<1x16xf32> to vector<16xf32>
        %get3A_921 = arith.index_cast %scan3A_246 : i32 to index
        %get3A_922 = arith.constant 768 : index
        %get3A_923 = tpu.vector_load %arg13[%get3A_921, %get3A_922] {strides = array<i32>} : memref<8x1024xf32, #tpu.memory_space<vmem>>, vector<1x16xf32>,
        %get3A_924 = vector.shape_cast %get3A_923 : vector<1x16xf32> to vector<16xf32>
        %add3A_925 = arith.addf %get3A_920, %get3A_924 : vector<16xf32>
        %swap3A_926 = arith.index_cast %scan3A_246 : i32 to index
        %swap3A_927 = arith.constant 768 : index
        %swap3A_928 = tpu.vector_load %arg9[%swap3A_926, %swap3A_927] {strides = array<i32>} : memref<8x1024xf32, #tpu.memory_space<vmem>>, vector<1x16xf32>,
        %swap3A_929 = vector.shape_cast %swap3A_928 : vector<1x16xf32> to vector<16xf32>
        %swap3A_930 = vector.shape_cast %add3A_925 : vector<16xf32> to vector<1x16xf32>
        tpu.vector_store %arg9[%swap3A_926, %swap3A_927], %swap3A_930 {strides = array<i32>} : memref<8x1024xf32, #tpu.memory_space<vmem>>, vector<1x16xf32>,
        %get3A_931 = arith.index_cast %scan3A_246 : i32 to index
        %get3A_932 = arith.constant 784 : index
        %get3A_933 = tpu.vector_load %arg9[%get3A_931, %get3A_932] {strides = array<i32>} : memref<8x1024xf32, #tpu.memory_space<vmem>>, vector<1x16xf32>,
        %get3A_934 = vector.shape_cast %get3A_933 : vector<1x16xf32> to vector<16xf32>
        %get3A_935 = arith.index_cast %scan3A_246 : i32 to index
        %get3A_936 = arith.constant 784 : index
        %get3A_937 = tpu.vector_load %arg13[%get3A_935, %get3A_936] {strides = array<i32>} : memref<8x1024xf32, #tpu.memory_space<vmem>>, vector<1x16xf32>,
        %get3A_938 = vector.shape_cast %get3A_937 : vector<1x16xf32> to vector<16xf32>
        %add3A_939 = arith.addf %get3A_934, %get3A_938 : vector<16xf32>
        %swap3A_940 = arith.index_cast %scan3A_246 : i32 to index
        %swap3A_941 = arith.constant 784 : index
        %swap3A_942 = tpu.vector_load %arg9[%swap3A_940, %swap3A_941] {strides = array<i32>} : memref<8x1024xf32, #tpu.memory_space<vmem>>, vector<1x16xf32>,
        %swap3A_943 = vector.shape_cast %swap3A_942 : vector<1x16xf32> to vector<16xf32>
        %swap3A_944 = vector.shape_cast %add3A_939 : vector<16xf32> to vector<1x16xf32>
        tpu.vector_store %arg9[%swap3A_940, %swap3A_941], %swap3A_944 {strides = array<i32>} : memref<8x1024xf32, #tpu.memory_space<vmem>>, vector<1x16xf32>,
        %get3A_945 = arith.index_cast %scan3A_246 : i32 to index
        %get3A_946 = arith.constant 800 : index
        %get3A_947 = tpu.vector_load %arg9[%get3A_945, %get3A_946] {strides = array<i32>} : memref<8x1024xf32, #tpu.memory_space<vmem>>, vector<1x16xf32>,
        %get3A_948 = vector.shape_cast %get3A_947 : vector<1x16xf32> to vector<16xf32>
        %get3A_949 = arith.index_cast %scan3A_246 : i32 to index
        %get3A_950 = arith.constant 800 : index
        %get3A_951 = tpu.vector_load %arg13[%get3A_949, %get3A_950] {strides = array<i32>} : memref<8x1024xf32, #tpu.memory_space<vmem>>, vector<1x16xf32>,
        %get3A_952 = vector.shape_cast %get3A_951 : vector<1x16xf32> to vector<16xf32>
        %add3A_953 = arith.addf %get3A_948, %get3A_952 : vector<16xf32>
        %swap3A_954 = arith.index_cast %scan3A_246 : i32 to index
        %swap3A_955 = arith.constant 800 : index
        %swap3A_956 = tpu.vector_load %arg9[%swap3A_954, %swap3A_955] {strides = array<i32>} : memref<8x1024xf32, #tpu.memory_space<vmem>>, vector<1x16xf32>,
        %swap3A_957 = vector.shape_cast %swap3A_956 : vector<1x16xf32> to vector<16xf32>
        %swap3A_958 = vector.shape_cast %add3A_953 : vector<16xf32> to vector<1x16xf32>
        tpu.vector_store %arg9[%swap3A_954, %swap3A_955], %swap3A_958 {strides = array<i32>} : memref<8x1024xf32, #tpu.memory_space<vmem>>, vector<1x16xf32>,
        %get3A_959 = arith.index_cast %scan3A_246 : i32 to index
        %get3A_960 = arith.constant 816 : index
        %get3A_961 = tpu.vector_load %arg9[%get3A_959, %get3A_960] {strides = array<i32>} : memref<8x1024xf32, #tpu.memory_space<vmem>>, vector<1x16xf32>,
        %get3A_962 = vector.shape_cast %get3A_961 : vector<1x16xf32> to vector<16xf32>
        %get3A_963 = arith.index_cast %scan3A_246 : i32 to index
        %get3A_964 = arith.constant 816 : index
        %get3A_965 = tpu.vector_load %arg13[%get3A_963, %get3A_964] {strides = array<i32>} : memref<8x1024xf32, #tpu.memory_space<vmem>>, vector<1x16xf32>,
        %get3A_966 = vector.shape_cast %get3A_965 : vector<1x16xf32> to vector<16xf32>
        %add3A_967 = arith.addf %get3A_962, %get3A_966 : vector<16xf32>
        %swap3A_968 = arith.index_cast %scan3A_246 : i32 to index
        %swap3A_969 = arith.constant 816 : index
        %swap3A_970 = tpu.vector_load %arg9[%swap3A_968, %swap3A_969] {strides = array<i32>} : memref<8x1024xf32, #tpu.memory_space<vmem>>, vector<1x16xf32>,
        %swap3A_971 = vector.shape_cast %swap3A_970 : vector<1x16xf32> to vector<16xf32>
        %swap3A_972 = vector.shape_cast %add3A_967 : vector<16xf32> to vector<1x16xf32>
        tpu.vector_store %arg9[%swap3A_968, %swap3A_969], %swap3A_972 {strides = array<i32>} : memref<8x1024xf32, #tpu.memory_space<vmem>>, vector<1x16xf32>,
        %get3A_973 = arith.index_cast %scan3A_246 : i32 to index
        %get3A_974 = arith.constant 832 : index
        %get3A_975 = tpu.vector_load %arg9[%get3A_973, %get3A_974] {strides = array<i32>} : memref<8x1024xf32, #tpu.memory_space<vmem>>, vector<1x16xf32>,
        %get3A_976 = vector.shape_cast %get3A_975 : vector<1x16xf32> to vector<16xf32>
        %get3A_977 = arith.index_cast %scan3A_246 : i32 to index
        %get3A_978 = arith.constant 832 : index
        %get3A_979 = tpu.vector_load %arg13[%get3A_977, %get3A_978] {strides = array<i32>} : memref<8x1024xf32, #tpu.memory_space<vmem>>, vector<1x16xf32>,
        %get3A_980 = vector.shape_cast %get3A_979 : vector<1x16xf32> to vector<16xf32>
        %add3A_981 = arith.addf %get3A_976, %get3A_980 : vector<16xf32>
        %swap3A_982 = arith.index_cast %scan3A_246 : i32 to index
        %swap3A_983 = arith.constant 832 : index
        %swap3A_984 = tpu.vector_load %arg9[%swap3A_982, %swap3A_983] {strides = array<i32>} : memref<8x1024xf32, #tpu.memory_space<vmem>>, vector<1x16xf32>,
        %swap3A_985 = vector.shape_cast %swap3A_984 : vector<1x16xf32> to vector<16xf32>
        %swap3A_986 = vector.shape_cast %add3A_981 : vector<16xf32> to vector<1x16xf32>
        tpu.vector_store %arg9[%swap3A_982, %swap3A_983], %swap3A_986 {strides = array<i32>} : memref<8x1024xf32, #tpu.memory_space<vmem>>, vector<1x16xf32>,
        %get3A_987 = arith.index_cast %scan3A_246 : i32 to index
        %get3A_988 = arith.constant 848 : index
        %get3A_989 = tpu.vector_load %arg9[%get3A_987, %get3A_988] {strides = array<i32>} : memref<8x1024xf32, #tpu.memory_space<vmem>>, vector<1x16xf32>,
        %get3A_990 = vector.shape_cast %get3A_989 : vector<1x16xf32> to vector<16xf32>
        %get3A_991 = arith.index_cast %scan3A_246 : i32 to index
        %get3A_992 = arith.constant 848 : index
        %get3A_993 = tpu.vector_load %arg13[%get3A_991, %get3A_992] {strides = array<i32>} : memref<8x1024xf32, #tpu.memory_space<vmem>>, vector<1x16xf32>,
        %get3A_994 = vector.shape_cast %get3A_993 : vector<1x16xf32> to vector<16xf32>
        %add3A_995 = arith.addf %get3A_990, %get3A_994 : vector<16xf32>
        %swap3A_996 = arith.index_cast %scan3A_246 : i32 to index
        %swap3A_997 = arith.constant 848 : index
        %swap3A_998 = tpu.vector_load %arg9[%swap3A_996, %swap3A_997] {strides = array<i32>} : memref<8x1024xf32, #tpu.memory_space<vmem>>, vector<1x16xf32>,
        %swap3A_999 = vector.shape_cast %swap3A_998 : vector<1x16xf32> to vector<16xf32>
        %swap3A_1000 = vector.shape_cast %add3A_995 : vector<16xf32> to vector<1x16xf32>
        tpu.vector_store %arg9[%swap3A_996, %swap3A_997], %swap3A_1000 {strides = array<i32>} : memref<8x1024xf32, #tpu.memory_space<vmem>>, vector<1x16xf32>,
        %get3A_1001 = arith.index_cast %scan3A_246 : i32 to index
        %get3A_1002 = arith.constant 864 : index
        %get3A_1003 = tpu.vector_load %arg9[%get3A_1001, %get3A_1002] {strides = array<i32>} : memref<8x1024xf32, #tpu.memory_space<vmem>>, vector<1x16xf32>,
        %get3A_1004 = vector.shape_cast %get3A_1003 : vector<1x16xf32> to vector<16xf32>
        %get3A_1005 = arith.index_cast %scan3A_246 : i32 to index
        %get3A_1006 = arith.constant 864 : index
        %get3A_1007 = tpu.vector_load %arg13[%get3A_1005, %get3A_1006] {strides = array<i32>} : memref<8x1024xf32, #tpu.memory_space<vmem>>, vector<1x16xf32>,
        %get3A_1008 = vector.shape_cast %get3A_1007 : vector<1x16xf32> to vector<16xf32>
        %add3A_1009 = arith.addf %get3A_1004, %get3A_1008 : vector<16xf32>
        %swap3A_1010 = arith.index_cast %scan3A_246 : i32 to index
        %swap3A_1011 = arith.constant 864 : index
        %swap3A_1012 = tpu.vector_load %arg9[%swap3A_1010, %swap3A_1011] {strides = array<i32>} : memref<8x1024xf32, #tpu.memory_space<vmem>>, vector<1x16xf32>,
        %swap3A_1013 = vector.shape_cast %swap3A_1012 : vector<1x16xf32> to vector<16xf32>
        %swap3A_1014 = vector.shape_cast %add3A_1009 : vector<16xf32> to vector<1x16xf32>
        tpu.vector_store %arg9[%swap3A_1010, %swap3A_1011], %swap3A_1014 {strides = array<i32>} : memref<8x1024xf32, #tpu.memory_space<vmem>>, vector<1x16xf32>,
        %get3A_1015 = arith.index_cast %scan3A_246 : i32 to index
        %get3A_1016 = arith.constant 880 : index
        %get3A_1017 = tpu.vector_load %arg9[%get3A_1015, %get3A_1016] {strides = array<i32>} : memref<8x1024xf32, #tpu.memory_space<vmem>>, vector<1x16xf32>,
        %get3A_1018 = vector.shape_cast %get3A_1017 : vector<1x16xf32> to vector<16xf32>
        %get3A_1019 = arith.index_cast %scan3A_246 : i32 to index
        %get3A_1020 = arith.constant 880 : index
        %get3A_1021 = tpu.vector_load %arg13[%get3A_1019, %get3A_1020] {strides = array<i32>} : memref<8x1024xf32, #tpu.memory_space<vmem>>, vector<1x16xf32>,
        %get3A_1022 = vector.shape_cast %get3A_1021 : vector<1x16xf32> to vector<16xf32>
        %add3A_1023 = arith.addf %get3A_1018, %get3A_1022 : vector<16xf32>
        %swap3A_1024 = arith.index_cast %scan3A_246 : i32 to index
        %swap3A_1025 = arith.constant 880 : index
        %swap3A_1026 = tpu.vector_load %arg9[%swap3A_1024, %swap3A_1025] {strides = array<i32>} : memref<8x1024xf32, #tpu.memory_space<vmem>>, vector<1x16xf32>,
        %swap3A_1027 = vector.shape_cast %swap3A_1026 : vector<1x16xf32> to vector<16xf32>
        %swap3A_1028 = vector.shape_cast %add3A_1023 : vector<16xf32> to vector<1x16xf32>
        tpu.vector_store %arg9[%swap3A_1024, %swap3A_1025], %swap3A_1028 {strides = array<i32>} : memref<8x1024xf32, #tpu.memory_space<vmem>>, vector<1x16xf32>,
        %get3A_1029 = arith.index_cast %scan3A_246 : i32 to index
        %get3A_1030 = arith.constant 896 : index
        %get3A_1031 = tpu.vector_load %arg9[%get3A_1029, %get3A_1030] {strides = array<i32>} : memref<8x1024xf32, #tpu.memory_space<vmem>>, vector<1x16xf32>,
        %get3A_1032 = vector.shape_cast %get3A_1031 : vector<1x16xf32> to vector<16xf32>
        %get3A_1033 = arith.index_cast %scan3A_246 : i32 to index
        %get3A_1034 = arith.constant 896 : index
        %get3A_1035 = tpu.vector_load %arg13[%get3A_1033, %get3A_1034] {strides = array<i32>} : memref<8x1024xf32, #tpu.memory_space<vmem>>, vector<1x16xf32>,
        %get3A_1036 = vector.shape_cast %get3A_1035 : vector<1x16xf32> to vector<16xf32>
        %add3A_1037 = arith.addf %get3A_1032, %get3A_1036 : vector<16xf32>
        %swap3A_1038 = arith.index_cast %scan3A_246 : i32 to index
        %swap3A_1039 = arith.constant 896 : index
        %swap3A_1040 = tpu.vector_load %arg9[%swap3A_1038, %swap3A_1039] {strides = array<i32>} : memref<8x1024xf32, #tpu.memory_space<vmem>>, vector<1x16xf32>,
        %swap3A_1041 = vector.shape_cast %swap3A_1040 : vector<1x16xf32> to vector<16xf32>
        %swap3A_1042 = vector.shape_cast %add3A_1037 : vector<16xf32> to vector<1x16xf32>
        tpu.vector_store %arg9[%swap3A_1038, %swap3A_1039], %swap3A_1042 {strides = array<i32>} : memref<8x1024xf32, #tpu.memory_space<vmem>>, vector<1x16xf32>,
        %get3A_1043 = arith.index_cast %scan3A_246 : i32 to index
        %get3A_1044 = arith.constant 912 : index
        %get3A_1045 = tpu.vector_load %arg9[%get3A_1043, %get3A_1044] {strides = array<i32>} : memref<8x1024xf32, #tpu.memory_space<vmem>>, vector<1x16xf32>,
        %get3A_1046 = vector.shape_cast %get3A_1045 : vector<1x16xf32> to vector<16xf32>
        %get3A_1047 = arith.index_cast %scan3A_246 : i32 to index
        %get3A_1048 = arith.constant 912 : index
        %get3A_1049 = tpu.vector_load %arg13[%get3A_1047, %get3A_1048] {strides = array<i32>} : memref<8x1024xf32, #tpu.memory_space<vmem>>, vector<1x16xf32>,
        %get3A_1050 = vector.shape_cast %get3A_1049 : vector<1x16xf32> to vector<16xf32>
        %add3A_1051 = arith.addf %get3A_1046, %get3A_1050 : vector<16xf32>
        %swap3A_1052 = arith.index_cast %scan3A_246 : i32 to index
        %swap3A_1053 = arith.constant 912 : index
        %swap3A_1054 = tpu.vector_load %arg9[%swap3A_1052, %swap3A_1053] {strides = array<i32>} : memref<8x1024xf32, #tpu.memory_space<vmem>>, vector<1x16xf32>,
        %swap3A_1055 = vector.shape_cast %swap3A_1054 : vector<1x16xf32> to vector<16xf32>
        %swap3A_1056 = vector.shape_cast %add3A_1051 : vector<16xf32> to vector<1x16xf32>
        tpu.vector_store %arg9[%swap3A_1052, %swap3A_1053], %swap3A_1056 {strides = array<i32>} : memref<8x1024xf32, #tpu.memory_space<vmem>>, vector<1x16xf32>,
        %get3A_1057 = arith.index_cast %scan3A_246 : i32 to index
        %get3A_1058 = arith.constant 928 : index
        %get3A_1059 = tpu.vector_load %arg9[%get3A_1057, %get3A_1058] {strides = array<i32>} : memref<8x1024xf32, #tpu.memory_space<vmem>>, vector<1x16xf32>,
        %get3A_1060 = vector.shape_cast %get3A_1059 : vector<1x16xf32> to vector<16xf32>
        %get3A_1061 = arith.index_cast %scan3A_246 : i32 to index
        %get3A_1062 = arith.constant 928 : index
        %get3A_1063 = tpu.vector_load %arg13[%get3A_1061, %get3A_1062] {strides = array<i32>} : memref<8x1024xf32, #tpu.memory_space<vmem>>, vector<1x16xf32>,
        %get3A_1064 = vector.shape_cast %get3A_1063 : vector<1x16xf32> to vector<16xf32>
        %add3A_1065 = arith.addf %get3A_1060, %get3A_1064 : vector<16xf32>
        %swap3A_1066 = arith.index_cast %scan3A_246 : i32 to index
        %swap3A_1067 = arith.constant 928 : index
        %swap3A_1068 = tpu.vector_load %arg9[%swap3A_1066, %swap3A_1067] {strides = array<i32>} : memref<8x1024xf32, #tpu.memory_space<vmem>>, vector<1x16xf32>,
        %swap3A_1069 = vector.shape_cast %swap3A_1068 : vector<1x16xf32> to vector<16xf32>
        %swap3A_1070 = vector.shape_cast %add3A_1065 : vector<16xf32> to vector<1x16xf32>
        tpu.vector_store %arg9[%swap3A_1066, %swap3A_1067], %swap3A_1070 {strides = array<i32>} : memref<8x1024xf32, #tpu.memory_space<vmem>>, vector<1x16xf32>,
        %get3A_1071 = arith.index_cast %scan3A_246 : i32 to index
        %get3A_1072 = arith.constant 944 : index
        %get3A_1073 = tpu.vector_load %arg9[%get3A_1071, %get3A_1072] {strides = array<i32>} : memref<8x1024xf32, #tpu.memory_space<vmem>>, vector<1x16xf32>,
        %get3A_1074 = vector.shape_cast %get3A_1073 : vector<1x16xf32> to vector<16xf32>
        %get3A_1075 = arith.index_cast %scan3A_246 : i32 to index
        %get3A_1076 = arith.constant 944 : index
        %get3A_1077 = tpu.vector_load %arg13[%get3A_1075, %get3A_1076] {strides = array<i32>} : memref<8x1024xf32, #tpu.memory_space<vmem>>, vector<1x16xf32>,
        %get3A_1078 = vector.shape_cast %get3A_1077 : vector<1x16xf32> to vector<16xf32>
        %add3A_1079 = arith.addf %get3A_1074, %get3A_1078 : vector<16xf32>
        %swap3A_1080 = arith.index_cast %scan3A_246 : i32 to index
        %swap3A_1081 = arith.constant 944 : index
        %swap3A_1082 = tpu.vector_load %arg9[%swap3A_1080, %swap3A_1081] {strides = array<i32>} : memref<8x1024xf32, #tpu.memory_space<vmem>>, vector<1x16xf32>,
        %swap3A_1083 = vector.shape_cast %swap3A_1082 : vector<1x16xf32> to vector<16xf32>
        %swap3A_1084 = vector.shape_cast %add3A_1079 : vector<16xf32> to vector<1x16xf32>
        tpu.vector_store %arg9[%swap3A_1080, %swap3A_1081], %swap3A_1084 {strides = array<i32>} : memref<8x1024xf32, #tpu.memory_space<vmem>>, vector<1x16xf32>,
        %get3A_1085 = arith.index_cast %scan3A_246 : i32 to index
        %get3A_1086 = arith.constant 960 : index
        %get3A_1087 = tpu.vector_load %arg9[%get3A_1085, %get3A_1086] {strides = array<i32>} : memref<8x1024xf32, #tpu.memory_space<vmem>>, vector<1x16xf32>,
        %get3A_1088 = vector.shape_cast %get3A_1087 : vector<1x16xf32> to vector<16xf32>
        %get3A_1089 = arith.index_cast %scan3A_246 : i32 to index
        %get3A_1090 = arith.constant 960 : index
        %get3A_1091 = tpu.vector_load %arg13[%get3A_1089, %get3A_1090] {strides = array<i32>} : memref<8x1024xf32, #tpu.memory_space<vmem>>, vector<1x16xf32>,
        %get3A_1092 = vector.shape_cast %get3A_1091 : vector<1x16xf32> to vector<16xf32>
        %add3A_1093 = arith.addf %get3A_1088, %get3A_1092 : vector<16xf32>
        %swap3A_1094 = arith.index_cast %scan3A_246 : i32 to index
        %swap3A_1095 = arith.constant 960 : index
        %swap3A_1096 = tpu.vector_load %arg9[%swap3A_1094, %swap3A_1095] {strides = array<i32>} : memref<8x1024xf32, #tpu.memory_space<vmem>>, vector<1x16xf32>,
        %swap3A_1097 = vector.shape_cast %swap3A_1096 : vector<1x16xf32> to vector<16xf32>
        %swap3A_1098 = vector.shape_cast %add3A_1093 : vector<16xf32> to vector<1x16xf32>
        tpu.vector_store %arg9[%swap3A_1094, %swap3A_1095], %swap3A_1098 {strides = array<i32>} : memref<8x1024xf32, #tpu.memory_space<vmem>>, vector<1x16xf32>,
        %get3A_1099 = arith.index_cast %scan3A_246 : i32 to index
        %get3A_1100 = arith.constant 976 : index
        %get3A_1101 = tpu.vector_load %arg9[%get3A_1099, %get3A_1100] {strides = array<i32>} : memref<8x1024xf32, #tpu.memory_space<vmem>>, vector<1x16xf32>,
        %get3A_1102 = vector.shape_cast %get3A_1101 : vector<1x16xf32> to vector<16xf32>
        %get3A_1103 = arith.index_cast %scan3A_246 : i32 to index
        %get3A_1104 = arith.constant 976 : index
        %get3A_1105 = tpu.vector_load %arg13[%get3A_1103, %get3A_1104] {strides = array<i32>} : memref<8x1024xf32, #tpu.memory_space<vmem>>, vector<1x16xf32>,
        %get3A_1106 = vector.shape_cast %get3A_1105 : vector<1x16xf32> to vector<16xf32>
        %add3A_1107 = arith.addf %get3A_1102, %get3A_1106 : vector<16xf32>
        %swap3A_1108 = arith.index_cast %scan3A_246 : i32 to index
        %swap3A_1109 = arith.constant 976 : index
        %swap3A_1110 = tpu.vector_load %arg9[%swap3A_1108, %swap3A_1109] {strides = array<i32>} : memref<8x1024xf32, #tpu.memory_space<vmem>>, vector<1x16xf32>,
        %swap3A_1111 = vector.shape_cast %swap3A_1110 : vector<1x16xf32> to vector<16xf32>
        %swap3A_1112 = vector.shape_cast %add3A_1107 : vector<16xf32> to vector<1x16xf32>
        tpu.vector_store %arg9[%swap3A_1108, %swap3A_1109], %swap3A_1112 {strides = array<i32>} : memref<8x1024xf32, #tpu.memory_space<vmem>>, vector<1x16xf32>,
        %get3A_1113 = arith.index_cast %scan3A_246 : i32 to index
        %get3A_1114 = arith.constant 992 : index
        %get3A_1115 = tpu.vector_load %arg9[%get3A_1113, %get3A_1114] {strides = array<i32>} : memref<8x1024xf32, #tpu.memory_space<vmem>>, vector<1x16xf32>,
        %get3A_1116 = vector.shape_cast %get3A_1115 : vector<1x16xf32> to vector<16xf32>
        %get3A_1117 = arith.index_cast %scan3A_246 : i32 to index
        %get3A_1118 = arith.constant 992 : index
        %get3A_1119 = tpu.vector_load %arg13[%get3A_1117, %get3A_1118] {strides = array<i32>} : memref<8x1024xf32, #tpu.memory_space<vmem>>, vector<1x16xf32>,
        %get3A_1120 = vector.shape_cast %get3A_1119 : vector<1x16xf32> to vector<16xf32>
        %add3A_1121 = arith.addf %get3A_1116, %get3A_1120 : vector<16xf32>
        %swap3A_1122 = arith.index_cast %scan3A_246 : i32 to index
        %swap3A_1123 = arith.constant 992 : index
        %swap3A_1124 = tpu.vector_load %arg9[%swap3A_1122, %swap3A_1123] {strides = array<i32>} : memref<8x1024xf32, #tpu.memory_space<vmem>>, vector<1x16xf32>,
        %swap3A_1125 = vector.shape_cast %swap3A_1124 : vector<1x16xf32> to vector<16xf32>
        %swap3A_1126 = vector.shape_cast %add3A_1121 : vector<16xf32> to vector<1x16xf32>
        tpu.vector_store %arg9[%swap3A_1122, %swap3A_1123], %swap3A_1126 {strides = array<i32>} : memref<8x1024xf32, #tpu.memory_space<vmem>>, vector<1x16xf32>,
        %get3A_1127 = arith.index_cast %scan3A_246 : i32 to index
        %get3A_1128 = arith.constant 1008 : index
        %get3A_1129 = tpu.vector_load %arg9[%get3A_1127, %get3A_1128] {strides = array<i32>} : memref<8x1024xf32, #tpu.memory_space<vmem>>, vector<1x16xf32>,
        %get3A_1130 = vector.shape_cast %get3A_1129 : vector<1x16xf32> to vector<16xf32>
        %get3A_1131 = arith.index_cast %scan3A_246 : i32 to index
        %get3A_1132 = arith.constant 1008 : index
        %get3A_1133 = tpu.vector_load %arg13[%get3A_1131, %get3A_1132] {strides = array<i32>} : memref<8x1024xf32, #tpu.memory_space<vmem>>, vector<1x16xf32>,
        %get3A_1134 = vector.shape_cast %get3A_1133 : vector<1x16xf32> to vector<16xf32>
        %add3A_1135 = arith.addf %get3A_1130, %get3A_1134 : vector<16xf32>
        %swap3A_1136 = arith.index_cast %scan3A_246 : i32 to index
        %swap3A_1137 = arith.constant 1008 : index
        %swap3A_1138 = tpu.vector_load %arg9[%swap3A_1136, %swap3A_1137] {strides = array<i32>} : memref<8x1024xf32, #tpu.memory_space<vmem>>, vector<1x16xf32>,
        %swap3A_1139 = vector.shape_cast %swap3A_1138 : vector<1x16xf32> to vector<16xf32>
        %swap3A_1140 = vector.shape_cast %add3A_1135 : vector<16xf32> to vector<1x16xf32>
        tpu.vector_store %arg9[%swap3A_1136, %swap3A_1137], %swap3A_1140 {strides = array<i32>} : memref<8x1024xf32, #tpu.memory_space<vmem>>, vector<1x16xf32>,
      }
      %scan3A_154 = arith.constant 8 : i32
      %mul3A_155 = arith.constant 1024 : i32
      %mul3A_156 = arith.muli %add3A, %mul3A_155 : i32
      %mul3A_157 = arith.constant 8 : i32
      %mul3A_158 = arith.muli %add3A_126, %mul3A_157 : i32
      %add3A_159 = arith.addi %mul3A_156, %mul3A_158 : i32
      %dma_start3A_160 = arith.constant 0 : i32
      %dma_start3A_161 = tpu.memref_slice %arg5[%add3A_159, %dma_start3A_160] : memref<32768x1024xf32, #tpu.memory_space<hbm>> -> memref<8x1024xf32, #tpu.memory_space<hbm>>
      %dma_start3A_162 = arith.constant 0 : i32
      %dma_start3A_163 = tpu.memref_slice %arg5[%add3A_159, %dma_start3A_162] : memref<32768x1024xf32, #tpu.memory_space<hbm>> -> memref<8x1024xf32, #tpu.memory_space<hbm>>
      tpu.enqueue_dma source(%arg9 : memref<8x1024xf32, #tpu.memory_space<vmem>>) target(%dma_start3A_163 : memref<8x1024xf32, #tpu.memory_space<hbm>>) target_semaphore(%arg21 : memref<!tpu.dma_semaphore, #tpu.memory_space<semaphore_mem>>)
      %mul3A_164 = arith.constant 4 : i32
      %mul3A_165 = arith.muli %mul3A_164, %scan3A_84 : i32
      %add3A_166 = arith.constant 2 : i32
      %add3A_167 = arith.addi %mul3A_165, %add3A_166 : i32
      %ge3A_168 = arith.constant 1 : i32
      %ge3A_169 = arith.cmpi sge, %add3A_167, %ge3A_168 : i32
      %convert_element_type3A_170 = arith.extui %ge3A_169 : i1 to i32
      %cond3A_171 = arith.constant 0 : i32
      %cond3A_172 = arith.cmpi ne, %convert_element_type3A_170, %cond3A_171 : i32
      scf.if %cond3A_172 {
        %dma_wait3A_246 = arith.constant 0 : i32
        %dma_wait3A_247 = arith.constant 0 : i32
        %dma_wait3A_248 = tpu.memref_slice %arg5[%dma_wait3A_246, %dma_wait3A_247] : memref<32768x1024xf32, #tpu.memory_space<hbm>> -> memref<8x1024xf32, #tpu.memory_space<hbm>>
        %dma_wait3A_249 = arith.constant 0 : i32
        %dma_wait3A_250 = arith.constant 0 : i32
        %dma_wait3A_251 = tpu.memref_slice %arg5[%dma_wait3A_249, %dma_wait3A_250] : memref<32768x1024xf32, #tpu.memory_space<hbm>> -> memref<8x1024xf32, #tpu.memory_space<hbm>>
        tpu.wait_dma2 semaphore(%arg21 : memref<!tpu.dma_semaphore, #tpu.memory_space<semaphore_mem>>) src(%dma_wait3A_251 : memref<8x1024xf32, #tpu.memory_space<hbm>>) dst(%arg9 : memref<8x1024xf32, #tpu.memory_space<vmem>>)
      } else {
      }
      %lt3A_173 = arith.constant 125 : i32
      %lt3A_174 = arith.cmpi slt, %add3A_167, %lt3A_173 : i32
      %convert_element_type3A_175 = arith.extui %lt3A_174 : i1 to i32
      %cond3A_176 = arith.constant 0 : i32
      %cond3A_177 = arith.cmpi ne, %convert_element_type3A_175, %cond3A_176 : i32
      scf.if %cond3A_177 {
        %add3A_246 = arith.constant 3 : i32
        %add3A_247 = arith.addi %add3A_167, %add3A_246 : i32
        %mul3A_248 = arith.constant 8 : i32
        %mul3A_249 = arith.muli %add3A_247, %mul3A_248 : i32
        %dma_start3A_250 = tpu.memref_slice %arg6[%mul3A_249] : memref<1024xi32, #tpu.memory_space<vmem>> -> memref<8xi32, #tpu.memory_space<vmem>>
        %dma_start3A_251 = arith.constant 0 : i32
        %dma_start3A_252 = arith.constant 0 : i32
        %dma_start3A_253 = tpu.memref_slice %arg3[%dma_start3A_251, %dma_start3A_252] : memref<8192x1024xf32, #tpu.memory_space<hbm>> -> memref<8192x1024xf32, #tpu.memory_space<hbm>>
        tpu.enqueue_indirect_dma source(%dma_start3A_253 : memref<8192x1024xf32, #tpu.memory_space<hbm>>) target(%arg9 : memref<8x1024xf32, #tpu.memory_space<vmem>>) offsets(%dma_start3A_250 : memref<8xi32, #tpu.memory_space<vmem>>) semaphore(%arg17 : memref<!tpu.dma_semaphore, #tpu.memory_space<semaphore_mem>>)
        %mul3A_254 = arith.constant 8 : i32
        %mul3A_255 = arith.muli %add3A_247, %mul3A_254 : i32
        %dma_start3A_256 = tpu.memref_slice %arg7[%mul3A_255] : memref<1024xi32, #tpu.memory_space<vmem>> -> memref<8xi32, #tpu.memory_space<vmem>>
        %dma_start3A_257 = arith.constant 0 : i32
        %dma_start3A_258 = arith.constant 0 : i32
        %dma_start3A_259 = tpu.memref_slice %arg4[%dma_start3A_257, %dma_start3A_258] : memref<8192x1024xf32, #tpu.memory_space<hbm>> -> memref<8192x1024xf32, #tpu.memory_space<hbm>>
        tpu.enqueue_indirect_dma source(%dma_start3A_259 : memref<8192x1024xf32, #tpu.memory_space<hbm>>) target(%arg13 : memref<8x1024xf32, #tpu.memory_space<vmem>>) offsets(%dma_start3A_256 : memref<8xi32, #tpu.memory_space<vmem>>) semaphore(%arg17 : memref<!tpu.dma_semaphore, #tpu.memory_space<semaphore_mem>>)
      } else {
      }
      %dma_wait3A_178 = arith.constant 0 : i32
      %dma_wait3A_179 = arith.constant 0 : i32
      %dma_wait3A_180 = tpu.memref_slice %arg3[%dma_wait3A_178, %dma_wait3A_179] : memref<8192x1024xf32, #tpu.memory_space<hbm>> -> memref<8x1024xf32, #tpu.memory_space<hbm>>
      %dma_wait3A_181 = arith.constant 0 : i32
      %dma_wait3A_182 = arith.constant 0 : i32
      %dma_wait3A_183 = tpu.memref_slice %arg3[%dma_wait3A_181, %dma_wait3A_182] : memref<8192x1024xf32, #tpu.memory_space<hbm>> -> memref<8x1024xf32, #tpu.memory_space<hbm>>
      tpu.wait_dma2 semaphore(%arg18 : memref<!tpu.dma_semaphore, #tpu.memory_space<semaphore_mem>>) src(%dma_wait3A_183 : memref<8x1024xf32, #tpu.memory_space<hbm>>) dst(%arg10 : memref<8x1024xf32, #tpu.memory_space<vmem>>)
      %dma_wait3A_184 = arith.constant 0 : i32
      %dma_wait3A_185 = arith.constant 0 : i32
      %dma_wait3A_186 = tpu.memref_slice %arg4[%dma_wait3A_184, %dma_wait3A_185] : memref<8192x1024xf32, #tpu.memory_space<hbm>> -> memref<8x1024xf32, #tpu.memory_space<hbm>>
      %dma_wait3A_187 = arith.constant 0 : i32
      %dma_wait3A_188 = arith.constant 0 : i32
      %dma_wait3A_189 = tpu.memref_slice %arg4[%dma_wait3A_187, %dma_wait3A_188] : memref<8192x1024xf32, #tpu.memory_space<hbm>> -> memref<8x1024xf32, #tpu.memory_space<hbm>>
      tpu.wait_dma2 semaphore(%arg18 : memref<!tpu.dma_semaphore, #tpu.memory_space<semaphore_mem>>) src(%dma_wait3A_189 : memref<8x1024xf32, #tpu.memory_space<hbm>>) dst(%arg14 : memref<8x1024xf32, #tpu.memory_space<vmem>>)
      %scan3A_190 = arith.constant 0 : i32
      %scan3A_191 = arith.constant 0 : i32
      %scan3A_192 = arith.constant 8 : i32
      %scan3A_193 = arith.addi %scan3A_191, %scan3A_192 : i32
      %scan3A_194 = arith.constant 1 : i32
      scf.for %scan3A_246 = %scan3A_191 to %scan3A_193 step %scan3A_194  : i32 {
        %get3A = arith.index_cast %scan3A_246 : i32 to index
        %get3A_247 = arith.constant 0 : index
        %get3A_248 = tpu.vector_load %arg10[%get3A, %get3A_247] {strides = array<i32>} : memref<8x1024xf32, #tpu.memory_space<vmem>>, vector<1x16xf32>,
        %get3A_249 = vector.shape_cast %get3A_248 : vector<1x16xf32> to vector<16xf32>
        %get3A_250 = arith.index_cast %scan3A_246 : i32 to index
        %get3A_251 = arith.constant 0 : index
        %get3A_252 = tpu.vector_load %arg14[%get3A_250, %get3A_251] {strides = array<i32>} : memref<8x1024xf32, #tpu.memory_space<vmem>>, vector<1x16xf32>,
        %get3A_253 = vector.shape_cast %get3A_252 : vector<1x16xf32> to vector<16xf32>
        %add3A_254 = arith.addf %get3A_249, %get3A_253 : vector<16xf32>
        %swap3A = arith.index_cast %scan3A_246 : i32 to index
        %swap3A_255 = arith.constant 0 : index
        %swap3A_256 = tpu.vector_load %arg10[%swap3A, %swap3A_255] {strides = array<i32>} : memref<8x1024xf32, #tpu.memory_space<vmem>>, vector<1x16xf32>,
        %swap3A_257 = vector.shape_cast %swap3A_256 : vector<1x16xf32> to vector<16xf32>
        %swap3A_258 = vector.shape_cast %add3A_254 : vector<16xf32> to vector<1x16xf32>
        tpu.vector_store %arg10[%swap3A, %swap3A_255], %swap3A_258 {strides = array<i32>} : memref<8x1024xf32, #tpu.memory_space<vmem>>, vector<1x16xf32>,
        %get3A_259 = arith.index_cast %scan3A_246 : i32 to index
        %get3A_260 = arith.constant 16 : index
        %get3A_261 = tpu.vector_load %arg10[%get3A_259, %get3A_260] {strides = array<i32>} : memref<8x1024xf32, #tpu.memory_space<vmem>>, vector<1x16xf32>,
        %get3A_262 = vector.shape_cast %get3A_261 : vector<1x16xf32> to vector<16xf32>
        %get3A_263 = arith.index_cast %scan3A_246 : i32 to index
        %get3A_264 = arith.constant 16 : index
        %get3A_265 = tpu.vector_load %arg14[%get3A_263, %get3A_264] {strides = array<i32>} : memref<8x1024xf32, #tpu.memory_space<vmem>>, vector<1x16xf32>,
        %get3A_266 = vector.shape_cast %get3A_265 : vector<1x16xf32> to vector<16xf32>
        %add3A_267 = arith.addf %get3A_262, %get3A_266 : vector<16xf32>
        %swap3A_268 = arith.index_cast %scan3A_246 : i32 to index
        %swap3A_269 = arith.constant 16 : index
        %swap3A_270 = tpu.vector_load %arg10[%swap3A_268, %swap3A_269] {strides = array<i32>} : memref<8x1024xf32, #tpu.memory_space<vmem>>, vector<1x16xf32>,
        %swap3A_271 = vector.shape_cast %swap3A_270 : vector<1x16xf32> to vector<16xf32>
        %swap3A_272 = vector.shape_cast %add3A_267 : vector<16xf32> to vector<1x16xf32>
        tpu.vector_store %arg10[%swap3A_268, %swap3A_269], %swap3A_272 {strides = array<i32>} : memref<8x1024xf32, #tpu.memory_space<vmem>>, vector<1x16xf32>,
        %get3A_273 = arith.index_cast %scan3A_246 : i32 to index
        %get3A_274 = arith.constant 32 : index
        %get3A_275 = tpu.vector_load %arg10[%get3A_273, %get3A_274] {strides = array<i32>} : memref<8x1024xf32, #tpu.memory_space<vmem>>, vector<1x16xf32>,
        %get3A_276 = vector.shape_cast %get3A_275 : vector<1x16xf32> to vector<16xf32>
        %get3A_277 = arith.index_cast %scan3A_246 : i32 to index
        %get3A_278 = arith.constant 32 : index
        %get3A_279 = tpu.vector_load %arg14[%get3A_277, %get3A_278] {strides = array<i32>} : memref<8x1024xf32, #tpu.memory_space<vmem>>, vector<1x16xf32>,
        %get3A_280 = vector.shape_cast %get3A_279 : vector<1x16xf32> to vector<16xf32>
        %add3A_281 = arith.addf %get3A_276, %get3A_280 : vector<16xf32>
        %swap3A_282 = arith.index_cast %scan3A_246 : i32 to index
        %swap3A_283 = arith.constant 32 : index
        %swap3A_284 = tpu.vector_load %arg10[%swap3A_282, %swap3A_283] {strides = array<i32>} : memref<8x1024xf32, #tpu.memory_space<vmem>>, vector<1x16xf32>,
        %swap3A_285 = vector.shape_cast %swap3A_284 : vector<1x16xf32> to vector<16xf32>
        %swap3A_286 = vector.shape_cast %add3A_281 : vector<16xf32> to vector<1x16xf32>
        tpu.vector_store %arg10[%swap3A_282, %swap3A_283], %swap3A_286 {strides = array<i32>} : memref<8x1024xf32, #tpu.memory_space<vmem>>, vector<1x16xf32>,
        %get3A_287 = arith.index_cast %scan3A_246 : i32 to index
        %get3A_288 = arith.constant 48 : index
        %get3A_289 = tpu.vector_load %arg10[%get3A_287, %get3A_288] {strides = array<i32>} : memref<8x1024xf32, #tpu.memory_space<vmem>>, vector<1x16xf32>,
        %get3A_290 = vector.shape_cast %get3A_289 : vector<1x16xf32> to vector<16xf32>
        %get3A_291 = arith.index_cast %scan3A_246 : i32 to index
        %get3A_292 = arith.constant 48 : index
        %get3A_293 = tpu.vector_load %arg14[%get3A_291, %get3A_292] {strides = array<i32>} : memref<8x1024xf32, #tpu.memory_space<vmem>>, vector<1x16xf32>,
        %get3A_294 = vector.shape_cast %get3A_293 : vector<1x16xf32> to vector<16xf32>
        %add3A_295 = arith.addf %get3A_290, %get3A_294 : vector<16xf32>
        %swap3A_296 = arith.index_cast %scan3A_246 : i32 to index
        %swap3A_297 = arith.constant 48 : index
        %swap3A_298 = tpu.vector_load %arg10[%swap3A_296, %swap3A_297] {strides = array<i32>} : memref<8x1024xf32, #tpu.memory_space<vmem>>, vector<1x16xf32>,
        %swap3A_299 = vector.shape_cast %swap3A_298 : vector<1x16xf32> to vector<16xf32>
        %swap3A_300 = vector.shape_cast %add3A_295 : vector<16xf32> to vector<1x16xf32>
        tpu.vector_store %arg10[%swap3A_296, %swap3A_297], %swap3A_300 {strides = array<i32>} : memref<8x1024xf32, #tpu.memory_space<vmem>>, vector<1x16xf32>,
        %get3A_301 = arith.index_cast %scan3A_246 : i32 to index
        %get3A_302 = arith.constant 64 : index
        %get3A_303 = tpu.vector_load %arg10[%get3A_301, %get3A_302] {strides = array<i32>} : memref<8x1024xf32, #tpu.memory_space<vmem>>, vector<1x16xf32>,
        %get3A_304 = vector.shape_cast %get3A_303 : vector<1x16xf32> to vector<16xf32>
        %get3A_305 = arith.index_cast %scan3A_246 : i32 to index
        %get3A_306 = arith.constant 64 : index
        %get3A_307 = tpu.vector_load %arg14[%get3A_305, %get3A_306] {strides = array<i32>} : memref<8x1024xf32, #tpu.memory_space<vmem>>, vector<1x16xf32>,
        %get3A_308 = vector.shape_cast %get3A_307 : vector<1x16xf32> to vector<16xf32>
        %add3A_309 = arith.addf %get3A_304, %get3A_308 : vector<16xf32>
        %swap3A_310 = arith.index_cast %scan3A_246 : i32 to index
        %swap3A_311 = arith.constant 64 : index
        %swap3A_312 = tpu.vector_load %arg10[%swap3A_310, %swap3A_311] {strides = array<i32>} : memref<8x1024xf32, #tpu.memory_space<vmem>>, vector<1x16xf32>,
        %swap3A_313 = vector.shape_cast %swap3A_312 : vector<1x16xf32> to vector<16xf32>
        %swap3A_314 = vector.shape_cast %add3A_309 : vector<16xf32> to vector<1x16xf32>
        tpu.vector_store %arg10[%swap3A_310, %swap3A_311], %swap3A_314 {strides = array<i32>} : memref<8x1024xf32, #tpu.memory_space<vmem>>, vector<1x16xf32>,
        %get3A_315 = arith.index_cast %scan3A_246 : i32 to index
        %get3A_316 = arith.constant 80 : index
        %get3A_317 = tpu.vector_load %arg10[%get3A_315, %get3A_316] {strides = array<i32>} : memref<8x1024xf32, #tpu.memory_space<vmem>>, vector<1x16xf32>,
        %get3A_318 = vector.shape_cast %get3A_317 : vector<1x16xf32> to vector<16xf32>
        %get3A_319 = arith.index_cast %scan3A_246 : i32 to index
        %get3A_320 = arith.constant 80 : index
        %get3A_321 = tpu.vector_load %arg14[%get3A_319, %get3A_320] {strides = array<i32>} : memref<8x1024xf32, #tpu.memory_space<vmem>>, vector<1x16xf32>,
        %get3A_322 = vector.shape_cast %get3A_321 : vector<1x16xf32> to vector<16xf32>
        %add3A_323 = arith.addf %get3A_318, %get3A_322 : vector<16xf32>
        %swap3A_324 = arith.index_cast %scan3A_246 : i32 to index
        %swap3A_325 = arith.constant 80 : index
        %swap3A_326 = tpu.vector_load %arg10[%swap3A_324, %swap3A_325] {strides = array<i32>} : memref<8x1024xf32, #tpu.memory_space<vmem>>, vector<1x16xf32>,
        %swap3A_327 = vector.shape_cast %swap3A_326 : vector<1x16xf32> to vector<16xf32>
        %swap3A_328 = vector.shape_cast %add3A_323 : vector<16xf32> to vector<1x16xf32>
        tpu.vector_store %arg10[%swap3A_324, %swap3A_325], %swap3A_328 {strides = array<i32>} : memref<8x1024xf32, #tpu.memory_space<vmem>>, vector<1x16xf32>,
        %get3A_329 = arith.index_cast %scan3A_246 : i32 to index
        %get3A_330 = arith.constant 96 : index
        %get3A_331 = tpu.vector_load %arg10[%get3A_329, %get3A_330] {strides = array<i32>} : memref<8x1024xf32, #tpu.memory_space<vmem>>, vector<1x16xf32>,
        %get3A_332 = vector.shape_cast %get3A_331 : vector<1x16xf32> to vector<16xf32>
        %get3A_333 = arith.index_cast %scan3A_246 : i32 to index
        %get3A_334 = arith.constant 96 : index
        %get3A_335 = tpu.vector_load %arg14[%get3A_333, %get3A_334] {strides = array<i32>} : memref<8x1024xf32, #tpu.memory_space<vmem>>, vector<1x16xf32>,
        %get3A_336 = vector.shape_cast %get3A_335 : vector<1x16xf32> to vector<16xf32>
        %add3A_337 = arith.addf %get3A_332, %get3A_336 : vector<16xf32>
        %swap3A_338 = arith.index_cast %scan3A_246 : i32 to index
        %swap3A_339 = arith.constant 96 : index
        %swap3A_340 = tpu.vector_load %arg10[%swap3A_338, %swap3A_339] {strides = array<i32>} : memref<8x1024xf32, #tpu.memory_space<vmem>>, vector<1x16xf32>,
        %swap3A_341 = vector.shape_cast %swap3A_340 : vector<1x16xf32> to vector<16xf32>
        %swap3A_342 = vector.shape_cast %add3A_337 : vector<16xf32> to vector<1x16xf32>
        tpu.vector_store %arg10[%swap3A_338, %swap3A_339], %swap3A_342 {strides = array<i32>} : memref<8x1024xf32, #tpu.memory_space<vmem>>, vector<1x16xf32>,
        %get3A_343 = arith.index_cast %scan3A_246 : i32 to index
        %get3A_344 = arith.constant 112 : index
        %get3A_345 = tpu.vector_load %arg10[%get3A_343, %get3A_344] {strides = array<i32>} : memref<8x1024xf32, #tpu.memory_space<vmem>>, vector<1x16xf32>,
        %get3A_346 = vector.shape_cast %get3A_345 : vector<1x16xf32> to vector<16xf32>
        %get3A_347 = arith.index_cast %scan3A_246 : i32 to index
        %get3A_348 = arith.constant 112 : index
        %get3A_349 = tpu.vector_load %arg14[%get3A_347, %get3A_348] {strides = array<i32>} : memref<8x1024xf32, #tpu.memory_space<vmem>>, vector<1x16xf32>,
        %get3A_350 = vector.shape_cast %get3A_349 : vector<1x16xf32> to vector<16xf32>
        %add3A_351 = arith.addf %get3A_346, %get3A_350 : vector<16xf32>
        %swap3A_352 = arith.index_cast %scan3A_246 : i32 to index
        %swap3A_353 = arith.constant 112 : index
        %swap3A_354 = tpu.vector_load %arg10[%swap3A_352, %swap3A_353] {strides = array<i32>} : memref<8x1024xf32, #tpu.memory_space<vmem>>, vector<1x16xf32>,
        %swap3A_355 = vector.shape_cast %swap3A_354 : vector<1x16xf32> to vector<16xf32>
        %swap3A_356 = vector.shape_cast %add3A_351 : vector<16xf32> to vector<1x16xf32>
        tpu.vector_store %arg10[%swap3A_352, %swap3A_353], %swap3A_356 {strides = array<i32>} : memref<8x1024xf32, #tpu.memory_space<vmem>>, vector<1x16xf32>,
        %get3A_357 = arith.index_cast %scan3A_246 : i32 to index
        %get3A_358 = arith.constant 128 : index
        %get3A_359 = tpu.vector_load %arg10[%get3A_357, %get3A_358] {strides = array<i32>} : memref<8x1024xf32, #tpu.memory_space<vmem>>, vector<1x16xf32>,
        %get3A_360 = vector.shape_cast %get3A_359 : vector<1x16xf32> to vector<16xf32>
        %get3A_361 = arith.index_cast %scan3A_246 : i32 to index
        %get3A_362 = arith.constant 128 : index
        %get3A_363 = tpu.vector_load %arg14[%get3A_361, %get3A_362] {strides = array<i32>} : memref<8x1024xf32, #tpu.memory_space<vmem>>, vector<1x16xf32>,
        %get3A_364 = vector.shape_cast %get3A_363 : vector<1x16xf32> to vector<16xf32>
        %add3A_365 = arith.addf %get3A_360, %get3A_364 : vector<16xf32>
        %swap3A_366 = arith.index_cast %scan3A_246 : i32 to index
        %swap3A_367 = arith.constant 128 : index
        %swap3A_368 = tpu.vector_load %arg10[%swap3A_366, %swap3A_367] {strides = array<i32>} : memref<8x1024xf32, #tpu.memory_space<vmem>>, vector<1x16xf32>,
        %swap3A_369 = vector.shape_cast %swap3A_368 : vector<1x16xf32> to vector<16xf32>
        %swap3A_370 = vector.shape_cast %add3A_365 : vector<16xf32> to vector<1x16xf32>
        tpu.vector_store %arg10[%swap3A_366, %swap3A_367], %swap3A_370 {strides = array<i32>} : memref<8x1024xf32, #tpu.memory_space<vmem>>, vector<1x16xf32>,
        %get3A_371 = arith.index_cast %scan3A_246 : i32 to index
        %get3A_372 = arith.constant 144 : index
        %get3A_373 = tpu.vector_load %arg10[%get3A_371, %get3A_372] {strides = array<i32>} : memref<8x1024xf32, #tpu.memory_space<vmem>>, vector<1x16xf32>,
        %get3A_374 = vector.shape_cast %get3A_373 : vector<1x16xf32> to vector<16xf32>
        %get3A_375 = arith.index_cast %scan3A_246 : i32 to index
        %get3A_376 = arith.constant 144 : index
        %get3A_377 = tpu.vector_load %arg14[%get3A_375, %get3A_376] {strides = array<i32>} : memref<8x1024xf32, #tpu.memory_space<vmem>>, vector<1x16xf32>,
        %get3A_378 = vector.shape_cast %get3A_377 : vector<1x16xf32> to vector<16xf32>
        %add3A_379 = arith.addf %get3A_374, %get3A_378 : vector<16xf32>
        %swap3A_380 = arith.index_cast %scan3A_246 : i32 to index
        %swap3A_381 = arith.constant 144 : index
        %swap3A_382 = tpu.vector_load %arg10[%swap3A_380, %swap3A_381] {strides = array<i32>} : memref<8x1024xf32, #tpu.memory_space<vmem>>, vector<1x16xf32>,
        %swap3A_383 = vector.shape_cast %swap3A_382 : vector<1x16xf32> to vector<16xf32>
        %swap3A_384 = vector.shape_cast %add3A_379 : vector<16xf32> to vector<1x16xf32>
        tpu.vector_store %arg10[%swap3A_380, %swap3A_381], %swap3A_384 {strides = array<i32>} : memref<8x1024xf32, #tpu.memory_space<vmem>>, vector<1x16xf32>,
        %get3A_385 = arith.index_cast %scan3A_246 : i32 to index
        %get3A_386 = arith.constant 160 : index
        %get3A_387 = tpu.vector_load %arg10[%get3A_385, %get3A_386] {strides = array<i32>} : memref<8x1024xf32, #tpu.memory_space<vmem>>, vector<1x16xf32>,
        %get3A_388 = vector.shape_cast %get3A_387 : vector<1x16xf32> to vector<16xf32>
        %get3A_389 = arith.index_cast %scan3A_246 : i32 to index
        %get3A_390 = arith.constant 160 : index
        %get3A_391 = tpu.vector_load %arg14[%get3A_389, %get3A_390] {strides = array<i32>} : memref<8x1024xf32, #tpu.memory_space<vmem>>, vector<1x16xf32>,
        %get3A_392 = vector.shape_cast %get3A_391 : vector<1x16xf32> to vector<16xf32>
        %add3A_393 = arith.addf %get3A_388, %get3A_392 : vector<16xf32>
        %swap3A_394 = arith.index_cast %scan3A_246 : i32 to index
        %swap3A_395 = arith.constant 160 : index
        %swap3A_396 = tpu.vector_load %arg10[%swap3A_394, %swap3A_395] {strides = array<i32>} : memref<8x1024xf32, #tpu.memory_space<vmem>>, vector<1x16xf32>,
        %swap3A_397 = vector.shape_cast %swap3A_396 : vector<1x16xf32> to vector<16xf32>
        %swap3A_398 = vector.shape_cast %add3A_393 : vector<16xf32> to vector<1x16xf32>
        tpu.vector_store %arg10[%swap3A_394, %swap3A_395], %swap3A_398 {strides = array<i32>} : memref<8x1024xf32, #tpu.memory_space<vmem>>, vector<1x16xf32>,
        %get3A_399 = arith.index_cast %scan3A_246 : i32 to index
        %get3A_400 = arith.constant 176 : index
        %get3A_401 = tpu.vector_load %arg10[%get3A_399, %get3A_400] {strides = array<i32>} : memref<8x1024xf32, #tpu.memory_space<vmem>>, vector<1x16xf32>,
        %get3A_402 = vector.shape_cast %get3A_401 : vector<1x16xf32> to vector<16xf32>
        %get3A_403 = arith.index_cast %scan3A_246 : i32 to index
        %get3A_404 = arith.constant 176 : index
        %get3A_405 = tpu.vector_load %arg14[%get3A_403, %get3A_404] {strides = array<i32>} : memref<8x1024xf32, #tpu.memory_space<vmem>>, vector<1x16xf32>,
        %get3A_406 = vector.shape_cast %get3A_405 : vector<1x16xf32> to vector<16xf32>
        %add3A_407 = arith.addf %get3A_402, %get3A_406 : vector<16xf32>
        %swap3A_408 = arith.index_cast %scan3A_246 : i32 to index
        %swap3A_409 = arith.constant 176 : index
        %swap3A_410 = tpu.vector_load %arg10[%swap3A_408, %swap3A_409] {strides = array<i32>} : memref<8x1024xf32, #tpu.memory_space<vmem>>, vector<1x16xf32>,
        %swap3A_411 = vector.shape_cast %swap3A_410 : vector<1x16xf32> to vector<16xf32>
        %swap3A_412 = vector.shape_cast %add3A_407 : vector<16xf32> to vector<1x16xf32>
        tpu.vector_store %arg10[%swap3A_408, %swap3A_409], %swap3A_412 {strides = array<i32>} : memref<8x1024xf32, #tpu.memory_space<vmem>>, vector<1x16xf32>,
        %get3A_413 = arith.index_cast %scan3A_246 : i32 to index
        %get3A_414 = arith.constant 192 : index
        %get3A_415 = tpu.vector_load %arg10[%get3A_413, %get3A_414] {strides = array<i32>} : memref<8x1024xf32, #tpu.memory_space<vmem>>, vector<1x16xf32>,
        %get3A_416 = vector.shape_cast %get3A_415 : vector<1x16xf32> to vector<16xf32>
        %get3A_417 = arith.index_cast %scan3A_246 : i32 to index
        %get3A_418 = arith.constant 192 : index
        %get3A_419 = tpu.vector_load %arg14[%get3A_417, %get3A_418] {strides = array<i32>} : memref<8x1024xf32, #tpu.memory_space<vmem>>, vector<1x16xf32>,
        %get3A_420 = vector.shape_cast %get3A_419 : vector<1x16xf32> to vector<16xf32>
        %add3A_421 = arith.addf %get3A_416, %get3A_420 : vector<16xf32>
        %swap3A_422 = arith.index_cast %scan3A_246 : i32 to index
        %swap3A_423 = arith.constant 192 : index
        %swap3A_424 = tpu.vector_load %arg10[%swap3A_422, %swap3A_423] {strides = array<i32>} : memref<8x1024xf32, #tpu.memory_space<vmem>>, vector<1x16xf32>,
        %swap3A_425 = vector.shape_cast %swap3A_424 : vector<1x16xf32> to vector<16xf32>
        %swap3A_426 = vector.shape_cast %add3A_421 : vector<16xf32> to vector<1x16xf32>
        tpu.vector_store %arg10[%swap3A_422, %swap3A_423], %swap3A_426 {strides = array<i32>} : memref<8x1024xf32, #tpu.memory_space<vmem>>, vector<1x16xf32>,
        %get3A_427 = arith.index_cast %scan3A_246 : i32 to index
        %get3A_428 = arith.constant 208 : index
        %get3A_429 = tpu.vector_load %arg10[%get3A_427, %get3A_428] {strides = array<i32>} : memref<8x1024xf32, #tpu.memory_space<vmem>>, vector<1x16xf32>,
        %get3A_430 = vector.shape_cast %get3A_429 : vector<1x16xf32> to vector<16xf32>
        %get3A_431 = arith.index_cast %scan3A_246 : i32 to index
        %get3A_432 = arith.constant 208 : index
        %get3A_433 = tpu.vector_load %arg14[%get3A_431, %get3A_432] {strides = array<i32>} : memref<8x1024xf32, #tpu.memory_space<vmem>>, vector<1x16xf32>,
        %get3A_434 = vector.shape_cast %get3A_433 : vector<1x16xf32> to vector<16xf32>
        %add3A_435 = arith.addf %get3A_430, %get3A_434 : vector<16xf32>
        %swap3A_436 = arith.index_cast %scan3A_246 : i32 to index
        %swap3A_437 = arith.constant 208 : index
        %swap3A_438 = tpu.vector_load %arg10[%swap3A_436, %swap3A_437] {strides = array<i32>} : memref<8x1024xf32, #tpu.memory_space<vmem>>, vector<1x16xf32>,
        %swap3A_439 = vector.shape_cast %swap3A_438 : vector<1x16xf32> to vector<16xf32>
        %swap3A_440 = vector.shape_cast %add3A_435 : vector<16xf32> to vector<1x16xf32>
        tpu.vector_store %arg10[%swap3A_436, %swap3A_437], %swap3A_440 {strides = array<i32>} : memref<8x1024xf32, #tpu.memory_space<vmem>>, vector<1x16xf32>,
        %get3A_441 = arith.index_cast %scan3A_246 : i32 to index
        %get3A_442 = arith.constant 224 : index
        %get3A_443 = tpu.vector_load %arg10[%get3A_441, %get3A_442] {strides = array<i32>} : memref<8x1024xf32, #tpu.memory_space<vmem>>, vector<1x16xf32>,
        %get3A_444 = vector.shape_cast %get3A_443 : vector<1x16xf32> to vector<16xf32>
        %get3A_445 = arith.index_cast %scan3A_246 : i32 to index
        %get3A_446 = arith.constant 224 : index
        %get3A_447 = tpu.vector_load %arg14[%get3A_445, %get3A_446] {strides = array<i32>} : memref<8x1024xf32, #tpu.memory_space<vmem>>, vector<1x16xf32>,
        %get3A_448 = vector.shape_cast %get3A_447 : vector<1x16xf32> to vector<16xf32>
        %add3A_449 = arith.addf %get3A_444, %get3A_448 : vector<16xf32>
        %swap3A_450 = arith.index_cast %scan3A_246 : i32 to index
        %swap3A_451 = arith.constant 224 : index
        %swap3A_452 = tpu.vector_load %arg10[%swap3A_450, %swap3A_451] {strides = array<i32>} : memref<8x1024xf32, #tpu.memory_space<vmem>>, vector<1x16xf32>,
        %swap3A_453 = vector.shape_cast %swap3A_452 : vector<1x16xf32> to vector<16xf32>
        %swap3A_454 = vector.shape_cast %add3A_449 : vector<16xf32> to vector<1x16xf32>
        tpu.vector_store %arg10[%swap3A_450, %swap3A_451], %swap3A_454 {strides = array<i32>} : memref<8x1024xf32, #tpu.memory_space<vmem>>, vector<1x16xf32>,
        %get3A_455 = arith.index_cast %scan3A_246 : i32 to index
        %get3A_456 = arith.constant 240 : index
        %get3A_457 = tpu.vector_load %arg10[%get3A_455, %get3A_456] {strides = array<i32>} : memref<8x1024xf32, #tpu.memory_space<vmem>>, vector<1x16xf32>,
        %get3A_458 = vector.shape_cast %get3A_457 : vector<1x16xf32> to vector<16xf32>
        %get3A_459 = arith.index_cast %scan3A_246 : i32 to index
        %get3A_460 = arith.constant 240 : index
        %get3A_461 = tpu.vector_load %arg14[%get3A_459, %get3A_460] {strides = array<i32>} : memref<8x1024xf32, #tpu.memory_space<vmem>>, vector<1x16xf32>,
        %get3A_462 = vector.shape_cast %get3A_461 : vector<1x16xf32> to vector<16xf32>
        %add3A_463 = arith.addf %get3A_458, %get3A_462 : vector<16xf32>
        %swap3A_464 = arith.index_cast %scan3A_246 : i32 to index
        %swap3A_465 = arith.constant 240 : index
        %swap3A_466 = tpu.vector_load %arg10[%swap3A_464, %swap3A_465] {strides = array<i32>} : memref<8x1024xf32, #tpu.memory_space<vmem>>, vector<1x16xf32>,
        %swap3A_467 = vector.shape_cast %swap3A_466 : vector<1x16xf32> to vector<16xf32>
        %swap3A_468 = vector.shape_cast %add3A_463 : vector<16xf32> to vector<1x16xf32>
        tpu.vector_store %arg10[%swap3A_464, %swap3A_465], %swap3A_468 {strides = array<i32>} : memref<8x1024xf32, #tpu.memory_space<vmem>>, vector<1x16xf32>,
        %get3A_469 = arith.index_cast %scan3A_246 : i32 to index
        %get3A_470 = arith.constant 256 : index
        %get3A_471 = tpu.vector_load %arg10[%get3A_469, %get3A_470] {strides = array<i32>} : memref<8x1024xf32, #tpu.memory_space<vmem>>, vector<1x16xf32>,
        %get3A_472 = vector.shape_cast %get3A_471 : vector<1x16xf32> to vector<16xf32>
        %get3A_473 = arith.index_cast %scan3A_246 : i32 to index
        %get3A_474 = arith.constant 256 : index
        %get3A_475 = tpu.vector_load %arg14[%get3A_473, %get3A_474] {strides = array<i32>} : memref<8x1024xf32, #tpu.memory_space<vmem>>, vector<1x16xf32>,
        %get3A_476 = vector.shape_cast %get3A_475 : vector<1x16xf32> to vector<16xf32>
        %add3A_477 = arith.addf %get3A_472, %get3A_476 : vector<16xf32>
        %swap3A_478 = arith.index_cast %scan3A_246 : i32 to index
        %swap3A_479 = arith.constant 256 : index
        %swap3A_480 = tpu.vector_load %arg10[%swap3A_478, %swap3A_479] {strides = array<i32>} : memref<8x1024xf32, #tpu.memory_space<vmem>>, vector<1x16xf32>,
        %swap3A_481 = vector.shape_cast %swap3A_480 : vector<1x16xf32> to vector<16xf32>
        %swap3A_482 = vector.shape_cast %add3A_477 : vector<16xf32> to vector<1x16xf32>
        tpu.vector_store %arg10[%swap3A_478, %swap3A_479], %swap3A_482 {strides = array<i32>} : memref<8x1024xf32, #tpu.memory_space<vmem>>, vector<1x16xf32>,
        %get3A_483 = arith.index_cast %scan3A_246 : i32 to index
        %get3A_484 = arith.constant 272 : index
        %get3A_485 = tpu.vector_load %arg10[%get3A_483, %get3A_484] {strides = array<i32>} : memref<8x1024xf32, #tpu.memory_space<vmem>>, vector<1x16xf32>,
        %get3A_486 = vector.shape_cast %get3A_485 : vector<1x16xf32> to vector<16xf32>
        %get3A_487 = arith.index_cast %scan3A_246 : i32 to index
        %get3A_488 = arith.constant 272 : index
        %get3A_489 = tpu.vector_load %arg14[%get3A_487, %get3A_488] {strides = array<i32>} : memref<8x1024xf32, #tpu.memory_space<vmem>>, vector<1x16xf32>,
        %get3A_490 = vector.shape_cast %get3A_489 : vector<1x16xf32> to vector<16xf32>
        %add3A_491 = arith.addf %get3A_486, %get3A_490 : vector<16xf32>
        %swap3A_492 = arith.index_cast %scan3A_246 : i32 to index
        %swap3A_493 = arith.constant 272 : index
        %swap3A_494 = tpu.vector_load %arg10[%swap3A_492, %swap3A_493] {strides = array<i32>} : memref<8x1024xf32, #tpu.memory_space<vmem>>, vector<1x16xf32>,
        %swap3A_495 = vector.shape_cast %swap3A_494 : vector<1x16xf32> to vector<16xf32>
        %swap3A_496 = vector.shape_cast %add3A_491 : vector<16xf32> to vector<1x16xf32>
        tpu.vector_store %arg10[%swap3A_492, %swap3A_493], %swap3A_496 {strides = array<i32>} : memref<8x1024xf32, #tpu.memory_space<vmem>>, vector<1x16xf32>,
        %get3A_497 = arith.index_cast %scan3A_246 : i32 to index
        %get3A_498 = arith.constant 288 : index
        %get3A_499 = tpu.vector_load %arg10[%get3A_497, %get3A_498] {strides = array<i32>} : memref<8x1024xf32, #tpu.memory_space<vmem>>, vector<1x16xf32>,
        %get3A_500 = vector.shape_cast %get3A_499 : vector<1x16xf32> to vector<16xf32>
        %get3A_501 = arith.index_cast %scan3A_246 : i32 to index
        %get3A_502 = arith.constant 288 : index
        %get3A_503 = tpu.vector_load %arg14[%get3A_501, %get3A_502] {strides = array<i32>} : memref<8x1024xf32, #tpu.memory_space<vmem>>, vector<1x16xf32>,
        %get3A_504 = vector.shape_cast %get3A_503 : vector<1x16xf32> to vector<16xf32>
        %add3A_505 = arith.addf %get3A_500, %get3A_504 : vector<16xf32>
        %swap3A_506 = arith.index_cast %scan3A_246 : i32 to index
        %swap3A_507 = arith.constant 288 : index
        %swap3A_508 = tpu.vector_load %arg10[%swap3A_506, %swap3A_507] {strides = array<i32>} : memref<8x1024xf32, #tpu.memory_space<vmem>>, vector<1x16xf32>,
        %swap3A_509 = vector.shape_cast %swap3A_508 : vector<1x16xf32> to vector<16xf32>
        %swap3A_510 = vector.shape_cast %add3A_505 : vector<16xf32> to vector<1x16xf32>
        tpu.vector_store %arg10[%swap3A_506, %swap3A_507], %swap3A_510 {strides = array<i32>} : memref<8x1024xf32, #tpu.memory_space<vmem>>, vector<1x16xf32>,
        %get3A_511 = arith.index_cast %scan3A_246 : i32 to index
        %get3A_512 = arith.constant 304 : index
        %get3A_513 = tpu.vector_load %arg10[%get3A_511, %get3A_512] {strides = array<i32>} : memref<8x1024xf32, #tpu.memory_space<vmem>>, vector<1x16xf32>,
        %get3A_514 = vector.shape_cast %get3A_513 : vector<1x16xf32> to vector<16xf32>
        %get3A_515 = arith.index_cast %scan3A_246 : i32 to index
        %get3A_516 = arith.constant 304 : index
        %get3A_517 = tpu.vector_load %arg14[%get3A_515, %get3A_516] {strides = array<i32>} : memref<8x1024xf32, #tpu.memory_space<vmem>>, vector<1x16xf32>,
        %get3A_518 = vector.shape_cast %get3A_517 : vector<1x16xf32> to vector<16xf32>
        %add3A_519 = arith.addf %get3A_514, %get3A_518 : vector<16xf32>
        %swap3A_520 = arith.index_cast %scan3A_246 : i32 to index
        %swap3A_521 = arith.constant 304 : index
        %swap3A_522 = tpu.vector_load %arg10[%swap3A_520, %swap3A_521] {strides = array<i32>} : memref<8x1024xf32, #tpu.memory_space<vmem>>, vector<1x16xf32>,
        %swap3A_523 = vector.shape_cast %swap3A_522 : vector<1x16xf32> to vector<16xf32>
        %swap3A_524 = vector.shape_cast %add3A_519 : vector<16xf32> to vector<1x16xf32>
        tpu.vector_store %arg10[%swap3A_520, %swap3A_521], %swap3A_524 {strides = array<i32>} : memref<8x1024xf32, #tpu.memory_space<vmem>>, vector<1x16xf32>,
        %get3A_525 = arith.index_cast %scan3A_246 : i32 to index
        %get3A_526 = arith.constant 320 : index
        %get3A_527 = tpu.vector_load %arg10[%get3A_525, %get3A_526] {strides = array<i32>} : memref<8x1024xf32, #tpu.memory_space<vmem>>, vector<1x16xf32>,
        %get3A_528 = vector.shape_cast %get3A_527 : vector<1x16xf32> to vector<16xf32>
        %get3A_529 = arith.index_cast %scan3A_246 : i32 to index
        %get3A_530 = arith.constant 320 : index
        %get3A_531 = tpu.vector_load %arg14[%get3A_529, %get3A_530] {strides = array<i32>} : memref<8x1024xf32, #tpu.memory_space<vmem>>, vector<1x16xf32>,
        %get3A_532 = vector.shape_cast %get3A_531 : vector<1x16xf32> to vector<16xf32>
        %add3A_533 = arith.addf %get3A_528, %get3A_532 : vector<16xf32>
        %swap3A_534 = arith.index_cast %scan3A_246 : i32 to index
        %swap3A_535 = arith.constant 320 : index
        %swap3A_536 = tpu.vector_load %arg10[%swap3A_534, %swap3A_535] {strides = array<i32>} : memref<8x1024xf32, #tpu.memory_space<vmem>>, vector<1x16xf32>,
        %swap3A_537 = vector.shape_cast %swap3A_536 : vector<1x16xf32> to vector<16xf32>
        %swap3A_538 = vector.shape_cast %add3A_533 : vector<16xf32> to vector<1x16xf32>
        tpu.vector_store %arg10[%swap3A_534, %swap3A_535], %swap3A_538 {strides = array<i32>} : memref<8x1024xf32, #tpu.memory_space<vmem>>, vector<1x16xf32>,
        %get3A_539 = arith.index_cast %scan3A_246 : i32 to index
        %get3A_540 = arith.constant 336 : index
        %get3A_541 = tpu.vector_load %arg10[%get3A_539, %get3A_540] {strides = array<i32>} : memref<8x1024xf32, #tpu.memory_space<vmem>>, vector<1x16xf32>,
        %get3A_542 = vector.shape_cast %get3A_541 : vector<1x16xf32> to vector<16xf32>
        %get3A_543 = arith.index_cast %scan3A_246 : i32 to index
        %get3A_544 = arith.constant 336 : index
        %get3A_545 = tpu.vector_load %arg14[%get3A_543, %get3A_544] {strides = array<i32>} : memref<8x1024xf32, #tpu.memory_space<vmem>>, vector<1x16xf32>,
        %get3A_546 = vector.shape_cast %get3A_545 : vector<1x16xf32> to vector<16xf32>
        %add3A_547 = arith.addf %get3A_542, %get3A_546 : vector<16xf32>
        %swap3A_548 = arith.index_cast %scan3A_246 : i32 to index
        %swap3A_549 = arith.constant 336 : index
        %swap3A_550 = tpu.vector_load %arg10[%swap3A_548, %swap3A_549] {strides = array<i32>} : memref<8x1024xf32, #tpu.memory_space<vmem>>, vector<1x16xf32>,
        %swap3A_551 = vector.shape_cast %swap3A_550 : vector<1x16xf32> to vector<16xf32>
        %swap3A_552 = vector.shape_cast %add3A_547 : vector<16xf32> to vector<1x16xf32>
        tpu.vector_store %arg10[%swap3A_548, %swap3A_549], %swap3A_552 {strides = array<i32>} : memref<8x1024xf32, #tpu.memory_space<vmem>>, vector<1x16xf32>,
        %get3A_553 = arith.index_cast %scan3A_246 : i32 to index
        %get3A_554 = arith.constant 352 : index
        %get3A_555 = tpu.vector_load %arg10[%get3A_553, %get3A_554] {strides = array<i32>} : memref<8x1024xf32, #tpu.memory_space<vmem>>, vector<1x16xf32>,
        %get3A_556 = vector.shape_cast %get3A_555 : vector<1x16xf32> to vector<16xf32>
        %get3A_557 = arith.index_cast %scan3A_246 : i32 to index
        %get3A_558 = arith.constant 352 : index
        %get3A_559 = tpu.vector_load %arg14[%get3A_557, %get3A_558] {strides = array<i32>} : memref<8x1024xf32, #tpu.memory_space<vmem>>, vector<1x16xf32>,
        %get3A_560 = vector.shape_cast %get3A_559 : vector<1x16xf32> to vector<16xf32>
        %add3A_561 = arith.addf %get3A_556, %get3A_560 : vector<16xf32>
        %swap3A_562 = arith.index_cast %scan3A_246 : i32 to index
        %swap3A_563 = arith.constant 352 : index
        %swap3A_564 = tpu.vector_load %arg10[%swap3A_562, %swap3A_563] {strides = array<i32>} : memref<8x1024xf32, #tpu.memory_space<vmem>>, vector<1x16xf32>,
        %swap3A_565 = vector.shape_cast %swap3A_564 : vector<1x16xf32> to vector<16xf32>
        %swap3A_566 = vector.shape_cast %add3A_561 : vector<16xf32> to vector<1x16xf32>
        tpu.vector_store %arg10[%swap3A_562, %swap3A_563], %swap3A_566 {strides = array<i32>} : memref<8x1024xf32, #tpu.memory_space<vmem>>, vector<1x16xf32>,
        %get3A_567 = arith.index_cast %scan3A_246 : i32 to index
        %get3A_568 = arith.constant 368 : index
        %get3A_569 = tpu.vector_load %arg10[%get3A_567, %get3A_568] {strides = array<i32>} : memref<8x1024xf32, #tpu.memory_space<vmem>>, vector<1x16xf32>,
        %get3A_570 = vector.shape_cast %get3A_569 : vector<1x16xf32> to vector<16xf32>
        %get3A_571 = arith.index_cast %scan3A_246 : i32 to index
        %get3A_572 = arith.constant 368 : index
        %get3A_573 = tpu.vector_load %arg14[%get3A_571, %get3A_572] {strides = array<i32>} : memref<8x1024xf32, #tpu.memory_space<vmem>>, vector<1x16xf32>,
        %get3A_574 = vector.shape_cast %get3A_573 : vector<1x16xf32> to vector<16xf32>
        %add3A_575 = arith.addf %get3A_570, %get3A_574 : vector<16xf32>
        %swap3A_576 = arith.index_cast %scan3A_246 : i32 to index
        %swap3A_577 = arith.constant 368 : index
        %swap3A_578 = tpu.vector_load %arg10[%swap3A_576, %swap3A_577] {strides = array<i32>} : memref<8x1024xf32, #tpu.memory_space<vmem>>, vector<1x16xf32>,
        %swap3A_579 = vector.shape_cast %swap3A_578 : vector<1x16xf32> to vector<16xf32>
        %swap3A_580 = vector.shape_cast %add3A_575 : vector<16xf32> to vector<1x16xf32>
        tpu.vector_store %arg10[%swap3A_576, %swap3A_577], %swap3A_580 {strides = array<i32>} : memref<8x1024xf32, #tpu.memory_space<vmem>>, vector<1x16xf32>,
        %get3A_581 = arith.index_cast %scan3A_246 : i32 to index
        %get3A_582 = arith.constant 384 : index
        %get3A_583 = tpu.vector_load %arg10[%get3A_581, %get3A_582] {strides = array<i32>} : memref<8x1024xf32, #tpu.memory_space<vmem>>, vector<1x16xf32>,
        %get3A_584 = vector.shape_cast %get3A_583 : vector<1x16xf32> to vector<16xf32>
        %get3A_585 = arith.index_cast %scan3A_246 : i32 to index
        %get3A_586 = arith.constant 384 : index
        %get3A_587 = tpu.vector_load %arg14[%get3A_585, %get3A_586] {strides = array<i32>} : memref<8x1024xf32, #tpu.memory_space<vmem>>, vector<1x16xf32>,
        %get3A_588 = vector.shape_cast %get3A_587 : vector<1x16xf32> to vector<16xf32>
        %add3A_589 = arith.addf %get3A_584, %get3A_588 : vector<16xf32>
        %swap3A_590 = arith.index_cast %scan3A_246 : i32 to index
        %swap3A_591 = arith.constant 384 : index
        %swap3A_592 = tpu.vector_load %arg10[%swap3A_590, %swap3A_591] {strides = array<i32>} : memref<8x1024xf32, #tpu.memory_space<vmem>>, vector<1x16xf32>,
        %swap3A_593 = vector.shape_cast %swap3A_592 : vector<1x16xf32> to vector<16xf32>
        %swap3A_594 = vector.shape_cast %add3A_589 : vector<16xf32> to vector<1x16xf32>
        tpu.vector_store %arg10[%swap3A_590, %swap3A_591], %swap3A_594 {strides = array<i32>} : memref<8x1024xf32, #tpu.memory_space<vmem>>, vector<1x16xf32>,
        %get3A_595 = arith.index_cast %scan3A_246 : i32 to index
        %get3A_596 = arith.constant 400 : index
        %get3A_597 = tpu.vector_load %arg10[%get3A_595, %get3A_596] {strides = array<i32>} : memref<8x1024xf32, #tpu.memory_space<vmem>>, vector<1x16xf32>,
        %get3A_598 = vector.shape_cast %get3A_597 : vector<1x16xf32> to vector<16xf32>
        %get3A_599 = arith.index_cast %scan3A_246 : i32 to index
        %get3A_600 = arith.constant 400 : index
        %get3A_601 = tpu.vector_load %arg14[%get3A_599, %get3A_600] {strides = array<i32>} : memref<8x1024xf32, #tpu.memory_space<vmem>>, vector<1x16xf32>,
        %get3A_602 = vector.shape_cast %get3A_601 : vector<1x16xf32> to vector<16xf32>
        %add3A_603 = arith.addf %get3A_598, %get3A_602 : vector<16xf32>
        %swap3A_604 = arith.index_cast %scan3A_246 : i32 to index
        %swap3A_605 = arith.constant 400 : index
        %swap3A_606 = tpu.vector_load %arg10[%swap3A_604, %swap3A_605] {strides = array<i32>} : memref<8x1024xf32, #tpu.memory_space<vmem>>, vector<1x16xf32>,
        %swap3A_607 = vector.shape_cast %swap3A_606 : vector<1x16xf32> to vector<16xf32>
        %swap3A_608 = vector.shape_cast %add3A_603 : vector<16xf32> to vector<1x16xf32>
        tpu.vector_store %arg10[%swap3A_604, %swap3A_605], %swap3A_608 {strides = array<i32>} : memref<8x1024xf32, #tpu.memory_space<vmem>>, vector<1x16xf32>,
        %get3A_609 = arith.index_cast %scan3A_246 : i32 to index
        %get3A_610 = arith.constant 416 : index
        %get3A_611 = tpu.vector_load %arg10[%get3A_609, %get3A_610] {strides = array<i32>} : memref<8x1024xf32, #tpu.memory_space<vmem>>, vector<1x16xf32>,
        %get3A_612 = vector.shape_cast %get3A_611 : vector<1x16xf32> to vector<16xf32>
        %get3A_613 = arith.index_cast %scan3A_246 : i32 to index
        %get3A_614 = arith.constant 416 : index
        %get3A_615 = tpu.vector_load %arg14[%get3A_613, %get3A_614] {strides = array<i32>} : memref<8x1024xf32, #tpu.memory_space<vmem>>, vector<1x16xf32>,
        %get3A_616 = vector.shape_cast %get3A_615 : vector<1x16xf32> to vector<16xf32>
        %add3A_617 = arith.addf %get3A_612, %get3A_616 : vector<16xf32>
        %swap3A_618 = arith.index_cast %scan3A_246 : i32 to index
        %swap3A_619 = arith.constant 416 : index
        %swap3A_620 = tpu.vector_load %arg10[%swap3A_618, %swap3A_619] {strides = array<i32>} : memref<8x1024xf32, #tpu.memory_space<vmem>>, vector<1x16xf32>,
        %swap3A_621 = vector.shape_cast %swap3A_620 : vector<1x16xf32> to vector<16xf32>
        %swap3A_622 = vector.shape_cast %add3A_617 : vector<16xf32> to vector<1x16xf32>
        tpu.vector_store %arg10[%swap3A_618, %swap3A_619], %swap3A_622 {strides = array<i32>} : memref<8x1024xf32, #tpu.memory_space<vmem>>, vector<1x16xf32>,
        %get3A_623 = arith.index_cast %scan3A_246 : i32 to index
        %get3A_624 = arith.constant 432 : index
        %get3A_625 = tpu.vector_load %arg10[%get3A_623, %get3A_624] {strides = array<i32>} : memref<8x1024xf32, #tpu.memory_space<vmem>>, vector<1x16xf32>,
        %get3A_626 = vector.shape_cast %get3A_625 : vector<1x16xf32> to vector<16xf32>
        %get3A_627 = arith.index_cast %scan3A_246 : i32 to index
        %get3A_628 = arith.constant 432 : index
        %get3A_629 = tpu.vector_load %arg14[%get3A_627, %get3A_628] {strides = array<i32>} : memref<8x1024xf32, #tpu.memory_space<vmem>>, vector<1x16xf32>,
        %get3A_630 = vector.shape_cast %get3A_629 : vector<1x16xf32> to vector<16xf32>
        %add3A_631 = arith.addf %get3A_626, %get3A_630 : vector<16xf32>
        %swap3A_632 = arith.index_cast %scan3A_246 : i32 to index
        %swap3A_633 = arith.constant 432 : index
        %swap3A_634 = tpu.vector_load %arg10[%swap3A_632, %swap3A_633] {strides = array<i32>} : memref<8x1024xf32, #tpu.memory_space<vmem>>, vector<1x16xf32>,
        %swap3A_635 = vector.shape_cast %swap3A_634 : vector<1x16xf32> to vector<16xf32>
        %swap3A_636 = vector.shape_cast %add3A_631 : vector<16xf32> to vector<1x16xf32>
        tpu.vector_store %arg10[%swap3A_632, %swap3A_633], %swap3A_636 {strides = array<i32>} : memref<8x1024xf32, #tpu.memory_space<vmem>>, vector<1x16xf32>,
        %get3A_637 = arith.index_cast %scan3A_246 : i32 to index
        %get3A_638 = arith.constant 448 : index
        %get3A_639 = tpu.vector_load %arg10[%get3A_637, %get3A_638] {strides = array<i32>} : memref<8x1024xf32, #tpu.memory_space<vmem>>, vector<1x16xf32>,
        %get3A_640 = vector.shape_cast %get3A_639 : vector<1x16xf32> to vector<16xf32>
        %get3A_641 = arith.index_cast %scan3A_246 : i32 to index
        %get3A_642 = arith.constant 448 : index
        %get3A_643 = tpu.vector_load %arg14[%get3A_641, %get3A_642] {strides = array<i32>} : memref<8x1024xf32, #tpu.memory_space<vmem>>, vector<1x16xf32>,
        %get3A_644 = vector.shape_cast %get3A_643 : vector<1x16xf32> to vector<16xf32>
        %add3A_645 = arith.addf %get3A_640, %get3A_644 : vector<16xf32>
        %swap3A_646 = arith.index_cast %scan3A_246 : i32 to index
        %swap3A_647 = arith.constant 448 : index
        %swap3A_648 = tpu.vector_load %arg10[%swap3A_646, %swap3A_647] {strides = array<i32>} : memref<8x1024xf32, #tpu.memory_space<vmem>>, vector<1x16xf32>,
        %swap3A_649 = vector.shape_cast %swap3A_648 : vector<1x16xf32> to vector<16xf32>
        %swap3A_650 = vector.shape_cast %add3A_645 : vector<16xf32> to vector<1x16xf32>
        tpu.vector_store %arg10[%swap3A_646, %swap3A_647], %swap3A_650 {strides = array<i32>} : memref<8x1024xf32, #tpu.memory_space<vmem>>, vector<1x16xf32>,
        %get3A_651 = arith.index_cast %scan3A_246 : i32 to index
        %get3A_652 = arith.constant 464 : index
        %get3A_653 = tpu.vector_load %arg10[%get3A_651, %get3A_652] {strides = array<i32>} : memref<8x1024xf32, #tpu.memory_space<vmem>>, vector<1x16xf32>,
        %get3A_654 = vector.shape_cast %get3A_653 : vector<1x16xf32> to vector<16xf32>
        %get3A_655 = arith.index_cast %scan3A_246 : i32 to index
        %get3A_656 = arith.constant 464 : index
        %get3A_657 = tpu.vector_load %arg14[%get3A_655, %get3A_656] {strides = array<i32>} : memref<8x1024xf32, #tpu.memory_space<vmem>>, vector<1x16xf32>,
        %get3A_658 = vector.shape_cast %get3A_657 : vector<1x16xf32> to vector<16xf32>
        %add3A_659 = arith.addf %get3A_654, %get3A_658 : vector<16xf32>
        %swap3A_660 = arith.index_cast %scan3A_246 : i32 to index
        %swap3A_661 = arith.constant 464 : index
        %swap3A_662 = tpu.vector_load %arg10[%swap3A_660, %swap3A_661] {strides = array<i32>} : memref<8x1024xf32, #tpu.memory_space<vmem>>, vector<1x16xf32>,
        %swap3A_663 = vector.shape_cast %swap3A_662 : vector<1x16xf32> to vector<16xf32>
        %swap3A_664 = vector.shape_cast %add3A_659 : vector<16xf32> to vector<1x16xf32>
        tpu.vector_store %arg10[%swap3A_660, %swap3A_661], %swap3A_664 {strides = array<i32>} : memref<8x1024xf32, #tpu.memory_space<vmem>>, vector<1x16xf32>,
        %get3A_665 = arith.index_cast %scan3A_246 : i32 to index
        %get3A_666 = arith.constant 480 : index
        %get3A_667 = tpu.vector_load %arg10[%get3A_665, %get3A_666] {strides = array<i32>} : memref<8x1024xf32, #tpu.memory_space<vmem>>, vector<1x16xf32>,
        %get3A_668 = vector.shape_cast %get3A_667 : vector<1x16xf32> to vector<16xf32>
        %get3A_669 = arith.index_cast %scan3A_246 : i32 to index
        %get3A_670 = arith.constant 480 : index
        %get3A_671 = tpu.vector_load %arg14[%get3A_669, %get3A_670] {strides = array<i32>} : memref<8x1024xf32, #tpu.memory_space<vmem>>, vector<1x16xf32>,
        %get3A_672 = vector.shape_cast %get3A_671 : vector<1x16xf32> to vector<16xf32>
        %add3A_673 = arith.addf %get3A_668, %get3A_672 : vector<16xf32>
        %swap3A_674 = arith.index_cast %scan3A_246 : i32 to index
        %swap3A_675 = arith.constant 480 : index
        %swap3A_676 = tpu.vector_load %arg10[%swap3A_674, %swap3A_675] {strides = array<i32>} : memref<8x1024xf32, #tpu.memory_space<vmem>>, vector<1x16xf32>,
        %swap3A_677 = vector.shape_cast %swap3A_676 : vector<1x16xf32> to vector<16xf32>
        %swap3A_678 = vector.shape_cast %add3A_673 : vector<16xf32> to vector<1x16xf32>
        tpu.vector_store %arg10[%swap3A_674, %swap3A_675], %swap3A_678 {strides = array<i32>} : memref<8x1024xf32, #tpu.memory_space<vmem>>, vector<1x16xf32>,
        %get3A_679 = arith.index_cast %scan3A_246 : i32 to index
        %get3A_680 = arith.constant 496 : index
        %get3A_681 = tpu.vector_load %arg10[%get3A_679, %get3A_680] {strides = array<i32>} : memref<8x1024xf32, #tpu.memory_space<vmem>>, vector<1x16xf32>,
        %get3A_682 = vector.shape_cast %get3A_681 : vector<1x16xf32> to vector<16xf32>
        %get3A_683 = arith.index_cast %scan3A_246 : i32 to index
        %get3A_684 = arith.constant 496 : index
        %get3A_685 = tpu.vector_load %arg14[%get3A_683, %get3A_684] {strides = array<i32>} : memref<8x1024xf32, #tpu.memory_space<vmem>>, vector<1x16xf32>,
        %get3A_686 = vector.shape_cast %get3A_685 : vector<1x16xf32> to vector<16xf32>
        %add3A_687 = arith.addf %get3A_682, %get3A_686 : vector<16xf32>
        %swap3A_688 = arith.index_cast %scan3A_246 : i32 to index
        %swap3A_689 = arith.constant 496 : index
        %swap3A_690 = tpu.vector_load %arg10[%swap3A_688, %swap3A_689] {strides = array<i32>} : memref<8x1024xf32, #tpu.memory_space<vmem>>, vector<1x16xf32>,
        %swap3A_691 = vector.shape_cast %swap3A_690 : vector<1x16xf32> to vector<16xf32>
        %swap3A_692 = vector.shape_cast %add3A_687 : vector<16xf32> to vector<1x16xf32>
        tpu.vector_store %arg10[%swap3A_688, %swap3A_689], %swap3A_692 {strides = array<i32>} : memref<8x1024xf32, #tpu.memory_space<vmem>>, vector<1x16xf32>,
        %get3A_693 = arith.index_cast %scan3A_246 : i32 to index
        %get3A_694 = arith.constant 512 : index
        %get3A_695 = tpu.vector_load %arg10[%get3A_693, %get3A_694] {strides = array<i32>} : memref<8x1024xf32, #tpu.memory_space<vmem>>, vector<1x16xf32>,
        %get3A_696 = vector.shape_cast %get3A_695 : vector<1x16xf32> to vector<16xf32>
        %get3A_697 = arith.index_cast %scan3A_246 : i32 to index
        %get3A_698 = arith.constant 512 : index
        %get3A_699 = tpu.vector_load %arg14[%get3A_697, %get3A_698] {strides = array<i32>} : memref<8x1024xf32, #tpu.memory_space<vmem>>, vector<1x16xf32>,
        %get3A_700 = vector.shape_cast %get3A_699 : vector<1x16xf32> to vector<16xf32>
        %add3A_701 = arith.addf %get3A_696, %get3A_700 : vector<16xf32>
        %swap3A_702 = arith.index_cast %scan3A_246 : i32 to index
        %swap3A_703 = arith.constant 512 : index
        %swap3A_704 = tpu.vector_load %arg10[%swap3A_702, %swap3A_703] {strides = array<i32>} : memref<8x1024xf32, #tpu.memory_space<vmem>>, vector<1x16xf32>,
        %swap3A_705 = vector.shape_cast %swap3A_704 : vector<1x16xf32> to vector<16xf32>
        %swap3A_706 = vector.shape_cast %add3A_701 : vector<16xf32> to vector<1x16xf32>
        tpu.vector_store %arg10[%swap3A_702, %swap3A_703], %swap3A_706 {strides = array<i32>} : memref<8x1024xf32, #tpu.memory_space<vmem>>, vector<1x16xf32>,
        %get3A_707 = arith.index_cast %scan3A_246 : i32 to index
        %get3A_708 = arith.constant 528 : index
        %get3A_709 = tpu.vector_load %arg10[%get3A_707, %get3A_708] {strides = array<i32>} : memref<8x1024xf32, #tpu.memory_space<vmem>>, vector<1x16xf32>,
        %get3A_710 = vector.shape_cast %get3A_709 : vector<1x16xf32> to vector<16xf32>
        %get3A_711 = arith.index_cast %scan3A_246 : i32 to index
        %get3A_712 = arith.constant 528 : index
        %get3A_713 = tpu.vector_load %arg14[%get3A_711, %get3A_712] {strides = array<i32>} : memref<8x1024xf32, #tpu.memory_space<vmem>>, vector<1x16xf32>,
        %get3A_714 = vector.shape_cast %get3A_713 : vector<1x16xf32> to vector<16xf32>
        %add3A_715 = arith.addf %get3A_710, %get3A_714 : vector<16xf32>
        %swap3A_716 = arith.index_cast %scan3A_246 : i32 to index
        %swap3A_717 = arith.constant 528 : index
        %swap3A_718 = tpu.vector_load %arg10[%swap3A_716, %swap3A_717] {strides = array<i32>} : memref<8x1024xf32, #tpu.memory_space<vmem>>, vector<1x16xf32>,
        %swap3A_719 = vector.shape_cast %swap3A_718 : vector<1x16xf32> to vector<16xf32>
        %swap3A_720 = vector.shape_cast %add3A_715 : vector<16xf32> to vector<1x16xf32>
        tpu.vector_store %arg10[%swap3A_716, %swap3A_717], %swap3A_720 {strides = array<i32>} : memref<8x1024xf32, #tpu.memory_space<vmem>>, vector<1x16xf32>,
        %get3A_721 = arith.index_cast %scan3A_246 : i32 to index
        %get3A_722 = arith.constant 544 : index
        %get3A_723 = tpu.vector_load %arg10[%get3A_721, %get3A_722] {strides = array<i32>} : memref<8x1024xf32, #tpu.memory_space<vmem>>, vector<1x16xf32>,
        %get3A_724 = vector.shape_cast %get3A_723 : vector<1x16xf32> to vector<16xf32>
        %get3A_725 = arith.index_cast %scan3A_246 : i32 to index
        %get3A_726 = arith.constant 544 : index
        %get3A_727 = tpu.vector_load %arg14[%get3A_725, %get3A_726] {strides = array<i32>} : memref<8x1024xf32, #tpu.memory_space<vmem>>, vector<1x16xf32>,
        %get3A_728 = vector.shape_cast %get3A_727 : vector<1x16xf32> to vector<16xf32>
        %add3A_729 = arith.addf %get3A_724, %get3A_728 : vector<16xf32>
        %swap3A_730 = arith.index_cast %scan3A_246 : i32 to index
        %swap3A_731 = arith.constant 544 : index
        %swap3A_732 = tpu.vector_load %arg10[%swap3A_730, %swap3A_731] {strides = array<i32>} : memref<8x1024xf32, #tpu.memory_space<vmem>>, vector<1x16xf32>,
        %swap3A_733 = vector.shape_cast %swap3A_732 : vector<1x16xf32> to vector<16xf32>
        %swap3A_734 = vector.shape_cast %add3A_729 : vector<16xf32> to vector<1x16xf32>
        tpu.vector_store %arg10[%swap3A_730, %swap3A_731], %swap3A_734 {strides = array<i32>} : memref<8x1024xf32, #tpu.memory_space<vmem>>, vector<1x16xf32>,
        %get3A_735 = arith.index_cast %scan3A_246 : i32 to index
        %get3A_736 = arith.constant 560 : index
        %get3A_737 = tpu.vector_load %arg10[%get3A_735, %get3A_736] {strides = array<i32>} : memref<8x1024xf32, #tpu.memory_space<vmem>>, vector<1x16xf32>,
        %get3A_738 = vector.shape_cast %get3A_737 : vector<1x16xf32> to vector<16xf32>
        %get3A_739 = arith.index_cast %scan3A_246 : i32 to index
        %get3A_740 = arith.constant 560 : index
        %get3A_741 = tpu.vector_load %arg14[%get3A_739, %get3A_740] {strides = array<i32>} : memref<8x1024xf32, #tpu.memory_space<vmem>>, vector<1x16xf32>,
        %get3A_742 = vector.shape_cast %get3A_741 : vector<1x16xf32> to vector<16xf32>
        %add3A_743 = arith.addf %get3A_738, %get3A_742 : vector<16xf32>
        %swap3A_744 = arith.index_cast %scan3A_246 : i32 to index
        %swap3A_745 = arith.constant 560 : index
        %swap3A_746 = tpu.vector_load %arg10[%swap3A_744, %swap3A_745] {strides = array<i32>} : memref<8x1024xf32, #tpu.memory_space<vmem>>, vector<1x16xf32>,
        %swap3A_747 = vector.shape_cast %swap3A_746 : vector<1x16xf32> to vector<16xf32>
        %swap3A_748 = vector.shape_cast %add3A_743 : vector<16xf32> to vector<1x16xf32>
        tpu.vector_store %arg10[%swap3A_744, %swap3A_745], %swap3A_748 {strides = array<i32>} : memref<8x1024xf32, #tpu.memory_space<vmem>>, vector<1x16xf32>,
        %get3A_749 = arith.index_cast %scan3A_246 : i32 to index
        %get3A_750 = arith.constant 576 : index
        %get3A_751 = tpu.vector_load %arg10[%get3A_749, %get3A_750] {strides = array<i32>} : memref<8x1024xf32, #tpu.memory_space<vmem>>, vector<1x16xf32>,
        %get3A_752 = vector.shape_cast %get3A_751 : vector<1x16xf32> to vector<16xf32>
        %get3A_753 = arith.index_cast %scan3A_246 : i32 to index
        %get3A_754 = arith.constant 576 : index
        %get3A_755 = tpu.vector_load %arg14[%get3A_753, %get3A_754] {strides = array<i32>} : memref<8x1024xf32, #tpu.memory_space<vmem>>, vector<1x16xf32>,
        %get3A_756 = vector.shape_cast %get3A_755 : vector<1x16xf32> to vector<16xf32>
        %add3A_757 = arith.addf %get3A_752, %get3A_756 : vector<16xf32>
        %swap3A_758 = arith.index_cast %scan3A_246 : i32 to index
        %swap3A_759 = arith.constant 576 : index
        %swap3A_760 = tpu.vector_load %arg10[%swap3A_758, %swap3A_759] {strides = array<i32>} : memref<8x1024xf32, #tpu.memory_space<vmem>>, vector<1x16xf32>,
        %swap3A_761 = vector.shape_cast %swap3A_760 : vector<1x16xf32> to vector<16xf32>
        %swap3A_762 = vector.shape_cast %add3A_757 : vector<16xf32> to vector<1x16xf32>
        tpu.vector_store %arg10[%swap3A_758, %swap3A_759], %swap3A_762 {strides = array<i32>} : memref<8x1024xf32, #tpu.memory_space<vmem>>, vector<1x16xf32>,
        %get3A_763 = arith.index_cast %scan3A_246 : i32 to index
        %get3A_764 = arith.constant 592 : index
        %get3A_765 = tpu.vector_load %arg10[%get3A_763, %get3A_764] {strides = array<i32>} : memref<8x1024xf32, #tpu.memory_space<vmem>>, vector<1x16xf32>,
        %get3A_766 = vector.shape_cast %get3A_765 : vector<1x16xf32> to vector<16xf32>
        %get3A_767 = arith.index_cast %scan3A_246 : i32 to index
        %get3A_768 = arith.constant 592 : index
        %get3A_769 = tpu.vector_load %arg14[%get3A_767, %get3A_768] {strides = array<i32>} : memref<8x1024xf32, #tpu.memory_space<vmem>>, vector<1x16xf32>,
        %get3A_770 = vector.shape_cast %get3A_769 : vector<1x16xf32> to vector<16xf32>
        %add3A_771 = arith.addf %get3A_766, %get3A_770 : vector<16xf32>
        %swap3A_772 = arith.index_cast %scan3A_246 : i32 to index
        %swap3A_773 = arith.constant 592 : index
        %swap3A_774 = tpu.vector_load %arg10[%swap3A_772, %swap3A_773] {strides = array<i32>} : memref<8x1024xf32, #tpu.memory_space<vmem>>, vector<1x16xf32>,
        %swap3A_775 = vector.shape_cast %swap3A_774 : vector<1x16xf32> to vector<16xf32>
        %swap3A_776 = vector.shape_cast %add3A_771 : vector<16xf32> to vector<1x16xf32>
        tpu.vector_store %arg10[%swap3A_772, %swap3A_773], %swap3A_776 {strides = array<i32>} : memref<8x1024xf32, #tpu.memory_space<vmem>>, vector<1x16xf32>,
        %get3A_777 = arith.index_cast %scan3A_246 : i32 to index
        %get3A_778 = arith.constant 608 : index
        %get3A_779 = tpu.vector_load %arg10[%get3A_777, %get3A_778] {strides = array<i32>} : memref<8x1024xf32, #tpu.memory_space<vmem>>, vector<1x16xf32>,
        %get3A_780 = vector.shape_cast %get3A_779 : vector<1x16xf32> to vector<16xf32>
        %get3A_781 = arith.index_cast %scan3A_246 : i32 to index
        %get3A_782 = arith.constant 608 : index
        %get3A_783 = tpu.vector_load %arg14[%get3A_781, %get3A_782] {strides = array<i32>} : memref<8x1024xf32, #tpu.memory_space<vmem>>, vector<1x16xf32>,
        %get3A_784 = vector.shape_cast %get3A_783 : vector<1x16xf32> to vector<16xf32>
        %add3A_785 = arith.addf %get3A_780, %get3A_784 : vector<16xf32>
        %swap3A_786 = arith.index_cast %scan3A_246 : i32 to index
        %swap3A_787 = arith.constant 608 : index
        %swap3A_788 = tpu.vector_load %arg10[%swap3A_786, %swap3A_787] {strides = array<i32>} : memref<8x1024xf32, #tpu.memory_space<vmem>>, vector<1x16xf32>,
        %swap3A_789 = vector.shape_cast %swap3A_788 : vector<1x16xf32> to vector<16xf32>
        %swap3A_790 = vector.shape_cast %add3A_785 : vector<16xf32> to vector<1x16xf32>
        tpu.vector_store %arg10[%swap3A_786, %swap3A_787], %swap3A_790 {strides = array<i32>} : memref<8x1024xf32, #tpu.memory_space<vmem>>, vector<1x16xf32>,
        %get3A_791 = arith.index_cast %scan3A_246 : i32 to index
        %get3A_792 = arith.constant 624 : index
        %get3A_793 = tpu.vector_load %arg10[%get3A_791, %get3A_792] {strides = array<i32>} : memref<8x1024xf32, #tpu.memory_space<vmem>>, vector<1x16xf32>,
        %get3A_794 = vector.shape_cast %get3A_793 : vector<1x16xf32> to vector<16xf32>
        %get3A_795 = arith.index_cast %scan3A_246 : i32 to index
        %get3A_796 = arith.constant 624 : index
        %get3A_797 = tpu.vector_load %arg14[%get3A_795, %get3A_796] {strides = array<i32>} : memref<8x1024xf32, #tpu.memory_space<vmem>>, vector<1x16xf32>,
        %get3A_798 = vector.shape_cast %get3A_797 : vector<1x16xf32> to vector<16xf32>
        %add3A_799 = arith.addf %get3A_794, %get3A_798 : vector<16xf32>
        %swap3A_800 = arith.index_cast %scan3A_246 : i32 to index
        %swap3A_801 = arith.constant 624 : index
        %swap3A_802 = tpu.vector_load %arg10[%swap3A_800, %swap3A_801] {strides = array<i32>} : memref<8x1024xf32, #tpu.memory_space<vmem>>, vector<1x16xf32>,
        %swap3A_803 = vector.shape_cast %swap3A_802 : vector<1x16xf32> to vector<16xf32>
        %swap3A_804 = vector.shape_cast %add3A_799 : vector<16xf32> to vector<1x16xf32>
        tpu.vector_store %arg10[%swap3A_800, %swap3A_801], %swap3A_804 {strides = array<i32>} : memref<8x1024xf32, #tpu.memory_space<vmem>>, vector<1x16xf32>,
        %get3A_805 = arith.index_cast %scan3A_246 : i32 to index
        %get3A_806 = arith.constant 640 : index
        %get3A_807 = tpu.vector_load %arg10[%get3A_805, %get3A_806] {strides = array<i32>} : memref<8x1024xf32, #tpu.memory_space<vmem>>, vector<1x16xf32>,
        %get3A_808 = vector.shape_cast %get3A_807 : vector<1x16xf32> to vector<16xf32>
        %get3A_809 = arith.index_cast %scan3A_246 : i32 to index
        %get3A_810 = arith.constant 640 : index
        %get3A_811 = tpu.vector_load %arg14[%get3A_809, %get3A_810] {strides = array<i32>} : memref<8x1024xf32, #tpu.memory_space<vmem>>, vector<1x16xf32>,
        %get3A_812 = vector.shape_cast %get3A_811 : vector<1x16xf32> to vector<16xf32>
        %add3A_813 = arith.addf %get3A_808, %get3A_812 : vector<16xf32>
        %swap3A_814 = arith.index_cast %scan3A_246 : i32 to index
        %swap3A_815 = arith.constant 640 : index
        %swap3A_816 = tpu.vector_load %arg10[%swap3A_814, %swap3A_815] {strides = array<i32>} : memref<8x1024xf32, #tpu.memory_space<vmem>>, vector<1x16xf32>,
        %swap3A_817 = vector.shape_cast %swap3A_816 : vector<1x16xf32> to vector<16xf32>
        %swap3A_818 = vector.shape_cast %add3A_813 : vector<16xf32> to vector<1x16xf32>
        tpu.vector_store %arg10[%swap3A_814, %swap3A_815], %swap3A_818 {strides = array<i32>} : memref<8x1024xf32, #tpu.memory_space<vmem>>, vector<1x16xf32>,
        %get3A_819 = arith.index_cast %scan3A_246 : i32 to index
        %get3A_820 = arith.constant 656 : index
        %get3A_821 = tpu.vector_load %arg10[%get3A_819, %get3A_820] {strides = array<i32>} : memref<8x1024xf32, #tpu.memory_space<vmem>>, vector<1x16xf32>,
        %get3A_822 = vector.shape_cast %get3A_821 : vector<1x16xf32> to vector<16xf32>
        %get3A_823 = arith.index_cast %scan3A_246 : i32 to index
        %get3A_824 = arith.constant 656 : index
        %get3A_825 = tpu.vector_load %arg14[%get3A_823, %get3A_824] {strides = array<i32>} : memref<8x1024xf32, #tpu.memory_space<vmem>>, vector<1x16xf32>,
        %get3A_826 = vector.shape_cast %get3A_825 : vector<1x16xf32> to vector<16xf32>
        %add3A_827 = arith.addf %get3A_822, %get3A_826 : vector<16xf32>
        %swap3A_828 = arith.index_cast %scan3A_246 : i32 to index
        %swap3A_829 = arith.constant 656 : index
        %swap3A_830 = tpu.vector_load %arg10[%swap3A_828, %swap3A_829] {strides = array<i32>} : memref<8x1024xf32, #tpu.memory_space<vmem>>, vector<1x16xf32>,
        %swap3A_831 = vector.shape_cast %swap3A_830 : vector<1x16xf32> to vector<16xf32>
        %swap3A_832 = vector.shape_cast %add3A_827 : vector<16xf32> to vector<1x16xf32>
        tpu.vector_store %arg10[%swap3A_828, %swap3A_829], %swap3A_832 {strides = array<i32>} : memref<8x1024xf32, #tpu.memory_space<vmem>>, vector<1x16xf32>,
        %get3A_833 = arith.index_cast %scan3A_246 : i32 to index
        %get3A_834 = arith.constant 672 : index
        %get3A_835 = tpu.vector_load %arg10[%get3A_833, %get3A_834] {strides = array<i32>} : memref<8x1024xf32, #tpu.memory_space<vmem>>, vector<1x16xf32>,
        %get3A_836 = vector.shape_cast %get3A_835 : vector<1x16xf32> to vector<16xf32>
        %get3A_837 = arith.index_cast %scan3A_246 : i32 to index
        %get3A_838 = arith.constant 672 : index
        %get3A_839 = tpu.vector_load %arg14[%get3A_837, %get3A_838] {strides = array<i32>} : memref<8x1024xf32, #tpu.memory_space<vmem>>, vector<1x16xf32>,
        %get3A_840 = vector.shape_cast %get3A_839 : vector<1x16xf32> to vector<16xf32>
        %add3A_841 = arith.addf %get3A_836, %get3A_840 : vector<16xf32>
        %swap3A_842 = arith.index_cast %scan3A_246 : i32 to index
        %swap3A_843 = arith.constant 672 : index
        %swap3A_844 = tpu.vector_load %arg10[%swap3A_842, %swap3A_843] {strides = array<i32>} : memref<8x1024xf32, #tpu.memory_space<vmem>>, vector<1x16xf32>,
        %swap3A_845 = vector.shape_cast %swap3A_844 : vector<1x16xf32> to vector<16xf32>
        %swap3A_846 = vector.shape_cast %add3A_841 : vector<16xf32> to vector<1x16xf32>
        tpu.vector_store %arg10[%swap3A_842, %swap3A_843], %swap3A_846 {strides = array<i32>} : memref<8x1024xf32, #tpu.memory_space<vmem>>, vector<1x16xf32>,
        %get3A_847 = arith.index_cast %scan3A_246 : i32 to index
        %get3A_848 = arith.constant 688 : index
        %get3A_849 = tpu.vector_load %arg10[%get3A_847, %get3A_848] {strides = array<i32>} : memref<8x1024xf32, #tpu.memory_space<vmem>>, vector<1x16xf32>,
        %get3A_850 = vector.shape_cast %get3A_849 : vector<1x16xf32> to vector<16xf32>
        %get3A_851 = arith.index_cast %scan3A_246 : i32 to index
        %get3A_852 = arith.constant 688 : index
        %get3A_853 = tpu.vector_load %arg14[%get3A_851, %get3A_852] {strides = array<i32>} : memref<8x1024xf32, #tpu.memory_space<vmem>>, vector<1x16xf32>,
        %get3A_854 = vector.shape_cast %get3A_853 : vector<1x16xf32> to vector<16xf32>
        %add3A_855 = arith.addf %get3A_850, %get3A_854 : vector<16xf32>
        %swap3A_856 = arith.index_cast %scan3A_246 : i32 to index
        %swap3A_857 = arith.constant 688 : index
        %swap3A_858 = tpu.vector_load %arg10[%swap3A_856, %swap3A_857] {strides = array<i32>} : memref<8x1024xf32, #tpu.memory_space<vmem>>, vector<1x16xf32>,
        %swap3A_859 = vector.shape_cast %swap3A_858 : vector<1x16xf32> to vector<16xf32>
        %swap3A_860 = vector.shape_cast %add3A_855 : vector<16xf32> to vector<1x16xf32>
        tpu.vector_store %arg10[%swap3A_856, %swap3A_857], %swap3A_860 {strides = array<i32>} : memref<8x1024xf32, #tpu.memory_space<vmem>>, vector<1x16xf32>,
        %get3A_861 = arith.index_cast %scan3A_246 : i32 to index
        %get3A_862 = arith.constant 704 : index
        %get3A_863 = tpu.vector_load %arg10[%get3A_861, %get3A_862] {strides = array<i32>} : memref<8x1024xf32, #tpu.memory_space<vmem>>, vector<1x16xf32>,
        %get3A_864 = vector.shape_cast %get3A_863 : vector<1x16xf32> to vector<16xf32>
        %get3A_865 = arith.index_cast %scan3A_246 : i32 to index
        %get3A_866 = arith.constant 704 : index
        %get3A_867 = tpu.vector_load %arg14[%get3A_865, %get3A_866] {strides = array<i32>} : memref<8x1024xf32, #tpu.memory_space<vmem>>, vector<1x16xf32>,
        %get3A_868 = vector.shape_cast %get3A_867 : vector<1x16xf32> to vector<16xf32>
        %add3A_869 = arith.addf %get3A_864, %get3A_868 : vector<16xf32>
        %swap3A_870 = arith.index_cast %scan3A_246 : i32 to index
        %swap3A_871 = arith.constant 704 : index
        %swap3A_872 = tpu.vector_load %arg10[%swap3A_870, %swap3A_871] {strides = array<i32>} : memref<8x1024xf32, #tpu.memory_space<vmem>>, vector<1x16xf32>,
        %swap3A_873 = vector.shape_cast %swap3A_872 : vector<1x16xf32> to vector<16xf32>
        %swap3A_874 = vector.shape_cast %add3A_869 : vector<16xf32> to vector<1x16xf32>
        tpu.vector_store %arg10[%swap3A_870, %swap3A_871], %swap3A_874 {strides = array<i32>} : memref<8x1024xf32, #tpu.memory_space<vmem>>, vector<1x16xf32>,
        %get3A_875 = arith.index_cast %scan3A_246 : i32 to index
        %get3A_876 = arith.constant 720 : index
        %get3A_877 = tpu.vector_load %arg10[%get3A_875, %get3A_876] {strides = array<i32>} : memref<8x1024xf32, #tpu.memory_space<vmem>>, vector<1x16xf32>,
        %get3A_878 = vector.shape_cast %get3A_877 : vector<1x16xf32> to vector<16xf32>
        %get3A_879 = arith.index_cast %scan3A_246 : i32 to index
        %get3A_880 = arith.constant 720 : index
        %get3A_881 = tpu.vector_load %arg14[%get3A_879, %get3A_880] {strides = array<i32>} : memref<8x1024xf32, #tpu.memory_space<vmem>>, vector<1x16xf32>,
        %get3A_882 = vector.shape_cast %get3A_881 : vector<1x16xf32> to vector<16xf32>
        %add3A_883 = arith.addf %get3A_878, %get3A_882 : vector<16xf32>
        %swap3A_884 = arith.index_cast %scan3A_246 : i32 to index
        %swap3A_885 = arith.constant 720 : index
        %swap3A_886 = tpu.vector_load %arg10[%swap3A_884, %swap3A_885] {strides = array<i32>} : memref<8x1024xf32, #tpu.memory_space<vmem>>, vector<1x16xf32>,
        %swap3A_887 = vector.shape_cast %swap3A_886 : vector<1x16xf32> to vector<16xf32>
        %swap3A_888 = vector.shape_cast %add3A_883 : vector<16xf32> to vector<1x16xf32>
        tpu.vector_store %arg10[%swap3A_884, %swap3A_885], %swap3A_888 {strides = array<i32>} : memref<8x1024xf32, #tpu.memory_space<vmem>>, vector<1x16xf32>,
        %get3A_889 = arith.index_cast %scan3A_246 : i32 to index
        %get3A_890 = arith.constant 736 : index
        %get3A_891 = tpu.vector_load %arg10[%get3A_889, %get3A_890] {strides = array<i32>} : memref<8x1024xf32, #tpu.memory_space<vmem>>, vector<1x16xf32>,
        %get3A_892 = vector.shape_cast %get3A_891 : vector<1x16xf32> to vector<16xf32>
        %get3A_893 = arith.index_cast %scan3A_246 : i32 to index
        %get3A_894 = arith.constant 736 : index
        %get3A_895 = tpu.vector_load %arg14[%get3A_893, %get3A_894] {strides = array<i32>} : memref<8x1024xf32, #tpu.memory_space<vmem>>, vector<1x16xf32>,
        %get3A_896 = vector.shape_cast %get3A_895 : vector<1x16xf32> to vector<16xf32>
        %add3A_897 = arith.addf %get3A_892, %get3A_896 : vector<16xf32>
        %swap3A_898 = arith.index_cast %scan3A_246 : i32 to index
        %swap3A_899 = arith.constant 736 : index
        %swap3A_900 = tpu.vector_load %arg10[%swap3A_898, %swap3A_899] {strides = array<i32>} : memref<8x1024xf32, #tpu.memory_space<vmem>>, vector<1x16xf32>,
        %swap3A_901 = vector.shape_cast %swap3A_900 : vector<1x16xf32> to vector<16xf32>
        %swap3A_902 = vector.shape_cast %add3A_897 : vector<16xf32> to vector<1x16xf32>
        tpu.vector_store %arg10[%swap3A_898, %swap3A_899], %swap3A_902 {strides = array<i32>} : memref<8x1024xf32, #tpu.memory_space<vmem>>, vector<1x16xf32>,
        %get3A_903 = arith.index_cast %scan3A_246 : i32 to index
        %get3A_904 = arith.constant 752 : index
        %get3A_905 = tpu.vector_load %arg10[%get3A_903, %get3A_904] {strides = array<i32>} : memref<8x1024xf32, #tpu.memory_space<vmem>>, vector<1x16xf32>,
        %get3A_906 = vector.shape_cast %get3A_905 : vector<1x16xf32> to vector<16xf32>
        %get3A_907 = arith.index_cast %scan3A_246 : i32 to index
        %get3A_908 = arith.constant 752 : index
        %get3A_909 = tpu.vector_load %arg14[%get3A_907, %get3A_908] {strides = array<i32>} : memref<8x1024xf32, #tpu.memory_space<vmem>>, vector<1x16xf32>,
        %get3A_910 = vector.shape_cast %get3A_909 : vector<1x16xf32> to vector<16xf32>
        %add3A_911 = arith.addf %get3A_906, %get3A_910 : vector<16xf32>
        %swap3A_912 = arith.index_cast %scan3A_246 : i32 to index
        %swap3A_913 = arith.constant 752 : index
        %swap3A_914 = tpu.vector_load %arg10[%swap3A_912, %swap3A_913] {strides = array<i32>} : memref<8x1024xf32, #tpu.memory_space<vmem>>, vector<1x16xf32>,
        %swap3A_915 = vector.shape_cast %swap3A_914 : vector<1x16xf32> to vector<16xf32>
        %swap3A_916 = vector.shape_cast %add3A_911 : vector<16xf32> to vector<1x16xf32>
        tpu.vector_store %arg10[%swap3A_912, %swap3A_913], %swap3A_916 {strides = array<i32>} : memref<8x1024xf32, #tpu.memory_space<vmem>>, vector<1x16xf32>,
        %get3A_917 = arith.index_cast %scan3A_246 : i32 to index
        %get3A_918 = arith.constant 768 : index
        %get3A_919 = tpu.vector_load %arg10[%get3A_917, %get3A_918] {strides = array<i32>} : memref<8x1024xf32, #tpu.memory_space<vmem>>, vector<1x16xf32>,
        %get3A_920 = vector.shape_cast %get3A_919 : vector<1x16xf32> to vector<16xf32>
        %get3A_921 = arith.index_cast %scan3A_246 : i32 to index
        %get3A_922 = arith.constant 768 : index
        %get3A_923 = tpu.vector_load %arg14[%get3A_921, %get3A_922] {strides = array<i32>} : memref<8x1024xf32, #tpu.memory_space<vmem>>, vector<1x16xf32>,
        %get3A_924 = vector.shape_cast %get3A_923 : vector<1x16xf32> to vector<16xf32>
        %add3A_925 = arith.addf %get3A_920, %get3A_924 : vector<16xf32>
        %swap3A_926 = arith.index_cast %scan3A_246 : i32 to index
        %swap3A_927 = arith.constant 768 : index
        %swap3A_928 = tpu.vector_load %arg10[%swap3A_926, %swap3A_927] {strides = array<i32>} : memref<8x1024xf32, #tpu.memory_space<vmem>>, vector<1x16xf32>,
        %swap3A_929 = vector.shape_cast %swap3A_928 : vector<1x16xf32> to vector<16xf32>
        %swap3A_930 = vector.shape_cast %add3A_925 : vector<16xf32> to vector<1x16xf32>
        tpu.vector_store %arg10[%swap3A_926, %swap3A_927], %swap3A_930 {strides = array<i32>} : memref<8x1024xf32, #tpu.memory_space<vmem>>, vector<1x16xf32>,
        %get3A_931 = arith.index_cast %scan3A_246 : i32 to index
        %get3A_932 = arith.constant 784 : index
        %get3A_933 = tpu.vector_load %arg10[%get3A_931, %get3A_932] {strides = array<i32>} : memref<8x1024xf32, #tpu.memory_space<vmem>>, vector<1x16xf32>,
        %get3A_934 = vector.shape_cast %get3A_933 : vector<1x16xf32> to vector<16xf32>
        %get3A_935 = arith.index_cast %scan3A_246 : i32 to index
        %get3A_936 = arith.constant 784 : index
        %get3A_937 = tpu.vector_load %arg14[%get3A_935, %get3A_936] {strides = array<i32>} : memref<8x1024xf32, #tpu.memory_space<vmem>>, vector<1x16xf32>,
        %get3A_938 = vector.shape_cast %get3A_937 : vector<1x16xf32> to vector<16xf32>
        %add3A_939 = arith.addf %get3A_934, %get3A_938 : vector<16xf32>
        %swap3A_940 = arith.index_cast %scan3A_246 : i32 to index
        %swap3A_941 = arith.constant 784 : index
        %swap3A_942 = tpu.vector_load %arg10[%swap3A_940, %swap3A_941] {strides = array<i32>} : memref<8x1024xf32, #tpu.memory_space<vmem>>, vector<1x16xf32>,
        %swap3A_943 = vector.shape_cast %swap3A_942 : vector<1x16xf32> to vector<16xf32>
        %swap3A_944 = vector.shape_cast %add3A_939 : vector<16xf32> to vector<1x16xf32>
        tpu.vector_store %arg10[%swap3A_940, %swap3A_941], %swap3A_944 {strides = array<i32>} : memref<8x1024xf32, #tpu.memory_space<vmem>>, vector<1x16xf32>,
        %get3A_945 = arith.index_cast %scan3A_246 : i32 to index
        %get3A_946 = arith.constant 800 : index
        %get3A_947 = tpu.vector_load %arg10[%get3A_945, %get3A_946] {strides = array<i32>} : memref<8x1024xf32, #tpu.memory_space<vmem>>, vector<1x16xf32>,
        %get3A_948 = vector.shape_cast %get3A_947 : vector<1x16xf32> to vector<16xf32>
        %get3A_949 = arith.index_cast %scan3A_246 : i32 to index
        %get3A_950 = arith.constant 800 : index
        %get3A_951 = tpu.vector_load %arg14[%get3A_949, %get3A_950] {strides = array<i32>} : memref<8x1024xf32, #tpu.memory_space<vmem>>, vector<1x16xf32>,
        %get3A_952 = vector.shape_cast %get3A_951 : vector<1x16xf32> to vector<16xf32>
        %add3A_953 = arith.addf %get3A_948, %get3A_952 : vector<16xf32>
        %swap3A_954 = arith.index_cast %scan3A_246 : i32 to index
        %swap3A_955 = arith.constant 800 : index
        %swap3A_956 = tpu.vector_load %arg10[%swap3A_954, %swap3A_955] {strides = array<i32>} : memref<8x1024xf32, #tpu.memory_space<vmem>>, vector<1x16xf32>,
        %swap3A_957 = vector.shape_cast %swap3A_956 : vector<1x16xf32> to vector<16xf32>
        %swap3A_958 = vector.shape_cast %add3A_953 : vector<16xf32> to vector<1x16xf32>
        tpu.vector_store %arg10[%swap3A_954, %swap3A_955], %swap3A_958 {strides = array<i32>} : memref<8x1024xf32, #tpu.memory_space<vmem>>, vector<1x16xf32>,
        %get3A_959 = arith.index_cast %scan3A_246 : i32 to index
        %get3A_960 = arith.constant 816 : index
        %get3A_961 = tpu.vector_load %arg10[%get3A_959, %get3A_960] {strides = array<i32>} : memref<8x1024xf32, #tpu.memory_space<vmem>>, vector<1x16xf32>,
        %get3A_962 = vector.shape_cast %get3A_961 : vector<1x16xf32> to vector<16xf32>
        %get3A_963 = arith.index_cast %scan3A_246 : i32 to index
        %get3A_964 = arith.constant 816 : index
        %get3A_965 = tpu.vector_load %arg14[%get3A_963, %get3A_964] {strides = array<i32>} : memref<8x1024xf32, #tpu.memory_space<vmem>>, vector<1x16xf32>,
        %get3A_966 = vector.shape_cast %get3A_965 : vector<1x16xf32> to vector<16xf32>
        %add3A_967 = arith.addf %get3A_962, %get3A_966 : vector<16xf32>
        %swap3A_968 = arith.index_cast %scan3A_246 : i32 to index
        %swap3A_969 = arith.constant 816 : index
        %swap3A_970 = tpu.vector_load %arg10[%swap3A_968, %swap3A_969] {strides = array<i32>} : memref<8x1024xf32, #tpu.memory_space<vmem>>, vector<1x16xf32>,
        %swap3A_971 = vector.shape_cast %swap3A_970 : vector<1x16xf32> to vector<16xf32>
        %swap3A_972 = vector.shape_cast %add3A_967 : vector<16xf32> to vector<1x16xf32>
        tpu.vector_store %arg10[%swap3A_968, %swap3A_969], %swap3A_972 {strides = array<i32>} : memref<8x1024xf32, #tpu.memory_space<vmem>>, vector<1x16xf32>,
        %get3A_973 = arith.index_cast %scan3A_246 : i32 to index
        %get3A_974 = arith.constant 832 : index
        %get3A_975 = tpu.vector_load %arg10[%get3A_973, %get3A_974] {strides = array<i32>} : memref<8x1024xf32, #tpu.memory_space<vmem>>, vector<1x16xf32>,
        %get3A_976 = vector.shape_cast %get3A_975 : vector<1x16xf32> to vector<16xf32>
        %get3A_977 = arith.index_cast %scan3A_246 : i32 to index
        %get3A_978 = arith.constant 832 : index
        %get3A_979 = tpu.vector_load %arg14[%get3A_977, %get3A_978] {strides = array<i32>} : memref<8x1024xf32, #tpu.memory_space<vmem>>, vector<1x16xf32>,
        %get3A_980 = vector.shape_cast %get3A_979 : vector<1x16xf32> to vector<16xf32>
        %add3A_981 = arith.addf %get3A_976, %get3A_980 : vector<16xf32>
        %swap3A_982 = arith.index_cast %scan3A_246 : i32 to index
        %swap3A_983 = arith.constant 832 : index
        %swap3A_984 = tpu.vector_load %arg10[%swap3A_982, %swap3A_983] {strides = array<i32>} : memref<8x1024xf32, #tpu.memory_space<vmem>>, vector<1x16xf32>,
        %swap3A_985 = vector.shape_cast %swap3A_984 : vector<1x16xf32> to vector<16xf32>
        %swap3A_986 = vector.shape_cast %add3A_981 : vector<16xf32> to vector<1x16xf32>
        tpu.vector_store %arg10[%swap3A_982, %swap3A_983], %swap3A_986 {strides = array<i32>} : memref<8x1024xf32, #tpu.memory_space<vmem>>, vector<1x16xf32>,
        %get3A_987 = arith.index_cast %scan3A_246 : i32 to index
        %get3A_988 = arith.constant 848 : index
        %get3A_989 = tpu.vector_load %arg10[%get3A_987, %get3A_988] {strides = array<i32>} : memref<8x1024xf32, #tpu.memory_space<vmem>>, vector<1x16xf32>,
        %get3A_990 = vector.shape_cast %get3A_989 : vector<1x16xf32> to vector<16xf32>
        %get3A_991 = arith.index_cast %scan3A_246 : i32 to index
        %get3A_992 = arith.constant 848 : index
        %get3A_993 = tpu.vector_load %arg14[%get3A_991, %get3A_992] {strides = array<i32>} : memref<8x1024xf32, #tpu.memory_space<vmem>>, vector<1x16xf32>,
        %get3A_994 = vector.shape_cast %get3A_993 : vector<1x16xf32> to vector<16xf32>
        %add3A_995 = arith.addf %get3A_990, %get3A_994 : vector<16xf32>
        %swap3A_996 = arith.index_cast %scan3A_246 : i32 to index
        %swap3A_997 = arith.constant 848 : index
        %swap3A_998 = tpu.vector_load %arg10[%swap3A_996, %swap3A_997] {strides = array<i32>} : memref<8x1024xf32, #tpu.memory_space<vmem>>, vector<1x16xf32>,
        %swap3A_999 = vector.shape_cast %swap3A_998 : vector<1x16xf32> to vector<16xf32>
        %swap3A_1000 = vector.shape_cast %add3A_995 : vector<16xf32> to vector<1x16xf32>
        tpu.vector_store %arg10[%swap3A_996, %swap3A_997], %swap3A_1000 {strides = array<i32>} : memref<8x1024xf32, #tpu.memory_space<vmem>>, vector<1x16xf32>,
        %get3A_1001 = arith.index_cast %scan3A_246 : i32 to index
        %get3A_1002 = arith.constant 864 : index
        %get3A_1003 = tpu.vector_load %arg10[%get3A_1001, %get3A_1002] {strides = array<i32>} : memref<8x1024xf32, #tpu.memory_space<vmem>>, vector<1x16xf32>,
        %get3A_1004 = vector.shape_cast %get3A_1003 : vector<1x16xf32> to vector<16xf32>
        %get3A_1005 = arith.index_cast %scan3A_246 : i32 to index
        %get3A_1006 = arith.constant 864 : index
        %get3A_1007 = tpu.vector_load %arg14[%get3A_1005, %get3A_1006] {strides = array<i32>} : memref<8x1024xf32, #tpu.memory_space<vmem>>, vector<1x16xf32>,
        %get3A_1008 = vector.shape_cast %get3A_1007 : vector<1x16xf32> to vector<16xf32>
        %add3A_1009 = arith.addf %get3A_1004, %get3A_1008 : vector<16xf32>
        %swap3A_1010 = arith.index_cast %scan3A_246 : i32 to index
        %swap3A_1011 = arith.constant 864 : index
        %swap3A_1012 = tpu.vector_load %arg10[%swap3A_1010, %swap3A_1011] {strides = array<i32>} : memref<8x1024xf32, #tpu.memory_space<vmem>>, vector<1x16xf32>,
        %swap3A_1013 = vector.shape_cast %swap3A_1012 : vector<1x16xf32> to vector<16xf32>
        %swap3A_1014 = vector.shape_cast %add3A_1009 : vector<16xf32> to vector<1x16xf32>
        tpu.vector_store %arg10[%swap3A_1010, %swap3A_1011], %swap3A_1014 {strides = array<i32>} : memref<8x1024xf32, #tpu.memory_space<vmem>>, vector<1x16xf32>,
        %get3A_1015 = arith.index_cast %scan3A_246 : i32 to index
        %get3A_1016 = arith.constant 880 : index
        %get3A_1017 = tpu.vector_load %arg10[%get3A_1015, %get3A_1016] {strides = array<i32>} : memref<8x1024xf32, #tpu.memory_space<vmem>>, vector<1x16xf32>,
        %get3A_1018 = vector.shape_cast %get3A_1017 : vector<1x16xf32> to vector<16xf32>
        %get3A_1019 = arith.index_cast %scan3A_246 : i32 to index
        %get3A_1020 = arith.constant 880 : index
        %get3A_1021 = tpu.vector_load %arg14[%get3A_1019, %get3A_1020] {strides = array<i32>} : memref<8x1024xf32, #tpu.memory_space<vmem>>, vector<1x16xf32>,
        %get3A_1022 = vector.shape_cast %get3A_1021 : vector<1x16xf32> to vector<16xf32>
        %add3A_1023 = arith.addf %get3A_1018, %get3A_1022 : vector<16xf32>
        %swap3A_1024 = arith.index_cast %scan3A_246 : i32 to index
        %swap3A_1025 = arith.constant 880 : index
        %swap3A_1026 = tpu.vector_load %arg10[%swap3A_1024, %swap3A_1025] {strides = array<i32>} : memref<8x1024xf32, #tpu.memory_space<vmem>>, vector<1x16xf32>,
        %swap3A_1027 = vector.shape_cast %swap3A_1026 : vector<1x16xf32> to vector<16xf32>
        %swap3A_1028 = vector.shape_cast %add3A_1023 : vector<16xf32> to vector<1x16xf32>
        tpu.vector_store %arg10[%swap3A_1024, %swap3A_1025], %swap3A_1028 {strides = array<i32>} : memref<8x1024xf32, #tpu.memory_space<vmem>>, vector<1x16xf32>,
        %get3A_1029 = arith.index_cast %scan3A_246 : i32 to index
        %get3A_1030 = arith.constant 896 : index
        %get3A_1031 = tpu.vector_load %arg10[%get3A_1029, %get3A_1030] {strides = array<i32>} : memref<8x1024xf32, #tpu.memory_space<vmem>>, vector<1x16xf32>,
        %get3A_1032 = vector.shape_cast %get3A_1031 : vector<1x16xf32> to vector<16xf32>
        %get3A_1033 = arith.index_cast %scan3A_246 : i32 to index
        %get3A_1034 = arith.constant 896 : index
        %get3A_1035 = tpu.vector_load %arg14[%get3A_1033, %get3A_1034] {strides = array<i32>} : memref<8x1024xf32, #tpu.memory_space<vmem>>, vector<1x16xf32>,
        %get3A_1036 = vector.shape_cast %get3A_1035 : vector<1x16xf32> to vector<16xf32>
        %add3A_1037 = arith.addf %get3A_1032, %get3A_1036 : vector<16xf32>
        %swap3A_1038 = arith.index_cast %scan3A_246 : i32 to index
        %swap3A_1039 = arith.constant 896 : index
        %swap3A_1040 = tpu.vector_load %arg10[%swap3A_1038, %swap3A_1039] {strides = array<i32>} : memref<8x1024xf32, #tpu.memory_space<vmem>>, vector<1x16xf32>,
        %swap3A_1041 = vector.shape_cast %swap3A_1040 : vector<1x16xf32> to vector<16xf32>
        %swap3A_1042 = vector.shape_cast %add3A_1037 : vector<16xf32> to vector<1x16xf32>
        tpu.vector_store %arg10[%swap3A_1038, %swap3A_1039], %swap3A_1042 {strides = array<i32>} : memref<8x1024xf32, #tpu.memory_space<vmem>>, vector<1x16xf32>,
        %get3A_1043 = arith.index_cast %scan3A_246 : i32 to index
        %get3A_1044 = arith.constant 912 : index
        %get3A_1045 = tpu.vector_load %arg10[%get3A_1043, %get3A_1044] {strides = array<i32>} : memref<8x1024xf32, #tpu.memory_space<vmem>>, vector<1x16xf32>,
        %get3A_1046 = vector.shape_cast %get3A_1045 : vector<1x16xf32> to vector<16xf32>
        %get3A_1047 = arith.index_cast %scan3A_246 : i32 to index
        %get3A_1048 = arith.constant 912 : index
        %get3A_1049 = tpu.vector_load %arg14[%get3A_1047, %get3A_1048] {strides = array<i32>} : memref<8x1024xf32, #tpu.memory_space<vmem>>, vector<1x16xf32>,
        %get3A_1050 = vector.shape_cast %get3A_1049 : vector<1x16xf32> to vector<16xf32>
        %add3A_1051 = arith.addf %get3A_1046, %get3A_1050 : vector<16xf32>
        %swap3A_1052 = arith.index_cast %scan3A_246 : i32 to index
        %swap3A_1053 = arith.constant 912 : index
        %swap3A_1054 = tpu.vector_load %arg10[%swap3A_1052, %swap3A_1053] {strides = array<i32>} : memref<8x1024xf32, #tpu.memory_space<vmem>>, vector<1x16xf32>,
        %swap3A_1055 = vector.shape_cast %swap3A_1054 : vector<1x16xf32> to vector<16xf32>
        %swap3A_1056 = vector.shape_cast %add3A_1051 : vector<16xf32> to vector<1x16xf32>
        tpu.vector_store %arg10[%swap3A_1052, %swap3A_1053], %swap3A_1056 {strides = array<i32>} : memref<8x1024xf32, #tpu.memory_space<vmem>>, vector<1x16xf32>,
        %get3A_1057 = arith.index_cast %scan3A_246 : i32 to index
        %get3A_1058 = arith.constant 928 : index
        %get3A_1059 = tpu.vector_load %arg10[%get3A_1057, %get3A_1058] {strides = array<i32>} : memref<8x1024xf32, #tpu.memory_space<vmem>>, vector<1x16xf32>,
        %get3A_1060 = vector.shape_cast %get3A_1059 : vector<1x16xf32> to vector<16xf32>
        %get3A_1061 = arith.index_cast %scan3A_246 : i32 to index
        %get3A_1062 = arith.constant 928 : index
        %get3A_1063 = tpu.vector_load %arg14[%get3A_1061, %get3A_1062] {strides = array<i32>} : memref<8x1024xf32, #tpu.memory_space<vmem>>, vector<1x16xf32>,
        %get3A_1064 = vector.shape_cast %get3A_1063 : vector<1x16xf32> to vector<16xf32>
        %add3A_1065 = arith.addf %get3A_1060, %get3A_1064 : vector<16xf32>
        %swap3A_1066 = arith.index_cast %scan3A_246 : i32 to index
        %swap3A_1067 = arith.constant 928 : index
        %swap3A_1068 = tpu.vector_load %arg10[%swap3A_1066, %swap3A_1067] {strides = array<i32>} : memref<8x1024xf32, #tpu.memory_space<vmem>>, vector<1x16xf32>,
        %swap3A_1069 = vector.shape_cast %swap3A_1068 : vector<1x16xf32> to vector<16xf32>
        %swap3A_1070 = vector.shape_cast %add3A_1065 : vector<16xf32> to vector<1x16xf32>
        tpu.vector_store %arg10[%swap3A_1066, %swap3A_1067], %swap3A_1070 {strides = array<i32>} : memref<8x1024xf32, #tpu.memory_space<vmem>>, vector<1x16xf32>,
        %get3A_1071 = arith.index_cast %scan3A_246 : i32 to index
        %get3A_1072 = arith.constant 944 : index
        %get3A_1073 = tpu.vector_load %arg10[%get3A_1071, %get3A_1072] {strides = array<i32>} : memref<8x1024xf32, #tpu.memory_space<vmem>>, vector<1x16xf32>,
        %get3A_1074 = vector.shape_cast %get3A_1073 : vector<1x16xf32> to vector<16xf32>
        %get3A_1075 = arith.index_cast %scan3A_246 : i32 to index
        %get3A_1076 = arith.constant 944 : index
        %get3A_1077 = tpu.vector_load %arg14[%get3A_1075, %get3A_1076] {strides = array<i32>} : memref<8x1024xf32, #tpu.memory_space<vmem>>, vector<1x16xf32>,
        %get3A_1078 = vector.shape_cast %get3A_1077 : vector<1x16xf32> to vector<16xf32>
        %add3A_1079 = arith.addf %get3A_1074, %get3A_1078 : vector<16xf32>
        %swap3A_1080 = arith.index_cast %scan3A_246 : i32 to index
        %swap3A_1081 = arith.constant 944 : index
        %swap3A_1082 = tpu.vector_load %arg10[%swap3A_1080, %swap3A_1081] {strides = array<i32>} : memref<8x1024xf32, #tpu.memory_space<vmem>>, vector<1x16xf32>,
        %swap3A_1083 = vector.shape_cast %swap3A_1082 : vector<1x16xf32> to vector<16xf32>
        %swap3A_1084 = vector.shape_cast %add3A_1079 : vector<16xf32> to vector<1x16xf32>
        tpu.vector_store %arg10[%swap3A_1080, %swap3A_1081], %swap3A_1084 {strides = array<i32>} : memref<8x1024xf32, #tpu.memory_space<vmem>>, vector<1x16xf32>,
        %get3A_1085 = arith.index_cast %scan3A_246 : i32 to index
        %get3A_1086 = arith.constant 960 : index
        %get3A_1087 = tpu.vector_load %arg10[%get3A_1085, %get3A_1086] {strides = array<i32>} : memref<8x1024xf32, #tpu.memory_space<vmem>>, vector<1x16xf32>,
        %get3A_1088 = vector.shape_cast %get3A_1087 : vector<1x16xf32> to vector<16xf32>
        %get3A_1089 = arith.index_cast %scan3A_246 : i32 to index
        %get3A_1090 = arith.constant 960 : index
        %get3A_1091 = tpu.vector_load %arg14[%get3A_1089, %get3A_1090] {strides = array<i32>} : memref<8x1024xf32, #tpu.memory_space<vmem>>, vector<1x16xf32>,
        %get3A_1092 = vector.shape_cast %get3A_1091 : vector<1x16xf32> to vector<16xf32>
        %add3A_1093 = arith.addf %get3A_1088, %get3A_1092 : vector<16xf32>
        %swap3A_1094 = arith.index_cast %scan3A_246 : i32 to index
        %swap3A_1095 = arith.constant 960 : index
        %swap3A_1096 = tpu.vector_load %arg10[%swap3A_1094, %swap3A_1095] {strides = array<i32>} : memref<8x1024xf32, #tpu.memory_space<vmem>>, vector<1x16xf32>,
        %swap3A_1097 = vector.shape_cast %swap3A_1096 : vector<1x16xf32> to vector<16xf32>
        %swap3A_1098 = vector.shape_cast %add3A_1093 : vector<16xf32> to vector<1x16xf32>
        tpu.vector_store %arg10[%swap3A_1094, %swap3A_1095], %swap3A_1098 {strides = array<i32>} : memref<8x1024xf32, #tpu.memory_space<vmem>>, vector<1x16xf32>,
        %get3A_1099 = arith.index_cast %scan3A_246 : i32 to index
        %get3A_1100 = arith.constant 976 : index
        %get3A_1101 = tpu.vector_load %arg10[%get3A_1099, %get3A_1100] {strides = array<i32>} : memref<8x1024xf32, #tpu.memory_space<vmem>>, vector<1x16xf32>,
        %get3A_1102 = vector.shape_cast %get3A_1101 : vector<1x16xf32> to vector<16xf32>
        %get3A_1103 = arith.index_cast %scan3A_246 : i32 to index
        %get3A_1104 = arith.constant 976 : index
        %get3A_1105 = tpu.vector_load %arg14[%get3A_1103, %get3A_1104] {strides = array<i32>} : memref<8x1024xf32, #tpu.memory_space<vmem>>, vector<1x16xf32>,
        %get3A_1106 = vector.shape_cast %get3A_1105 : vector<1x16xf32> to vector<16xf32>
        %add3A_1107 = arith.addf %get3A_1102, %get3A_1106 : vector<16xf32>
        %swap3A_1108 = arith.index_cast %scan3A_246 : i32 to index
        %swap3A_1109 = arith.constant 976 : index
        %swap3A_1110 = tpu.vector_load %arg10[%swap3A_1108, %swap3A_1109] {strides = array<i32>} : memref<8x1024xf32, #tpu.memory_space<vmem>>, vector<1x16xf32>,
        %swap3A_1111 = vector.shape_cast %swap3A_1110 : vector<1x16xf32> to vector<16xf32>
        %swap3A_1112 = vector.shape_cast %add3A_1107 : vector<16xf32> to vector<1x16xf32>
        tpu.vector_store %arg10[%swap3A_1108, %swap3A_1109], %swap3A_1112 {strides = array<i32>} : memref<8x1024xf32, #tpu.memory_space<vmem>>, vector<1x16xf32>,
        %get3A_1113 = arith.index_cast %scan3A_246 : i32 to index
        %get3A_1114 = arith.constant 992 : index
        %get3A_1115 = tpu.vector_load %arg10[%get3A_1113, %get3A_1114] {strides = array<i32>} : memref<8x1024xf32, #tpu.memory_space<vmem>>, vector<1x16xf32>,
        %get3A_1116 = vector.shape_cast %get3A_1115 : vector<1x16xf32> to vector<16xf32>
        %get3A_1117 = arith.index_cast %scan3A_246 : i32 to index
        %get3A_1118 = arith.constant 992 : index
        %get3A_1119 = tpu.vector_load %arg14[%get3A_1117, %get3A_1118] {strides = array<i32>} : memref<8x1024xf32, #tpu.memory_space<vmem>>, vector<1x16xf32>,
        %get3A_1120 = vector.shape_cast %get3A_1119 : vector<1x16xf32> to vector<16xf32>
        %add3A_1121 = arith.addf %get3A_1116, %get3A_1120 : vector<16xf32>
        %swap3A_1122 = arith.index_cast %scan3A_246 : i32 to index
        %swap3A_1123 = arith.constant 992 : index
        %swap3A_1124 = tpu.vector_load %arg10[%swap3A_1122, %swap3A_1123] {strides = array<i32>} : memref<8x1024xf32, #tpu.memory_space<vmem>>, vector<1x16xf32>,
        %swap3A_1125 = vector.shape_cast %swap3A_1124 : vector<1x16xf32> to vector<16xf32>
        %swap3A_1126 = vector.shape_cast %add3A_1121 : vector<16xf32> to vector<1x16xf32>
        tpu.vector_store %arg10[%swap3A_1122, %swap3A_1123], %swap3A_1126 {strides = array<i32>} : memref<8x1024xf32, #tpu.memory_space<vmem>>, vector<1x16xf32>,
        %get3A_1127 = arith.index_cast %scan3A_246 : i32 to index
        %get3A_1128 = arith.constant 1008 : index
        %get3A_1129 = tpu.vector_load %arg10[%get3A_1127, %get3A_1128] {strides = array<i32>} : memref<8x1024xf32, #tpu.memory_space<vmem>>, vector<1x16xf32>,
        %get3A_1130 = vector.shape_cast %get3A_1129 : vector<1x16xf32> to vector<16xf32>
        %get3A_1131 = arith.index_cast %scan3A_246 : i32 to index
        %get3A_1132 = arith.constant 1008 : index
        %get3A_1133 = tpu.vector_load %arg14[%get3A_1131, %get3A_1132] {strides = array<i32>} : memref<8x1024xf32, #tpu.memory_space<vmem>>, vector<1x16xf32>,
        %get3A_1134 = vector.shape_cast %get3A_1133 : vector<1x16xf32> to vector<16xf32>
        %add3A_1135 = arith.addf %get3A_1130, %get3A_1134 : vector<16xf32>
        %swap3A_1136 = arith.index_cast %scan3A_246 : i32 to index
        %swap3A_1137 = arith.constant 1008 : index
        %swap3A_1138 = tpu.vector_load %arg10[%swap3A_1136, %swap3A_1137] {strides = array<i32>} : memref<8x1024xf32, #tpu.memory_space<vmem>>, vector<1x16xf32>,
        %swap3A_1139 = vector.shape_cast %swap3A_1138 : vector<1x16xf32> to vector<16xf32>
        %swap3A_1140 = vector.shape_cast %add3A_1135 : vector<16xf32> to vector<1x16xf32>
        tpu.vector_store %arg10[%swap3A_1136, %swap3A_1137], %swap3A_1140 {strides = array<i32>} : memref<8x1024xf32, #tpu.memory_space<vmem>>, vector<1x16xf32>,
      }
      %scan3A_195 = arith.constant 8 : i32
      %mul3A_196 = arith.constant 1024 : i32
      %mul3A_197 = arith.muli %add3A, %mul3A_196 : i32
      %mul3A_198 = arith.constant 8 : i32
      %mul3A_199 = arith.muli %add3A_167, %mul3A_198 : i32
      %add3A_200 = arith.addi %mul3A_197, %mul3A_199 : i32
      %dma_start3A_201 = arith.constant 0 : i32
      %dma_start3A_202 = tpu.memref_slice %arg5[%add3A_200, %dma_start3A_201] : memref<32768x1024xf32, #tpu.memory_space<hbm>> -> memref<8x1024xf32, #tpu.memory_space<hbm>>
      %dma_start3A_203 = arith.constant 0 : i32
      %dma_start3A_204 = tpu.memref_slice %arg5[%add3A_200, %dma_start3A_203] : memref<32768x1024xf32, #tpu.memory_space<hbm>> -> memref<8x1024xf32, #tpu.memory_space<hbm>>
      tpu.enqueue_dma source(%arg10 : memref<8x1024xf32, #tpu.memory_space<vmem>>) target(%dma_start3A_204 : memref<8x1024xf32, #tpu.memory_space<hbm>>) target_semaphore(%arg22 : memref<!tpu.dma_semaphore, #tpu.memory_space<semaphore_mem>>)
      %mul3A_205 = arith.constant 4 : i32
      %mul3A_206 = arith.muli %mul3A_205, %scan3A_84 : i32
      %add3A_207 = arith.constant 3 : i32
      %add3A_208 = arith.addi %mul3A_206, %add3A_207 : i32
      %ge3A_209 = arith.constant 1 : i32
      %ge3A_210 = arith.cmpi sge, %add3A_208, %ge3A_209 : i32
      %convert_element_type3A_211 = arith.extui %ge3A_210 : i1 to i32
      %cond3A_212 = arith.constant 0 : i32
      %cond3A_213 = arith.cmpi ne, %convert_element_type3A_211, %cond3A_212 : i32
      scf.if %cond3A_213 {
        %dma_wait3A_246 = arith.constant 0 : i32
        %dma_wait3A_247 = arith.constant 0 : i32
        %dma_wait3A_248 = tpu.memref_slice %arg5[%dma_wait3A_246, %dma_wait3A_247] : memref<32768x1024xf32, #tpu.memory_space<hbm>> -> memref<8x1024xf32, #tpu.memory_space<hbm>>
        %dma_wait3A_249 = arith.constant 0 : i32
        %dma_wait3A_250 = arith.constant 0 : i32
        %dma_wait3A_251 = tpu.memref_slice %arg5[%dma_wait3A_249, %dma_wait3A_250] : memref<32768x1024xf32, #tpu.memory_space<hbm>> -> memref<8x1024xf32, #tpu.memory_space<hbm>>
        tpu.wait_dma2 semaphore(%arg22 : memref<!tpu.dma_semaphore, #tpu.memory_space<semaphore_mem>>) src(%dma_wait3A_251 : memref<8x1024xf32, #tpu.memory_space<hbm>>) dst(%arg10 : memref<8x1024xf32, #tpu.memory_space<vmem>>)
      } else {
      }
      %lt3A_214 = arith.constant 125 : i32
      %lt3A_215 = arith.cmpi slt, %add3A_208, %lt3A_214 : i32
      %convert_element_type3A_216 = arith.extui %lt3A_215 : i1 to i32
      %cond3A_217 = arith.constant 0 : i32
      %cond3A_218 = arith.cmpi ne, %convert_element_type3A_216, %cond3A_217 : i32
      scf.if %cond3A_218 {
        %add3A_246 = arith.constant 3 : i32
        %add3A_247 = arith.addi %add3A_208, %add3A_246 : i32
        %mul3A_248 = arith.constant 8 : i32
        %mul3A_249 = arith.muli %add3A_247, %mul3A_248 : i32
        %dma_start3A_250 = tpu.memref_slice %arg6[%mul3A_249] : memref<1024xi32, #tpu.memory_space<vmem>> -> memref<8xi32, #tpu.memory_space<vmem>>
        %dma_start3A_251 = arith.constant 0 : i32
        %dma_start3A_252 = arith.constant 0 : i32
        %dma_start3A_253 = tpu.memref_slice %arg3[%dma_start3A_251, %dma_start3A_252] : memref<8192x1024xf32, #tpu.memory_space<hbm>> -> memref<8192x1024xf32, #tpu.memory_space<hbm>>
        tpu.enqueue_indirect_dma source(%dma_start3A_253 : memref<8192x1024xf32, #tpu.memory_space<hbm>>) target(%arg10 : memref<8x1024xf32, #tpu.memory_space<vmem>>) offsets(%dma_start3A_250 : memref<8xi32, #tpu.memory_space<vmem>>) semaphore(%arg18 : memref<!tpu.dma_semaphore, #tpu.memory_space<semaphore_mem>>)
        %mul3A_254 = arith.constant 8 : i32
        %mul3A_255 = arith.muli %add3A_247, %mul3A_254 : i32
        %dma_start3A_256 = tpu.memref_slice %arg7[%mul3A_255] : memref<1024xi32, #tpu.memory_space<vmem>> -> memref<8xi32, #tpu.memory_space<vmem>>
        %dma_start3A_257 = arith.constant 0 : i32
        %dma_start3A_258 = arith.constant 0 : i32
        %dma_start3A_259 = tpu.memref_slice %arg4[%dma_start3A_257, %dma_start3A_258] : memref<8192x1024xf32, #tpu.memory_space<hbm>> -> memref<8192x1024xf32, #tpu.memory_space<hbm>>
        tpu.enqueue_indirect_dma source(%dma_start3A_259 : memref<8192x1024xf32, #tpu.memory_space<hbm>>) target(%arg14 : memref<8x1024xf32, #tpu.memory_space<vmem>>) offsets(%dma_start3A_256 : memref<8xi32, #tpu.memory_space<vmem>>) semaphore(%arg18 : memref<!tpu.dma_semaphore, #tpu.memory_space<semaphore_mem>>)
      } else {
      }
      %dma_wait3A_219 = arith.constant 0 : i32
      %dma_wait3A_220 = arith.constant 0 : i32
      %dma_wait3A_221 = tpu.memref_slice %arg3[%dma_wait3A_219, %dma_wait3A_220] : memref<8192x1024xf32, #tpu.memory_space<hbm>> -> memref<8x1024xf32, #tpu.memory_space<hbm>>
      %dma_wait3A_222 = arith.constant 0 : i32
      %dma_wait3A_223 = arith.constant 0 : i32
      %dma_wait3A_224 = tpu.memref_slice %arg3[%dma_wait3A_222, %dma_wait3A_223] : memref<8192x1024xf32, #tpu.memory_space<hbm>> -> memref<8x1024xf32, #tpu.memory_space<hbm>>
      tpu.wait_dma2 semaphore(%arg19 : memref<!tpu.dma_semaphore, #tpu.memory_space<semaphore_mem>>) src(%dma_wait3A_224 : memref<8x1024xf32, #tpu.memory_space<hbm>>) dst(%arg11 : memref<8x1024xf32, #tpu.memory_space<vmem>>)
      %dma_wait3A_225 = arith.constant 0 : i32
      %dma_wait3A_226 = arith.constant 0 : i32
      %dma_wait3A_227 = tpu.memref_slice %arg4[%dma_wait3A_225, %dma_wait3A_226] : memref<8192x1024xf32, #tpu.memory_space<hbm>> -> memref<8x1024xf32, #tpu.memory_space<hbm>>
      %dma_wait3A_228 = arith.constant 0 : i32
      %dma_wait3A_229 = arith.constant 0 : i32
      %dma_wait3A_230 = tpu.memref_slice %arg4[%dma_wait3A_228, %dma_wait3A_229] : memref<8192x1024xf32, #tpu.memory_space<hbm>> -> memref<8x1024xf32, #tpu.memory_space<hbm>>
      tpu.wait_dma2 semaphore(%arg19 : memref<!tpu.dma_semaphore, #tpu.memory_space<semaphore_mem>>) src(%dma_wait3A_230 : memref<8x1024xf32, #tpu.memory_space<hbm>>) dst(%arg15 : memref<8x1024xf32, #tpu.memory_space<vmem>>)
      %scan3A_231 = arith.constant 0 : i32
      %scan3A_232 = arith.constant 0 : i32
      %scan3A_233 = arith.constant 8 : i32
      %scan3A_234 = arith.addi %scan3A_232, %scan3A_233 : i32
      %scan3A_235 = arith.constant 1 : i32
      scf.for %scan3A_246 = %scan3A_232 to %scan3A_234 step %scan3A_235  : i32 {
        %get3A = arith.index_cast %scan3A_246 : i32 to index
        %get3A_247 = arith.constant 0 : index
        %get3A_248 = tpu.vector_load %arg11[%get3A, %get3A_247] {strides = array<i32>} : memref<8x1024xf32, #tpu.memory_space<vmem>>, vector<1x16xf32>,
        %get3A_249 = vector.shape_cast %get3A_248 : vector<1x16xf32> to vector<16xf32>
        %get3A_250 = arith.index_cast %scan3A_246 : i32 to index
        %get3A_251 = arith.constant 0 : index
        %get3A_252 = tpu.vector_load %arg15[%get3A_250, %get3A_251] {strides = array<i32>} : memref<8x1024xf32, #tpu.memory_space<vmem>>, vector<1x16xf32>,
        %get3A_253 = vector.shape_cast %get3A_252 : vector<1x16xf32> to vector<16xf32>
        %add3A_254 = arith.addf %get3A_249, %get3A_253 : vector<16xf32>
        %swap3A = arith.index_cast %scan3A_246 : i32 to index
        %swap3A_255 = arith.constant 0 : index
        %swap3A_256 = tpu.vector_load %arg11[%swap3A, %swap3A_255] {strides = array<i32>} : memref<8x1024xf32, #tpu.memory_space<vmem>>, vector<1x16xf32>,
        %swap3A_257 = vector.shape_cast %swap3A_256 : vector<1x16xf32> to vector<16xf32>
        %swap3A_258 = vector.shape_cast %add3A_254 : vector<16xf32> to vector<1x16xf32>
        tpu.vector_store %arg11[%swap3A, %swap3A_255], %swap3A_258 {strides = array<i32>} : memref<8x1024xf32, #tpu.memory_space<vmem>>, vector<1x16xf32>,
        %get3A_259 = arith.index_cast %scan3A_246 : i32 to index
        %get3A_260 = arith.constant 16 : index
        %get3A_261 = tpu.vector_load %arg11[%get3A_259, %get3A_260] {strides = array<i32>} : memref<8x1024xf32, #tpu.memory_space<vmem>>, vector<1x16xf32>,
        %get3A_262 = vector.shape_cast %get3A_261 : vector<1x16xf32> to vector<16xf32>
        %get3A_263 = arith.index_cast %scan3A_246 : i32 to index
        %get3A_264 = arith.constant 16 : index
        %get3A_265 = tpu.vector_load %arg15[%get3A_263, %get3A_264] {strides = array<i32>} : memref<8x1024xf32, #tpu.memory_space<vmem>>, vector<1x16xf32>,
        %get3A_266 = vector.shape_cast %get3A_265 : vector<1x16xf32> to vector<16xf32>
        %add3A_267 = arith.addf %get3A_262, %get3A_266 : vector<16xf32>
        %swap3A_268 = arith.index_cast %scan3A_246 : i32 to index
        %swap3A_269 = arith.constant 16 : index
        %swap3A_270 = tpu.vector_load %arg11[%swap3A_268, %swap3A_269] {strides = array<i32>} : memref<8x1024xf32, #tpu.memory_space<vmem>>, vector<1x16xf32>,
        %swap3A_271 = vector.shape_cast %swap3A_270 : vector<1x16xf32> to vector<16xf32>
        %swap3A_272 = vector.shape_cast %add3A_267 : vector<16xf32> to vector<1x16xf32>
        tpu.vector_store %arg11[%swap3A_268, %swap3A_269], %swap3A_272 {strides = array<i32>} : memref<8x1024xf32, #tpu.memory_space<vmem>>, vector<1x16xf32>,
        %get3A_273 = arith.index_cast %scan3A_246 : i32 to index
        %get3A_274 = arith.constant 32 : index
        %get3A_275 = tpu.vector_load %arg11[%get3A_273, %get3A_274] {strides = array<i32>} : memref<8x1024xf32, #tpu.memory_space<vmem>>, vector<1x16xf32>,
        %get3A_276 = vector.shape_cast %get3A_275 : vector<1x16xf32> to vector<16xf32>
        %get3A_277 = arith.index_cast %scan3A_246 : i32 to index
        %get3A_278 = arith.constant 32 : index
        %get3A_279 = tpu.vector_load %arg15[%get3A_277, %get3A_278] {strides = array<i32>} : memref<8x1024xf32, #tpu.memory_space<vmem>>, vector<1x16xf32>,
        %get3A_280 = vector.shape_cast %get3A_279 : vector<1x16xf32> to vector<16xf32>
        %add3A_281 = arith.addf %get3A_276, %get3A_280 : vector<16xf32>
        %swap3A_282 = arith.index_cast %scan3A_246 : i32 to index
        %swap3A_283 = arith.constant 32 : index
        %swap3A_284 = tpu.vector_load %arg11[%swap3A_282, %swap3A_283] {strides = array<i32>} : memref<8x1024xf32, #tpu.memory_space<vmem>>, vector<1x16xf32>,
        %swap3A_285 = vector.shape_cast %swap3A_284 : vector<1x16xf32> to vector<16xf32>
        %swap3A_286 = vector.shape_cast %add3A_281 : vector<16xf32> to vector<1x16xf32>
        tpu.vector_store %arg11[%swap3A_282, %swap3A_283], %swap3A_286 {strides = array<i32>} : memref<8x1024xf32, #tpu.memory_space<vmem>>, vector<1x16xf32>,
        %get3A_287 = arith.index_cast %scan3A_246 : i32 to index
        %get3A_288 = arith.constant 48 : index
        %get3A_289 = tpu.vector_load %arg11[%get3A_287, %get3A_288] {strides = array<i32>} : memref<8x1024xf32, #tpu.memory_space<vmem>>, vector<1x16xf32>,
        %get3A_290 = vector.shape_cast %get3A_289 : vector<1x16xf32> to vector<16xf32>
        %get3A_291 = arith.index_cast %scan3A_246 : i32 to index
        %get3A_292 = arith.constant 48 : index
        %get3A_293 = tpu.vector_load %arg15[%get3A_291, %get3A_292] {strides = array<i32>} : memref<8x1024xf32, #tpu.memory_space<vmem>>, vector<1x16xf32>,
        %get3A_294 = vector.shape_cast %get3A_293 : vector<1x16xf32> to vector<16xf32>
        %add3A_295 = arith.addf %get3A_290, %get3A_294 : vector<16xf32>
        %swap3A_296 = arith.index_cast %scan3A_246 : i32 to index
        %swap3A_297 = arith.constant 48 : index
        %swap3A_298 = tpu.vector_load %arg11[%swap3A_296, %swap3A_297] {strides = array<i32>} : memref<8x1024xf32, #tpu.memory_space<vmem>>, vector<1x16xf32>,
        %swap3A_299 = vector.shape_cast %swap3A_298 : vector<1x16xf32> to vector<16xf32>
        %swap3A_300 = vector.shape_cast %add3A_295 : vector<16xf32> to vector<1x16xf32>
        tpu.vector_store %arg11[%swap3A_296, %swap3A_297], %swap3A_300 {strides = array<i32>} : memref<8x1024xf32, #tpu.memory_space<vmem>>, vector<1x16xf32>,
        %get3A_301 = arith.index_cast %scan3A_246 : i32 to index
        %get3A_302 = arith.constant 64 : index
        %get3A_303 = tpu.vector_load %arg11[%get3A_301, %get3A_302] {strides = array<i32>} : memref<8x1024xf32, #tpu.memory_space<vmem>>, vector<1x16xf32>,
        %get3A_304 = vector.shape_cast %get3A_303 : vector<1x16xf32> to vector<16xf32>
        %get3A_305 = arith.index_cast %scan3A_246 : i32 to index
        %get3A_306 = arith.constant 64 : index
        %get3A_307 = tpu.vector_load %arg15[%get3A_305, %get3A_306] {strides = array<i32>} : memref<8x1024xf32, #tpu.memory_space<vmem>>, vector<1x16xf32>,
        %get3A_308 = vector.shape_cast %get3A_307 : vector<1x16xf32> to vector<16xf32>
        %add3A_309 = arith.addf %get3A_304, %get3A_308 : vector<16xf32>
        %swap3A_310 = arith.index_cast %scan3A_246 : i32 to index
        %swap3A_311 = arith.constant 64 : index
        %swap3A_312 = tpu.vector_load %arg11[%swap3A_310, %swap3A_311] {strides = array<i32>} : memref<8x1024xf32, #tpu.memory_space<vmem>>, vector<1x16xf32>,
        %swap3A_313 = vector.shape_cast %swap3A_312 : vector<1x16xf32> to vector<16xf32>
        %swap3A_314 = vector.shape_cast %add3A_309 : vector<16xf32> to vector<1x16xf32>
        tpu.vector_store %arg11[%swap3A_310, %swap3A_311], %swap3A_314 {strides = array<i32>} : memref<8x1024xf32, #tpu.memory_space<vmem>>, vector<1x16xf32>,
        %get3A_315 = arith.index_cast %scan3A_246 : i32 to index
        %get3A_316 = arith.constant 80 : index
        %get3A_317 = tpu.vector_load %arg11[%get3A_315, %get3A_316] {strides = array<i32>} : memref<8x1024xf32, #tpu.memory_space<vmem>>, vector<1x16xf32>,
        %get3A_318 = vector.shape_cast %get3A_317 : vector<1x16xf32> to vector<16xf32>
        %get3A_319 = arith.index_cast %scan3A_246 : i32 to index
        %get3A_320 = arith.constant 80 : index
        %get3A_321 = tpu.vector_load %arg15[%get3A_319, %get3A_320] {strides = array<i32>} : memref<8x1024xf32, #tpu.memory_space<vmem>>, vector<1x16xf32>,
        %get3A_322 = vector.shape_cast %get3A_321 : vector<1x16xf32> to vector<16xf32>
        %add3A_323 = arith.addf %get3A_318, %get3A_322 : vector<16xf32>
        %swap3A_324 = arith.index_cast %scan3A_246 : i32 to index
        %swap3A_325 = arith.constant 80 : index
        %swap3A_326 = tpu.vector_load %arg11[%swap3A_324, %swap3A_325] {strides = array<i32>} : memref<8x1024xf32, #tpu.memory_space<vmem>>, vector<1x16xf32>,
        %swap3A_327 = vector.shape_cast %swap3A_326 : vector<1x16xf32> to vector<16xf32>
        %swap3A_328 = vector.shape_cast %add3A_323 : vector<16xf32> to vector<1x16xf32>
        tpu.vector_store %arg11[%swap3A_324, %swap3A_325], %swap3A_328 {strides = array<i32>} : memref<8x1024xf32, #tpu.memory_space<vmem>>, vector<1x16xf32>,
        %get3A_329 = arith.index_cast %scan3A_246 : i32 to index
        %get3A_330 = arith.constant 96 : index
        %get3A_331 = tpu.vector_load %arg11[%get3A_329, %get3A_330] {strides = array<i32>} : memref<8x1024xf32, #tpu.memory_space<vmem>>, vector<1x16xf32>,
        %get3A_332 = vector.shape_cast %get3A_331 : vector<1x16xf32> to vector<16xf32>
        %get3A_333 = arith.index_cast %scan3A_246 : i32 to index
        %get3A_334 = arith.constant 96 : index
        %get3A_335 = tpu.vector_load %arg15[%get3A_333, %get3A_334] {strides = array<i32>} : memref<8x1024xf32, #tpu.memory_space<vmem>>, vector<1x16xf32>,
        %get3A_336 = vector.shape_cast %get3A_335 : vector<1x16xf32> to vector<16xf32>
        %add3A_337 = arith.addf %get3A_332, %get3A_336 : vector<16xf32>
        %swap3A_338 = arith.index_cast %scan3A_246 : i32 to index
        %swap3A_339 = arith.constant 96 : index
        %swap3A_340 = tpu.vector_load %arg11[%swap3A_338, %swap3A_339] {strides = array<i32>} : memref<8x1024xf32, #tpu.memory_space<vmem>>, vector<1x16xf32>,
        %swap3A_341 = vector.shape_cast %swap3A_340 : vector<1x16xf32> to vector<16xf32>
        %swap3A_342 = vector.shape_cast %add3A_337 : vector<16xf32> to vector<1x16xf32>
        tpu.vector_store %arg11[%swap3A_338, %swap3A_339], %swap3A_342 {strides = array<i32>} : memref<8x1024xf32, #tpu.memory_space<vmem>>, vector<1x16xf32>,
        %get3A_343 = arith.index_cast %scan3A_246 : i32 to index
        %get3A_344 = arith.constant 112 : index
        %get3A_345 = tpu.vector_load %arg11[%get3A_343, %get3A_344] {strides = array<i32>} : memref<8x1024xf32, #tpu.memory_space<vmem>>, vector<1x16xf32>,
        %get3A_346 = vector.shape_cast %get3A_345 : vector<1x16xf32> to vector<16xf32>
        %get3A_347 = arith.index_cast %scan3A_246 : i32 to index
        %get3A_348 = arith.constant 112 : index
        %get3A_349 = tpu.vector_load %arg15[%get3A_347, %get3A_348] {strides = array<i32>} : memref<8x1024xf32, #tpu.memory_space<vmem>>, vector<1x16xf32>,
        %get3A_350 = vector.shape_cast %get3A_349 : vector<1x16xf32> to vector<16xf32>
        %add3A_351 = arith.addf %get3A_346, %get3A_350 : vector<16xf32>
        %swap3A_352 = arith.index_cast %scan3A_246 : i32 to index
        %swap3A_353 = arith.constant 112 : index
        %swap3A_354 = tpu.vector_load %arg11[%swap3A_352, %swap3A_353] {strides = array<i32>} : memref<8x1024xf32, #tpu.memory_space<vmem>>, vector<1x16xf32>,
        %swap3A_355 = vector.shape_cast %swap3A_354 : vector<1x16xf32> to vector<16xf32>
        %swap3A_356 = vector.shape_cast %add3A_351 : vector<16xf32> to vector<1x16xf32>
        tpu.vector_store %arg11[%swap3A_352, %swap3A_353], %swap3A_356 {strides = array<i32>} : memref<8x1024xf32, #tpu.memory_space<vmem>>, vector<1x16xf32>,
        %get3A_357 = arith.index_cast %scan3A_246 : i32 to index
        %get3A_358 = arith.constant 128 : index
        %get3A_359 = tpu.vector_load %arg11[%get3A_357, %get3A_358] {strides = array<i32>} : memref<8x1024xf32, #tpu.memory_space<vmem>>, vector<1x16xf32>,
        %get3A_360 = vector.shape_cast %get3A_359 : vector<1x16xf32> to vector<16xf32>
        %get3A_361 = arith.index_cast %scan3A_246 : i32 to index
        %get3A_362 = arith.constant 128 : index
        %get3A_363 = tpu.vector_load %arg15[%get3A_361, %get3A_362] {strides = array<i32>} : memref<8x1024xf32, #tpu.memory_space<vmem>>, vector<1x16xf32>,
        %get3A_364 = vector.shape_cast %get3A_363 : vector<1x16xf32> to vector<16xf32>
        %add3A_365 = arith.addf %get3A_360, %get3A_364 : vector<16xf32>
        %swap3A_366 = arith.index_cast %scan3A_246 : i32 to index
        %swap3A_367 = arith.constant 128 : index
        %swap3A_368 = tpu.vector_load %arg11[%swap3A_366, %swap3A_367] {strides = array<i32>} : memref<8x1024xf32, #tpu.memory_space<vmem>>, vector<1x16xf32>,
        %swap3A_369 = vector.shape_cast %swap3A_368 : vector<1x16xf32> to vector<16xf32>
        %swap3A_370 = vector.shape_cast %add3A_365 : vector<16xf32> to vector<1x16xf32>
        tpu.vector_store %arg11[%swap3A_366, %swap3A_367], %swap3A_370 {strides = array<i32>} : memref<8x1024xf32, #tpu.memory_space<vmem>>, vector<1x16xf32>,
        %get3A_371 = arith.index_cast %scan3A_246 : i32 to index
        %get3A_372 = arith.constant 144 : index
        %get3A_373 = tpu.vector_load %arg11[%get3A_371, %get3A_372] {strides = array<i32>} : memref<8x1024xf32, #tpu.memory_space<vmem>>, vector<1x16xf32>,
        %get3A_374 = vector.shape_cast %get3A_373 : vector<1x16xf32> to vector<16xf32>
        %get3A_375 = arith.index_cast %scan3A_246 : i32 to index
        %get3A_376 = arith.constant 144 : index
        %get3A_377 = tpu.vector_load %arg15[%get3A_375, %get3A_376] {strides = array<i32>} : memref<8x1024xf32, #tpu.memory_space<vmem>>, vector<1x16xf32>,
        %get3A_378 = vector.shape_cast %get3A_377 : vector<1x16xf32> to vector<16xf32>
        %add3A_379 = arith.addf %get3A_374, %get3A_378 : vector<16xf32>
        %swap3A_380 = arith.index_cast %scan3A_246 : i32 to index
        %swap3A_381 = arith.constant 144 : index
        %swap3A_382 = tpu.vector_load %arg11[%swap3A_380, %swap3A_381] {strides = array<i32>} : memref<8x1024xf32, #tpu.memory_space<vmem>>, vector<1x16xf32>,
        %swap3A_383 = vector.shape_cast %swap3A_382 : vector<1x16xf32> to vector<16xf32>
        %swap3A_384 = vector.shape_cast %add3A_379 : vector<16xf32> to vector<1x16xf32>
        tpu.vector_store %arg11[%swap3A_380, %swap3A_381], %swap3A_384 {strides = array<i32>} : memref<8x1024xf32, #tpu.memory_space<vmem>>, vector<1x16xf32>,
        %get3A_385 = arith.index_cast %scan3A_246 : i32 to index
        %get3A_386 = arith.constant 160 : index
        %get3A_387 = tpu.vector_load %arg11[%get3A_385, %get3A_386] {strides = array<i32>} : memref<8x1024xf32, #tpu.memory_space<vmem>>, vector<1x16xf32>,
        %get3A_388 = vector.shape_cast %get3A_387 : vector<1x16xf32> to vector<16xf32>
        %get3A_389 = arith.index_cast %scan3A_246 : i32 to index
        %get3A_390 = arith.constant 160 : index
        %get3A_391 = tpu.vector_load %arg15[%get3A_389, %get3A_390] {strides = array<i32>} : memref<8x1024xf32, #tpu.memory_space<vmem>>, vector<1x16xf32>,
        %get3A_392 = vector.shape_cast %get3A_391 : vector<1x16xf32> to vector<16xf32>
        %add3A_393 = arith.addf %get3A_388, %get3A_392 : vector<16xf32>
        %swap3A_394 = arith.index_cast %scan3A_246 : i32 to index
        %swap3A_395 = arith.constant 160 : index
        %swap3A_396 = tpu.vector_load %arg11[%swap3A_394, %swap3A_395] {strides = array<i32>} : memref<8x1024xf32, #tpu.memory_space<vmem>>, vector<1x16xf32>,
        %swap3A_397 = vector.shape_cast %swap3A_396 : vector<1x16xf32> to vector<16xf32>
        %swap3A_398 = vector.shape_cast %add3A_393 : vector<16xf32> to vector<1x16xf32>
        tpu.vector_store %arg11[%swap3A_394, %swap3A_395], %swap3A_398 {strides = array<i32>} : memref<8x1024xf32, #tpu.memory_space<vmem>>, vector<1x16xf32>,
        %get3A_399 = arith.index_cast %scan3A_246 : i32 to index
        %get3A_400 = arith.constant 176 : index
        %get3A_401 = tpu.vector_load %arg11[%get3A_399, %get3A_400] {strides = array<i32>} : memref<8x1024xf32, #tpu.memory_space<vmem>>, vector<1x16xf32>,
        %get3A_402 = vector.shape_cast %get3A_401 : vector<1x16xf32> to vector<16xf32>
        %get3A_403 = arith.index_cast %scan3A_246 : i32 to index
        %get3A_404 = arith.constant 176 : index
        %get3A_405 = tpu.vector_load %arg15[%get3A_403, %get3A_404] {strides = array<i32>} : memref<8x1024xf32, #tpu.memory_space<vmem>>, vector<1x16xf32>,
        %get3A_406 = vector.shape_cast %get3A_405 : vector<1x16xf32> to vector<16xf32>
        %add3A_407 = arith.addf %get3A_402, %get3A_406 : vector<16xf32>
        %swap3A_408 = arith.index_cast %scan3A_246 : i32 to index
        %swap3A_409 = arith.constant 176 : index
        %swap3A_410 = tpu.vector_load %arg11[%swap3A_408, %swap3A_409] {strides = array<i32>} : memref<8x1024xf32, #tpu.memory_space<vmem>>, vector<1x16xf32>,
        %swap3A_411 = vector.shape_cast %swap3A_410 : vector<1x16xf32> to vector<16xf32>
        %swap3A_412 = vector.shape_cast %add3A_407 : vector<16xf32> to vector<1x16xf32>
        tpu.vector_store %arg11[%swap3A_408, %swap3A_409], %swap3A_412 {strides = array<i32>} : memref<8x1024xf32, #tpu.memory_space<vmem>>, vector<1x16xf32>,
        %get3A_413 = arith.index_cast %scan3A_246 : i32 to index
        %get3A_414 = arith.constant 192 : index
        %get3A_415 = tpu.vector_load %arg11[%get3A_413, %get3A_414] {strides = array<i32>} : memref<8x1024xf32, #tpu.memory_space<vmem>>, vector<1x16xf32>,
        %get3A_416 = vector.shape_cast %get3A_415 : vector<1x16xf32> to vector<16xf32>
        %get3A_417 = arith.index_cast %scan3A_246 : i32 to index
        %get3A_418 = arith.constant 192 : index
        %get3A_419 = tpu.vector_load %arg15[%get3A_417, %get3A_418] {strides = array<i32>} : memref<8x1024xf32, #tpu.memory_space<vmem>>, vector<1x16xf32>,
        %get3A_420 = vector.shape_cast %get3A_419 : vector<1x16xf32> to vector<16xf32>
        %add3A_421 = arith.addf %get3A_416, %get3A_420 : vector<16xf32>
        %swap3A_422 = arith.index_cast %scan3A_246 : i32 to index
        %swap3A_423 = arith.constant 192 : index
        %swap3A_424 = tpu.vector_load %arg11[%swap3A_422, %swap3A_423] {strides = array<i32>} : memref<8x1024xf32, #tpu.memory_space<vmem>>, vector<1x16xf32>,
        %swap3A_425 = vector.shape_cast %swap3A_424 : vector<1x16xf32> to vector<16xf32>
        %swap3A_426 = vector.shape_cast %add3A_421 : vector<16xf32> to vector<1x16xf32>
        tpu.vector_store %arg11[%swap3A_422, %swap3A_423], %swap3A_426 {strides = array<i32>} : memref<8x1024xf32, #tpu.memory_space<vmem>>, vector<1x16xf32>,
        %get3A_427 = arith.index_cast %scan3A_246 : i32 to index
        %get3A_428 = arith.constant 208 : index
        %get3A_429 = tpu.vector_load %arg11[%get3A_427, %get3A_428] {strides = array<i32>} : memref<8x1024xf32, #tpu.memory_space<vmem>>, vector<1x16xf32>,
        %get3A_430 = vector.shape_cast %get3A_429 : vector<1x16xf32> to vector<16xf32>
        %get3A_431 = arith.index_cast %scan3A_246 : i32 to index
        %get3A_432 = arith.constant 208 : index
        %get3A_433 = tpu.vector_load %arg15[%get3A_431, %get3A_432] {strides = array<i32>} : memref<8x1024xf32, #tpu.memory_space<vmem>>, vector<1x16xf32>,
        %get3A_434 = vector.shape_cast %get3A_433 : vector<1x16xf32> to vector<16xf32>
        %add3A_435 = arith.addf %get3A_430, %get3A_434 : vector<16xf32>
        %swap3A_436 = arith.index_cast %scan3A_246 : i32 to index
        %swap3A_437 = arith.constant 208 : index
        %swap3A_438 = tpu.vector_load %arg11[%swap3A_436, %swap3A_437] {strides = array<i32>} : memref<8x1024xf32, #tpu.memory_space<vmem>>, vector<1x16xf32>,
        %swap3A_439 = vector.shape_cast %swap3A_438 : vector<1x16xf32> to vector<16xf32>
        %swap3A_440 = vector.shape_cast %add3A_435 : vector<16xf32> to vector<1x16xf32>
        tpu.vector_store %arg11[%swap3A_436, %swap3A_437], %swap3A_440 {strides = array<i32>} : memref<8x1024xf32, #tpu.memory_space<vmem>>, vector<1x16xf32>,
        %get3A_441 = arith.index_cast %scan3A_246 : i32 to index
        %get3A_442 = arith.constant 224 : index
        %get3A_443 = tpu.vector_load %arg11[%get3A_441, %get3A_442] {strides = array<i32>} : memref<8x1024xf32, #tpu.memory_space<vmem>>, vector<1x16xf32>,
        %get3A_444 = vector.shape_cast %get3A_443 : vector<1x16xf32> to vector<16xf32>
        %get3A_445 = arith.index_cast %scan3A_246 : i32 to index
        %get3A_446 = arith.constant 224 : index
        %get3A_447 = tpu.vector_load %arg15[%get3A_445, %get3A_446] {strides = array<i32>} : memref<8x1024xf32, #tpu.memory_space<vmem>>, vector<1x16xf32>,
        %get3A_448 = vector.shape_cast %get3A_447 : vector<1x16xf32> to vector<16xf32>
        %add3A_449 = arith.addf %get3A_444, %get3A_448 : vector<16xf32>
        %swap3A_450 = arith.index_cast %scan3A_246 : i32 to index
        %swap3A_451 = arith.constant 224 : index
        %swap3A_452 = tpu.vector_load %arg11[%swap3A_450, %swap3A_451] {strides = array<i32>} : memref<8x1024xf32, #tpu.memory_space<vmem>>, vector<1x16xf32>,
        %swap3A_453 = vector.shape_cast %swap3A_452 : vector<1x16xf32> to vector<16xf32>
        %swap3A_454 = vector.shape_cast %add3A_449 : vector<16xf32> to vector<1x16xf32>
        tpu.vector_store %arg11[%swap3A_450, %swap3A_451], %swap3A_454 {strides = array<i32>} : memref<8x1024xf32, #tpu.memory_space<vmem>>, vector<1x16xf32>,
        %get3A_455 = arith.index_cast %scan3A_246 : i32 to index
        %get3A_456 = arith.constant 240 : index
        %get3A_457 = tpu.vector_load %arg11[%get3A_455, %get3A_456] {strides = array<i32>} : memref<8x1024xf32, #tpu.memory_space<vmem>>, vector<1x16xf32>,
        %get3A_458 = vector.shape_cast %get3A_457 : vector<1x16xf32> to vector<16xf32>
        %get3A_459 = arith.index_cast %scan3A_246 : i32 to index
        %get3A_460 = arith.constant 240 : index
        %get3A_461 = tpu.vector_load %arg15[%get3A_459, %get3A_460] {strides = array<i32>} : memref<8x1024xf32, #tpu.memory_space<vmem>>, vector<1x16xf32>,
        %get3A_462 = vector.shape_cast %get3A_461 : vector<1x16xf32> to vector<16xf32>
        %add3A_463 = arith.addf %get3A_458, %get3A_462 : vector<16xf32>
        %swap3A_464 = arith.index_cast %scan3A_246 : i32 to index
        %swap3A_465 = arith.constant 240 : index
        %swap3A_466 = tpu.vector_load %arg11[%swap3A_464, %swap3A_465] {strides = array<i32>} : memref<8x1024xf32, #tpu.memory_space<vmem>>, vector<1x16xf32>,
        %swap3A_467 = vector.shape_cast %swap3A_466 : vector<1x16xf32> to vector<16xf32>
        %swap3A_468 = vector.shape_cast %add3A_463 : vector<16xf32> to vector<1x16xf32>
        tpu.vector_store %arg11[%swap3A_464, %swap3A_465], %swap3A_468 {strides = array<i32>} : memref<8x1024xf32, #tpu.memory_space<vmem>>, vector<1x16xf32>,
        %get3A_469 = arith.index_cast %scan3A_246 : i32 to index
        %get3A_470 = arith.constant 256 : index
        %get3A_471 = tpu.vector_load %arg11[%get3A_469, %get3A_470] {strides = array<i32>} : memref<8x1024xf32, #tpu.memory_space<vmem>>, vector<1x16xf32>,
        %get3A_472 = vector.shape_cast %get3A_471 : vector<1x16xf32> to vector<16xf32>
        %get3A_473 = arith.index_cast %scan3A_246 : i32 to index
        %get3A_474 = arith.constant 256 : index
        %get3A_475 = tpu.vector_load %arg15[%get3A_473, %get3A_474] {strides = array<i32>} : memref<8x1024xf32, #tpu.memory_space<vmem>>, vector<1x16xf32>,
        %get3A_476 = vector.shape_cast %get3A_475 : vector<1x16xf32> to vector<16xf32>
        %add3A_477 = arith.addf %get3A_472, %get3A_476 : vector<16xf32>
        %swap3A_478 = arith.index_cast %scan3A_246 : i32 to index
        %swap3A_479 = arith.constant 256 : index
        %swap3A_480 = tpu.vector_load %arg11[%swap3A_478, %swap3A_479] {strides = array<i32>} : memref<8x1024xf32, #tpu.memory_space<vmem>>, vector<1x16xf32>,
        %swap3A_481 = vector.shape_cast %swap3A_480 : vector<1x16xf32> to vector<16xf32>
        %swap3A_482 = vector.shape_cast %add3A_477 : vector<16xf32> to vector<1x16xf32>
        tpu.vector_store %arg11[%swap3A_478, %swap3A_479], %swap3A_482 {strides = array<i32>} : memref<8x1024xf32, #tpu.memory_space<vmem>>, vector<1x16xf32>,
        %get3A_483 = arith.index_cast %scan3A_246 : i32 to index
        %get3A_484 = arith.constant 272 : index
        %get3A_485 = tpu.vector_load %arg11[%get3A_483, %get3A_484] {strides = array<i32>} : memref<8x1024xf32, #tpu.memory_space<vmem>>, vector<1x16xf32>,
        %get3A_486 = vector.shape_cast %get3A_485 : vector<1x16xf32> to vector<16xf32>
        %get3A_487 = arith.index_cast %scan3A_246 : i32 to index
        %get3A_488 = arith.constant 272 : index
        %get3A_489 = tpu.vector_load %arg15[%get3A_487, %get3A_488] {strides = array<i32>} : memref<8x1024xf32, #tpu.memory_space<vmem>>, vector<1x16xf32>,
        %get3A_490 = vector.shape_cast %get3A_489 : vector<1x16xf32> to vector<16xf32>
        %add3A_491 = arith.addf %get3A_486, %get3A_490 : vector<16xf32>
        %swap3A_492 = arith.index_cast %scan3A_246 : i32 to index
        %swap3A_493 = arith.constant 272 : index
        %swap3A_494 = tpu.vector_load %arg11[%swap3A_492, %swap3A_493] {strides = array<i32>} : memref<8x1024xf32, #tpu.memory_space<vmem>>, vector<1x16xf32>,
        %swap3A_495 = vector.shape_cast %swap3A_494 : vector<1x16xf32> to vector<16xf32>
        %swap3A_496 = vector.shape_cast %add3A_491 : vector<16xf32> to vector<1x16xf32>
        tpu.vector_store %arg11[%swap3A_492, %swap3A_493], %swap3A_496 {strides = array<i32>} : memref<8x1024xf32, #tpu.memory_space<vmem>>, vector<1x16xf32>,
        %get3A_497 = arith.index_cast %scan3A_246 : i32 to index
        %get3A_498 = arith.constant 288 : index
        %get3A_499 = tpu.vector_load %arg11[%get3A_497, %get3A_498] {strides = array<i32>} : memref<8x1024xf32, #tpu.memory_space<vmem>>, vector<1x16xf32>,
        %get3A_500 = vector.shape_cast %get3A_499 : vector<1x16xf32> to vector<16xf32>
        %get3A_501 = arith.index_cast %scan3A_246 : i32 to index
        %get3A_502 = arith.constant 288 : index
        %get3A_503 = tpu.vector_load %arg15[%get3A_501, %get3A_502] {strides = array<i32>} : memref<8x1024xf32, #tpu.memory_space<vmem>>, vector<1x16xf32>,
        %get3A_504 = vector.shape_cast %get3A_503 : vector<1x16xf32> to vector<16xf32>
        %add3A_505 = arith.addf %get3A_500, %get3A_504 : vector<16xf32>
        %swap3A_506 = arith.index_cast %scan3A_246 : i32 to index
        %swap3A_507 = arith.constant 288 : index
        %swap3A_508 = tpu.vector_load %arg11[%swap3A_506, %swap3A_507] {strides = array<i32>} : memref<8x1024xf32, #tpu.memory_space<vmem>>, vector<1x16xf32>,
        %swap3A_509 = vector.shape_cast %swap3A_508 : vector<1x16xf32> to vector<16xf32>
        %swap3A_510 = vector.shape_cast %add3A_505 : vector<16xf32> to vector<1x16xf32>
        tpu.vector_store %arg11[%swap3A_506, %swap3A_507], %swap3A_510 {strides = array<i32>} : memref<8x1024xf32, #tpu.memory_space<vmem>>, vector<1x16xf32>,
        %get3A_511 = arith.index_cast %scan3A_246 : i32 to index
        %get3A_512 = arith.constant 304 : index
        %get3A_513 = tpu.vector_load %arg11[%get3A_511, %get3A_512] {strides = array<i32>} : memref<8x1024xf32, #tpu.memory_space<vmem>>, vector<1x16xf32>,
        %get3A_514 = vector.shape_cast %get3A_513 : vector<1x16xf32> to vector<16xf32>
        %get3A_515 = arith.index_cast %scan3A_246 : i32 to index
        %get3A_516 = arith.constant 304 : index
        %get3A_517 = tpu.vector_load %arg15[%get3A_515, %get3A_516] {strides = array<i32>} : memref<8x1024xf32, #tpu.memory_space<vmem>>, vector<1x16xf32>,
        %get3A_518 = vector.shape_cast %get3A_517 : vector<1x16xf32> to vector<16xf32>
        %add3A_519 = arith.addf %get3A_514, %get3A_518 : vector<16xf32>
        %swap3A_520 = arith.index_cast %scan3A_246 : i32 to index
        %swap3A_521 = arith.constant 304 : index
        %swap3A_522 = tpu.vector_load %arg11[%swap3A_520, %swap3A_521] {strides = array<i32>} : memref<8x1024xf32, #tpu.memory_space<vmem>>, vector<1x16xf32>,
        %swap3A_523 = vector.shape_cast %swap3A_522 : vector<1x16xf32> to vector<16xf32>
        %swap3A_524 = vector.shape_cast %add3A_519 : vector<16xf32> to vector<1x16xf32>
        tpu.vector_store %arg11[%swap3A_520, %swap3A_521], %swap3A_524 {strides = array<i32>} : memref<8x1024xf32, #tpu.memory_space<vmem>>, vector<1x16xf32>,
        %get3A_525 = arith.index_cast %scan3A_246 : i32 to index
        %get3A_526 = arith.constant 320 : index
        %get3A_527 = tpu.vector_load %arg11[%get3A_525, %get3A_526] {strides = array<i32>} : memref<8x1024xf32, #tpu.memory_space<vmem>>, vector<1x16xf32>,
        %get3A_528 = vector.shape_cast %get3A_527 : vector<1x16xf32> to vector<16xf32>
        %get3A_529 = arith.index_cast %scan3A_246 : i32 to index
        %get3A_530 = arith.constant 320 : index
        %get3A_531 = tpu.vector_load %arg15[%get3A_529, %get3A_530] {strides = array<i32>} : memref<8x1024xf32, #tpu.memory_space<vmem>>, vector<1x16xf32>,
        %get3A_532 = vector.shape_cast %get3A_531 : vector<1x16xf32> to vector<16xf32>
        %add3A_533 = arith.addf %get3A_528, %get3A_532 : vector<16xf32>
        %swap3A_534 = arith.index_cast %scan3A_246 : i32 to index
        %swap3A_535 = arith.constant 320 : index
        %swap3A_536 = tpu.vector_load %arg11[%swap3A_534, %swap3A_535] {strides = array<i32>} : memref<8x1024xf32, #tpu.memory_space<vmem>>, vector<1x16xf32>,
        %swap3A_537 = vector.shape_cast %swap3A_536 : vector<1x16xf32> to vector<16xf32>
        %swap3A_538 = vector.shape_cast %add3A_533 : vector<16xf32> to vector<1x16xf32>
        tpu.vector_store %arg11[%swap3A_534, %swap3A_535], %swap3A_538 {strides = array<i32>} : memref<8x1024xf32, #tpu.memory_space<vmem>>, vector<1x16xf32>,
        %get3A_539 = arith.index_cast %scan3A_246 : i32 to index
        %get3A_540 = arith.constant 336 : index
        %get3A_541 = tpu.vector_load %arg11[%get3A_539, %get3A_540] {strides = array<i32>} : memref<8x1024xf32, #tpu.memory_space<vmem>>, vector<1x16xf32>,
        %get3A_542 = vector.shape_cast %get3A_541 : vector<1x16xf32> to vector<16xf32>
        %get3A_543 = arith.index_cast %scan3A_246 : i32 to index
        %get3A_544 = arith.constant 336 : index
        %get3A_545 = tpu.vector_load %arg15[%get3A_543, %get3A_544] {strides = array<i32>} : memref<8x1024xf32, #tpu.memory_space<vmem>>, vector<1x16xf32>,
        %get3A_546 = vector.shape_cast %get3A_545 : vector<1x16xf32> to vector<16xf32>
        %add3A_547 = arith.addf %get3A_542, %get3A_546 : vector<16xf32>
        %swap3A_548 = arith.index_cast %scan3A_246 : i32 to index
        %swap3A_549 = arith.constant 336 : index
        %swap3A_550 = tpu.vector_load %arg11[%swap3A_548, %swap3A_549] {strides = array<i32>} : memref<8x1024xf32, #tpu.memory_space<vmem>>, vector<1x16xf32>,
        %swap3A_551 = vector.shape_cast %swap3A_550 : vector<1x16xf32> to vector<16xf32>
        %swap3A_552 = vector.shape_cast %add3A_547 : vector<16xf32> to vector<1x16xf32>
        tpu.vector_store %arg11[%swap3A_548, %swap3A_549], %swap3A_552 {strides = array<i32>} : memref<8x1024xf32, #tpu.memory_space<vmem>>, vector<1x16xf32>,
        %get3A_553 = arith.index_cast %scan3A_246 : i32 to index
        %get3A_554 = arith.constant 352 : index
        %get3A_555 = tpu.vector_load %arg11[%get3A_553, %get3A_554] {strides = array<i32>} : memref<8x1024xf32, #tpu.memory_space<vmem>>, vector<1x16xf32>,
        %get3A_556 = vector.shape_cast %get3A_555 : vector<1x16xf32> to vector<16xf32>
        %get3A_557 = arith.index_cast %scan3A_246 : i32 to index
        %get3A_558 = arith.constant 352 : index
        %get3A_559 = tpu.vector_load %arg15[%get3A_557, %get3A_558] {strides = array<i32>} : memref<8x1024xf32, #tpu.memory_space<vmem>>, vector<1x16xf32>,
        %get3A_560 = vector.shape_cast %get3A_559 : vector<1x16xf32> to vector<16xf32>
        %add3A_561 = arith.addf %get3A_556, %get3A_560 : vector<16xf32>
        %swap3A_562 = arith.index_cast %scan3A_246 : i32 to index
        %swap3A_563 = arith.constant 352 : index
        %swap3A_564 = tpu.vector_load %arg11[%swap3A_562, %swap3A_563] {strides = array<i32>} : memref<8x1024xf32, #tpu.memory_space<vmem>>, vector<1x16xf32>,
        %swap3A_565 = vector.shape_cast %swap3A_564 : vector<1x16xf32> to vector<16xf32>
        %swap3A_566 = vector.shape_cast %add3A_561 : vector<16xf32> to vector<1x16xf32>
        tpu.vector_store %arg11[%swap3A_562, %swap3A_563], %swap3A_566 {strides = array<i32>} : memref<8x1024xf32, #tpu.memory_space<vmem>>, vector<1x16xf32>,
        %get3A_567 = arith.index_cast %scan3A_246 : i32 to index
        %get3A_568 = arith.constant 368 : index
        %get3A_569 = tpu.vector_load %arg11[%get3A_567, %get3A_568] {strides = array<i32>} : memref<8x1024xf32, #tpu.memory_space<vmem>>, vector<1x16xf32>,
        %get3A_570 = vector.shape_cast %get3A_569 : vector<1x16xf32> to vector<16xf32>
        %get3A_571 = arith.index_cast %scan3A_246 : i32 to index
        %get3A_572 = arith.constant 368 : index
        %get3A_573 = tpu.vector_load %arg15[%get3A_571, %get3A_572] {strides = array<i32>} : memref<8x1024xf32, #tpu.memory_space<vmem>>, vector<1x16xf32>,
        %get3A_574 = vector.shape_cast %get3A_573 : vector<1x16xf32> to vector<16xf32>
        %add3A_575 = arith.addf %get3A_570, %get3A_574 : vector<16xf32>
        %swap3A_576 = arith.index_cast %scan3A_246 : i32 to index
        %swap3A_577 = arith.constant 368 : index
        %swap3A_578 = tpu.vector_load %arg11[%swap3A_576, %swap3A_577] {strides = array<i32>} : memref<8x1024xf32, #tpu.memory_space<vmem>>, vector<1x16xf32>,
        %swap3A_579 = vector.shape_cast %swap3A_578 : vector<1x16xf32> to vector<16xf32>
        %swap3A_580 = vector.shape_cast %add3A_575 : vector<16xf32> to vector<1x16xf32>
        tpu.vector_store %arg11[%swap3A_576, %swap3A_577], %swap3A_580 {strides = array<i32>} : memref<8x1024xf32, #tpu.memory_space<vmem>>, vector<1x16xf32>,
        %get3A_581 = arith.index_cast %scan3A_246 : i32 to index
        %get3A_582 = arith.constant 384 : index
        %get3A_583 = tpu.vector_load %arg11[%get3A_581, %get3A_582] {strides = array<i32>} : memref<8x1024xf32, #tpu.memory_space<vmem>>, vector<1x16xf32>,
        %get3A_584 = vector.shape_cast %get3A_583 : vector<1x16xf32> to vector<16xf32>
        %get3A_585 = arith.index_cast %scan3A_246 : i32 to index
        %get3A_586 = arith.constant 384 : index
        %get3A_587 = tpu.vector_load %arg15[%get3A_585, %get3A_586] {strides = array<i32>} : memref<8x1024xf32, #tpu.memory_space<vmem>>, vector<1x16xf32>,
        %get3A_588 = vector.shape_cast %get3A_587 : vector<1x16xf32> to vector<16xf32>
        %add3A_589 = arith.addf %get3A_584, %get3A_588 : vector<16xf32>
        %swap3A_590 = arith.index_cast %scan3A_246 : i32 to index
        %swap3A_591 = arith.constant 384 : index
        %swap3A_592 = tpu.vector_load %arg11[%swap3A_590, %swap3A_591] {strides = array<i32>} : memref<8x1024xf32, #tpu.memory_space<vmem>>, vector<1x16xf32>,
        %swap3A_593 = vector.shape_cast %swap3A_592 : vector<1x16xf32> to vector<16xf32>
        %swap3A_594 = vector.shape_cast %add3A_589 : vector<16xf32> to vector<1x16xf32>
        tpu.vector_store %arg11[%swap3A_590, %swap3A_591], %swap3A_594 {strides = array<i32>} : memref<8x1024xf32, #tpu.memory_space<vmem>>, vector<1x16xf32>,
        %get3A_595 = arith.index_cast %scan3A_246 : i32 to index
        %get3A_596 = arith.constant 400 : index
        %get3A_597 = tpu.vector_load %arg11[%get3A_595, %get3A_596] {strides = array<i32>} : memref<8x1024xf32, #tpu.memory_space<vmem>>, vector<1x16xf32>,
        %get3A_598 = vector.shape_cast %get3A_597 : vector<1x16xf32> to vector<16xf32>
        %get3A_599 = arith.index_cast %scan3A_246 : i32 to index
        %get3A_600 = arith.constant 400 : index
        %get3A_601 = tpu.vector_load %arg15[%get3A_599, %get3A_600] {strides = array<i32>} : memref<8x1024xf32, #tpu.memory_space<vmem>>, vector<1x16xf32>,
        %get3A_602 = vector.shape_cast %get3A_601 : vector<1x16xf32> to vector<16xf32>
        %add3A_603 = arith.addf %get3A_598, %get3A_602 : vector<16xf32>
        %swap3A_604 = arith.index_cast %scan3A_246 : i32 to index
        %swap3A_605 = arith.constant 400 : index
        %swap3A_606 = tpu.vector_load %arg11[%swap3A_604, %swap3A_605] {strides = array<i32>} : memref<8x1024xf32, #tpu.memory_space<vmem>>, vector<1x16xf32>,
        %swap3A_607 = vector.shape_cast %swap3A_606 : vector<1x16xf32> to vector<16xf32>
        %swap3A_608 = vector.shape_cast %add3A_603 : vector<16xf32> to vector<1x16xf32>
        tpu.vector_store %arg11[%swap3A_604, %swap3A_605], %swap3A_608 {strides = array<i32>} : memref<8x1024xf32, #tpu.memory_space<vmem>>, vector<1x16xf32>,
        %get3A_609 = arith.index_cast %scan3A_246 : i32 to index
        %get3A_610 = arith.constant 416 : index
        %get3A_611 = tpu.vector_load %arg11[%get3A_609, %get3A_610] {strides = array<i32>} : memref<8x1024xf32, #tpu.memory_space<vmem>>, vector<1x16xf32>,
        %get3A_612 = vector.shape_cast %get3A_611 : vector<1x16xf32> to vector<16xf32>
        %get3A_613 = arith.index_cast %scan3A_246 : i32 to index
        %get3A_614 = arith.constant 416 : index
        %get3A_615 = tpu.vector_load %arg15[%get3A_613, %get3A_614] {strides = array<i32>} : memref<8x1024xf32, #tpu.memory_space<vmem>>, vector<1x16xf32>,
        %get3A_616 = vector.shape_cast %get3A_615 : vector<1x16xf32> to vector<16xf32>
        %add3A_617 = arith.addf %get3A_612, %get3A_616 : vector<16xf32>
        %swap3A_618 = arith.index_cast %scan3A_246 : i32 to index
        %swap3A_619 = arith.constant 416 : index
        %swap3A_620 = tpu.vector_load %arg11[%swap3A_618, %swap3A_619] {strides = array<i32>} : memref<8x1024xf32, #tpu.memory_space<vmem>>, vector<1x16xf32>,
        %swap3A_621 = vector.shape_cast %swap3A_620 : vector<1x16xf32> to vector<16xf32>
        %swap3A_622 = vector.shape_cast %add3A_617 : vector<16xf32> to vector<1x16xf32>
        tpu.vector_store %arg11[%swap3A_618, %swap3A_619], %swap3A_622 {strides = array<i32>} : memref<8x1024xf32, #tpu.memory_space<vmem>>, vector<1x16xf32>,
        %get3A_623 = arith.index_cast %scan3A_246 : i32 to index
        %get3A_624 = arith.constant 432 : index
        %get3A_625 = tpu.vector_load %arg11[%get3A_623, %get3A_624] {strides = array<i32>} : memref<8x1024xf32, #tpu.memory_space<vmem>>, vector<1x16xf32>,
        %get3A_626 = vector.shape_cast %get3A_625 : vector<1x16xf32> to vector<16xf32>
        %get3A_627 = arith.index_cast %scan3A_246 : i32 to index
        %get3A_628 = arith.constant 432 : index
        %get3A_629 = tpu.vector_load %arg15[%get3A_627, %get3A_628] {strides = array<i32>} : memref<8x1024xf32, #tpu.memory_space<vmem>>, vector<1x16xf32>,
        %get3A_630 = vector.shape_cast %get3A_629 : vector<1x16xf32> to vector<16xf32>
        %add3A_631 = arith.addf %get3A_626, %get3A_630 : vector<16xf32>
        %swap3A_632 = arith.index_cast %scan3A_246 : i32 to index
        %swap3A_633 = arith.constant 432 : index
        %swap3A_634 = tpu.vector_load %arg11[%swap3A_632, %swap3A_633] {strides = array<i32>} : memref<8x1024xf32, #tpu.memory_space<vmem>>, vector<1x16xf32>,
        %swap3A_635 = vector.shape_cast %swap3A_634 : vector<1x16xf32> to vector<16xf32>
        %swap3A_636 = vector.shape_cast %add3A_631 : vector<16xf32> to vector<1x16xf32>
        tpu.vector_store %arg11[%swap3A_632, %swap3A_633], %swap3A_636 {strides = array<i32>} : memref<8x1024xf32, #tpu.memory_space<vmem>>, vector<1x16xf32>,
        %get3A_637 = arith.index_cast %scan3A_246 : i32 to index
        %get3A_638 = arith.constant 448 : index
        %get3A_639 = tpu.vector_load %arg11[%get3A_637, %get3A_638] {strides = array<i32>} : memref<8x1024xf32, #tpu.memory_space<vmem>>, vector<1x16xf32>,
        %get3A_640 = vector.shape_cast %get3A_639 : vector<1x16xf32> to vector<16xf32>
        %get3A_641 = arith.index_cast %scan3A_246 : i32 to index
        %get3A_642 = arith.constant 448 : index
        %get3A_643 = tpu.vector_load %arg15[%get3A_641, %get3A_642] {strides = array<i32>} : memref<8x1024xf32, #tpu.memory_space<vmem>>, vector<1x16xf32>,
        %get3A_644 = vector.shape_cast %get3A_643 : vector<1x16xf32> to vector<16xf32>
        %add3A_645 = arith.addf %get3A_640, %get3A_644 : vector<16xf32>
        %swap3A_646 = arith.index_cast %scan3A_246 : i32 to index
        %swap3A_647 = arith.constant 448 : index
        %swap3A_648 = tpu.vector_load %arg11[%swap3A_646, %swap3A_647] {strides = array<i32>} : memref<8x1024xf32, #tpu.memory_space<vmem>>, vector<1x16xf32>,
        %swap3A_649 = vector.shape_cast %swap3A_648 : vector<1x16xf32> to vector<16xf32>
        %swap3A_650 = vector.shape_cast %add3A_645 : vector<16xf32> to vector<1x16xf32>
        tpu.vector_store %arg11[%swap3A_646, %swap3A_647], %swap3A_650 {strides = array<i32>} : memref<8x1024xf32, #tpu.memory_space<vmem>>, vector<1x16xf32>,
        %get3A_651 = arith.index_cast %scan3A_246 : i32 to index
        %get3A_652 = arith.constant 464 : index
        %get3A_653 = tpu.vector_load %arg11[%get3A_651, %get3A_652] {strides = array<i32>} : memref<8x1024xf32, #tpu.memory_space<vmem>>, vector<1x16xf32>,
        %get3A_654 = vector.shape_cast %get3A_653 : vector<1x16xf32> to vector<16xf32>
        %get3A_655 = arith.index_cast %scan3A_246 : i32 to index
        %get3A_656 = arith.constant 464 : index
        %get3A_657 = tpu.vector_load %arg15[%get3A_655, %get3A_656] {strides = array<i32>} : memref<8x1024xf32, #tpu.memory_space<vmem>>, vector<1x16xf32>,
        %get3A_658 = vector.shape_cast %get3A_657 : vector<1x16xf32> to vector<16xf32>
        %add3A_659 = arith.addf %get3A_654, %get3A_658 : vector<16xf32>
        %swap3A_660 = arith.index_cast %scan3A_246 : i32 to index
        %swap3A_661 = arith.constant 464 : index
        %swap3A_662 = tpu.vector_load %arg11[%swap3A_660, %swap3A_661] {strides = array<i32>} : memref<8x1024xf32, #tpu.memory_space<vmem>>, vector<1x16xf32>,
        %swap3A_663 = vector.shape_cast %swap3A_662 : vector<1x16xf32> to vector<16xf32>
        %swap3A_664 = vector.shape_cast %add3A_659 : vector<16xf32> to vector<1x16xf32>
        tpu.vector_store %arg11[%swap3A_660, %swap3A_661], %swap3A_664 {strides = array<i32>} : memref<8x1024xf32, #tpu.memory_space<vmem>>, vector<1x16xf32>,
        %get3A_665 = arith.index_cast %scan3A_246 : i32 to index
        %get3A_666 = arith.constant 480 : index
        %get3A_667 = tpu.vector_load %arg11[%get3A_665, %get3A_666] {strides = array<i32>} : memref<8x1024xf32, #tpu.memory_space<vmem>>, vector<1x16xf32>,
        %get3A_668 = vector.shape_cast %get3A_667 : vector<1x16xf32> to vector<16xf32>
        %get3A_669 = arith.index_cast %scan3A_246 : i32 to index
        %get3A_670 = arith.constant 480 : index
        %get3A_671 = tpu.vector_load %arg15[%get3A_669, %get3A_670] {strides = array<i32>} : memref<8x1024xf32, #tpu.memory_space<vmem>>, vector<1x16xf32>,
        %get3A_672 = vector.shape_cast %get3A_671 : vector<1x16xf32> to vector<16xf32>
        %add3A_673 = arith.addf %get3A_668, %get3A_672 : vector<16xf32>
        %swap3A_674 = arith.index_cast %scan3A_246 : i32 to index
        %swap3A_675 = arith.constant 480 : index
        %swap3A_676 = tpu.vector_load %arg11[%swap3A_674, %swap3A_675] {strides = array<i32>} : memref<8x1024xf32, #tpu.memory_space<vmem>>, vector<1x16xf32>,
        %swap3A_677 = vector.shape_cast %swap3A_676 : vector<1x16xf32> to vector<16xf32>
        %swap3A_678 = vector.shape_cast %add3A_673 : vector<16xf32> to vector<1x16xf32>
        tpu.vector_store %arg11[%swap3A_674, %swap3A_675], %swap3A_678 {strides = array<i32>} : memref<8x1024xf32, #tpu.memory_space<vmem>>, vector<1x16xf32>,
        %get3A_679 = arith.index_cast %scan3A_246 : i32 to index
        %get3A_680 = arith.constant 496 : index
        %get3A_681 = tpu.vector_load %arg11[%get3A_679, %get3A_680] {strides = array<i32>} : memref<8x1024xf32, #tpu.memory_space<vmem>>, vector<1x16xf32>,
        %get3A_682 = vector.shape_cast %get3A_681 : vector<1x16xf32> to vector<16xf32>
        %get3A_683 = arith.index_cast %scan3A_246 : i32 to index
        %get3A_684 = arith.constant 496 : index
        %get3A_685 = tpu.vector_load %arg15[%get3A_683, %get3A_684] {strides = array<i32>} : memref<8x1024xf32, #tpu.memory_space<vmem>>, vector<1x16xf32>,
        %get3A_686 = vector.shape_cast %get3A_685 : vector<1x16xf32> to vector<16xf32>
        %add3A_687 = arith.addf %get3A_682, %get3A_686 : vector<16xf32>
        %swap3A_688 = arith.index_cast %scan3A_246 : i32 to index
        %swap3A_689 = arith.constant 496 : index
        %swap3A_690 = tpu.vector_load %arg11[%swap3A_688, %swap3A_689] {strides = array<i32>} : memref<8x1024xf32, #tpu.memory_space<vmem>>, vector<1x16xf32>,
        %swap3A_691 = vector.shape_cast %swap3A_690 : vector<1x16xf32> to vector<16xf32>
        %swap3A_692 = vector.shape_cast %add3A_687 : vector<16xf32> to vector<1x16xf32>
        tpu.vector_store %arg11[%swap3A_688, %swap3A_689], %swap3A_692 {strides = array<i32>} : memref<8x1024xf32, #tpu.memory_space<vmem>>, vector<1x16xf32>,
        %get3A_693 = arith.index_cast %scan3A_246 : i32 to index
        %get3A_694 = arith.constant 512 : index
        %get3A_695 = tpu.vector_load %arg11[%get3A_693, %get3A_694] {strides = array<i32>} : memref<8x1024xf32, #tpu.memory_space<vmem>>, vector<1x16xf32>,
        %get3A_696 = vector.shape_cast %get3A_695 : vector<1x16xf32> to vector<16xf32>
        %get3A_697 = arith.index_cast %scan3A_246 : i32 to index
        %get3A_698 = arith.constant 512 : index
        %get3A_699 = tpu.vector_load %arg15[%get3A_697, %get3A_698] {strides = array<i32>} : memref<8x1024xf32, #tpu.memory_space<vmem>>, vector<1x16xf32>,
        %get3A_700 = vector.shape_cast %get3A_699 : vector<1x16xf32> to vector<16xf32>
        %add3A_701 = arith.addf %get3A_696, %get3A_700 : vector<16xf32>
        %swap3A_702 = arith.index_cast %scan3A_246 : i32 to index
        %swap3A_703 = arith.constant 512 : index
        %swap3A_704 = tpu.vector_load %arg11[%swap3A_702, %swap3A_703] {strides = array<i32>} : memref<8x1024xf32, #tpu.memory_space<vmem>>, vector<1x16xf32>,
        %swap3A_705 = vector.shape_cast %swap3A_704 : vector<1x16xf32> to vector<16xf32>
        %swap3A_706 = vector.shape_cast %add3A_701 : vector<16xf32> to vector<1x16xf32>
        tpu.vector_store %arg11[%swap3A_702, %swap3A_703], %swap3A_706 {strides = array<i32>} : memref<8x1024xf32, #tpu.memory_space<vmem>>, vector<1x16xf32>,
        %get3A_707 = arith.index_cast %scan3A_246 : i32 to index
        %get3A_708 = arith.constant 528 : index
        %get3A_709 = tpu.vector_load %arg11[%get3A_707, %get3A_708] {strides = array<i32>} : memref<8x1024xf32, #tpu.memory_space<vmem>>, vector<1x16xf32>,
        %get3A_710 = vector.shape_cast %get3A_709 : vector<1x16xf32> to vector<16xf32>
        %get3A_711 = arith.index_cast %scan3A_246 : i32 to index
        %get3A_712 = arith.constant 528 : index
        %get3A_713 = tpu.vector_load %arg15[%get3A_711, %get3A_712] {strides = array<i32>} : memref<8x1024xf32, #tpu.memory_space<vmem>>, vector<1x16xf32>,
        %get3A_714 = vector.shape_cast %get3A_713 : vector<1x16xf32> to vector<16xf32>
        %add3A_715 = arith.addf %get3A_710, %get3A_714 : vector<16xf32>
        %swap3A_716 = arith.index_cast %scan3A_246 : i32 to index
        %swap3A_717 = arith.constant 528 : index
        %swap3A_718 = tpu.vector_load %arg11[%swap3A_716, %swap3A_717] {strides = array<i32>} : memref<8x1024xf32, #tpu.memory_space<vmem>>, vector<1x16xf32>,
        %swap3A_719 = vector.shape_cast %swap3A_718 : vector<1x16xf32> to vector<16xf32>
        %swap3A_720 = vector.shape_cast %add3A_715 : vector<16xf32> to vector<1x16xf32>
        tpu.vector_store %arg11[%swap3A_716, %swap3A_717], %swap3A_720 {strides = array<i32>} : memref<8x1024xf32, #tpu.memory_space<vmem>>, vector<1x16xf32>,
        %get3A_721 = arith.index_cast %scan3A_246 : i32 to index
        %get3A_722 = arith.constant 544 : index
        %get3A_723 = tpu.vector_load %arg11[%get3A_721, %get3A_722] {strides = array<i32>} : memref<8x1024xf32, #tpu.memory_space<vmem>>, vector<1x16xf32>,
        %get3A_724 = vector.shape_cast %get3A_723 : vector<1x16xf32> to vector<16xf32>
        %get3A_725 = arith.index_cast %scan3A_246 : i32 to index
        %get3A_726 = arith.constant 544 : index
        %get3A_727 = tpu.vector_load %arg15[%get3A_725, %get3A_726] {strides = array<i32>} : memref<8x1024xf32, #tpu.memory_space<vmem>>, vector<1x16xf32>,
        %get3A_728 = vector.shape_cast %get3A_727 : vector<1x16xf32> to vector<16xf32>
        %add3A_729 = arith.addf %get3A_724, %get3A_728 : vector<16xf32>
        %swap3A_730 = arith.index_cast %scan3A_246 : i32 to index
        %swap3A_731 = arith.constant 544 : index
        %swap3A_732 = tpu.vector_load %arg11[%swap3A_730, %swap3A_731] {strides = array<i32>} : memref<8x1024xf32, #tpu.memory_space<vmem>>, vector<1x16xf32>,
        %swap3A_733 = vector.shape_cast %swap3A_732 : vector<1x16xf32> to vector<16xf32>
        %swap3A_734 = vector.shape_cast %add3A_729 : vector<16xf32> to vector<1x16xf32>
        tpu.vector_store %arg11[%swap3A_730, %swap3A_731], %swap3A_734 {strides = array<i32>} : memref<8x1024xf32, #tpu.memory_space<vmem>>, vector<1x16xf32>,
        %get3A_735 = arith.index_cast %scan3A_246 : i32 to index
        %get3A_736 = arith.constant 560 : index
        %get3A_737 = tpu.vector_load %arg11[%get3A_735, %get3A_736] {strides = array<i32>} : memref<8x1024xf32, #tpu.memory_space<vmem>>, vector<1x16xf32>,
        %get3A_738 = vector.shape_cast %get3A_737 : vector<1x16xf32> to vector<16xf32>
        %get3A_739 = arith.index_cast %scan3A_246 : i32 to index
        %get3A_740 = arith.constant 560 : index
        %get3A_741 = tpu.vector_load %arg15[%get3A_739, %get3A_740] {strides = array<i32>} : memref<8x1024xf32, #tpu.memory_space<vmem>>, vector<1x16xf32>,
        %get3A_742 = vector.shape_cast %get3A_741 : vector<1x16xf32> to vector<16xf32>
        %add3A_743 = arith.addf %get3A_738, %get3A_742 : vector<16xf32>
        %swap3A_744 = arith.index_cast %scan3A_246 : i32 to index
        %swap3A_745 = arith.constant 560 : index
        %swap3A_746 = tpu.vector_load %arg11[%swap3A_744, %swap3A_745] {strides = array<i32>} : memref<8x1024xf32, #tpu.memory_space<vmem>>, vector<1x16xf32>,
        %swap3A_747 = vector.shape_cast %swap3A_746 : vector<1x16xf32> to vector<16xf32>
        %swap3A_748 = vector.shape_cast %add3A_743 : vector<16xf32> to vector<1x16xf32>
        tpu.vector_store %arg11[%swap3A_744, %swap3A_745], %swap3A_748 {strides = array<i32>} : memref<8x1024xf32, #tpu.memory_space<vmem>>, vector<1x16xf32>,
        %get3A_749 = arith.index_cast %scan3A_246 : i32 to index
        %get3A_750 = arith.constant 576 : index
        %get3A_751 = tpu.vector_load %arg11[%get3A_749, %get3A_750] {strides = array<i32>} : memref<8x1024xf32, #tpu.memory_space<vmem>>, vector<1x16xf32>,
        %get3A_752 = vector.shape_cast %get3A_751 : vector<1x16xf32> to vector<16xf32>
        %get3A_753 = arith.index_cast %scan3A_246 : i32 to index
        %get3A_754 = arith.constant 576 : index
        %get3A_755 = tpu.vector_load %arg15[%get3A_753, %get3A_754] {strides = array<i32>} : memref<8x1024xf32, #tpu.memory_space<vmem>>, vector<1x16xf32>,
        %get3A_756 = vector.shape_cast %get3A_755 : vector<1x16xf32> to vector<16xf32>
        %add3A_757 = arith.addf %get3A_752, %get3A_756 : vector<16xf32>
        %swap3A_758 = arith.index_cast %scan3A_246 : i32 to index
        %swap3A_759 = arith.constant 576 : index
        %swap3A_760 = tpu.vector_load %arg11[%swap3A_758, %swap3A_759] {strides = array<i32>} : memref<8x1024xf32, #tpu.memory_space<vmem>>, vector<1x16xf32>,
        %swap3A_761 = vector.shape_cast %swap3A_760 : vector<1x16xf32> to vector<16xf32>
        %swap3A_762 = vector.shape_cast %add3A_757 : vector<16xf32> to vector<1x16xf32>
        tpu.vector_store %arg11[%swap3A_758, %swap3A_759], %swap3A_762 {strides = array<i32>} : memref<8x1024xf32, #tpu.memory_space<vmem>>, vector<1x16xf32>,
        %get3A_763 = arith.index_cast %scan3A_246 : i32 to index
        %get3A_764 = arith.constant 592 : index
        %get3A_765 = tpu.vector_load %arg11[%get3A_763, %get3A_764] {strides = array<i32>} : memref<8x1024xf32, #tpu.memory_space<vmem>>, vector<1x16xf32>,
        %get3A_766 = vector.shape_cast %get3A_765 : vector<1x16xf32> to vector<16xf32>
        %get3A_767 = arith.index_cast %scan3A_246 : i32 to index
        %get3A_768 = arith.constant 592 : index
        %get3A_769 = tpu.vector_load %arg15[%get3A_767, %get3A_768] {strides = array<i32>} : memref<8x1024xf32, #tpu.memory_space<vmem>>, vector<1x16xf32>,
        %get3A_770 = vector.shape_cast %get3A_769 : vector<1x16xf32> to vector<16xf32>
        %add3A_771 = arith.addf %get3A_766, %get3A_770 : vector<16xf32>
        %swap3A_772 = arith.index_cast %scan3A_246 : i32 to index
        %swap3A_773 = arith.constant 592 : index
        %swap3A_774 = tpu.vector_load %arg11[%swap3A_772, %swap3A_773] {strides = array<i32>} : memref<8x1024xf32, #tpu.memory_space<vmem>>, vector<1x16xf32>,
        %swap3A_775 = vector.shape_cast %swap3A_774 : vector<1x16xf32> to vector<16xf32>
        %swap3A_776 = vector.shape_cast %add3A_771 : vector<16xf32> to vector<1x16xf32>
        tpu.vector_store %arg11[%swap3A_772, %swap3A_773], %swap3A_776 {strides = array<i32>} : memref<8x1024xf32, #tpu.memory_space<vmem>>, vector<1x16xf32>,
        %get3A_777 = arith.index_cast %scan3A_246 : i32 to index
        %get3A_778 = arith.constant 608 : index
        %get3A_779 = tpu.vector_load %arg11[%get3A_777, %get3A_778] {strides = array<i32>} : memref<8x1024xf32, #tpu.memory_space<vmem>>, vector<1x16xf32>,
        %get3A_780 = vector.shape_cast %get3A_779 : vector<1x16xf32> to vector<16xf32>
        %get3A_781 = arith.index_cast %scan3A_246 : i32 to index
        %get3A_782 = arith.constant 608 : index
        %get3A_783 = tpu.vector_load %arg15[%get3A_781, %get3A_782] {strides = array<i32>} : memref<8x1024xf32, #tpu.memory_space<vmem>>, vector<1x16xf32>,
        %get3A_784 = vector.shape_cast %get3A_783 : vector<1x16xf32> to vector<16xf32>
        %add3A_785 = arith.addf %get3A_780, %get3A_784 : vector<16xf32>
        %swap3A_786 = arith.index_cast %scan3A_246 : i32 to index
        %swap3A_787 = arith.constant 608 : index
        %swap3A_788 = tpu.vector_load %arg11[%swap3A_786, %swap3A_787] {strides = array<i32>} : memref<8x1024xf32, #tpu.memory_space<vmem>>, vector<1x16xf32>,
        %swap3A_789 = vector.shape_cast %swap3A_788 : vector<1x16xf32> to vector<16xf32>
        %swap3A_790 = vector.shape_cast %add3A_785 : vector<16xf32> to vector<1x16xf32>
        tpu.vector_store %arg11[%swap3A_786, %swap3A_787], %swap3A_790 {strides = array<i32>} : memref<8x1024xf32, #tpu.memory_space<vmem>>, vector<1x16xf32>,
        %get3A_791 = arith.index_cast %scan3A_246 : i32 to index
        %get3A_792 = arith.constant 624 : index
        %get3A_793 = tpu.vector_load %arg11[%get3A_791, %get3A_792] {strides = array<i32>} : memref<8x1024xf32, #tpu.memory_space<vmem>>, vector<1x16xf32>,
        %get3A_794 = vector.shape_cast %get3A_793 : vector<1x16xf32> to vector<16xf32>
        %get3A_795 = arith.index_cast %scan3A_246 : i32 to index
        %get3A_796 = arith.constant 624 : index
        %get3A_797 = tpu.vector_load %arg15[%get3A_795, %get3A_796] {strides = array<i32>} : memref<8x1024xf32, #tpu.memory_space<vmem>>, vector<1x16xf32>,
        %get3A_798 = vector.shape_cast %get3A_797 : vector<1x16xf32> to vector<16xf32>
        %add3A_799 = arith.addf %get3A_794, %get3A_798 : vector<16xf32>
        %swap3A_800 = arith.index_cast %scan3A_246 : i32 to index
        %swap3A_801 = arith.constant 624 : index
        %swap3A_802 = tpu.vector_load %arg11[%swap3A_800, %swap3A_801] {strides = array<i32>} : memref<8x1024xf32, #tpu.memory_space<vmem>>, vector<1x16xf32>,
        %swap3A_803 = vector.shape_cast %swap3A_802 : vector<1x16xf32> to vector<16xf32>
        %swap3A_804 = vector.shape_cast %add3A_799 : vector<16xf32> to vector<1x16xf32>
        tpu.vector_store %arg11[%swap3A_800, %swap3A_801], %swap3A_804 {strides = array<i32>} : memref<8x1024xf32, #tpu.memory_space<vmem>>, vector<1x16xf32>,
        %get3A_805 = arith.index_cast %scan3A_246 : i32 to index
        %get3A_806 = arith.constant 640 : index
        %get3A_807 = tpu.vector_load %arg11[%get3A_805, %get3A_806] {strides = array<i32>} : memref<8x1024xf32, #tpu.memory_space<vmem>>, vector<1x16xf32>,
        %get3A_808 = vector.shape_cast %get3A_807 : vector<1x16xf32> to vector<16xf32>
        %get3A_809 = arith.index_cast %scan3A_246 : i32 to index
        %get3A_810 = arith.constant 640 : index
        %get3A_811 = tpu.vector_load %arg15[%get3A_809, %get3A_810] {strides = array<i32>} : memref<8x1024xf32, #tpu.memory_space<vmem>>, vector<1x16xf32>,
        %get3A_812 = vector.shape_cast %get3A_811 : vector<1x16xf32> to vector<16xf32>
        %add3A_813 = arith.addf %get3A_808, %get3A_812 : vector<16xf32>
        %swap3A_814 = arith.index_cast %scan3A_246 : i32 to index
        %swap3A_815 = arith.constant 640 : index
        %swap3A_816 = tpu.vector_load %arg11[%swap3A_814, %swap3A_815] {strides = array<i32>} : memref<8x1024xf32, #tpu.memory_space<vmem>>, vector<1x16xf32>,
        %swap3A_817 = vector.shape_cast %swap3A_816 : vector<1x16xf32> to vector<16xf32>
        %swap3A_818 = vector.shape_cast %add3A_813 : vector<16xf32> to vector<1x16xf32>
        tpu.vector_store %arg11[%swap3A_814, %swap3A_815], %swap3A_818 {strides = array<i32>} : memref<8x1024xf32, #tpu.memory_space<vmem>>, vector<1x16xf32>,
        %get3A_819 = arith.index_cast %scan3A_246 : i32 to index
        %get3A_820 = arith.constant 656 : index
        %get3A_821 = tpu.vector_load %arg11[%get3A_819, %get3A_820] {strides = array<i32>} : memref<8x1024xf32, #tpu.memory_space<vmem>>, vector<1x16xf32>,
        %get3A_822 = vector.shape_cast %get3A_821 : vector<1x16xf32> to vector<16xf32>
        %get3A_823 = arith.index_cast %scan3A_246 : i32 to index
        %get3A_824 = arith.constant 656 : index
        %get3A_825 = tpu.vector_load %arg15[%get3A_823, %get3A_824] {strides = array<i32>} : memref<8x1024xf32, #tpu.memory_space<vmem>>, vector<1x16xf32>,
        %get3A_826 = vector.shape_cast %get3A_825 : vector<1x16xf32> to vector<16xf32>
        %add3A_827 = arith.addf %get3A_822, %get3A_826 : vector<16xf32>
        %swap3A_828 = arith.index_cast %scan3A_246 : i32 to index
        %swap3A_829 = arith.constant 656 : index
        %swap3A_830 = tpu.vector_load %arg11[%swap3A_828, %swap3A_829] {strides = array<i32>} : memref<8x1024xf32, #tpu.memory_space<vmem>>, vector<1x16xf32>,
        %swap3A_831 = vector.shape_cast %swap3A_830 : vector<1x16xf32> to vector<16xf32>
        %swap3A_832 = vector.shape_cast %add3A_827 : vector<16xf32> to vector<1x16xf32>
        tpu.vector_store %arg11[%swap3A_828, %swap3A_829], %swap3A_832 {strides = array<i32>} : memref<8x1024xf32, #tpu.memory_space<vmem>>, vector<1x16xf32>,
        %get3A_833 = arith.index_cast %scan3A_246 : i32 to index
        %get3A_834 = arith.constant 672 : index
        %get3A_835 = tpu.vector_load %arg11[%get3A_833, %get3A_834] {strides = array<i32>} : memref<8x1024xf32, #tpu.memory_space<vmem>>, vector<1x16xf32>,
        %get3A_836 = vector.shape_cast %get3A_835 : vector<1x16xf32> to vector<16xf32>
        %get3A_837 = arith.index_cast %scan3A_246 : i32 to index
        %get3A_838 = arith.constant 672 : index
        %get3A_839 = tpu.vector_load %arg15[%get3A_837, %get3A_838] {strides = array<i32>} : memref<8x1024xf32, #tpu.memory_space<vmem>>, vector<1x16xf32>,
        %get3A_840 = vector.shape_cast %get3A_839 : vector<1x16xf32> to vector<16xf32>
        %add3A_841 = arith.addf %get3A_836, %get3A_840 : vector<16xf32>
        %swap3A_842 = arith.index_cast %scan3A_246 : i32 to index
        %swap3A_843 = arith.constant 672 : index
        %swap3A_844 = tpu.vector_load %arg11[%swap3A_842, %swap3A_843] {strides = array<i32>} : memref<8x1024xf32, #tpu.memory_space<vmem>>, vector<1x16xf32>,
        %swap3A_845 = vector.shape_cast %swap3A_844 : vector<1x16xf32> to vector<16xf32>
        %swap3A_846 = vector.shape_cast %add3A_841 : vector<16xf32> to vector<1x16xf32>
        tpu.vector_store %arg11[%swap3A_842, %swap3A_843], %swap3A_846 {strides = array<i32>} : memref<8x1024xf32, #tpu.memory_space<vmem>>, vector<1x16xf32>,
        %get3A_847 = arith.index_cast %scan3A_246 : i32 to index
        %get3A_848 = arith.constant 688 : index
        %get3A_849 = tpu.vector_load %arg11[%get3A_847, %get3A_848] {strides = array<i32>} : memref<8x1024xf32, #tpu.memory_space<vmem>>, vector<1x16xf32>,
        %get3A_850 = vector.shape_cast %get3A_849 : vector<1x16xf32> to vector<16xf32>
        %get3A_851 = arith.index_cast %scan3A_246 : i32 to index
        %get3A_852 = arith.constant 688 : index
        %get3A_853 = tpu.vector_load %arg15[%get3A_851, %get3A_852] {strides = array<i32>} : memref<8x1024xf32, #tpu.memory_space<vmem>>, vector<1x16xf32>,
        %get3A_854 = vector.shape_cast %get3A_853 : vector<1x16xf32> to vector<16xf32>
        %add3A_855 = arith.addf %get3A_850, %get3A_854 : vector<16xf32>
        %swap3A_856 = arith.index_cast %scan3A_246 : i32 to index
        %swap3A_857 = arith.constant 688 : index
        %swap3A_858 = tpu.vector_load %arg11[%swap3A_856, %swap3A_857] {strides = array<i32>} : memref<8x1024xf32, #tpu.memory_space<vmem>>, vector<1x16xf32>,
        %swap3A_859 = vector.shape_cast %swap3A_858 : vector<1x16xf32> to vector<16xf32>
        %swap3A_860 = vector.shape_cast %add3A_855 : vector<16xf32> to vector<1x16xf32>
        tpu.vector_store %arg11[%swap3A_856, %swap3A_857], %swap3A_860 {strides = array<i32>} : memref<8x1024xf32, #tpu.memory_space<vmem>>, vector<1x16xf32>,
        %get3A_861 = arith.index_cast %scan3A_246 : i32 to index
        %get3A_862 = arith.constant 704 : index
        %get3A_863 = tpu.vector_load %arg11[%get3A_861, %get3A_862] {strides = array<i32>} : memref<8x1024xf32, #tpu.memory_space<vmem>>, vector<1x16xf32>,
        %get3A_864 = vector.shape_cast %get3A_863 : vector<1x16xf32> to vector<16xf32>
        %get3A_865 = arith.index_cast %scan3A_246 : i32 to index
        %get3A_866 = arith.constant 704 : index
        %get3A_867 = tpu.vector_load %arg15[%get3A_865, %get3A_866] {strides = array<i32>} : memref<8x1024xf32, #tpu.memory_space<vmem>>, vector<1x16xf32>,
        %get3A_868 = vector.shape_cast %get3A_867 : vector<1x16xf32> to vector<16xf32>
        %add3A_869 = arith.addf %get3A_864, %get3A_868 : vector<16xf32>
        %swap3A_870 = arith.index_cast %scan3A_246 : i32 to index
        %swap3A_871 = arith.constant 704 : index
        %swap3A_872 = tpu.vector_load %arg11[%swap3A_870, %swap3A_871] {strides = array<i32>} : memref<8x1024xf32, #tpu.memory_space<vmem>>, vector<1x16xf32>,
        %swap3A_873 = vector.shape_cast %swap3A_872 : vector<1x16xf32> to vector<16xf32>
        %swap3A_874 = vector.shape_cast %add3A_869 : vector<16xf32> to vector<1x16xf32>
        tpu.vector_store %arg11[%swap3A_870, %swap3A_871], %swap3A_874 {strides = array<i32>} : memref<8x1024xf32, #tpu.memory_space<vmem>>, vector<1x16xf32>,
        %get3A_875 = arith.index_cast %scan3A_246 : i32 to index
        %get3A_876 = arith.constant 720 : index
        %get3A_877 = tpu.vector_load %arg11[%get3A_875, %get3A_876] {strides = array<i32>} : memref<8x1024xf32, #tpu.memory_space<vmem>>, vector<1x16xf32>,
        %get3A_878 = vector.shape_cast %get3A_877 : vector<1x16xf32> to vector<16xf32>
        %get3A_879 = arith.index_cast %scan3A_246 : i32 to index
        %get3A_880 = arith.constant 720 : index
        %get3A_881 = tpu.vector_load %arg15[%get3A_879, %get3A_880] {strides = array<i32>} : memref<8x1024xf32, #tpu.memory_space<vmem>>, vector<1x16xf32>,
        %get3A_882 = vector.shape_cast %get3A_881 : vector<1x16xf32> to vector<16xf32>
        %add3A_883 = arith.addf %get3A_878, %get3A_882 : vector<16xf32>
        %swap3A_884 = arith.index_cast %scan3A_246 : i32 to index
        %swap3A_885 = arith.constant 720 : index
        %swap3A_886 = tpu.vector_load %arg11[%swap3A_884, %swap3A_885] {strides = array<i32>} : memref<8x1024xf32, #tpu.memory_space<vmem>>, vector<1x16xf32>,
        %swap3A_887 = vector.shape_cast %swap3A_886 : vector<1x16xf32> to vector<16xf32>
        %swap3A_888 = vector.shape_cast %add3A_883 : vector<16xf32> to vector<1x16xf32>
        tpu.vector_store %arg11[%swap3A_884, %swap3A_885], %swap3A_888 {strides = array<i32>} : memref<8x1024xf32, #tpu.memory_space<vmem>>, vector<1x16xf32>,
        %get3A_889 = arith.index_cast %scan3A_246 : i32 to index
        %get3A_890 = arith.constant 736 : index
        %get3A_891 = tpu.vector_load %arg11[%get3A_889, %get3A_890] {strides = array<i32>} : memref<8x1024xf32, #tpu.memory_space<vmem>>, vector<1x16xf32>,
        %get3A_892 = vector.shape_cast %get3A_891 : vector<1x16xf32> to vector<16xf32>
        %get3A_893 = arith.index_cast %scan3A_246 : i32 to index
        %get3A_894 = arith.constant 736 : index
        %get3A_895 = tpu.vector_load %arg15[%get3A_893, %get3A_894] {strides = array<i32>} : memref<8x1024xf32, #tpu.memory_space<vmem>>, vector<1x16xf32>,
        %get3A_896 = vector.shape_cast %get3A_895 : vector<1x16xf32> to vector<16xf32>
        %add3A_897 = arith.addf %get3A_892, %get3A_896 : vector<16xf32>
        %swap3A_898 = arith.index_cast %scan3A_246 : i32 to index
        %swap3A_899 = arith.constant 736 : index
        %swap3A_900 = tpu.vector_load %arg11[%swap3A_898, %swap3A_899] {strides = array<i32>} : memref<8x1024xf32, #tpu.memory_space<vmem>>, vector<1x16xf32>,
        %swap3A_901 = vector.shape_cast %swap3A_900 : vector<1x16xf32> to vector<16xf32>
        %swap3A_902 = vector.shape_cast %add3A_897 : vector<16xf32> to vector<1x16xf32>
        tpu.vector_store %arg11[%swap3A_898, %swap3A_899], %swap3A_902 {strides = array<i32>} : memref<8x1024xf32, #tpu.memory_space<vmem>>, vector<1x16xf32>,
        %get3A_903 = arith.index_cast %scan3A_246 : i32 to index
        %get3A_904 = arith.constant 752 : index
        %get3A_905 = tpu.vector_load %arg11[%get3A_903, %get3A_904] {strides = array<i32>} : memref<8x1024xf32, #tpu.memory_space<vmem>>, vector<1x16xf32>,
        %get3A_906 = vector.shape_cast %get3A_905 : vector<1x16xf32> to vector<16xf32>
        %get3A_907 = arith.index_cast %scan3A_246 : i32 to index
        %get3A_908 = arith.constant 752 : index
        %get3A_909 = tpu.vector_load %arg15[%get3A_907, %get3A_908] {strides = array<i32>} : memref<8x1024xf32, #tpu.memory_space<vmem>>, vector<1x16xf32>,
        %get3A_910 = vector.shape_cast %get3A_909 : vector<1x16xf32> to vector<16xf32>
        %add3A_911 = arith.addf %get3A_906, %get3A_910 : vector<16xf32>
        %swap3A_912 = arith.index_cast %scan3A_246 : i32 to index
        %swap3A_913 = arith.constant 752 : index
        %swap3A_914 = tpu.vector_load %arg11[%swap3A_912, %swap3A_913] {strides = array<i32>} : memref<8x1024xf32, #tpu.memory_space<vmem>>, vector<1x16xf32>,
        %swap3A_915 = vector.shape_cast %swap3A_914 : vector<1x16xf32> to vector<16xf32>
        %swap3A_916 = vector.shape_cast %add3A_911 : vector<16xf32> to vector<1x16xf32>
        tpu.vector_store %arg11[%swap3A_912, %swap3A_913], %swap3A_916 {strides = array<i32>} : memref<8x1024xf32, #tpu.memory_space<vmem>>, vector<1x16xf32>,
        %get3A_917 = arith.index_cast %scan3A_246 : i32 to index
        %get3A_918 = arith.constant 768 : index
        %get3A_919 = tpu.vector_load %arg11[%get3A_917, %get3A_918] {strides = array<i32>} : memref<8x1024xf32, #tpu.memory_space<vmem>>, vector<1x16xf32>,
        %get3A_920 = vector.shape_cast %get3A_919 : vector<1x16xf32> to vector<16xf32>
        %get3A_921 = arith.index_cast %scan3A_246 : i32 to index
        %get3A_922 = arith.constant 768 : index
        %get3A_923 = tpu.vector_load %arg15[%get3A_921, %get3A_922] {strides = array<i32>} : memref<8x1024xf32, #tpu.memory_space<vmem>>, vector<1x16xf32>,
        %get3A_924 = vector.shape_cast %get3A_923 : vector<1x16xf32> to vector<16xf32>
        %add3A_925 = arith.addf %get3A_920, %get3A_924 : vector<16xf32>
        %swap3A_926 = arith.index_cast %scan3A_246 : i32 to index
        %swap3A_927 = arith.constant 768 : index
        %swap3A_928 = tpu.vector_load %arg11[%swap3A_926, %swap3A_927] {strides = array<i32>} : memref<8x1024xf32, #tpu.memory_space<vmem>>, vector<1x16xf32>,
        %swap3A_929 = vector.shape_cast %swap3A_928 : vector<1x16xf32> to vector<16xf32>
        %swap3A_930 = vector.shape_cast %add3A_925 : vector<16xf32> to vector<1x16xf32>
        tpu.vector_store %arg11[%swap3A_926, %swap3A_927], %swap3A_930 {strides = array<i32>} : memref<8x1024xf32, #tpu.memory_space<vmem>>, vector<1x16xf32>,
        %get3A_931 = arith.index_cast %scan3A_246 : i32 to index
        %get3A_932 = arith.constant 784 : index
        %get3A_933 = tpu.vector_load %arg11[%get3A_931, %get3A_932] {strides = array<i32>} : memref<8x1024xf32, #tpu.memory_space<vmem>>, vector<1x16xf32>,
        %get3A_934 = vector.shape_cast %get3A_933 : vector<1x16xf32> to vector<16xf32>
        %get3A_935 = arith.index_cast %scan3A_246 : i32 to index
        %get3A_936 = arith.constant 784 : index
        %get3A_937 = tpu.vector_load %arg15[%get3A_935, %get3A_936] {strides = array<i32>} : memref<8x1024xf32, #tpu.memory_space<vmem>>, vector<1x16xf32>,
        %get3A_938 = vector.shape_cast %get3A_937 : vector<1x16xf32> to vector<16xf32>
        %add3A_939 = arith.addf %get3A_934, %get3A_938 : vector<16xf32>
        %swap3A_940 = arith.index_cast %scan3A_246 : i32 to index
        %swap3A_941 = arith.constant 784 : index
        %swap3A_942 = tpu.vector_load %arg11[%swap3A_940, %swap3A_941] {strides = array<i32>} : memref<8x1024xf32, #tpu.memory_space<vmem>>, vector<1x16xf32>,
        %swap3A_943 = vector.shape_cast %swap3A_942 : vector<1x16xf32> to vector<16xf32>
        %swap3A_944 = vector.shape_cast %add3A_939 : vector<16xf32> to vector<1x16xf32>
        tpu.vector_store %arg11[%swap3A_940, %swap3A_941], %swap3A_944 {strides = array<i32>} : memref<8x1024xf32, #tpu.memory_space<vmem>>, vector<1x16xf32>,
        %get3A_945 = arith.index_cast %scan3A_246 : i32 to index
        %get3A_946 = arith.constant 800 : index
        %get3A_947 = tpu.vector_load %arg11[%get3A_945, %get3A_946] {strides = array<i32>} : memref<8x1024xf32, #tpu.memory_space<vmem>>, vector<1x16xf32>,
        %get3A_948 = vector.shape_cast %get3A_947 : vector<1x16xf32> to vector<16xf32>
        %get3A_949 = arith.index_cast %scan3A_246 : i32 to index
        %get3A_950 = arith.constant 800 : index
        %get3A_951 = tpu.vector_load %arg15[%get3A_949, %get3A_950] {strides = array<i32>} : memref<8x1024xf32, #tpu.memory_space<vmem>>, vector<1x16xf32>,
        %get3A_952 = vector.shape_cast %get3A_951 : vector<1x16xf32> to vector<16xf32>
        %add3A_953 = arith.addf %get3A_948, %get3A_952 : vector<16xf32>
        %swap3A_954 = arith.index_cast %scan3A_246 : i32 to index
        %swap3A_955 = arith.constant 800 : index
        %swap3A_956 = tpu.vector_load %arg11[%swap3A_954, %swap3A_955] {strides = array<i32>} : memref<8x1024xf32, #tpu.memory_space<vmem>>, vector<1x16xf32>,
        %swap3A_957 = vector.shape_cast %swap3A_956 : vector<1x16xf32> to vector<16xf32>
        %swap3A_958 = vector.shape_cast %add3A_953 : vector<16xf32> to vector<1x16xf32>
        tpu.vector_store %arg11[%swap3A_954, %swap3A_955], %swap3A_958 {strides = array<i32>} : memref<8x1024xf32, #tpu.memory_space<vmem>>, vector<1x16xf32>,
        %get3A_959 = arith.index_cast %scan3A_246 : i32 to index
        %get3A_960 = arith.constant 816 : index
        %get3A_961 = tpu.vector_load %arg11[%get3A_959, %get3A_960] {strides = array<i32>} : memref<8x1024xf32, #tpu.memory_space<vmem>>, vector<1x16xf32>,
        %get3A_962 = vector.shape_cast %get3A_961 : vector<1x16xf32> to vector<16xf32>
        %get3A_963 = arith.index_cast %scan3A_246 : i32 to index
        %get3A_964 = arith.constant 816 : index
        %get3A_965 = tpu.vector_load %arg15[%get3A_963, %get3A_964] {strides = array<i32>} : memref<8x1024xf32, #tpu.memory_space<vmem>>, vector<1x16xf32>,
        %get3A_966 = vector.shape_cast %get3A_965 : vector<1x16xf32> to vector<16xf32>
        %add3A_967 = arith.addf %get3A_962, %get3A_966 : vector<16xf32>
        %swap3A_968 = arith.index_cast %scan3A_246 : i32 to index
        %swap3A_969 = arith.constant 816 : index
        %swap3A_970 = tpu.vector_load %arg11[%swap3A_968, %swap3A_969] {strides = array<i32>} : memref<8x1024xf32, #tpu.memory_space<vmem>>, vector<1x16xf32>,
        %swap3A_971 = vector.shape_cast %swap3A_970 : vector<1x16xf32> to vector<16xf32>
        %swap3A_972 = vector.shape_cast %add3A_967 : vector<16xf32> to vector<1x16xf32>
        tpu.vector_store %arg11[%swap3A_968, %swap3A_969], %swap3A_972 {strides = array<i32>} : memref<8x1024xf32, #tpu.memory_space<vmem>>, vector<1x16xf32>,
        %get3A_973 = arith.index_cast %scan3A_246 : i32 to index
        %get3A_974 = arith.constant 832 : index
        %get3A_975 = tpu.vector_load %arg11[%get3A_973, %get3A_974] {strides = array<i32>} : memref<8x1024xf32, #tpu.memory_space<vmem>>, vector<1x16xf32>,
        %get3A_976 = vector.shape_cast %get3A_975 : vector<1x16xf32> to vector<16xf32>
        %get3A_977 = arith.index_cast %scan3A_246 : i32 to index
        %get3A_978 = arith.constant 832 : index
        %get3A_979 = tpu.vector_load %arg15[%get3A_977, %get3A_978] {strides = array<i32>} : memref<8x1024xf32, #tpu.memory_space<vmem>>, vector<1x16xf32>,
        %get3A_980 = vector.shape_cast %get3A_979 : vector<1x16xf32> to vector<16xf32>
        %add3A_981 = arith.addf %get3A_976, %get3A_980 : vector<16xf32>
        %swap3A_982 = arith.index_cast %scan3A_246 : i32 to index
        %swap3A_983 = arith.constant 832 : index
        %swap3A_984 = tpu.vector_load %arg11[%swap3A_982, %swap3A_983] {strides = array<i32>} : memref<8x1024xf32, #tpu.memory_space<vmem>>, vector<1x16xf32>,
        %swap3A_985 = vector.shape_cast %swap3A_984 : vector<1x16xf32> to vector<16xf32>
        %swap3A_986 = vector.shape_cast %add3A_981 : vector<16xf32> to vector<1x16xf32>
        tpu.vector_store %arg11[%swap3A_982, %swap3A_983], %swap3A_986 {strides = array<i32>} : memref<8x1024xf32, #tpu.memory_space<vmem>>, vector<1x16xf32>,
        %get3A_987 = arith.index_cast %scan3A_246 : i32 to index
        %get3A_988 = arith.constant 848 : index
        %get3A_989 = tpu.vector_load %arg11[%get3A_987, %get3A_988] {strides = array<i32>} : memref<8x1024xf32, #tpu.memory_space<vmem>>, vector<1x16xf32>,
        %get3A_990 = vector.shape_cast %get3A_989 : vector<1x16xf32> to vector<16xf32>
        %get3A_991 = arith.index_cast %scan3A_246 : i32 to index
        %get3A_992 = arith.constant 848 : index
        %get3A_993 = tpu.vector_load %arg15[%get3A_991, %get3A_992] {strides = array<i32>} : memref<8x1024xf32, #tpu.memory_space<vmem>>, vector<1x16xf32>,
        %get3A_994 = vector.shape_cast %get3A_993 : vector<1x16xf32> to vector<16xf32>
        %add3A_995 = arith.addf %get3A_990, %get3A_994 : vector<16xf32>
        %swap3A_996 = arith.index_cast %scan3A_246 : i32 to index
        %swap3A_997 = arith.constant 848 : index
        %swap3A_998 = tpu.vector_load %arg11[%swap3A_996, %swap3A_997] {strides = array<i32>} : memref<8x1024xf32, #tpu.memory_space<vmem>>, vector<1x16xf32>,
        %swap3A_999 = vector.shape_cast %swap3A_998 : vector<1x16xf32> to vector<16xf32>
        %swap3A_1000 = vector.shape_cast %add3A_995 : vector<16xf32> to vector<1x16xf32>
        tpu.vector_store %arg11[%swap3A_996, %swap3A_997], %swap3A_1000 {strides = array<i32>} : memref<8x1024xf32, #tpu.memory_space<vmem>>, vector<1x16xf32>,
        %get3A_1001 = arith.index_cast %scan3A_246 : i32 to index
        %get3A_1002 = arith.constant 864 : index
        %get3A_1003 = tpu.vector_load %arg11[%get3A_1001, %get3A_1002] {strides = array<i32>} : memref<8x1024xf32, #tpu.memory_space<vmem>>, vector<1x16xf32>,
        %get3A_1004 = vector.shape_cast %get3A_1003 : vector<1x16xf32> to vector<16xf32>
        %get3A_1005 = arith.index_cast %scan3A_246 : i32 to index
        %get3A_1006 = arith.constant 864 : index
        %get3A_1007 = tpu.vector_load %arg15[%get3A_1005, %get3A_1006] {strides = array<i32>} : memref<8x1024xf32, #tpu.memory_space<vmem>>, vector<1x16xf32>,
        %get3A_1008 = vector.shape_cast %get3A_1007 : vector<1x16xf32> to vector<16xf32>
        %add3A_1009 = arith.addf %get3A_1004, %get3A_1008 : vector<16xf32>
        %swap3A_1010 = arith.index_cast %scan3A_246 : i32 to index
        %swap3A_1011 = arith.constant 864 : index
        %swap3A_1012 = tpu.vector_load %arg11[%swap3A_1010, %swap3A_1011] {strides = array<i32>} : memref<8x1024xf32, #tpu.memory_space<vmem>>, vector<1x16xf32>,
        %swap3A_1013 = vector.shape_cast %swap3A_1012 : vector<1x16xf32> to vector<16xf32>
        %swap3A_1014 = vector.shape_cast %add3A_1009 : vector<16xf32> to vector<1x16xf32>
        tpu.vector_store %arg11[%swap3A_1010, %swap3A_1011], %swap3A_1014 {strides = array<i32>} : memref<8x1024xf32, #tpu.memory_space<vmem>>, vector<1x16xf32>,
        %get3A_1015 = arith.index_cast %scan3A_246 : i32 to index
        %get3A_1016 = arith.constant 880 : index
        %get3A_1017 = tpu.vector_load %arg11[%get3A_1015, %get3A_1016] {strides = array<i32>} : memref<8x1024xf32, #tpu.memory_space<vmem>>, vector<1x16xf32>,
        %get3A_1018 = vector.shape_cast %get3A_1017 : vector<1x16xf32> to vector<16xf32>
        %get3A_1019 = arith.index_cast %scan3A_246 : i32 to index
        %get3A_1020 = arith.constant 880 : index
        %get3A_1021 = tpu.vector_load %arg15[%get3A_1019, %get3A_1020] {strides = array<i32>} : memref<8x1024xf32, #tpu.memory_space<vmem>>, vector<1x16xf32>,
        %get3A_1022 = vector.shape_cast %get3A_1021 : vector<1x16xf32> to vector<16xf32>
        %add3A_1023 = arith.addf %get3A_1018, %get3A_1022 : vector<16xf32>
        %swap3A_1024 = arith.index_cast %scan3A_246 : i32 to index
        %swap3A_1025 = arith.constant 880 : index
        %swap3A_1026 = tpu.vector_load %arg11[%swap3A_1024, %swap3A_1025] {strides = array<i32>} : memref<8x1024xf32, #tpu.memory_space<vmem>>, vector<1x16xf32>,
        %swap3A_1027 = vector.shape_cast %swap3A_1026 : vector<1x16xf32> to vector<16xf32>
        %swap3A_1028 = vector.shape_cast %add3A_1023 : vector<16xf32> to vector<1x16xf32>
        tpu.vector_store %arg11[%swap3A_1024, %swap3A_1025], %swap3A_1028 {strides = array<i32>} : memref<8x1024xf32, #tpu.memory_space<vmem>>, vector<1x16xf32>,
        %get3A_1029 = arith.index_cast %scan3A_246 : i32 to index
        %get3A_1030 = arith.constant 896 : index
        %get3A_1031 = tpu.vector_load %arg11[%get3A_1029, %get3A_1030] {strides = array<i32>} : memref<8x1024xf32, #tpu.memory_space<vmem>>, vector<1x16xf32>,
        %get3A_1032 = vector.shape_cast %get3A_1031 : vector<1x16xf32> to vector<16xf32>
        %get3A_1033 = arith.index_cast %scan3A_246 : i32 to index
        %get3A_1034 = arith.constant 896 : index
        %get3A_1035 = tpu.vector_load %arg15[%get3A_1033, %get3A_1034] {strides = array<i32>} : memref<8x1024xf32, #tpu.memory_space<vmem>>, vector<1x16xf32>,
        %get3A_1036 = vector.shape_cast %get3A_1035 : vector<1x16xf32> to vector<16xf32>
        %add3A_1037 = arith.addf %get3A_1032, %get3A_1036 : vector<16xf32>
        %swap3A_1038 = arith.index_cast %scan3A_246 : i32 to index
        %swap3A_1039 = arith.constant 896 : index
        %swap3A_1040 = tpu.vector_load %arg11[%swap3A_1038, %swap3A_1039] {strides = array<i32>} : memref<8x1024xf32, #tpu.memory_space<vmem>>, vector<1x16xf32>,
        %swap3A_1041 = vector.shape_cast %swap3A_1040 : vector<1x16xf32> to vector<16xf32>
        %swap3A_1042 = vector.shape_cast %add3A_1037 : vector<16xf32> to vector<1x16xf32>
        tpu.vector_store %arg11[%swap3A_1038, %swap3A_1039], %swap3A_1042 {strides = array<i32>} : memref<8x1024xf32, #tpu.memory_space<vmem>>, vector<1x16xf32>,
        %get3A_1043 = arith.index_cast %scan3A_246 : i32 to index
        %get3A_1044 = arith.constant 912 : index
        %get3A_1045 = tpu.vector_load %arg11[%get3A_1043, %get3A_1044] {strides = array<i32>} : memref<8x1024xf32, #tpu.memory_space<vmem>>, vector<1x16xf32>,
        %get3A_1046 = vector.shape_cast %get3A_1045 : vector<1x16xf32> to vector<16xf32>
        %get3A_1047 = arith.index_cast %scan3A_246 : i32 to index
        %get3A_1048 = arith.constant 912 : index
        %get3A_1049 = tpu.vector_load %arg15[%get3A_1047, %get3A_1048] {strides = array<i32>} : memref<8x1024xf32, #tpu.memory_space<vmem>>, vector<1x16xf32>,
        %get3A_1050 = vector.shape_cast %get3A_1049 : vector<1x16xf32> to vector<16xf32>
        %add3A_1051 = arith.addf %get3A_1046, %get3A_1050 : vector<16xf32>
        %swap3A_1052 = arith.index_cast %scan3A_246 : i32 to index
        %swap3A_1053 = arith.constant 912 : index
        %swap3A_1054 = tpu.vector_load %arg11[%swap3A_1052, %swap3A_1053] {strides = array<i32>} : memref<8x1024xf32, #tpu.memory_space<vmem>>, vector<1x16xf32>,
        %swap3A_1055 = vector.shape_cast %swap3A_1054 : vector<1x16xf32> to vector<16xf32>
        %swap3A_1056 = vector.shape_cast %add3A_1051 : vector<16xf32> to vector<1x16xf32>
        tpu.vector_store %arg11[%swap3A_1052, %swap3A_1053], %swap3A_1056 {strides = array<i32>} : memref<8x1024xf32, #tpu.memory_space<vmem>>, vector<1x16xf32>,
        %get3A_1057 = arith.index_cast %scan3A_246 : i32 to index
        %get3A_1058 = arith.constant 928 : index
        %get3A_1059 = tpu.vector_load %arg11[%get3A_1057, %get3A_1058] {strides = array<i32>} : memref<8x1024xf32, #tpu.memory_space<vmem>>, vector<1x16xf32>,
        %get3A_1060 = vector.shape_cast %get3A_1059 : vector<1x16xf32> to vector<16xf32>
        %get3A_1061 = arith.index_cast %scan3A_246 : i32 to index
        %get3A_1062 = arith.constant 928 : index
        %get3A_1063 = tpu.vector_load %arg15[%get3A_1061, %get3A_1062] {strides = array<i32>} : memref<8x1024xf32, #tpu.memory_space<vmem>>, vector<1x16xf32>,
        %get3A_1064 = vector.shape_cast %get3A_1063 : vector<1x16xf32> to vector<16xf32>
        %add3A_1065 = arith.addf %get3A_1060, %get3A_1064 : vector<16xf32>
        %swap3A_1066 = arith.index_cast %scan3A_246 : i32 to index
        %swap3A_1067 = arith.constant 928 : index
        %swap3A_1068 = tpu.vector_load %arg11[%swap3A_1066, %swap3A_1067] {strides = array<i32>} : memref<8x1024xf32, #tpu.memory_space<vmem>>, vector<1x16xf32>,
        %swap3A_1069 = vector.shape_cast %swap3A_1068 : vector<1x16xf32> to vector<16xf32>
        %swap3A_1070 = vector.shape_cast %add3A_1065 : vector<16xf32> to vector<1x16xf32>
        tpu.vector_store %arg11[%swap3A_1066, %swap3A_1067], %swap3A_1070 {strides = array<i32>} : memref<8x1024xf32, #tpu.memory_space<vmem>>, vector<1x16xf32>,
        %get3A_1071 = arith.index_cast %scan3A_246 : i32 to index
        %get3A_1072 = arith.constant 944 : index
        %get3A_1073 = tpu.vector_load %arg11[%get3A_1071, %get3A_1072] {strides = array<i32>} : memref<8x1024xf32, #tpu.memory_space<vmem>>, vector<1x16xf32>,
        %get3A_1074 = vector.shape_cast %get3A_1073 : vector<1x16xf32> to vector<16xf32>
        %get3A_1075 = arith.index_cast %scan3A_246 : i32 to index
        %get3A_1076 = arith.constant 944 : index
        %get3A_1077 = tpu.vector_load %arg15[%get3A_1075, %get3A_1076] {strides = array<i32>} : memref<8x1024xf32, #tpu.memory_space<vmem>>, vector<1x16xf32>,
        %get3A_1078 = vector.shape_cast %get3A_1077 : vector<1x16xf32> to vector<16xf32>
        %add3A_1079 = arith.addf %get3A_1074, %get3A_1078 : vector<16xf32>
        %swap3A_1080 = arith.index_cast %scan3A_246 : i32 to index
        %swap3A_1081 = arith.constant 944 : index
        %swap3A_1082 = tpu.vector_load %arg11[%swap3A_1080, %swap3A_1081] {strides = array<i32>} : memref<8x1024xf32, #tpu.memory_space<vmem>>, vector<1x16xf32>,
        %swap3A_1083 = vector.shape_cast %swap3A_1082 : vector<1x16xf32> to vector<16xf32>
        %swap3A_1084 = vector.shape_cast %add3A_1079 : vector<16xf32> to vector<1x16xf32>
        tpu.vector_store %arg11[%swap3A_1080, %swap3A_1081], %swap3A_1084 {strides = array<i32>} : memref<8x1024xf32, #tpu.memory_space<vmem>>, vector<1x16xf32>,
        %get3A_1085 = arith.index_cast %scan3A_246 : i32 to index
        %get3A_1086 = arith.constant 960 : index
        %get3A_1087 = tpu.vector_load %arg11[%get3A_1085, %get3A_1086] {strides = array<i32>} : memref<8x1024xf32, #tpu.memory_space<vmem>>, vector<1x16xf32>,
        %get3A_1088 = vector.shape_cast %get3A_1087 : vector<1x16xf32> to vector<16xf32>
        %get3A_1089 = arith.index_cast %scan3A_246 : i32 to index
        %get3A_1090 = arith.constant 960 : index
        %get3A_1091 = tpu.vector_load %arg15[%get3A_1089, %get3A_1090] {strides = array<i32>} : memref<8x1024xf32, #tpu.memory_space<vmem>>, vector<1x16xf32>,
        %get3A_1092 = vector.shape_cast %get3A_1091 : vector<1x16xf32> to vector<16xf32>
        %add3A_1093 = arith.addf %get3A_1088, %get3A_1092 : vector<16xf32>
        %swap3A_1094 = arith.index_cast %scan3A_246 : i32 to index
        %swap3A_1095 = arith.constant 960 : index
        %swap3A_1096 = tpu.vector_load %arg11[%swap3A_1094, %swap3A_1095] {strides = array<i32>} : memref<8x1024xf32, #tpu.memory_space<vmem>>, vector<1x16xf32>,
        %swap3A_1097 = vector.shape_cast %swap3A_1096 : vector<1x16xf32> to vector<16xf32>
        %swap3A_1098 = vector.shape_cast %add3A_1093 : vector<16xf32> to vector<1x16xf32>
        tpu.vector_store %arg11[%swap3A_1094, %swap3A_1095], %swap3A_1098 {strides = array<i32>} : memref<8x1024xf32, #tpu.memory_space<vmem>>, vector<1x16xf32>,
        %get3A_1099 = arith.index_cast %scan3A_246 : i32 to index
        %get3A_1100 = arith.constant 976 : index
        %get3A_1101 = tpu.vector_load %arg11[%get3A_1099, %get3A_1100] {strides = array<i32>} : memref<8x1024xf32, #tpu.memory_space<vmem>>, vector<1x16xf32>,
        %get3A_1102 = vector.shape_cast %get3A_1101 : vector<1x16xf32> to vector<16xf32>
        %get3A_1103 = arith.index_cast %scan3A_246 : i32 to index
        %get3A_1104 = arith.constant 976 : index
        %get3A_1105 = tpu.vector_load %arg15[%get3A_1103, %get3A_1104] {strides = array<i32>} : memref<8x1024xf32, #tpu.memory_space<vmem>>, vector<1x16xf32>,
        %get3A_1106 = vector.shape_cast %get3A_1105 : vector<1x16xf32> to vector<16xf32>
        %add3A_1107 = arith.addf %get3A_1102, %get3A_1106 : vector<16xf32>
        %swap3A_1108 = arith.index_cast %scan3A_246 : i32 to index
        %swap3A_1109 = arith.constant 976 : index
        %swap3A_1110 = tpu.vector_load %arg11[%swap3A_1108, %swap3A_1109] {strides = array<i32>} : memref<8x1024xf32, #tpu.memory_space<vmem>>, vector<1x16xf32>,
        %swap3A_1111 = vector.shape_cast %swap3A_1110 : vector<1x16xf32> to vector<16xf32>
        %swap3A_1112 = vector.shape_cast %add3A_1107 : vector<16xf32> to vector<1x16xf32>
        tpu.vector_store %arg11[%swap3A_1108, %swap3A_1109], %swap3A_1112 {strides = array<i32>} : memref<8x1024xf32, #tpu.memory_space<vmem>>, vector<1x16xf32>,
        %get3A_1113 = arith.index_cast %scan3A_246 : i32 to index
        %get3A_1114 = arith.constant 992 : index
        %get3A_1115 = tpu.vector_load %arg11[%get3A_1113, %get3A_1114] {strides = array<i32>} : memref<8x1024xf32, #tpu.memory_space<vmem>>, vector<1x16xf32>,
        %get3A_1116 = vector.shape_cast %get3A_1115 : vector<1x16xf32> to vector<16xf32>
        %get3A_1117 = arith.index_cast %scan3A_246 : i32 to index
        %get3A_1118 = arith.constant 992 : index
        %get3A_1119 = tpu.vector_load %arg15[%get3A_1117, %get3A_1118] {strides = array<i32>} : memref<8x1024xf32, #tpu.memory_space<vmem>>, vector<1x16xf32>,
        %get3A_1120 = vector.shape_cast %get3A_1119 : vector<1x16xf32> to vector<16xf32>
        %add3A_1121 = arith.addf %get3A_1116, %get3A_1120 : vector<16xf32>
        %swap3A_1122 = arith.index_cast %scan3A_246 : i32 to index
        %swap3A_1123 = arith.constant 992 : index
        %swap3A_1124 = tpu.vector_load %arg11[%swap3A_1122, %swap3A_1123] {strides = array<i32>} : memref<8x1024xf32, #tpu.memory_space<vmem>>, vector<1x16xf32>,
        %swap3A_1125 = vector.shape_cast %swap3A_1124 : vector<1x16xf32> to vector<16xf32>
        %swap3A_1126 = vector.shape_cast %add3A_1121 : vector<16xf32> to vector<1x16xf32>
        tpu.vector_store %arg11[%swap3A_1122, %swap3A_1123], %swap3A_1126 {strides = array<i32>} : memref<8x1024xf32, #tpu.memory_space<vmem>>, vector<1x16xf32>,
        %get3A_1127 = arith.index_cast %scan3A_246 : i32 to index
        %get3A_1128 = arith.constant 1008 : index
        %get3A_1129 = tpu.vector_load %arg11[%get3A_1127, %get3A_1128] {strides = array<i32>} : memref<8x1024xf32, #tpu.memory_space<vmem>>, vector<1x16xf32>,
        %get3A_1130 = vector.shape_cast %get3A_1129 : vector<1x16xf32> to vector<16xf32>
        %get3A_1131 = arith.index_cast %scan3A_246 : i32 to index
        %get3A_1132 = arith.constant 1008 : index
        %get3A_1133 = tpu.vector_load %arg15[%get3A_1131, %get3A_1132] {strides = array<i32>} : memref<8x1024xf32, #tpu.memory_space<vmem>>, vector<1x16xf32>,
        %get3A_1134 = vector.shape_cast %get3A_1133 : vector<1x16xf32> to vector<16xf32>
        %add3A_1135 = arith.addf %get3A_1130, %get3A_1134 : vector<16xf32>
        %swap3A_1136 = arith.index_cast %scan3A_246 : i32 to index
        %swap3A_1137 = arith.constant 1008 : index
        %swap3A_1138 = tpu.vector_load %arg11[%swap3A_1136, %swap3A_1137] {strides = array<i32>} : memref<8x1024xf32, #tpu.memory_space<vmem>>, vector<1x16xf32>,
        %swap3A_1139 = vector.shape_cast %swap3A_1138 : vector<1x16xf32> to vector<16xf32>
        %swap3A_1140 = vector.shape_cast %add3A_1135 : vector<16xf32> to vector<1x16xf32>
        tpu.vector_store %arg11[%swap3A_1136, %swap3A_1137], %swap3A_1140 {strides = array<i32>} : memref<8x1024xf32, #tpu.memory_space<vmem>>, vector<1x16xf32>,
      }
      %scan3A_236 = arith.constant 8 : i32
      %mul3A_237 = arith.constant 1024 : i32
      %mul3A_238 = arith.muli %add3A, %mul3A_237 : i32
      %mul3A_239 = arith.constant 8 : i32
      %mul3A_240 = arith.muli %add3A_208, %mul3A_239 : i32
      %add3A_241 = arith.addi %mul3A_238, %mul3A_240 : i32
      %dma_start3A_242 = arith.constant 0 : i32
      %dma_start3A_243 = tpu.memref_slice %arg5[%add3A_241, %dma_start3A_242] : memref<32768x1024xf32, #tpu.memory_space<hbm>> -> memref<8x1024xf32, #tpu.memory_space<hbm>>
      %dma_start3A_244 = arith.constant 0 : i32
      %dma_start3A_245 = tpu.memref_slice %arg5[%add3A_241, %dma_start3A_244] : memref<32768x1024xf32, #tpu.memory_space<hbm>> -> memref<8x1024xf32, #tpu.memory_space<hbm>>
      tpu.enqueue_dma source(%arg11 : memref<8x1024xf32, #tpu.memory_space<vmem>>) target(%dma_start3A_245 : memref<8x1024xf32, #tpu.memory_space<hbm>>) target_semaphore(%arg23 : memref<!tpu.dma_semaphore, #tpu.memory_space<semaphore_mem>>)
    }
    %scan3A_78 = arith.constant 32 : i32
    %dma_wait3A = arith.constant 0 : i32
    %dma_wait3A_79 = arith.constant 0 : i32
    %dma_wait3A_80 = tpu.memref_slice %arg5[%dma_wait3A, %dma_wait3A_79] : memref<32768x1024xf32, #tpu.memory_space<hbm>> -> memref<8x1024xf32, #tpu.memory_space<hbm>>
    %dma_wait3A_81 = arith.constant 0 : i32
    %dma_wait3A_82 = arith.constant 0 : i32
    %dma_wait3A_83 = tpu.memref_slice %arg5[%dma_wait3A_81, %dma_wait3A_82] : memref<32768x1024xf32, #tpu.memory_space<hbm>> -> memref<8x1024xf32, #tpu.memory_space<hbm>>
    tpu.wait_dma2 semaphore(%arg23 : memref<!tpu.dma_semaphore, #tpu.memory_space<semaphore_mem>>) src(%dma_wait3A_83 : memref<8x1024xf32, #tpu.memory_space<hbm>>) dst(%arg11 : memref<8x1024xf32, #tpu.memory_space<vmem>>)
    return
  }
}

</mosaic_0001>

<sc_bundles>
// kernel: _run.3.cloned.1.call-start
scs
__scs_entry_jumppad:
0x0: {  	(pc) =	sbr.rel $0x88, $3  }
0x1: {  	(tag) =	ssettag $0x0;
	lr =	simm.s32 $0x1  }
0x2: {  	[smem:$0x3F9E] =	sst lr;
	_ =	strace $0xD0000000  }
0x3: {  	_ = 	snop  }
0x4: {  	_ = 	snop  }
0x5: {  	_ = 	snop  }
0x6: {  	_ = 	snop  }
0x7: {  	_ = 	snop  }
__scs_overlays_trampoline_lowered:
0x8: {  	[smem:$0x3FAD] =	sst s0  }
0x9: {  	[smem:$0x3FAE] =	sst s1  }
0xa: {  	[smem:$0x3FAF] =	sst s2  }
0xb: {  	[smem:$0x3FB0] =	sst s3  }
0xc: {  	[smem:$0x3FB1] =	sst s4  }
0xd: {  	[smem:$0x3FB2] =	sst s5  }
0xe: {  	[smem:$0x3FB3] =	sst s6  }
0xf: {  	[smem:$0x3FB4] =	sst s7  }
0x10: {  	[smem:$0x3FB5] =	sst s8  }
0x11: {  	[smem:$0x3FB6] =	sst s9;
	s0 =	simm.s32 @!p0 $0x0  }
0x12: {  	s1 =	sld [smem:$0x3F9C];
	s0 =	simm.s32 @p0 $0x1  }
0x13: {  	[smem:$0x3FB7] =	sst s0;
	s0 =	simm.s32 @!p1 $0x0  }
0x14: {  	s2 =	sld [smem:$0x3F9B];
	s0 =	simm.s32 @p1 $0x1  }
0x15: {  	[smem:$0x3FB8] =	sst s0;
	s0 =	simm.s32 @!p2 $0x0  }
0x16: {  	s3 =	sld [smem:$0x3FDB];
	s0 =	simm.s32 @p2 $0x1  }
0x17: {  	s4 =	simm.s32 $0x1BF5;
	[smem:$0x3FBA] =	sst s0  }
0x18: {  	s0 =	sld [smem:$0x3F9D];
	_ =	swait.ge [sflag:s4], $0x0  }
0x19: {  	s7 =	sld [smem:$0x3F9E]  }
0x1a: {  	s8 =	sadd.s32 $0xFFFFE003, lr  }
0x1b: {  	s9 =	sadd.s32 $0xFFFFFEF7, lr;
	s5 =	simm.s32 $0xFFFFFFFF;
	p2 =	slt.u32 s8, $0xFFFFF086  }
0x1c: {  	p1 =	slt.u32 s9, $0xF7A;
	s5 =	simm.s32 @!p2 $0x0  }
0x1d: {  	s5 =	simm.s32 @p1 $0x1;
	p0 =	seq.s32 s7, s2  }
0x1e: {  	s7 =	smul.u32 @!p0 $0xF7A, s2;
	p2 =	seq.s32 @!p0 s5, $0x0  }
0x1f: {  	s9 =	smul.u32 $0xF7A, s1;
	s8 =	simm.s32 @!p0 $0x1BF5;
	p2 =	por !p2, p0  }
0x20: {  	[sflag:s8] =	ssyncset.s32 @!p0 $0xFFFFF086;
	s6 =	sadd.s32 @!p0 s3, s7;
	s7 =	simm.s32 @!p0 $0x108  }
0x21: {  	s3 =	sadd.s32 s3, s9;
	s6 =	sadd.s32 @!p0 $0x88, s6;
	s7 =	simm.s32 @p2 $0x1082  }
0x22: {  	[simem:s7], [sflag:s8] =	dma.local @!p0 [hbm:s6], $0xF7A  }
0x23: {  	s9 =	sor.u32 $0xD0000000, s2;
	s6 =	simm.s32 $0x108;
	_ =	swait.ge @!p0 [sflag:s8], $0x0  }
0x24: {  	s3 =	sadd.s32 $0x88, s3;
	s6 =	simm.s32 @!p1 $0x1082;
	[sflag:s4] =	ssyncset.s32 $0xFFFFF086  }
0x25: {  	[simem:s6], [sflag:s4] =	dma.local [hbm:s3], $0xF7A  }
0x26: {  	[smem:$0x3F9E] =	sst s1;
	(tag) =	ssettag s2;
	_ =	strace s9  }
0x27: {  	s1 =	sld [smem:$0x3FAE]  }
0x28: {  	s2 =	sld [smem:$0x3FAF]  }
0x29: {  	s4 =	sld [smem:$0x3FB1]  }
0x2a: {  	p0 =	seq.s32 s5, $0x0;
	s5 =	sld [smem:$0x3FB2]  }
0x2b: {  	s6 =	sld [smem:$0x3FB3]  }
0x2c: {  	s7 =	sld [smem:$0x3FB4]  }
0x2d: {  	s3 =	simm.s32 $0x108;
	s8 =	sld [smem:$0x3FB5]  }
0x2e: {  	s3 =	simm.s32 @!p0 $0x1082;
	s9 =	sld [smem:$0x3FB6]  }
0x2f: {  	lr =	sadd.s32 s0, s3;
	s0 =	sld [smem:$0x3FAD]  }
0x30: {  	s3 =	sld [smem:$0x3FB0]  }
0x31: {  	[smem:$0x3FB9] =	sst s10  }
0x32: {  	s10 =	sld [smem:$0x3FB7];
	_ =	sdelay $0x3  }
0x33: {  	p0 =	seq.s32 s10, $0x1;
	s10 =	sld [smem:$0x3FB9];
	_ =	sdelay $0x3  }
0x34: {  	[smem:$0x3FB9] =	sst s10  }
0x35: {  	s10 =	sld [smem:$0x3FB8];
	_ =	sdelay $0x3  }
0x36: {  	p1 =	seq.s32 s10, $0x1;
	s10 =	sld [smem:$0x3FB9];
	_ =	sdelay $0x3  }
0x37: {  	[smem:$0x3FB9] =	sst s10  }
0x38: {  	s10 =	sld [smem:$0x3FBA]  }
0x39: {  	_ = 	snop;
	(pc) =	sbr.ind lr, $3  }
0x3a: {  	_ = 	snop  }
0x3b: {  	_ = 	snop  }
0x3c: {  	p2 =	seq.s32 s10, $0x1;
	s10 =	sld [smem:$0x3FB9]  }
0x3d: {  	_ =	shalt  }
0x3e: {  	_ =	shalt  }
0x3f: {  	_ =	shalt  }
0x40: {  	_ =	shalt  }
0x41: {  	_ =	shalt  }
0x42: {  	_ =	shalt  }
0x43: {  	_ =	shalt  }
0x44: {  	_ =	shalt  }
0x45: {  	_ =	shalt  }
0x46: {  	_ =	shalt  }
0x47: {  	_ =	shalt  }
0x48: {  	_ =	shalt  }
0x49: {  	_ =	shalt  }
0x4a: {  	_ =	shalt  }
0x4b: {  	_ =	shalt  }
0x4c: {  	_ =	shalt  }
0x4d: {  	_ =	shalt  }
0x4e: {  	_ =	shalt  }
0x4f: {  	_ =	shalt  }
0x50: {  	_ =	shalt  }
0x51: {  	_ =	shalt  }
0x52: {  	_ =	shalt  }
0x53: {  	_ =	shalt  }
0x54: {  	_ =	shalt  }
0x55: {  	_ =	shalt  }
0x56: {  	_ =	shalt  }
0x57: {  	_ =	shalt  }
0x58: {  	_ =	shalt  }
0x59: {  	_ =	shalt  }
0x5a: {  	_ =	shalt  }
0x5b: {  	_ =	shalt  }
0x5c: {  	_ =	shalt  }
0x5d: {  	_ =	shalt  }
0x5e: {  	_ =	shalt  }
0x5f: {  	_ =	shalt  }
0x60: {  	_ =	shalt  }
0x61: {  	_ =	shalt  }
0x62: {  	_ =	shalt  }
0x63: {  	_ =	shalt  }
0x64: {  	_ =	shalt  }
0x65: {  	_ =	shalt  }
0x66: {  	_ =	shalt  }
0x67: {  	_ =	shalt  }
0x68: {  	_ =	shalt  }
0x69: {  	_ =	shalt  }
0x6a: {  	_ =	shalt  }
0x6b: {  	_ =	shalt  }
0x6c: {  	_ =	shalt  }
0x6d: {  	_ =	shalt  }
0x6e: {  	_ =	shalt  }
0x6f: {  	_ =	shalt  }
0x70: {  	_ =	shalt  }
0x71: {  	_ =	shalt  }
0x72: {  	_ =	shalt  }
0x73: {  	_ =	shalt  }
0x74: {  	_ =	shalt  }
0x75: {  	_ =	shalt  }
0x76: {  	_ =	shalt  }
0x77: {  	_ =	shalt  }
0x78: {  	_ =	shalt  }
0x79: {  	_ =	shalt  }
0x7a: {  	_ =	shalt  }
0x7b: {  	_ =	shalt  }
0x7c: {  	_ =	shalt  }
0x7d: {  	_ =	shalt  }
0x7e: {  	_ =	shalt  }
0x7f: {  	_ =	shalt  }
0x80: {  	_ =	shalt  }
0x81: {  	_ =	shalt  }
0x82: {  	_ =	shalt  }
0x83: {  	_ =	shalt  }
0x84: {  	_ =	shalt  }
0x85: {  	_ =	shalt  }
0x86: {  	_ =	shalt  }
0x87: {  	_ =	shalt  }
.Lfunc_end0:
.L_simem_size_0:
called_computation_lowered:
.L_overlay_start_0:
0x88: {  	s2 =	sld [smem:$0x3FD9]  }
0x89: {  	s3 =	sld [smem:$0x3FFE];
	_ =	sdelay $0x1  }
0x8a: {  	s1 =	srdreg.scid  }
0x8b: {  	s0 =	sand.u32 $0x1, s1  }
0x8c: {  	s18 =	sshll.u32 s0, $0xA;
	s2 =	sadd.s32 s3, s2  }
0x8d: {  	s2 =	sadd.s32 s2, s18  }
0x8e: {  	[smem:$0x3FC5] =	sst s2  }
0x8f: {  	_ = 	snop  }
0x90: {  	s2 =	sld [smem:$0x3FC9]  }
0x91: {  	s19 =	sld [smem:$0x3FC8]  }
0x92: {  	s4 =	sld [smem:$0x3FC7]  }
0x93: {  	s5 =	sld [smem:$0x3FD0];
	(tm) =	ssettm $0x1  }
0x94: {  	s6 =	sld [smem:$0x3FFB];
	_ =	sdelay $0x3  }
0x95: {  	_ =	strace s6  }
0x96: {  	s6 =	sld [smem:$0x3FFC];
	_ =	sdelay $0x3  }
0x97: {  	_ =	strace s6  }
0x98: {  	s6 =	sld [smem:$0x3FFD];
	_ =	sdelay $0x3  }
0x99: {  	_ =	strace s6  }
0x9a: {  	_ =	strace $0x8FFFFFFF  }
0x9b: {  	s20 =	sld [smem:$0x3FDB];
	_ =	sdelay $0x1  }
0x9c: {  	s7 =	simm.s32 $_scs_section_size  }
0x9d: {  	s8 =	simm.s32 $_size__tile_overlayer_lowered;
	s9 =	simm.s32 $_tile_overlayer_lowered  }
0x9e: {  	s23 =	simm.s32 $0x1BFF;
	s22 =	sshll.u32 s9, $0x1;
	s6 =	sadd.s32 s7, s20  }
0x9f: {  	s10 =	simm.s32 $0x0;
	s21 =	sshll.u32 s8, $0x1;
	s8 =	sadd.s32 s22, s6  }
0xa0: {  	[timem:s10], [sflag:s23] =	dma.local [hbm:s8], s21  }
0xa1: {  	_ =	swait.ge [sflag:s23], s21  }
0xa2: {  	s7 =	ssub.s32 $0x0, s21;
	[sflag:s23] =	ssyncset.done $0x0  }
0xa3: {  	[sflag:s23] =	ssyncadd.s32 s7;
	_ =	sdelay $0x1  }
0xa4: {  	s24 =	simm.s32 $0x1B8B  }
0xa5: {  	_ =	swait.ge [sflag:s24], $0x1  }
0xa6: {  	[sflag:s24] =	ssyncset.done $0x0  }
0xa7: {  	s25 =	simm.s32 $0x1B8E;
	[sflag:s24] =	ssyncadd.s32 $0xFFFFFFFF  }
0xa8: {  	s26 =	simm.s32 $execute0_lowered;
	[smem:$0x3FD2] =	sst s25  }
0xa9: {  	s7 =	sshll.u32 s26, $0x1;
	_ =	strace $0x80000046;
	[dreg:$0x1] =	wrdreg $0xFFFFFFFF  }
0xaa: {  	s28 =	simm.s32 $_size_execute0_lowered;
	s6 =	sadd.s32 s6, s7;
	[dreg:$0x0] =	wrdreg $0x0  }
0xab: {  	s7 =	sshll.u32 s28, $0x1;
	[dreg:$0x2] =	wrdreg s6  }
0xac: {  	[dreg:$0x3] =	wrdreg s7  }
0xad: {  	[dreg:$0x4] =	wrdreg $0xC0  }
0xae: {  	_ =	task [dreg:s10], $0x5FFFF  }
0xaf: {  	[dreg:$0x1] =	wrdreg $0xFFFFFFFF  }
0xb0: {  	[dreg:$0x0] =	wrdreg $0x60  }
0xb1: {  	[dreg:$0x2] =	wrdreg s2  }
0xb2: {  	[dreg:$0x3] =	wrdreg s19  }
0xb3: {  	[dreg:$0x4] =	wrdreg s4  }
0xb4: {  	[dreg:$0x5] =	wrdreg s5  }
0xb5: {  	[dreg:$0x6] =	wrdreg $0x9  }
0xb6: {  	_ =	task.clear_ibuf [dreg:s10], $0x7FFFF;
	_ =	strace $0x90000046  }
0xb7: {  	s29 =	simm.s32 $0x9;
	_ =	strace $0x80000048  }
0xb8: {  	_ =	swait.ge [sflag:s29], $0x1  }
0xb9: {  	[sflag:s29] =	ssyncadd.s32 $0xFFFFFFFF  }
0xba: {  	_ =	strace $0x90000048  }
0xbb: {  	_ =	sfence  }
0xbc: {  	s30 =	sld [smem:$0x0];
	_ =	sdelay $0x2  }
0xbd: {  	s31 =	sshll.u32 s1, $0xD;
	s1 =	sshrl.u32 s1, $0x2  }
0xbe: {  	s3 =	sand.u32 $0x4000, s31;
	s1 =	sadd.s32 s1, s30  }
0xbf: {  	s0 =	sor.u32 s3, s0;
	s1 =	sshll.u32 s1, $0x11  }
0xc0: {  	s0 =	sor.u32 s1, s0  }
0xc1: {  	s0 =	sadd.s32 $0x8F2B, s0  }
0xc2: {  	[sflag:s0] =	ssyncadd.remote.s32 $0x1  }
0xc3: {  	_ =	sfence.sel $0xFFFF  }
0xc4: {  	[dreg:$0x0] =	wrdreg $0xFFFFFFFF;
	(pc) =	sbr.abs _section_cstart, $3  }
0xc5: {  	[dreg:$0x1] =	wrdreg $0xFFFFFFFF  }
0xc6: {  	_ =	task.clear_ibuf [dreg:s10], $0x2FFFF;
	_ =	strace $0x9FFFFFFF  }
0xc7: {  	(tm) =	ssettm $0x7FFFFFFF  }
tec
execute0_lowered:
.L_overlay_start_1:
0x0: {  	(tag) =	ssettag $0x1  }
0x1: {  	s0 =	rddreg [dreg:$0x0]  }
0x2: {  	s1 =	rddreg [dreg:$0x1]  }
0x3: {  	s2 =	srdreg.scid;
	s3 =	rddreg [dreg:$0x2]  }
0x4: {  	s7 =	stileid.u32;
	s5 =	rddreg [dreg:$0x3];
	s17 =	simm.s32 $0x800  }
0x5: {  	s25 =	simm.s32 $0x2800;
	s16 =	simm.s32 $0x4800;
	s26 =	simm.s32 $0x6800  }
0x6: {  	s18 =	simm.s32 $0x10000;
	s19 =	simm.s32 $0x1;
	s20 =	simm.s32 $0x5  }
0x7: {  	s21 =	simm.s32 $0x2;
	s22 =	simm.s32 $0x6;
	s23 =	simm.s32 $0x3  }
0x8: {  	s24 =	simm.s32 $0x7;
	s15 =	simm.s32 $0x0;
	s2 =	sand.u32 $0x1, s2  }
0x9: {  	s4 =	sshll.u32 s7, $0x1;
	s7 =	sshll.u32 s7, $0x9;
	s9 =	sadd.s32 $0x300, s1  }
0xa: {  	s10 =	sadd.s32 $0x100, s3;
	s11 =	sadd.s32 $0x200, s3;
	s12 =	sadd.s32 $0x300, s3  }
0xb: {  	s6 =	sor.u32 s2, s4;
	s4 =	simm.s32 $0x0;
	s7 =	sand.u32 $0x1800, s7  }
0xc: {  	s2 =	ssub.s32 $0x2, s2;
	s8 =	sshll.u32 s6, $0x7;
	[smem:$0x7FF] =	sst s4  }
0xd: {  	s28 =	sshrl.u32 s2, $0x1;
	s31 =	sshll.u32 s6, $0x11;
	s8 =	sand.u32 $0x380, s8  }
0xe: {  	v0 =	vlaneseq.u32;
	s6 =	simm.s32 $0x4;
	_ =	strace $0x80000047;
	s7 =	sor.u32 s7, s8  }
0xf: {  	v1 =	vshrl.u32 v0, $0x3;
	s29 =	ssub.s32 s2, s28;
	s13 =	sadd.s32 s5, s31;
	s7 =	sadd.s32 s0, s7  }
0x10: {  	v0 =	vand.u32 $0x7, v0;
	v63 =	vmul.u32 $0x8, v1;
	s2 =	simm.s32 $0xF000;
	s0 =	smax.u32 s29, $0x1;
	[dreg:$0x5] =	wrdreg s7  }
0x11: {  	[tilespmem:$0x1FFE0] =	vst v0;
	s8 =	sadd.s32 $0x200, s1;
	s30 =	sadd.s32 $0x400, s7;
	[dreg:$0x7] =	wrdreg s0  }
0x12: {  	vm0 =	vmmov $0xffff;
	[tilespmem:$0x1FFF0] =	vst v63;
	s7 =	sadd.s32 $0x100, s1;
	s0 =	simm.s32 $0xF800;
	[dreg:$0x6] =	wrdreg s30  }
.LBB2_1:
0x13: {  	[dreg:$0x8] =	wrdreg s15  }
0x14: {  	s5 =	rddreg [dreg:$0x5];
	s14 =	simm.s32 $0x9  }
0x15: {  	[tilespmem:s4], [sflag:$0x9] =	stream.linear.gather [hbm4b:s5+s4], $0x400, $0x38;
	[tilespmem:$0x10800] =	vst v63  }
0x16: {  	_ =	swait.ge [sflag:s14], $0x400  }
0x17: {  	[sflag:s14] =	ssyncset.done $0x0  }
0x18: {  	s28 =	simm.s32 $0x400;
	s15 =	rddreg [dreg:$0x6];
	[sflag:s14] =	ssyncadd.s32 $0xFFFFFC00  }
0x19: {  	[tilespmem:s28], [sflag:$0x9] =	stream.linear.gather [hbm4b:s15+s4], $0x400, $0x38;
	[tilespmem:$0x10800] =	vst v63  }
0x1a: {  	_ =	swait.ge [sflag:s14], $0x400  }
0x1b: {  	[sflag:s14] =	ssyncset.done $0x0  }
0x1c: {  	[sflag:s14] =	ssyncadd.s32 $0xFFFFFC00  }
0x1d: {  	v0 =	vld.msk [tilespmem:$0x0], $0xff;
	_ =	sdelay $0x2  }
0x1e: {  	v2 =	vld [tilespmem:$0x1FFE0];
	_ =	sdelay $0x1  }
0x1f: {  	v3 =	vld [tilespmem:$0x1FFF0];
	v1 =	vshll.u32 v0, $0x3  }
0x20: {  	v0 =	vand.u32 $0x7, v0;
	v1 =	vand.u32 $0xFFFFFFC0, v1  }
0x21: {  	v0 =	vor.u32 v0, v1  }
0x22: {  	v0 =	vperm.xlane v0, v2;
	_ =	sdelay $0x1  }
0x23: {  	v0 =	vadd.s32 v3, v0;
	_ =	sdelay $0x4  }
0x24: {  	[tilespmem:s17], [sflag:$0x1] =	stream.indirect_vreg.gather [hbm4b:s1+s4], $0x80, v0, vm0, $0xb8;
	[tilespmem:$0x10800] =	vst v63  }
0x25: {  	s29 =	simm.s32 $0x1000  }
0x26: {  	[tilespmem:s29], [sflag:$0x1] =	stream.indirect_vreg.gather [hbm4b:s7+s4], $0x80, v0, vm0, $0xb8;
	[tilespmem:$0x10800] =	vst v63  }
0x27: {  	s30 =	simm.s32 $0x1800  }
0x28: {  	[tilespmem:s30], [sflag:$0x1] =	stream.indirect_vreg.gather [hbm4b:s8+s4], $0x80, v0, vm0, $0xb8;
	[tilespmem:$0x10800] =	vst v63  }
0x29: {  	s31 =	simm.s32 $0x2000  }
0x2a: {  	[tilespmem:s31], [sflag:$0x1] =	stream.indirect_vreg.gather [hbm4b:s9+s4], $0x80, v0, vm0, $0xb8;
	[tilespmem:$0x10800] =	vst v63  }
0x2b: {  	v0 =	vld.msk [tilespmem:$0x400], $0xff;
	_ =	sdelay $0x4  }
0x2c: {  	v59 =	vshll.u32 v0, $0x3  }
0x2d: {  	v0 =	vand.u32 $0x7, v0;
	v1 =	vand.u32 $0xFFFFFFC0, v59  }
0x2e: {  	v0 =	vor.u32 v0, v1  }
0x2f: {  	v0 =	vperm.xlane v0, v2;
	_ =	sdelay $0x1  }
0x30: {  	v0 =	vadd.s32 v3, v0;
	_ =	sdelay $0x3  }
0x31: {  	s14 =	simm.s32 $0x8800  }
0x32: {  	[tilespmem:s14], [sflag:$0x1] =	stream.indirect_vreg.gather [hbm4b:s3+s4], $0x80, v0, vm0, $0xb8;
	[tilespmem:$0x10800] =	vst v63  }
0x33: {  	s15 =	simm.s32 $0x9000  }
0x34: {  	[tilespmem:s15], [sflag:$0x1] =	stream.indirect_vreg.gather [hbm4b:s10+s4], $0x80, v0, vm0, $0xb8;
	[tilespmem:$0x10800] =	vst v63  }
0x35: {  	s28 =	simm.s32 $0x9800  }
0x36: {  	[tilespmem:s28], [sflag:$0x1] =	stream.indirect_vreg.gather [hbm4b:s11+s4], $0x80, v0, vm0, $0xb8;
	[tilespmem:$0x10800] =	vst v63  }
0x37: {  	s29 =	simm.s32 $0xA000  }
0x38: {  	[tilespmem:s29], [sflag:$0x1] =	stream.indirect_vreg.gather [hbm4b:s12+s4], $0x80, v0, vm0, $0xb8;
	[tilespmem:$0x10800] =	vst v63  }
0x39: {  	v0 =	vld.msk [tilespmem:$0x8], $0xff;
	_ =	sdelay $0x4  }
0x3a: {  	v60 =	vshll.u32 v0, $0x3  }
0x3b: {  	v0 =	vand.u32 $0x7, v0;
	v1 =	vand.u32 $0xFFFFFFC0, v60  }
0x3c: {  	v0 =	vor.u32 v0, v1  }
0x3d: {  	v0 =	vperm.xlane v0, v2;
	_ =	sdelay $0x1  }
0x3e: {  	v0 =	vadd.s32 v3, v0;
	_ =	sdelay $0x4  }
0x3f: {  	[tilespmem:s25], [sflag:$0x2] =	stream.indirect_vreg.gather [hbm4b:s1+s4], $0x80, v0, vm0, $0xb8;
	[tilespmem:$0x10800] =	vst v63  }
0x40: {  	s30 =	simm.s32 $0x3000  }
0x41: {  	[tilespmem:s30], [sflag:$0x2] =	stream.indirect_vreg.gather [hbm4b:s7+s4], $0x80, v0, vm0, $0xb8;
	[tilespmem:$0x10800] =	vst v63  }
0x42: {  	s31 =	simm.s32 $0x3800  }
0x43: {  	[tilespmem:s31], [sflag:$0x2] =	stream.indirect_vreg.gather [hbm4b:s8+s4], $0x80, v0, vm0, $0xb8;
	[tilespmem:$0x10800] =	vst v63  }
0x44: {  	s14 =	simm.s32 $0x4000  }
0x45: {  	[tilespmem:s14], [sflag:$0x2] =	stream.indirect_vreg.gather [hbm4b:s9+s4], $0x80, v0, vm0, $0xb8;
	[tilespmem:$0x10800] =	vst v63  }
0x46: {  	v0 =	vld.msk [tilespmem:$0x408], $0xff;
	_ =	sdelay $0x4  }
0x47: {  	v61 =	vshll.u32 v0, $0x3  }
0x48: {  	v0 =	vand.u32 $0x7, v0;
	v1 =	vand.u32 $0xFFFFFFC0, v61  }
0x49: {  	v0 =	vor.u32 v0, v1  }
0x4a: {  	v0 =	vperm.xlane v0, v2;
	_ =	sdelay $0x1  }
0x4b: {  	v0 =	vadd.s32 v3, v0;
	_ =	sdelay $0x3  }
0x4c: {  	s15 =	simm.s32 $0xA800  }
0x4d: {  	[tilespmem:s15], [sflag:$0x2] =	stream.indirect_vreg.gather [hbm4b:s3+s4], $0x80, v0, vm0, $0xb8;
	[tilespmem:$0x10800] =	vst v63  }
0x4e: {  	s28 =	simm.s32 $0xB000  }
0x4f: {  	[tilespmem:s28], [sflag:$0x2] =	stream.indirect_vreg.gather [hbm4b:s10+s4], $0x80, v0, vm0, $0xb8;
	[tilespmem:$0x10800] =	vst v63  }
0x50: {  	s29 =	simm.s32 $0xB800  }
0x51: {  	[tilespmem:s29], [sflag:$0x2] =	stream.indirect_vreg.gather [hbm4b:s11+s4], $0x80, v0, vm0, $0xb8;
	[tilespmem:$0x10800] =	vst v63  }
0x52: {  	s30 =	simm.s32 $0xC000  }
0x53: {  	[tilespmem:s30], [sflag:$0x2] =	stream.indirect_vreg.gather [hbm4b:s12+s4], $0x80, v0, vm0, $0xb8;
	[tilespmem:$0x10800] =	vst v63  }
0x54: {  	v0 =	vld.msk [tilespmem:$0x10], $0xff;
	_ =	sdelay $0x4  }
0x55: {  	v62 =	vshll.u32 v0, $0x3  }
0x56: {  	v0 =	vand.u32 $0x7, v0;
	v1 =	vand.u32 $0xFFFFFFC0, v62  }
0x57: {  	v0 =	vor.u32 v0, v1  }
0x58: {  	v0 =	vperm.xlane v0, v2;
	_ =	sdelay $0x1  }
0x59: {  	v0 =	vadd.s32 v3, v0;
	_ =	sdelay $0x4  }
0x5a: {  	[tilespmem:s16], [sflag:$0x3] =	stream.indirect_vreg.gather [hbm4b:s1+s4], $0x80, v0, vm0, $0xb8;
	[tilespmem:$0x10800] =	vst v63  }
0x5b: {  	s31 =	simm.s32 $0x5000  }
0x5c: {  	[tilespmem:s31], [sflag:$0x3] =	stream.indirect_vreg.gather [hbm4b:s7+s4], $0x80, v0, vm0, $0xb8;
	[tilespmem:$0x10800] =	vst v63  }
0x5d: {  	s14 =	simm.s32 $0x5800  }
0x5e: {  	[tilespmem:s14], [sflag:$0x3] =	stream.indirect_vreg.gather [hbm4b:s8+s4], $0x80, v0, vm0, $0xb8;
	[tilespmem:$0x10800] =	vst v63  }
0x5f: {  	s15 =	simm.s32 $0x6000  }
0x60: {  	[tilespmem:s15], [sflag:$0x3] =	stream.indirect_vreg.gather [hbm4b:s9+s4], $0x80, v0, vm0, $0xb8;
	[tilespmem:$0x10800] =	vst v63  }
0x61: {  	v0 =	vld.msk [tilespmem:$0x410], $0xff;
	_ =	sdelay $0x4  }
0x62: {  	v63 =	vshll.u32 v0, $0x3  }
0x63: {  	v0 =	vand.u32 $0x7, v0;
	v1 =	vand.u32 $0xFFFFFFC0, v63  }
0x64: {  	v0 =	vor.u32 v0, v1  }
0x65: {  	v0 =	vperm.xlane v0, v2;
	_ =	sdelay $0x1  }
0x66: {  	v0 =	vadd.s32 v3, v0;
	_ =	sdelay $0x3  }
0x67: {  	s28 =	simm.s32 $0xC800  }
0x68: {  	[tilespmem:s28], [sflag:$0x3] =	stream.indirect_vreg.gather [hbm4b:s3+s4], $0x80, v0, vm0, $0xb8;
	[tilespmem:$0x10800] =	vst v63  }
0x69: {  	s29 =	simm.s32 $0xD000  }
0x6a: {  	[tilespmem:s29], [sflag:$0x3] =	stream.indirect_vreg.gather [hbm4b:s10+s4], $0x80, v0, vm0, $0xb8;
	[tilespmem:$0x10800] =	vst v63  }
0x6b: {  	s30 =	simm.s32 $0xD800  }
0x6c: {  	[tilespmem:s30], [sflag:$0x3] =	stream.indirect_vreg.gather [hbm4b:s11+s4], $0x80, v0, vm0, $0xb8;
	[tilespmem:$0x10800] =	vst v63  }
0x6d: {  	s31 =	simm.s32 $0xE000;
	s14 =	simm.s32 $0x0  }
0x6e: {  	[tilespmem:s31], [sflag:$0x3] =	stream.indirect_vreg.gather [hbm4b:s12+s4], $0x80, v0, vm0, $0xb8;
	[tilespmem:$0x10800] =	vst v63  }
.LBB2_2:
0x6f: {  	p0 =	seq.s32 s14, $0x0  }
0x70: {  	s5 =	simm.s32 @!p0 $0x8  }
0x71: {  	_ =	swait.ge @!p0 [sflag:s5], $0x2000  }
0x72: {  	s15 =	sshll.u32 s14, $0x5;
	[sflag:s5] =	ssyncset.done @!p0 $0x0  }
0x73: {  	s30 =	sor.u32 $0x18, s15;
	[sflag:s5] =	ssyncadd.s32 @!p0 $0xFFFFE000  }
0x74: {  	v0 =	vld.msk [tilespmem:s30+$0x0], $0xff;
	_ =	sdelay $0x2  }
0x75: {  	v2 =	vld [tilespmem:$0x1FFE0];
	_ =	sdelay $0x1  }
0x76: {  	v3 =	vld [tilespmem:$0x1FFF0];
	v1 =	vshll.u32 v0, $0x3  }
0x77: {  	v0 =	vand.u32 $0x7, v0;
	v1 =	vand.u32 $0xFFFFFFC0, v1  }
0x78: {  	v0 =	vor.u32 v0, v1  }
0x79: {  	v0 =	vperm.xlane v0, v2;
	_ =	sdelay $0x1  }
0x7a: {  	v0 =	vadd.s32 v3, v0;
	_ =	sdelay $0x3  }
0x7b: {  	s31 =	simm.s32 $0x0  }
0x7c: {  	[tilespmem:s26], [sflag:$0x4] =	stream.indirect_vreg.gather [hbm4b:s1+s31], $0x80, v0, vm0, $0xb8;
	[tilespmem:$0x10800] =	vst v63  }
0x7d: {  	s28 =	simm.s32 $0x7000  }
0x7e: {  	[tilespmem:s28], [sflag:$0x4] =	stream.indirect_vreg.gather [hbm4b:s7+s31], $0x80, v0, vm0, $0xb8;
	[tilespmem:$0x10800] =	vst v63  }
0x7f: {  	s28 =	simm.s32 $0x7800  }
0x80: {  	[tilespmem:s28], [sflag:$0x4] =	stream.indirect_vreg.gather [hbm4b:s8+s31], $0x80, v0, vm0, $0xb8;
	[tilespmem:$0x10800] =	vst v63  }
0x81: {  	s28 =	simm.s32 $0x8000  }
0x82: {  	[tilespmem:s28], [sflag:$0x4] =	stream.indirect_vreg.gather [hbm4b:s9+s31], $0x80, v0, vm0, $0xb8;
	[tilespmem:$0x10800] =	vst v63  }
0x83: {  	v0 =	vld.msk [tilespmem:s15+$0x418], $0xff;
	_ =	sdelay $0x4  }
0x84: {  	v1 =	vshll.u32 v0, $0x3  }
0x85: {  	v0 =	vand.u32 $0x7, v0;
	v1 =	vand.u32 $0xFFFFFFC0, v1  }
0x86: {  	v0 =	vor.u32 v0, v1  }
0x87: {  	v0 =	vperm.xlane v0, v2;
	_ =	sdelay $0x1  }
0x88: {  	v0 =	vadd.s32 v3, v0;
	_ =	sdelay $0x3  }
0x89: {  	s28 =	simm.s32 $0xE800  }
0x8a: {  	[tilespmem:s28], [sflag:$0x4] =	stream.indirect_vreg.gather [hbm4b:s3+s31], $0x80, v0, vm0, $0xb8;
	[tilespmem:$0x10800] =	vst v63  }
0x8b: {  	_ = 	snop  }
0x8c: {  	[tilespmem:s2], [sflag:$0x4] =	stream.indirect_vreg.gather [hbm4b:s10+s31], $0x80, v0, vm0, $0xb8;
	[tilespmem:$0x10800] =	vst v63  }
0x8d: {  	_ = 	snop  }
0x8e: {  	[tilespmem:s0], [sflag:$0x4] =	stream.indirect_vreg.gather [hbm4b:s11+s31], $0x80, v0, vm0, $0xb8;
	[tilespmem:$0x10800] =	vst v63  }
0x8f: {  	_ = 	snop  }
0x90: {  	[tilespmem:s18], [sflag:$0x4] =	stream.indirect_vreg.gather [hbm4b:s12+s31], $0x80, v0, vm0, $0xb8;
	[tilespmem:$0x10800] =	vst v63  }
0x91: {  	_ =	swait.ge [sflag:s19], $0x2000  }
0x92: {  	[sflag:s19] =	ssyncset.done $0x0  }
0x93: {  	[sflag:s19] =	ssyncadd.s32 $0xFFFFE000  }
0x94: {  	_ =	swait.ge [sflag:s19], $0x2000  }
0x95: {  	[sflag:s19] =	ssyncset.done $0x0  }
0x96: {  	s28 =	simm.s32 $0x0;
	[sflag:s19] =	ssyncadd.s32 $0xFFFFE000  }
0x97: {  	v34 =	vld [tilespmem:s28+$0x8800]  }
0x98: {  	v35 =	vld [tilespmem:s28+$0x8810]  }
0x99: {  	v36 =	vld [tilespmem:s28+$0x8820]  }
0x9a: {  	v37 =	vld [tilespmem:s28+$0x8830]  }
0x9b: {  	v38 =	vld [tilespmem:s28+$0x8840]  }
0x9c: {  	v39 =	vld [tilespmem:s28+$0x8850]  }
0x9d: {  	v40 =	vld [tilespmem:s28+$0x8860]  }
0x9e: {  	v41 =	vld [tilespmem:s28+$0x8870]  }
0x9f: {  	v42 =	vld [tilespmem:s28+$0x8C00]  }
0xa0: {  	v43 =	vld [tilespmem:s28+$0x8C10]  }
0xa1: {  	v44 =	vld [tilespmem:s28+$0x8C20]  }
0xa2: {  	v45 =	vld [tilespmem:s28+$0x8C30]  }
0xa3: {  	v46 =	vld [tilespmem:s28+$0x8C40]  }
0xa4: {  	v47 =	vld [tilespmem:s28+$0x8C50]  }
0xa5: {  	v48 =	vld [tilespmem:s28+$0x8C60]  }
0xa6: {  	v49 =	vld [tilespmem:s28+$0x8C70]  }
0xa7: {  	v50 =	vld [tilespmem:s28+$0x9000]  }
0xa8: {  	v51 =	vld [tilespmem:s28+$0x9010]  }
0xa9: {  	v52 =	vld [tilespmem:s28+$0x9020]  }
0xaa: {  	v53 =	vld [tilespmem:s28+$0x9030]  }
0xab: {  	v54 =	vld [tilespmem:s28+$0x9040]  }
0xac: {  	v55 =	vld [tilespmem:s28+$0x9050]  }
0xad: {  	v0 =	vld [tilespmem:s28+$0xA040]  }
0xae: {  	v56 =	vld [tilespmem:s28+$0x9060]  }
0xaf: {  	v57 =	vld [tilespmem:s28+$0x9070]  }
0xb0: {  	v58 =	vld [tilespmem:s28+$0x9400]  }
0xb1: {  	v59 =	vld [tilespmem:s28+$0x9410]  }
0xb2: {  	[tilespmem:$0x1FF80] =	vst v0;
	v0 =	vld [tilespmem:s28+$0xA050]  }
0xb3: {  	v60 =	vld [tilespmem:s28+$0x9420]  }
0xb4: {  	v61 =	vld [tilespmem:s28+$0x9430]  }
0xb5: {  	v62 =	vld [tilespmem:s28+$0x9440]  }
0xb6: {  	v63 =	vld [tilespmem:s28+$0x9450]  }
0xb7: {  	[tilespmem:$0x1FF90] =	vst v0;
	v0 =	vld [tilespmem:s28+$0xA060]  }
0xb8: {  	v33 =	vld [tilespmem:s28+$0x9460]  }
0xb9: {  	v32 =	vld [tilespmem:s28+$0x9470]  }
0xba: {  	v31 =	vld [tilespmem:s28+$0x9800]  }
0xbb: {  	v30 =	vld [tilespmem:s28+$0x9810]  }
0xbc: {  	[tilespmem:$0x1FFA0] =	vst v0;
	v0 =	vld [tilespmem:s28+$0xA070]  }
0xbd: {  	v29 =	vld [tilespmem:s28+$0x9820]  }
0xbe: {  	v28 =	vld [tilespmem:s28+$0x9830]  }
0xbf: {  	v27 =	vld [tilespmem:s28+$0x9840]  }
0xc0: {  	v26 =	vld [tilespmem:s28+$0x9850]  }
0xc1: {  	[tilespmem:$0x1FFB0] =	vst v0;
	v0 =	vld [tilespmem:s28+$0xA400]  }
0xc2: {  	v25 =	vld [tilespmem:s28+$0x9860]  }
0xc3: {  	v12 =	vld [tilespmem:s28+$0x9870]  }
0xc4: {  	v2 =	vld [tilespmem:s28+$0x9C00]  }
0xc5: {  	v24 =	vld [tilespmem:s28+$0x9C10]  }
0xc6: {  	[tilespmem:$0x1FFC0] =	vst v0;
	v0 =	vld [tilespmem:s28+$0xA410]  }
0xc7: {  	v23 =	vld [tilespmem:s28+$0x9C20]  }
0xc8: {  	v22 =	vld [tilespmem:s28+$0x9C30]  }
0xc9: {  	v21 =	vld [tilespmem:s28+$0x9C40]  }
0xca: {  	v20 =	vld [tilespmem:s28+$0x9C50]  }
0xcb: {  	[tilespmem:$0x1FFD0] =	vst v0;
	v0 =	vld [tilespmem:s28+$0x800]  }
0xcc: {  	v1 =	vld [tilespmem:s28+$0x810]  }
0xcd: {  	v8 =	vld [tilespmem:s28+$0x820]  }
0xce: {  	v19 =	vld [tilespmem:s28+$0x9C60]  }
0xcf: {  	v18 =	vld [tilespmem:s28+$0x9C70]  }
0xd0: {  	v9 =	vld [tilespmem:s28+$0x830];
	v0 =	vadd.f32 v34, v0  }
0xd1: {  	v10 =	vld [tilespmem:s28+$0x840];
	v1 =	vadd.f32 v35, v1  }
0xd2: {  	v8 =	vadd.f32 v36, v8;
	[tilespmem:s28+$0x800] =	vst v0;
	v0 =	vld [tilespmem:s28+$0x870]  }
0xd3: {  	[tilespmem:s28+$0x810] =	vst v1;
	v1 =	vld [tilespmem:s28+$0xC00]  }
0xd4: {  	[tilespmem:s28+$0x820] =	vst v8;
	v8 =	vld [tilespmem:s28+$0xC10]  }
0xd5: {  	v16 =	vld [tilespmem:s28+$0xA000];
	v9 =	vadd.f32 v37, v9  }
0xd6: {  	v15 =	vld [tilespmem:s28+$0xA010];
	v10 =	vadd.f32 v38, v10  }
0xd7: {  	[tilespmem:s28+$0x830] =	vst v9;
	v9 =	vld [tilespmem:s28+$0xC20];
	v0 =	vadd.f32 v41, v0  }
0xd8: {  	[tilespmem:s28+$0x840] =	vst v10;
	v10 =	vld [tilespmem:s28+$0xC30];
	v1 =	vadd.f32 v42, v1  }
0xd9: {  	v8 =	vadd.f32 v43, v8;
	[tilespmem:s28+$0x870] =	vst v0;
	v0 =	vld [tilespmem:s28+$0xC60]  }
0xda: {  	[tilespmem:s28+$0xC00] =	vst v1;
	v1 =	vld [tilespmem:s28+$0xC70]  }
0xdb: {  	[tilespmem:s28+$0xC10] =	vst v8;
	v8 =	vld [tilespmem:s28+$0x1000]  }
0xdc: {  	v14 =	vld [tilespmem:s28+$0xA020];
	v9 =	vadd.f32 v44, v9  }
0xdd: {  	v13 =	vld [tilespmem:s28+$0xA030];
	v10 =	vadd.f32 v45, v10  }
0xde: {  	[tilespmem:s28+$0xC20] =	vst v9;
	v9 =	vld [tilespmem:s28+$0x1010];
	v0 =	vadd.f32 v48, v0  }
0xdf: {  	[tilespmem:s28+$0xC30] =	vst v10;
	v10 =	vld [tilespmem:s28+$0x1020];
	v1 =	vadd.f32 v49, v1  }
0xe0: {  	v8 =	vadd.f32 v50, v8;
	[tilespmem:s28+$0xC60] =	vst v0;
	v0 =	vld [tilespmem:s28+$0x1050]  }
0xe1: {  	[tilespmem:s28+$0xC70] =	vst v1;
	v1 =	vld [tilespmem:s28+$0x1060]  }
0xe2: {  	[tilespmem:s28+$0x1000] =	vst v8;
	v8 =	vld [tilespmem:s28+$0x1070]  }
0xe3: {  	v11 =	vld [tilespmem:s28+$0x860];
	v9 =	vadd.f32 v51, v9  }
0xe4: {  	v7 =	vld [tilespmem:s28+$0xA420];
	v10 =	vadd.f32 v52, v10  }
0xe5: {  	[tilespmem:s28+$0x1010] =	vst v9;
	v9 =	vld [tilespmem:s28+$0x1400];
	v0 =	vadd.f32 v55, v0  }
0xe6: {  	[tilespmem:s28+$0x1020] =	vst v10;
	v10 =	vld [tilespmem:s28+$0x1410];
	v1 =	vadd.f32 v56, v1  }
0xe7: {  	v8 =	vadd.f32 v57, v8;
	[tilespmem:s28+$0x1050] =	vst v0;
	v0 =	vld [tilespmem:s28+$0x1440]  }
0xe8: {  	v11 =	vadd.f32 v40, v11;
	[tilespmem:s28+$0x1060] =	vst v1;
	v1 =	vld [tilespmem:s28+$0x1450]  }
0xe9: {  	[tilespmem:s28+$0x1070] =	vst v8;
	v8 =	vld [tilespmem:s28+$0x1460]  }
0xea: {  	[tilespmem:s28+$0x860] =	vst v11;
	v11 =	vld [tilespmem:s28+$0xC50];
	v9 =	vadd.f32 v58, v9  }
0xeb: {  	v6 =	vld [tilespmem:s28+$0xA430];
	v10 =	vadd.f32 v59, v10  }
0xec: {  	[tilespmem:s28+$0x1400] =	vst v9;
	v9 =	vld [tilespmem:s28+$0x1470];
	v0 =	vadd.f32 v62, v0  }
0xed: {  	[tilespmem:s28+$0x1410] =	vst v10;
	v10 =	vld [tilespmem:s28+$0x1800];
	v1 =	vadd.f32 v63, v1  }
0xee: {  	v8 =	vadd.f32 v33, v8;
	[tilespmem:s28+$0x1440] =	vst v0;
	v0 =	vld [tilespmem:s28+$0x1830]  }
0xef: {  	v11 =	vadd.f32 v47, v11;
	[tilespmem:s28+$0x1450] =	vst v1;
	v1 =	vld [tilespmem:s28+$0x1840]  }
0xf0: {  	[tilespmem:s28+$0x1460] =	vst v8;
	v8 =	vld [tilespmem:s28+$0x1850]  }
0xf1: {  	[tilespmem:s28+$0xC50] =	vst v11;
	v11 =	vld [tilespmem:s28+$0x1040];
	v9 =	vadd.f32 v32, v9  }
0xf2: {  	v5 =	vld [tilespmem:s28+$0xA440];
	v10 =	vadd.f32 v31, v10  }
0xf3: {  	[tilespmem:s28+$0x1470] =	vst v9;
	v9 =	vld [tilespmem:s28+$0x1860];
	v0 =	vadd.f32 v28, v0  }
0xf4: {  	[tilespmem:s28+$0x1800] =	vst v10;
	v10 =	vld [tilespmem:s28+$0x1870];
	v1 =	vadd.f32 v27, v1  }
0xf5: {  	v8 =	vadd.f32 v26, v8;
	[tilespmem:s28+$0x1830] =	vst v0;
	v0 =	vld [tilespmem:s28+$0x1C20]  }
0xf6: {  	v11 =	vadd.f32 v54, v11;
	[tilespmem:s28+$0x1840] =	vst v1;
	v1 =	vld [tilespmem:s28+$0x1C30]  }
0xf7: {  	[tilespmem:s28+$0x1850] =	vst v8;
	v8 =	vld [tilespmem:s28+$0x1C40]  }
0xf8: {  	[tilespmem:s28+$0x1040] =	vst v11;
	v11 =	vld [tilespmem:s28+$0x1430];
	v9 =	vadd.f32 v25, v9  }
0xf9: {  	v63 =	vld [tilespmem:s28+$0x1C00];
	v10 =	vadd.f32 v12, v10  }
0xfa: {  	[tilespmem:s28+$0x1860] =	vst v9;
	v9 =	vld [tilespmem:s28+$0x1C50];
	v0 =	vadd.f32 v23, v0  }
0xfb: {  	[tilespmem:s28+$0x1870] =	vst v10;
	v10 =	vld [tilespmem:s28+$0x1C60];
	v1 =	vadd.f32 v22, v1  }
0xfc: {  	v8 =	vadd.f32 v21, v8;
	[tilespmem:s28+$0x1C20] =	vst v0;
	v0 =	vld [tilespmem:s28+$0x2010]  }
0xfd: {  	v11 =	vadd.f32 v61, v11;
	[tilespmem:s28+$0x1C30] =	vst v1;
	v1 =	vld [tilespmem:s28+$0x2020]  }
0xfe: {  	v12 =	vadd.f32 v2, v63;
	[tilespmem:s28+$0x1C40] =	vst v8;
	v8 =	vld [tilespmem:s28+$0x2030]  }
0xff: {  	v4 =	vld [tilespmem:s28+$0xA450];
	[tilespmem:s28+$0x1430] =	vst v11;
	v9 =	vadd.f32 v20, v9  }
0x100: {  	v11 =	vld [tilespmem:s28+$0x1820];
	[tilespmem:s28+$0x1C00] =	vst v12;
	v10 =	vadd.f32 v19, v10  }
0x101: {  	v12 =	vld [tilespmem:s28+$0x1C70];
	[tilespmem:s28+$0x1C50] =	vst v9;
	v0 =	vadd.f32 v15, v0  }
0x102: {  	v9 =	vld [tilespmem:s28+$0x2040];
	[tilespmem:s28+$0x1C60] =	vst v10;
	v1 =	vadd.f32 v14, v1  }
0x103: {  	v10 =	vld [tilespmem:s28+$0x2050];
	[tilespmem:s28+$0x2010] =	vst v0;
	v0 =	vadd.f32 v13, v8  }
0x104: {  	[tilespmem:s28+$0x2020] =	vst v1;
	v1 =	vld [tilespmem:$0x1FF80]  }
0x105: {  	[tilespmem:s28+$0x2030] =	vst v0;
	v0 =	vld [tilespmem:$0x1FF90]  }
0x106: {  	v3 =	vld [tilespmem:s28+$0xA460];
	v11 =	vadd.f32 v29, v11  }
0x107: {  	v34 =	vld [tilespmem:s28+$0x850]  }
0x108: {  	[tilespmem:s28+$0x1820] =	vst v11;
	v11 =	vld [tilespmem:s28+$0x1C10];
	v12 =	vadd.f32 v18, v12  }
0x109: {  	v2 =	vld [tilespmem:s28+$0x2070];
	v9 =	vadd.f32 v1, v9  }
0x10a: {  	[tilespmem:s28+$0x1C70] =	vst v12;
	v12 =	vld [tilespmem:s28+$0x2060];
	v10 =	vadd.f32 v0, v10  }
0x10b: {  	[tilespmem:s28+$0x2040] =	vst v9;
	v9 =	vld [tilespmem:$0x1FFA0]  }
0x10c: {  	[tilespmem:s28+$0x2050] =	vst v10;
	v10 =	vld [tilespmem:$0x1FFB0]  }
0x10d: {  	v40 =	vld [tilespmem:s28+$0xC40];
	v11 =	vadd.f32 v24, v11  }
0x10e: {  	v47 =	vld [tilespmem:s28+$0x1030]  }
0x10f: {  	[tilespmem:s28+$0x1C10] =	vst v11;
	v11 =	vld [tilespmem:s28+$0x2000]  }
0x110: {  	v34 =	vadd.f32 v39, v34;
	v14 =	vld [tilespmem:s28+$0x2400]  }
0x111: {  	v9 =	vadd.f32 v9, v12;
	v12 =	vadd.f32 v10, v2;
	v2 =	vld [tilespmem:$0x1FFC0]  }
0x112: {  	v61 =	vld [tilespmem:s28+$0x1810]  }
0x113: {  	v54 =	vld [tilespmem:s28+$0x1420];
	[tilespmem:s28+$0x850] =	vst v34;
	v34 =	vadd.f32 v46, v40  }
0x114: {  	v17 =	vld [tilespmem:s28+$0xA470]  }
0x115: {  	[tilespmem:s28+$0xC40] =	vst v34;
	v11 =	vadd.f32 v16, v11;
	v8 =	vld [tilespmem:s28+$0x2410]  }
0x116: {  	v34 =	vadd.f32 v53, v47;
	[tilespmem:s28+$0x2070] =	vst v12;
	v12 =	vadd.f32 v2, v14;
	v2 =	vld [tilespmem:$0x1FFD0]  }
0x117: {  	v30 =	vadd.f32 v30, v61;
	[tilespmem:s28+$0x2000] =	vst v11;
	v11 =	vld [tilespmem:s28+$0x2440]  }
0x118: {  	[tilespmem:s28+$0x1030] =	vst v34;
	v34 =	vadd.f32 v60, v54;
	v1 =	vld [tilespmem:s28+$0x2420]  }
0x119: {  	[tilespmem:s28+$0x1810] =	vst v30;
	v0 =	vld [tilespmem:s28+$0x2430]  }
0x11a: {  	[tilespmem:s28+$0x1420] =	vst v34;
	v10 =	vld [tilespmem:s28+$0x2450]  }
0x11b: {  	s29 =	simm.s32 $0x200;
	s5 =	sshll.u32 s14, $0x2;
	[tilespmem:s28+$0x2060] =	vst v9;
	v9 =	vadd.f32 v2, v8;
	v8 =	vld [tilespmem:s28+$0x2460]  }
.LBB2_3:
0x11c: {  	_ = 	snop  }
0x11d: {  	s30 =	sshra.s32 s29, $0x2;
	[tilespmem:s28+$0x2400] =	vst v12;
	v1 =	vadd.f32 v7, v1;
	v7 =	vld [tilespmem:s28+$0x2470]  }
0x11e: {  	v58 =	vld [tilespmem:s30+$0x8800];
	[tilespmem:s28+$0x2410] =	vst v9;
	v0 =	vadd.f32 v6, v0  }
0x11f: {  	v61 =	vld [tilespmem:s30+$0x8810];
	[tilespmem:s28+$0x2420] =	vst v1;
	v1 =	vadd.f32 v5, v11  }
0x120: {  	v4 =	vadd.f32 v4, v10;
	v62 =	vld [tilespmem:s30+$0x8820];
	[tilespmem:s28+$0x2430] =	vst v0  }
0x121: {  	v3 =	vadd.f32 v3, v8;
	v63 =	vld [tilespmem:s30+$0x8830];
	[tilespmem:s28+$0x2440] =	vst v1  }
0x122: {  	v0 =	vld [tilespmem:s30+$0x8840];
	[tilespmem:s28+$0x2450] =	vst v4;
	v2 =	vadd.f32 v17, v7  }
0x123: {  	v1 =	vld [tilespmem:s30+$0x8850];
	[tilespmem:s28+$0x2460] =	vst v3  }
0x124: {  	v59 =	vld [tilespmem:s30+$0x8860];
	[tilespmem:s28+$0x2470] =	vst v2;
	s28 =	smov.u32 s30  }
0x125: {  	v60 =	vld [tilespmem:s28+$0x8870]  }
0x126: {  	v57 =	vld [tilespmem:s28+$0x8C00]  }
0x127: {  	v56 =	vld [tilespmem:s28+$0x8C10]  }
0x128: {  	v55 =	vld [tilespmem:s28+$0x8C20]  }
0x129: {  	v54 =	vld [tilespmem:s28+$0x8C30]  }
0x12a: {  	v53 =	vld [tilespmem:s28+$0x8C40]  }
0x12b: {  	v52 =	vld [tilespmem:s28+$0x8C50]  }
0x12c: {  	v51 =	vld [tilespmem:s28+$0x8C60]  }
0x12d: {  	v50 =	vld [tilespmem:s28+$0x8C70]  }
0x12e: {  	v49 =	vld [tilespmem:s28+$0x9000]  }
0x12f: {  	v48 =	vld [tilespmem:s28+$0x9010]  }
0x130: {  	v47 =	vld [tilespmem:s28+$0x9020]  }
0x131: {  	v46 =	vld [tilespmem:s28+$0x9030]  }
0x132: {  	v45 =	vld [tilespmem:s28+$0x9040]  }
0x133: {  	v44 =	vld [tilespmem:s28+$0x9050]  }
0x134: {  	v43 =	vld [tilespmem:s28+$0x9060]  }
0x135: {  	v42 =	vld [tilespmem:s28+$0x9070]  }
0x136: {  	v41 =	vld [tilespmem:s28+$0x9400]  }
0x137: {  	v40 =	vld [tilespmem:s28+$0x9410]  }
0x138: {  	v39 =	vld [tilespmem:s28+$0x9420]  }
0x139: {  	v38 =	vld [tilespmem:s28+$0x9430]  }
0x13a: {  	v37 =	vld [tilespmem:s28+$0x9440]  }
0x13b: {  	v36 =	vld [tilespmem:s28+$0x9450]  }
0x13c: {  	v2 =	vld [tilespmem:s28+$0xA050]  }
0x13d: {  	v35 =	vld [tilespmem:s28+$0x9460]  }
0x13e: {  	v34 =	vld [tilespmem:s28+$0x9470]  }
0x13f: {  	v33 =	vld [tilespmem:s28+$0x9800]  }
0x140: {  	v32 =	vld [tilespmem:s28+$0x9810]  }
0x141: {  	[tilespmem:$0x1FF30] =	vst v2;
	v2 =	vld [tilespmem:s28+$0xA060]  }
0x142: {  	v31 =	vld [tilespmem:s28+$0x9820]  }
0x143: {  	v30 =	vld [tilespmem:s28+$0x9830]  }
0x144: {  	v29 =	vld [tilespmem:s28+$0x9840]  }
0x145: {  	v28 =	vld [tilespmem:s28+$0x9850]  }
0x146: {  	[tilespmem:$0x1FF40] =	vst v2;
	v2 =	vld [tilespmem:s28+$0xA070]  }
0x147: {  	v27 =	vld [tilespmem:s28+$0x9860]  }
0x148: {  	v26 =	vld [tilespmem:s28+$0x9870]  }
0x149: {  	v25 =	vld [tilespmem:s28+$0x9C00]  }
0x14a: {  	v24 =	vld [tilespmem:s28+$0x9C10]  }
0x14b: {  	[tilespmem:$0x1FF50] =	vst v2;
	v2 =	vld [tilespmem:s28+$0xA400]  }
0x14c: {  	v23 =	vld [tilespmem:s28+$0x9C20]  }
0x14d: {  	v22 =	vld [tilespmem:s28+$0x9C30]  }
0x14e: {  	v21 =	vld [tilespmem:s28+$0x9C40]  }
0x14f: {  	v20 =	vld [tilespmem:s28+$0x9C50]  }
0x150: {  	[tilespmem:$0x1FF60] =	vst v2;
	v2 =	vld [tilespmem:s28+$0xA410]  }
0x151: {  	v19 =	vld [tilespmem:s28+$0x9C60]  }
0x152: {  	v18 =	vld [tilespmem:s28+$0x9C70]  }
0x153: {  	v8 =	vld [tilespmem:s28+$0xA000]  }
0x154: {  	v9 =	vld [tilespmem:s28+$0xA010]  }
0x155: {  	[tilespmem:$0x1FF70] =	vst v2;
	v2 =	vld [tilespmem:s28+$0x800]  }
0x156: {  	v13 =	vld [tilespmem:s28+$0x810]  }
0x157: {  	v14 =	vld [tilespmem:s28+$0x820]  }
0x158: {  	v15 =	vld [tilespmem:s28+$0x830]  }
0x159: {  	v16 =	vld [tilespmem:s28+$0x840]  }
0x15a: {  	v2 =	vadd.f32 v58, v2;
	v58 =	vld [tilespmem:s28+$0x850]  }
0x15b: {  	v13 =	vadd.f32 v61, v13;
	v61 =	vld [tilespmem:s28+$0x860]  }
0x15c: {  	[tilespmem:s28+$0x800] =	vst v2;
	v2 =	vadd.f32 v62, v14;
	v14 =	vld [tilespmem:s28+$0x870]  }
0x15d: {  	[tilespmem:s28+$0x810] =	vst v13;
	v13 =	vadd.f32 v63, v15;
	v15 =	vld [tilespmem:s28+$0xC00]  }
0x15e: {  	v0 =	vadd.f32 v0, v16;
	[tilespmem:s28+$0x820] =	vst v2;
	v2 =	vld [tilespmem:s28+$0xC10]  }
0x15f: {  	[tilespmem:s28+$0x830] =	vst v13;
	v13 =	vld [tilespmem:s28+$0xC20];
	v1 =	vadd.f32 v1, v58  }
0x160: {  	v16 =	vld [tilespmem:s28+$0xC30];
	[tilespmem:s28+$0x840] =	vst v0;
	v0 =	vadd.f32 v59, v61  }
0x161: {  	[tilespmem:s28+$0x850] =	vst v1;
	v1 =	vadd.f32 v60, v14;
	v14 =	vld [tilespmem:s28+$0xC40]  }
0x162: {  	[tilespmem:s28+$0x860] =	vst v0;
	v0 =	vadd.f32 v57, v15;
	v15 =	vld [tilespmem:s28+$0xC50]  }
0x163: {  	[tilespmem:s28+$0x870] =	vst v1;
	v1 =	vadd.f32 v56, v2;
	v2 =	vld [tilespmem:s28+$0xC60]  }
0x164: {  	[tilespmem:s28+$0xC00] =	vst v0;
	v0 =	vadd.f32 v55, v13;
	v13 =	vld [tilespmem:s28+$0xC70]  }
0x165: {  	[tilespmem:s28+$0xC10] =	vst v1;
	v1 =	vadd.f32 v54, v16;
	v16 =	vld [tilespmem:s28+$0x1000]  }
0x166: {  	[tilespmem:s28+$0xC20] =	vst v0;
	v0 =	vadd.f32 v53, v14;
	v14 =	vld [tilespmem:s28+$0x1010]  }
0x167: {  	[tilespmem:s28+$0xC30] =	vst v1;
	v1 =	vadd.f32 v52, v15;
	v15 =	vld [tilespmem:s28+$0x1020]  }
0x168: {  	[tilespmem:s28+$0xC40] =	vst v0;
	v0 =	vadd.f32 v51, v2;
	v2 =	vld [tilespmem:s28+$0x1030]  }
0x169: {  	[tilespmem:s28+$0xC50] =	vst v1;
	v1 =	vadd.f32 v50, v13;
	v13 =	vld [tilespmem:s28+$0x1040]  }
0x16a: {  	[tilespmem:s28+$0xC60] =	vst v0;
	v0 =	vadd.f32 v49, v16;
	v16 =	vld [tilespmem:s28+$0x1050]  }
0x16b: {  	[tilespmem:s28+$0xC70] =	vst v1;
	v1 =	vadd.f32 v48, v14;
	v14 =	vld [tilespmem:s28+$0x1060]  }
0x16c: {  	[tilespmem:s28+$0x1000] =	vst v0;
	v0 =	vadd.f32 v47, v15;
	v15 =	vld [tilespmem:s28+$0x1070]  }
0x16d: {  	[tilespmem:s28+$0x1010] =	vst v1;
	v1 =	vadd.f32 v46, v2;
	v2 =	vld [tilespmem:s28+$0x1400]  }
0x16e: {  	[tilespmem:s28+$0x1020] =	vst v0;
	v0 =	vadd.f32 v45, v13;
	v13 =	vld [tilespmem:s28+$0x1410]  }
0x16f: {  	[tilespmem:s28+$0x1030] =	vst v1;
	v1 =	vadd.f32 v44, v16;
	v16 =	vld [tilespmem:s28+$0x1420]  }
0x170: {  	[tilespmem:s28+$0x1040] =	vst v0;
	v0 =	vadd.f32 v43, v14;
	v14 =	vld [tilespmem:s28+$0x1430]  }
0x171: {  	[tilespmem:s28+$0x1050] =	vst v1;
	v1 =	vadd.f32 v42, v15;
	v15 =	vld [tilespmem:s28+$0x1440]  }
0x172: {  	[tilespmem:s28+$0x1060] =	vst v0;
	v0 =	vadd.f32 v41, v2;
	v2 =	vld [tilespmem:s28+$0x1450]  }
0x173: {  	[tilespmem:s28+$0x1070] =	vst v1;
	v1 =	vadd.f32 v40, v13;
	v13 =	vld [tilespmem:s28+$0x1460]  }
0x174: {  	[tilespmem:s28+$0x1400] =	vst v0;
	v0 =	vadd.f32 v39, v16;
	v16 =	vld [tilespmem:s28+$0x1470]  }
0x175: {  	[tilespmem:s28+$0x1410] =	vst v1;
	v1 =	vadd.f32 v38, v14;
	v14 =	vld [tilespmem:s28+$0x1800]  }
0x176: {  	[tilespmem:s28+$0x1420] =	vst v0;
	v0 =	vadd.f32 v37, v15;
	v15 =	vld [tilespmem:s28+$0x1810]  }
0x177: {  	[tilespmem:s28+$0x1430] =	vst v1;
	v1 =	vadd.f32 v36, v2;
	v2 =	vld [tilespmem:s28+$0x1820]  }
0x178: {  	[tilespmem:s28+$0x1440] =	vst v0;
	v0 =	vadd.f32 v35, v13;
	v13 =	vld [tilespmem:s28+$0x1830]  }
0x179: {  	[tilespmem:s28+$0x1450] =	vst v1;
	v1 =	vadd.f32 v34, v16;
	v16 =	vld [tilespmem:s28+$0x1840]  }
0x17a: {  	[tilespmem:s28+$0x1460] =	vst v0;
	v0 =	vadd.f32 v33, v14;
	v14 =	vld [tilespmem:s28+$0x1850]  }
0x17b: {  	[tilespmem:s28+$0x1470] =	vst v1;
	v1 =	vadd.f32 v32, v15;
	v15 =	vld [tilespmem:s28+$0x1860]  }
0x17c: {  	[tilespmem:s28+$0x1800] =	vst v0;
	v0 =	vadd.f32 v31, v2;
	v2 =	vld [tilespmem:s28+$0x1870]  }
0x17d: {  	[tilespmem:s28+$0x1810] =	vst v1;
	v1 =	vadd.f32 v30, v13;
	v13 =	vld [tilespmem:s28+$0x1C00]  }
0x17e: {  	[tilespmem:s28+$0x1820] =	vst v0;
	v0 =	vadd.f32 v29, v16;
	v16 =	vld [tilespmem:s28+$0x1C10]  }
0x17f: {  	[tilespmem:s28+$0x1830] =	vst v1;
	v1 =	vadd.f32 v28, v14;
	v14 =	vld [tilespmem:s28+$0x1C20]  }
0x180: {  	[tilespmem:s28+$0x1840] =	vst v0;
	v0 =	vadd.f32 v27, v15;
	v15 =	vld [tilespmem:s28+$0x1C30]  }
0x181: {  	[tilespmem:s28+$0x1850] =	vst v1;
	v1 =	vadd.f32 v26, v2;
	v2 =	vld [tilespmem:s28+$0x1C40]  }
0x182: {  	[tilespmem:s28+$0x1860] =	vst v0;
	v0 =	vadd.f32 v25, v13;
	v13 =	vld [tilespmem:s28+$0x1C50]  }
0x183: {  	[tilespmem:s28+$0x1870] =	vst v1;
	v1 =	vadd.f32 v24, v16;
	v16 =	vld [tilespmem:s28+$0x1C60]  }
0x184: {  	[tilespmem:s28+$0x1C00] =	vst v0;
	v0 =	vadd.f32 v23, v14;
	v14 =	vld [tilespmem:s28+$0x1C70]  }
0x185: {  	[tilespmem:s28+$0x1C10] =	vst v1;
	v1 =	vadd.f32 v22, v15;
	v15 =	vld [tilespmem:s28+$0x2000]  }
0x186: {  	v10 =	vld [tilespmem:s28+$0xA020];
	[tilespmem:s28+$0x1C20] =	vst v0;
	v0 =	vadd.f32 v21, v2  }
0x187: {  	[tilespmem:s28+$0x1C30] =	vst v1;
	v1 =	vadd.f32 v20, v13;
	v13 =	vld [tilespmem:s28+$0x2020]  }
0x188: {  	v12 =	vld [tilespmem:s28+$0xA040];
	[tilespmem:s28+$0x1C40] =	vst v0;
	v0 =	vadd.f32 v19, v16  }
0x189: {  	[tilespmem:s28+$0x1C50] =	vst v1;
	v1 =	vadd.f32 v18, v14;
	v14 =	vld [tilespmem:s28+$0x2040]  }
0x18a: {  	v2 =	vld [tilespmem:s28+$0x2010];
	[tilespmem:s28+$0x1C60] =	vst v0;
	v0 =	vadd.f32 v8, v15  }
0x18b: {  	v11 =	vld [tilespmem:s28+$0xA030]  }
0x18c: {  	v16 =	vld [tilespmem:s28+$0x2030];
	[tilespmem:s28+$0x2000] =	vst v0;
	v0 =	vadd.f32 v10, v13  }
0x18d: {  	v7 =	vld [tilespmem:s28+$0xA420]  }
0x18e: {  	v6 =	vld [tilespmem:s28+$0xA430];
	[tilespmem:s28+$0x2020] =	vst v0;
	v0 =	vadd.f32 v12, v14  }
0x18f: {  	[tilespmem:s28+$0x1C70] =	vst v1;
	v1 =	vadd.f32 v9, v2;
	v2 =	vld [tilespmem:s28+$0x2060]  }
0x190: {  	[tilespmem:s28+$0x2040] =	vst v0;
	v0 =	vld [tilespmem:$0x1FF40]  }
0x191: {  	v5 =	vld [tilespmem:s28+$0xA440];
	[tilespmem:s28+$0x2010] =	vst v1;
	v1 =	vadd.f32 v11, v16  }
0x192: {  	v8 =	vld [tilespmem:s28+$0x2050]  }
0x193: {  	[tilespmem:s28+$0x2030] =	vst v1;
	v1 =	vld [tilespmem:$0x1FF30]  }
0x194: {  	v4 =	vld [tilespmem:s28+$0xA450]  }
0x195: {  	v3 =	vld [tilespmem:s28+$0xA460];
	v2 =	vadd.f32 v0, v2  }
0x196: {  	v10 =	vld [tilespmem:s28+$0x2400]  }
0x197: {  	[tilespmem:s28+$0x2060] =	vst v2;
	v2 =	vld [tilespmem:$0x1FF60]  }
0x198: {  	v17 =	vld [tilespmem:s28+$0xA470];
	v8 =	vadd.f32 v1, v8  }
0x199: {  	v9 =	vld [tilespmem:s28+$0x2070]  }
0x19a: {  	[tilespmem:s28+$0x2050] =	vst v8;
	v8 =	vld [tilespmem:$0x1FF50]  }
0x19b: {  	v13 =	vld [tilespmem:s28+$0x2410]  }
0x19c: {  	p0 =	sne.s32 s29, $0xE00;
	v12 =	vadd.f32 v2, v10;
	v2 =	vld [tilespmem:$0x1FF70]  }
.Ltmp0:
0x19d: {  	v11 =	vld [tilespmem:s28+$0x2440];
	(pc) =	sbr.rel @p0 .LBB2_3-.Ltmp0, $4  }
0x19e: {  	v1 =	vld [tilespmem:s28+$0x2420]  }
0x19f: {  	v0 =	vld [tilespmem:s28+$0x2430];
	v8 =	vadd.f32 v8, v9  }
0x1a0: {  	v10 =	vld [tilespmem:s28+$0x2450]  }
0x1a1: {  	s29 =	sadd.s32 $0x200, s29;
	[tilespmem:s28+$0x2070] =	vst v8;
	v8 =	vld [tilespmem:s28+$0x2460];
	v9 =	vadd.f32 v2, v13  }
0x1a2: {  	_ = 	snop  }
0x1a3: {  	[tilespmem:s28+$0x2400] =	vst v12;
	v2 =	vld [tilespmem:s28+$0x2470];
	v1 =	vadd.f32 v7, v1  }
0x1a4: {  	[tilespmem:s28+$0x2410] =	vst v9;
	v0 =	vadd.f32 v6, v0  }
0x1a5: {  	[tilespmem:s28+$0x2420] =	vst v1;
	v1 =	vadd.f32 v5, v11  }
0x1a6: {  	[tilespmem:s28+$0x2430] =	vst v0;
	v0 =	vadd.f32 v4, v10  }
0x1a7: {  	[tilespmem:s28+$0x2440] =	vst v1;
	v1 =	vadd.f32 v3, v8  }
0x1a8: {  	[tilespmem:s28+$0x2450] =	vst v0;
	v0 =	vadd.f32 v17, v2  }
0x1a9: {  	s29 =	sshll.u32 s14, $0xC;
	[tilespmem:s28+$0x2460] =	vst v1  }
0x1aa: {  	[tilespmem:s28+$0x2470] =	vst v0;
	s28 =	sadd.s32 s29, s13  }
0x1ab: {  	[hbm4b:s28+s4] =	stream.linear.scatter [tilespmem:s17], [sflag:$0x5], $0x2000, $0x38;
	[tilespmem:$0x10800] =	vst v63  }
0x1ac: {  	_ =	swait.ge [sflag:s20], $0x2000  }
0x1ad: {  	s28 =	sor.u32 $0x1, s5;
	[sflag:s20] =	ssyncset.done $0x0  }
0x1ae: {  	p0 =	sgt.u32 s28, $0x7C;
	[sflag:s20] =	ssyncadd.s32 $0xFFFFE000  }
0x1af: {  	v0 =	vld.msk @!p0 [tilespmem:s15+$0x20], $0xff;
	_ =	sdelay $0x4  }
0x1b0: {  	v1 =	vshll.u32 @!p0 v0, $0x3  }
0x1b1: {  	v2 =	vlaneseq.u32 @!p0;
	v0 =	vand.u32 @!p0 $0x7, v0;
	v1 =	vand.u32 @!p0 $0xFFFFFFC0, v1  }
0x1b2: {  	v0 =	vor.u32 @!p0 v0, v1;
	v1 =	vand.u32 @!p0 $0x7, v2;
	v2 =	vshrl.u32 @!p0 v2, $0x3  }
0x1b3: {  	v0 =	vperm.xlane @!p0 v0, v1;
	v2 =	vmul.u32 @!p0 $0x8, v2;
	_ =	sdelay $0x1  }
0x1b4: {  	v0 =	vadd.s32 @!p0 v2, v0;
	_ =	sdelay $0x3  }
0x1b5: {  	vm1 =	vmmov @!p0 $0xffff;
	s29 =	simm.s32 @!p0 $0x0;
	s30 =	simm.s32 @!p0 $0x800  }
0x1b6: {  	[tilespmem:s30], [sflag:$0x1] =	stream.indirect_vreg.gather @!p0 [hbm4b:s1+s29], $0x80, v0, vm1, $0xb8;
	[tilespmem:$0x10800] =	vst v63  }
0x1b7: {  	s30 =	simm.s32 @!p0 $0x1000  }
0x1b8: {  	[tilespmem:s30], [sflag:$0x1] =	stream.indirect_vreg.gather @!p0 [hbm4b:s7+s29], $0x80, v0, vm1, $0xb8;
	[tilespmem:$0x10800] =	vst v63  }
0x1b9: {  	s30 =	simm.s32 @!p0 $0x1800  }
0x1ba: {  	[tilespmem:s30], [sflag:$0x1] =	stream.indirect_vreg.gather @!p0 [hbm4b:s8+s29], $0x80, v0, vm1, $0xb8;
	[tilespmem:$0x10800] =	vst v63  }
0x1bb: {  	s30 =	simm.s32 @!p0 $0x2000  }
0x1bc: {  	[tilespmem:s30], [sflag:$0x1] =	stream.indirect_vreg.gather @!p0 [hbm4b:s9+s29], $0x80, v0, vm1, $0xb8;
	[tilespmem:$0x10800] =	vst v63  }
0x1bd: {  	v0 =	vld.msk @!p0 [tilespmem:s15+$0x420], $0xff;
	_ =	sdelay $0x4  }
0x1be: {  	v3 =	vshll.u32 @!p0 v0, $0x3  }
0x1bf: {  	v0 =	vand.u32 @!p0 $0x7, v0;
	v3 =	vand.u32 @!p0 $0xFFFFFFC0, v3  }
0x1c0: {  	v0 =	vor.u32 @!p0 v0, v3  }
0x1c1: {  	v0 =	vperm.xlane @!p0 v0, v1;
	_ =	sdelay $0x1  }
0x1c2: {  	v0 =	vadd.s32 @!p0 v2, v0;
	_ =	sdelay $0x3  }
0x1c3: {  	s30 =	simm.s32 @!p0 $0x8800  }
0x1c4: {  	[tilespmem:s30], [sflag:$0x1] =	stream.indirect_vreg.gather @!p0 [hbm4b:s3+s29], $0x80, v0, vm1, $0xb8;
	[tilespmem:$0x10800] =	vst v63  }
0x1c5: {  	s30 =	simm.s32 @!p0 $0x9000  }
0x1c6: {  	[tilespmem:s30], [sflag:$0x1] =	stream.indirect_vreg.gather @!p0 [hbm4b:s10+s29], $0x80, v0, vm1, $0xb8;
	[tilespmem:$0x10800] =	vst v63  }
0x1c7: {  	s30 =	simm.s32 @!p0 $0x9800  }
0x1c8: {  	[tilespmem:s30], [sflag:$0x1] =	stream.indirect_vreg.gather @!p0 [hbm4b:s11+s29], $0x80, v0, vm1, $0xb8;
	[tilespmem:$0x10800] =	vst v63  }
0x1c9: {  	s30 =	simm.s32 @!p0 $0xA000  }
0x1ca: {  	[tilespmem:s30], [sflag:$0x1] =	stream.indirect_vreg.gather @!p0 [hbm4b:s12+s29], $0x80, v0, vm1, $0xb8;
	[tilespmem:$0x10800] =	vst v63  }
0x1cb: {  	_ =	swait.ge [sflag:s21], $0x2000  }
0x1cc: {  	[sflag:s21] =	ssyncset.done $0x0  }
0x1cd: {  	[sflag:s21] =	ssyncadd.s32 $0xFFFFE000  }
0x1ce: {  	_ =	swait.ge [sflag:s21], $0x2000  }
0x1cf: {  	[sflag:s21] =	ssyncset.done $0x0  }
0x1d0: {  	s29 =	simm.s32 $0x0;
	[sflag:s21] =	ssyncadd.s32 $0xFFFFE000  }
0x1d1: {  	v34 =	vld [tilespmem:s29+$0xA800]  }
0x1d2: {  	v35 =	vld [tilespmem:s29+$0xA810]  }
0x1d3: {  	v36 =	vld [tilespmem:s29+$0xA820]  }
0x1d4: {  	v37 =	vld [tilespmem:s29+$0xA830]  }
0x1d5: {  	v38 =	vld [tilespmem:s29+$0xA840]  }
0x1d6: {  	v39 =	vld [tilespmem:s29+$0xA850]  }
0x1d7: {  	v40 =	vld [tilespmem:s29+$0xA860]  }
0x1d8: {  	v41 =	vld [tilespmem:s29+$0xA870]  }
0x1d9: {  	v42 =	vld [tilespmem:s29+$0xAC00]  }
0x1da: {  	v43 =	vld [tilespmem:s29+$0xAC10]  }
0x1db: {  	v44 =	vld [tilespmem:s29+$0xAC20]  }
0x1dc: {  	v45 =	vld [tilespmem:s29+$0xAC30]  }
0x1dd: {  	v46 =	vld [tilespmem:s29+$0xAC40]  }
0x1de: {  	v47 =	vld [tilespmem:s29+$0xAC50]  }
0x1df: {  	v48 =	vld [tilespmem:s29+$0xAC60]  }
0x1e0: {  	v49 =	vld [tilespmem:s29+$0xAC70]  }
0x1e1: {  	v50 =	vld [tilespmem:s29+$0xB000]  }
0x1e2: {  	v51 =	vld [tilespmem:s29+$0xB010]  }
0x1e3: {  	v52 =	vld [tilespmem:s29+$0xB020]  }
0x1e4: {  	v53 =	vld [tilespmem:s29+$0xB030]  }
0x1e5: {  	v54 =	vld [tilespmem:s29+$0xB040]  }
0x1e6: {  	v55 =	vld [tilespmem:s29+$0xB050]  }
0x1e7: {  	v0 =	vld [tilespmem:s29+$0xC040]  }
0x1e8: {  	v56 =	vld [tilespmem:s29+$0xB060]  }
0x1e9: {  	v57 =	vld [tilespmem:s29+$0xB070]  }
0x1ea: {  	v58 =	vld [tilespmem:s29+$0xB400]  }
0x1eb: {  	v59 =	vld [tilespmem:s29+$0xB410]  }
0x1ec: {  	[tilespmem:$0x1FED0] =	vst v0;
	v0 =	vld [tilespmem:s29+$0xC050]  }
0x1ed: {  	v60 =	vld [tilespmem:s29+$0xB420]  }
0x1ee: {  	v61 =	vld [tilespmem:s29+$0xB430]  }
0x1ef: {  	v62 =	vld [tilespmem:s29+$0xB440]  }
0x1f0: {  	v63 =	vld [tilespmem:s29+$0xB450]  }
0x1f1: {  	[tilespmem:$0x1FEE0] =	vst v0;
	v0 =	vld [tilespmem:s29+$0xC060]  }
0x1f2: {  	v33 =	vld [tilespmem:s29+$0xB460]  }
0x1f3: {  	v32 =	vld [tilespmem:s29+$0xB470]  }
0x1f4: {  	v31 =	vld [tilespmem:s29+$0xB800]  }
0x1f5: {  	v30 =	vld [tilespmem:s29+$0xB810]  }
0x1f6: {  	[tilespmem:$0x1FEF0] =	vst v0;
	v0 =	vld [tilespmem:s29+$0xC070]  }
0x1f7: {  	v29 =	vld [tilespmem:s29+$0xB820]  }
0x1f8: {  	v28 =	vld [tilespmem:s29+$0xB830]  }
0x1f9: {  	v27 =	vld [tilespmem:s29+$0xB840]  }
0x1fa: {  	v26 =	vld [tilespmem:s29+$0xB850]  }
0x1fb: {  	[tilespmem:$0x1FF00] =	vst v0;
	v0 =	vld [tilespmem:s29+$0xC400]  }
0x1fc: {  	v25 =	vld [tilespmem:s29+$0xB860]  }
0x1fd: {  	v12 =	vld [tilespmem:s29+$0xB870]  }
0x1fe: {  	v2 =	vld [tilespmem:s29+$0xBC00]  }
0x1ff: {  	v24 =	vld [tilespmem:s29+$0xBC10]  }
0x200: {  	[tilespmem:$0x1FF10] =	vst v0;
	v0 =	vld [tilespmem:s29+$0xC410]  }
0x201: {  	v23 =	vld [tilespmem:s29+$0xBC20]  }
0x202: {  	v22 =	vld [tilespmem:s29+$0xBC30]  }
0x203: {  	v21 =	vld [tilespmem:s29+$0xBC40]  }
0x204: {  	v20 =	vld [tilespmem:s29+$0xBC50]  }
0x205: {  	[tilespmem:$0x1FF20] =	vst v0;
	v0 =	vld [tilespmem:s29+$0x2800]  }
0x206: {  	v1 =	vld [tilespmem:s29+$0x2810]  }
0x207: {  	v8 =	vld [tilespmem:s29+$0x2820]  }
0x208: {  	v19 =	vld [tilespmem:s29+$0xBC60]  }
0x209: {  	v18 =	vld [tilespmem:s29+$0xBC70]  }
0x20a: {  	v9 =	vld [tilespmem:s29+$0x2830];
	v0 =	vadd.f32 v34, v0  }
0x20b: {  	v10 =	vld [tilespmem:s29+$0x2840];
	v1 =	vadd.f32 v35, v1  }
0x20c: {  	v8 =	vadd.f32 v36, v8;
	[tilespmem:s29+$0x2800] =	vst v0;
	v0 =	vld [tilespmem:s29+$0x2870]  }
0x20d: {  	[tilespmem:s29+$0x2810] =	vst v1;
	v1 =	vld [tilespmem:s29+$0x2C00]  }
0x20e: {  	[tilespmem:s29+$0x2820] =	vst v8;
	v8 =	vld [tilespmem:s29+$0x2C10]  }
0x20f: {  	v16 =	vld [tilespmem:s29+$0xC000];
	v9 =	vadd.f32 v37, v9  }
0x210: {  	v15 =	vld [tilespmem:s29+$0xC010];
	v10 =	vadd.f32 v38, v10  }
0x211: {  	[tilespmem:s29+$0x2830] =	vst v9;
	v9 =	vld [tilespmem:s29+$0x2C20];
	v0 =	vadd.f32 v41, v0  }
0x212: {  	[tilespmem:s29+$0x2840] =	vst v10;
	v10 =	vld [tilespmem:s29+$0x2C30];
	v1 =	vadd.f32 v42, v1  }
0x213: {  	v8 =	vadd.f32 v43, v8;
	[tilespmem:s29+$0x2870] =	vst v0;
	v0 =	vld [tilespmem:s29+$0x2C60]  }
0x214: {  	[tilespmem:s29+$0x2C00] =	vst v1;
	v1 =	vld [tilespmem:s29+$0x2C70]  }
0x215: {  	[tilespmem:s29+$0x2C10] =	vst v8;
	v8 =	vld [tilespmem:s29+$0x3000]  }
0x216: {  	v14 =	vld [tilespmem:s29+$0xC020];
	v9 =	vadd.f32 v44, v9  }
0x217: {  	v13 =	vld [tilespmem:s29+$0xC030];
	v10 =	vadd.f32 v45, v10  }
0x218: {  	[tilespmem:s29+$0x2C20] =	vst v9;
	v9 =	vld [tilespmem:s29+$0x3010];
	v0 =	vadd.f32 v48, v0  }
0x219: {  	[tilespmem:s29+$0x2C30] =	vst v10;
	v10 =	vld [tilespmem:s29+$0x3020];
	v1 =	vadd.f32 v49, v1  }
0x21a: {  	v8 =	vadd.f32 v50, v8;
	[tilespmem:s29+$0x2C60] =	vst v0;
	v0 =	vld [tilespmem:s29+$0x3050]  }
0x21b: {  	[tilespmem:s29+$0x2C70] =	vst v1;
	v1 =	vld [tilespmem:s29+$0x3060]  }
0x21c: {  	[tilespmem:s29+$0x3000] =	vst v8;
	v8 =	vld [tilespmem:s29+$0x3070]  }
0x21d: {  	v11 =	vld [tilespmem:s29+$0x2860];
	v9 =	vadd.f32 v51, v9  }
0x21e: {  	v7 =	vld [tilespmem:s29+$0xC420];
	v10 =	vadd.f32 v52, v10  }
0x21f: {  	[tilespmem:s29+$0x3010] =	vst v9;
	v9 =	vld [tilespmem:s29+$0x3400];
	v0 =	vadd.f32 v55, v0  }
0x220: {  	[tilespmem:s29+$0x3020] =	vst v10;
	v10 =	vld [tilespmem:s29+$0x3410];
	v1 =	vadd.f32 v56, v1  }
0x221: {  	v8 =	vadd.f32 v57, v8;
	[tilespmem:s29+$0x3050] =	vst v0;
	v0 =	vld [tilespmem:s29+$0x3440]  }
0x222: {  	v11 =	vadd.f32 v40, v11;
	[tilespmem:s29+$0x3060] =	vst v1;
	v1 =	vld [tilespmem:s29+$0x3450]  }
0x223: {  	[tilespmem:s29+$0x3070] =	vst v8;
	v8 =	vld [tilespmem:s29+$0x3460]  }
0x224: {  	[tilespmem:s29+$0x2860] =	vst v11;
	v11 =	vld [tilespmem:s29+$0x2C50];
	v9 =	vadd.f32 v58, v9  }
0x225: {  	v6 =	vld [tilespmem:s29+$0xC430];
	v10 =	vadd.f32 v59, v10  }
0x226: {  	[tilespmem:s29+$0x3400] =	vst v9;
	v9 =	vld [tilespmem:s29+$0x3470];
	v0 =	vadd.f32 v62, v0  }
0x227: {  	[tilespmem:s29+$0x3410] =	vst v10;
	v10 =	vld [tilespmem:s29+$0x3800];
	v1 =	vadd.f32 v63, v1  }
0x228: {  	v8 =	vadd.f32 v33, v8;
	[tilespmem:s29+$0x3440] =	vst v0;
	v0 =	vld [tilespmem:s29+$0x3830]  }
0x229: {  	v11 =	vadd.f32 v47, v11;
	[tilespmem:s29+$0x3450] =	vst v1;
	v1 =	vld [tilespmem:s29+$0x3840]  }
0x22a: {  	[tilespmem:s29+$0x3460] =	vst v8;
	v8 =	vld [tilespmem:s29+$0x3850]  }
0x22b: {  	[tilespmem:s29+$0x2C50] =	vst v11;
	v11 =	vld [tilespmem:s29+$0x3040];
	v9 =	vadd.f32 v32, v9  }
0x22c: {  	v5 =	vld [tilespmem:s29+$0xC440];
	v10 =	vadd.f32 v31, v10  }
0x22d: {  	[tilespmem:s29+$0x3470] =	vst v9;
	v9 =	vld [tilespmem:s29+$0x3860];
	v0 =	vadd.f32 v28, v0  }
0x22e: {  	[tilespmem:s29+$0x3800] =	vst v10;
	v10 =	vld [tilespmem:s29+$0x3870];
	v1 =	vadd.f32 v27, v1  }
0x22f: {  	v8 =	vadd.f32 v26, v8;
	[tilespmem:s29+$0x3830] =	vst v0;
	v0 =	vld [tilespmem:s29+$0x3C20]  }
0x230: {  	v11 =	vadd.f32 v54, v11;
	[tilespmem:s29+$0x3840] =	vst v1;
	v1 =	vld [tilespmem:s29+$0x3C30]  }
0x231: {  	[tilespmem:s29+$0x3850] =	vst v8;
	v8 =	vld [tilespmem:s29+$0x3C40]  }
0x232: {  	[tilespmem:s29+$0x3040] =	vst v11;
	v11 =	vld [tilespmem:s29+$0x3430];
	v9 =	vadd.f32 v25, v9  }
0x233: {  	v63 =	vld [tilespmem:s29+$0x3C00];
	v10 =	vadd.f32 v12, v10  }
0x234: {  	[tilespmem:s29+$0x3860] =	vst v9;
	v9 =	vld [tilespmem:s29+$0x3C50];
	v0 =	vadd.f32 v23, v0  }
0x235: {  	[tilespmem:s29+$0x3870] =	vst v10;
	v10 =	vld [tilespmem:s29+$0x3C60];
	v1 =	vadd.f32 v22, v1  }
0x236: {  	v8 =	vadd.f32 v21, v8;
	[tilespmem:s29+$0x3C20] =	vst v0;
	v0 =	vld [tilespmem:s29+$0x4010]  }
0x237: {  	v11 =	vadd.f32 v61, v11;
	[tilespmem:s29+$0x3C30] =	vst v1;
	v1 =	vld [tilespmem:s29+$0x4020]  }
0x238: {  	v12 =	vadd.f32 v2, v63;
	[tilespmem:s29+$0x3C40] =	vst v8;
	v8 =	vld [tilespmem:s29+$0x4030]  }
0x239: {  	v4 =	vld [tilespmem:s29+$0xC450];
	[tilespmem:s29+$0x3430] =	vst v11;
	v9 =	vadd.f32 v20, v9  }
0x23a: {  	v11 =	vld [tilespmem:s29+$0x3820];
	[tilespmem:s29+$0x3C00] =	vst v12;
	v10 =	vadd.f32 v19, v10  }
0x23b: {  	v12 =	vld [tilespmem:s29+$0x3C70];
	[tilespmem:s29+$0x3C50] =	vst v9;
	v0 =	vadd.f32 v15, v0  }
0x23c: {  	v9 =	vld [tilespmem:s29+$0x4040];
	[tilespmem:s29+$0x3C60] =	vst v10;
	v1 =	vadd.f32 v14, v1  }
0x23d: {  	v10 =	vld [tilespmem:s29+$0x4050];
	[tilespmem:s29+$0x4010] =	vst v0;
	v0 =	vadd.f32 v13, v8  }
0x23e: {  	[tilespmem:s29+$0x4020] =	vst v1;
	v1 =	vld [tilespmem:$0x1FED0]  }
0x23f: {  	[tilespmem:s29+$0x4030] =	vst v0;
	v0 =	vld [tilespmem:$0x1FEE0]  }
0x240: {  	v3 =	vld [tilespmem:s29+$0xC460];
	v11 =	vadd.f32 v29, v11  }
0x241: {  	v34 =	vld [tilespmem:s29+$0x2850]  }
0x242: {  	[tilespmem:s29+$0x3820] =	vst v11;
	v11 =	vld [tilespmem:s29+$0x3C10];
	v12 =	vadd.f32 v18, v12  }
0x243: {  	v2 =	vld [tilespmem:s29+$0x4070];
	v9 =	vadd.f32 v1, v9  }
0x244: {  	[tilespmem:s29+$0x3C70] =	vst v12;
	v12 =	vld [tilespmem:s29+$0x4060];
	v10 =	vadd.f32 v0, v10  }
0x245: {  	[tilespmem:s29+$0x4040] =	vst v9;
	v9 =	vld [tilespmem:$0x1FEF0]  }
0x246: {  	[tilespmem:s29+$0x4050] =	vst v10;
	v10 =	vld [tilespmem:$0x1FF00]  }
0x247: {  	v40 =	vld [tilespmem:s29+$0x2C40];
	v11 =	vadd.f32 v24, v11  }
0x248: {  	v47 =	vld [tilespmem:s29+$0x3030]  }
0x249: {  	[tilespmem:s29+$0x3C10] =	vst v11;
	v11 =	vld [tilespmem:s29+$0x4000]  }
0x24a: {  	v34 =	vadd.f32 v39, v34;
	v14 =	vld [tilespmem:s29+$0x4400]  }
0x24b: {  	v9 =	vadd.f32 v9, v12;
	v12 =	vadd.f32 v10, v2;
	v2 =	vld [tilespmem:$0x1FF10]  }
0x24c: {  	v61 =	vld [tilespmem:s29+$0x3810]  }
0x24d: {  	v54 =	vld [tilespmem:s29+$0x3420];
	[tilespmem:s29+$0x2850] =	vst v34;
	v34 =	vadd.f32 v46, v40  }
0x24e: {  	v17 =	vld [tilespmem:s29+$0xC470]  }
0x24f: {  	[tilespmem:s29+$0x2C40] =	vst v34;
	v11 =	vadd.f32 v16, v11;
	v8 =	vld [tilespmem:s29+$0x4410]  }
0x250: {  	v34 =	vadd.f32 v53, v47;
	[tilespmem:s29+$0x4070] =	vst v12;
	v12 =	vadd.f32 v2, v14;
	v2 =	vld [tilespmem:$0x1FF20]  }
0x251: {  	v30 =	vadd.f32 v30, v61;
	[tilespmem:s29+$0x4000] =	vst v11;
	v11 =	vld [tilespmem:s29+$0x4440]  }
0x252: {  	[tilespmem:s29+$0x3030] =	vst v34;
	v34 =	vadd.f32 v60, v54;
	v1 =	vld [tilespmem:s29+$0x4420]  }
0x253: {  	[tilespmem:s29+$0x3810] =	vst v30;
	v0 =	vld [tilespmem:s29+$0x4430]  }
0x254: {  	[tilespmem:s29+$0x3420] =	vst v34;
	v10 =	vld [tilespmem:s29+$0x4450]  }
0x255: {  	s30 =	simm.s32 $0x200;
	[tilespmem:s29+$0x4060] =	vst v9;
	v9 =	vadd.f32 v2, v8;
	v8 =	vld [tilespmem:s29+$0x4460]  }
.LBB2_5:
0x256: {  	_ = 	snop  }
0x257: {  	s31 =	sshra.s32 s30, $0x2;
	[tilespmem:s29+$0x4400] =	vst v12;
	v1 =	vadd.f32 v7, v1;
	v7 =	vld [tilespmem:s29+$0x4470]  }
0x258: {  	v58 =	vld [tilespmem:s31+$0xA800];
	[tilespmem:s29+$0x4410] =	vst v9;
	v6 =	vadd.f32 v6, v0  }
0x259: {  	v0 =	vld [tilespmem:s31+$0xA810];
	v5 =	vadd.f32 v5, v11;
	[tilespmem:s29+$0x4420] =	vst v1  }
0x25a: {  	v4 =	vadd.f32 v4, v10;
	v1 =	vld [tilespmem:s31+$0xA820];
	[tilespmem:s29+$0x4430] =	vst v6  }
0x25b: {  	v3 =	vadd.f32 v3, v8;
	v61 =	vld [tilespmem:s31+$0xA830];
	[tilespmem:s29+$0x4440] =	vst v5  }
0x25c: {  	v62 =	vld [tilespmem:s31+$0xA840];
	[tilespmem:s29+$0x4450] =	vst v4;
	v2 =	vadd.f32 v17, v7  }
0x25d: {  	v63 =	vld [tilespmem:s31+$0xA850];
	[tilespmem:s29+$0x4460] =	vst v3  }
0x25e: {  	v59 =	vld [tilespmem:s31+$0xA860];
	[tilespmem:s29+$0x4470] =	vst v2;
	s29 =	smov.u32 s31  }
0x25f: {  	v60 =	vld [tilespmem:s29+$0xA870]  }
0x260: {  	v57 =	vld [tilespmem:s29+$0xAC00]  }
0x261: {  	v56 =	vld [tilespmem:s29+$0xAC10]  }
0x262: {  	v55 =	vld [tilespmem:s29+$0xAC20]  }
0x263: {  	v54 =	vld [tilespmem:s29+$0xAC30]  }
0x264: {  	v53 =	vld [tilespmem:s29+$0xAC40]  }
0x265: {  	v52 =	vld [tilespmem:s29+$0xAC50]  }
0x266: {  	v51 =	vld [tilespmem:s29+$0xAC60]  }
0x267: {  	v50 =	vld [tilespmem:s29+$0xAC70]  }
0x268: {  	v49 =	vld [tilespmem:s29+$0xB000]  }
0x269: {  	v48 =	vld [tilespmem:s29+$0xB010]  }
0x26a: {  	v47 =	vld [tilespmem:s29+$0xB020]  }
0x26b: {  	v46 =	vld [tilespmem:s29+$0xB030]  }
0x26c: {  	v45 =	vld [tilespmem:s29+$0xB040]  }
0x26d: {  	v44 =	vld [tilespmem:s29+$0xB050]  }
0x26e: {  	v43 =	vld [tilespmem:s29+$0xB060]  }
0x26f: {  	v42 =	vld [tilespmem:s29+$0xB070]  }
0x270: {  	v41 =	vld [tilespmem:s29+$0xB400]  }
0x271: {  	v40 =	vld [tilespmem:s29+$0xB410]  }
0x272: {  	v39 =	vld [tilespmem:s29+$0xB420]  }
0x273: {  	v38 =	vld [tilespmem:s29+$0xB430]  }
0x274: {  	v37 =	vld [tilespmem:s29+$0xB440]  }
0x275: {  	v2 =	vld [tilespmem:s29+$0xC050]  }
0x276: {  	v36 =	vld [tilespmem:s29+$0xB450]  }
0x277: {  	v35 =	vld [tilespmem:s29+$0xB460]  }
0x278: {  	v34 =	vld [tilespmem:s29+$0xB470]  }
0x279: {  	v33 =	vld [tilespmem:s29+$0xB800]  }
0x27a: {  	[tilespmem:$0x1FE80] =	vst v2;
	v2 =	vld [tilespmem:s29+$0xC060]  }
0x27b: {  	v32 =	vld [tilespmem:s29+$0xB810]  }
0x27c: {  	v31 =	vld [tilespmem:s29+$0xB820]  }
0x27d: {  	v30 =	vld [tilespmem:s29+$0xB830]  }
0x27e: {  	v29 =	vld [tilespmem:s29+$0xB840]  }
0x27f: {  	[tilespmem:$0x1FE90] =	vst v2;
	v2 =	vld [tilespmem:s29+$0xC070]  }
0x280: {  	v28 =	vld [tilespmem:s29+$0xB850]  }
0x281: {  	v27 =	vld [tilespmem:s29+$0xB860]  }
0x282: {  	v26 =	vld [tilespmem:s29+$0xB870]  }
0x283: {  	v25 =	vld [tilespmem:s29+$0xBC00]  }
0x284: {  	[tilespmem:$0x1FEA0] =	vst v2;
	v2 =	vld [tilespmem:s29+$0xC400]  }
0x285: {  	v24 =	vld [tilespmem:s29+$0xBC10]  }
0x286: {  	v23 =	vld [tilespmem:s29+$0xBC20]  }
0x287: {  	v22 =	vld [tilespmem:s29+$0xBC30]  }
0x288: {  	v21 =	vld [tilespmem:s29+$0xBC40]  }
0x289: {  	[tilespmem:$0x1FEB0] =	vst v2;
	v2 =	vld [tilespmem:s29+$0xC410]  }
0x28a: {  	v20 =	vld [tilespmem:s29+$0xBC50]  }
0x28b: {  	v19 =	vld [tilespmem:s29+$0xBC60]  }
0x28c: {  	v18 =	vld [tilespmem:s29+$0xBC70]  }
0x28d: {  	v8 =	vld [tilespmem:s29+$0xC000]  }
0x28e: {  	[tilespmem:$0x1FEC0] =	vst v2;
	v2 =	vld [tilespmem:s29+$0x2800]  }
0x28f: {  	v13 =	vld [tilespmem:s29+$0x2810]  }
0x290: {  	v14 =	vld [tilespmem:s29+$0x2820]  }
0x291: {  	v15 =	vld [tilespmem:s29+$0x2830]  }
0x292: {  	v16 =	vld [tilespmem:s29+$0x2840]  }
0x293: {  	v2 =	vadd.f32 v58, v2;
	v58 =	vld [tilespmem:s29+$0x2850]  }
0x294: {  	v0 =	vadd.f32 v0, v13;
	v13 =	vld [tilespmem:s29+$0x2860]  }
0x295: {  	v1 =	vadd.f32 v1, v14;
	[tilespmem:s29+$0x2800] =	vst v2;
	v2 =	vld [tilespmem:s29+$0x2870]  }
0x296: {  	v14 =	vld [tilespmem:s29+$0x2C00];
	[tilespmem:s29+$0x2810] =	vst v0;
	v0 =	vadd.f32 v61, v15  }
0x297: {  	[tilespmem:s29+$0x2820] =	vst v1;
	v1 =	vadd.f32 v62, v16;
	v15 =	vld [tilespmem:s29+$0x2C10]  }
0x298: {  	v16 =	vld [tilespmem:s29+$0x2C20];
	[tilespmem:s29+$0x2830] =	vst v0;
	v0 =	vadd.f32 v63, v58  }
0x299: {  	[tilespmem:s29+$0x2840] =	vst v1;
	v1 =	vadd.f32 v59, v13;
	v13 =	vld [tilespmem:s29+$0x2C30]  }
0x29a: {  	[tilespmem:s29+$0x2850] =	vst v0;
	v0 =	vadd.f32 v60, v2;
	v2 =	vld [tilespmem:s29+$0x2C40]  }
0x29b: {  	[tilespmem:s29+$0x2860] =	vst v1;
	v1 =	vadd.f32 v57, v14;
	v14 =	vld [tilespmem:s29+$0x2C50]  }
0x29c: {  	[tilespmem:s29+$0x2870] =	vst v0;
	v0 =	vadd.f32 v56, v15;
	v15 =	vld [tilespmem:s29+$0x2C60]  }
0x29d: {  	[tilespmem:s29+$0x2C00] =	vst v1;
	v1 =	vadd.f32 v55, v16;
	v16 =	vld [tilespmem:s29+$0x2C70]  }
0x29e: {  	[tilespmem:s29+$0x2C10] =	vst v0;
	v0 =	vadd.f32 v54, v13;
	v13 =	vld [tilespmem:s29+$0x3000]  }
0x29f: {  	[tilespmem:s29+$0x2C20] =	vst v1;
	v1 =	vadd.f32 v53, v2;
	v2 =	vld [tilespmem:s29+$0x3010]  }
0x2a0: {  	[tilespmem:s29+$0x2C30] =	vst v0;
	v0 =	vadd.f32 v52, v14;
	v14 =	vld [tilespmem:s29+$0x3020]  }
0x2a1: {  	[tilespmem:s29+$0x2C40] =	vst v1;
	v1 =	vadd.f32 v51, v15;
	v15 =	vld [tilespmem:s29+$0x3030]  }
0x2a2: {  	[tilespmem:s29+$0x2C50] =	vst v0;
	v0 =	vadd.f32 v50, v16;
	v16 =	vld [tilespmem:s29+$0x3040]  }
0x2a3: {  	[tilespmem:s29+$0x2C60] =	vst v1;
	v1 =	vadd.f32 v49, v13;
	v13 =	vld [tilespmem:s29+$0x3050]  }
0x2a4: {  	[tilespmem:s29+$0x2C70] =	vst v0;
	v0 =	vadd.f32 v48, v2;
	v2 =	vld [tilespmem:s29+$0x3060]  }
0x2a5: {  	[tilespmem:s29+$0x3000] =	vst v1;
	v1 =	vadd.f32 v47, v14;
	v14 =	vld [tilespmem:s29+$0x3070]  }
0x2a6: {  	[tilespmem:s29+$0x3010] =	vst v0;
	v0 =	vadd.f32 v46, v15;
	v15 =	vld [tilespmem:s29+$0x3400]  }
0x2a7: {  	[tilespmem:s29+$0x3020] =	vst v1;
	v1 =	vadd.f32 v45, v16;
	v16 =	vld [tilespmem:s29+$0x3410]  }
0x2a8: {  	[tilespmem:s29+$0x3030] =	vst v0;
	v0 =	vadd.f32 v44, v13;
	v13 =	vld [tilespmem:s29+$0x3420]  }
0x2a9: {  	[tilespmem:s29+$0x3040] =	vst v1;
	v1 =	vadd.f32 v43, v2;
	v2 =	vld [tilespmem:s29+$0x3430]  }
0x2aa: {  	[tilespmem:s29+$0x3050] =	vst v0;
	v0 =	vadd.f32 v42, v14;
	v14 =	vld [tilespmem:s29+$0x3440]  }
0x2ab: {  	[tilespmem:s29+$0x3060] =	vst v1;
	v1 =	vadd.f32 v41, v15;
	v15 =	vld [tilespmem:s29+$0x3450]  }
0x2ac: {  	[tilespmem:s29+$0x3070] =	vst v0;
	v0 =	vadd.f32 v40, v16;
	v16 =	vld [tilespmem:s29+$0x3460]  }
0x2ad: {  	[tilespmem:s29+$0x3400] =	vst v1;
	v1 =	vadd.f32 v39, v13;
	v13 =	vld [tilespmem:s29+$0x3470]  }
0x2ae: {  	[tilespmem:s29+$0x3410] =	vst v0;
	v0 =	vadd.f32 v38, v2;
	v2 =	vld [tilespmem:s29+$0x3800]  }
0x2af: {  	[tilespmem:s29+$0x3420] =	vst v1;
	v1 =	vadd.f32 v37, v14;
	v14 =	vld [tilespmem:s29+$0x3810]  }
0x2b0: {  	[tilespmem:s29+$0x3430] =	vst v0;
	v0 =	vadd.f32 v36, v15;
	v15 =	vld [tilespmem:s29+$0x3820]  }
0x2b1: {  	[tilespmem:s29+$0x3440] =	vst v1;
	v1 =	vadd.f32 v35, v16;
	v16 =	vld [tilespmem:s29+$0x3830]  }
0x2b2: {  	[tilespmem:s29+$0x3450] =	vst v0;
	v0 =	vadd.f32 v34, v13;
	v13 =	vld [tilespmem:s29+$0x3840]  }
0x2b3: {  	[tilespmem:s29+$0x3460] =	vst v1;
	v1 =	vadd.f32 v33, v2;
	v2 =	vld [tilespmem:s29+$0x3850]  }
0x2b4: {  	[tilespmem:s29+$0x3470] =	vst v0;
	v0 =	vadd.f32 v32, v14;
	v14 =	vld [tilespmem:s29+$0x3860]  }
0x2b5: {  	[tilespmem:s29+$0x3800] =	vst v1;
	v1 =	vadd.f32 v31, v15;
	v15 =	vld [tilespmem:s29+$0x3870]  }
0x2b6: {  	[tilespmem:s29+$0x3810] =	vst v0;
	v0 =	vadd.f32 v30, v16;
	v16 =	vld [tilespmem:s29+$0x3C00]  }
0x2b7: {  	[tilespmem:s29+$0x3820] =	vst v1;
	v1 =	vadd.f32 v29, v13;
	v13 =	vld [tilespmem:s29+$0x3C10]  }
0x2b8: {  	[tilespmem:s29+$0x3830] =	vst v0;
	v0 =	vadd.f32 v28, v2;
	v2 =	vld [tilespmem:s29+$0x3C20]  }
0x2b9: {  	[tilespmem:s29+$0x3840] =	vst v1;
	v1 =	vadd.f32 v27, v14;
	v14 =	vld [tilespmem:s29+$0x3C30]  }
0x2ba: {  	[tilespmem:s29+$0x3850] =	vst v0;
	v0 =	vadd.f32 v26, v15;
	v15 =	vld [tilespmem:s29+$0x3C40]  }
0x2bb: {  	[tilespmem:s29+$0x3860] =	vst v1;
	v1 =	vadd.f32 v25, v16;
	v16 =	vld [tilespmem:s29+$0x3C50]  }
0x2bc: {  	[tilespmem:s29+$0x3870] =	vst v0;
	v0 =	vadd.f32 v24, v13;
	v13 =	vld [tilespmem:s29+$0x3C60]  }
0x2bd: {  	[tilespmem:s29+$0x3C00] =	vst v1;
	v1 =	vadd.f32 v23, v2;
	v2 =	vld [tilespmem:s29+$0x3C70]  }
0x2be: {  	v9 =	vld [tilespmem:s29+$0xC010];
	[tilespmem:s29+$0x3C10] =	vst v0;
	v0 =	vadd.f32 v22, v14  }
0x2bf: {  	[tilespmem:s29+$0x3C20] =	vst v1;
	v1 =	vadd.f32 v21, v15;
	v15 =	vld [tilespmem:s29+$0x4010]  }
0x2c0: {  	v11 =	vld [tilespmem:s29+$0xC030];
	[tilespmem:s29+$0x3C30] =	vst v0;
	v0 =	vadd.f32 v20, v16  }
0x2c1: {  	[tilespmem:s29+$0x3C40] =	vst v1;
	v1 =	vadd.f32 v19, v13;
	v13 =	vld [tilespmem:s29+$0x4030]  }
0x2c2: {  	v14 =	vld [tilespmem:s29+$0x4000];
	[tilespmem:s29+$0x3C50] =	vst v0;
	v0 =	vadd.f32 v18, v2;
	_ =	sdelay $0x1  }
0x2c3: {  	[tilespmem:s29+$0x3C70] =	vst v0;
	v0 =	vadd.f32 v9, v15;
	_ =	sdelay $0x1  }
0x2c4: {  	v10 =	vld [tilespmem:s29+$0xC020];
	[tilespmem:s29+$0x4010] =	vst v0;
	v0 =	vadd.f32 v11, v13  }
0x2c5: {  	[tilespmem:s29+$0x3C60] =	vst v1;
	v1 =	vadd.f32 v8, v14;
	v8 =	vld [tilespmem:s29+$0x4050]  }
0x2c6: {  	[tilespmem:s29+$0x4030] =	vst v0;
	v0 =	vld [tilespmem:$0x1FE80]  }
0x2c7: {  	v12 =	vld [tilespmem:s29+$0xC040]  }
0x2c8: {  	v7 =	vld [tilespmem:s29+$0xC420]  }
0x2c9: {  	v2 =	vld [tilespmem:s29+$0x4040]  }
0x2ca: {  	v9 =	vld [tilespmem:s29+$0x4060]  }
0x2cb: {  	v8 =	vadd.f32 v0, v8;
	v0 =	vld [tilespmem:$0x1FE90]  }
0x2cc: {  	v6 =	vld [tilespmem:s29+$0xC430]  }
0x2cd: {  	v5 =	vld [tilespmem:s29+$0xC440]  }
0x2ce: {  	v4 =	vld [tilespmem:s29+$0xC450];
	v2 =	vadd.f32 v12, v2  }
0x2cf: {  	v16 =	vld [tilespmem:s29+$0x4020]  }
0x2d0: {  	v3 =	vld [tilespmem:s29+$0xC460];
	[tilespmem:s29+$0x4040] =	vst v2;
	v2 =	vadd.f32 v0, v9  }
0x2d1: {  	v13 =	vld [tilespmem:s29+$0x4400]  }
0x2d2: {  	[tilespmem:s29+$0x4060] =	vst v2;
	v2 =	vld [tilespmem:$0x1FEB0]  }
0x2d3: {  	v17 =	vld [tilespmem:s29+$0xC470]  }
0x2d4: {  	[tilespmem:s29+$0x4000] =	vst v1;
	v1 =	vadd.f32 v10, v16;
	v10 =	vld [tilespmem:s29+$0x4070]  }
0x2d5: {  	[tilespmem:s29+$0x4050] =	vst v8;
	v8 =	vld [tilespmem:$0x1FEA0]  }
0x2d6: {  	v14 =	vld [tilespmem:s29+$0x4410]  }
0x2d7: {  	p0 =	sne.s32 s30, $0xE00;
	v12 =	vadd.f32 v2, v13;
	v2 =	vld [tilespmem:$0x1FEC0]  }
.Ltmp1:
0x2d8: {  	v11 =	vld [tilespmem:s29+$0x4440];
	(pc) =	sbr.rel @p0 .LBB2_5-.Ltmp1, $4  }
0x2d9: {  	[tilespmem:s29+$0x4020] =	vst v1;
	v1 =	vld [tilespmem:s29+$0x4420]  }
0x2da: {  	v0 =	vld [tilespmem:s29+$0x4430];
	v8 =	vadd.f32 v8, v10  }
0x2db: {  	v10 =	vld [tilespmem:s29+$0x4450]  }
0x2dc: {  	s30 =	sadd.s32 $0x200, s30;
	[tilespmem:s29+$0x4070] =	vst v8;
	v8 =	vld [tilespmem:s29+$0x4460];
	v9 =	vadd.f32 v2, v14  }
0x2dd: {  	_ = 	snop  }
0x2de: {  	[tilespmem:s29+$0x4400] =	vst v12;
	v2 =	vld [tilespmem:s29+$0x4470];
	v1 =	vadd.f32 v7, v1  }
0x2df: {  	[tilespmem:s29+$0x4410] =	vst v9;
	v0 =	vadd.f32 v6, v0  }
0x2e0: {  	[tilespmem:s29+$0x4420] =	vst v1;
	v1 =	vadd.f32 v5, v11  }
0x2e1: {  	[tilespmem:s29+$0x4430] =	vst v0;
	v0 =	vadd.f32 v4, v10  }
0x2e2: {  	[tilespmem:s29+$0x4440] =	vst v1;
	v1 =	vadd.f32 v3, v8  }
0x2e3: {  	[tilespmem:s29+$0x4450] =	vst v0;
	v0 =	vadd.f32 v17, v2  }
0x2e4: {  	s28 =	sshll.u32 s28, $0xA;
	[tilespmem:s29+$0x4460] =	vst v1  }
0x2e5: {  	s28 =	sadd.s32 s28, s13;
	[tilespmem:s29+$0x4470] =	vst v0  }
0x2e6: {  	[hbm4b:s28+s4] =	stream.linear.scatter [tilespmem:s25], [sflag:$0x6], $0x2000, $0x38;
	[tilespmem:$0x10800] =	vst v63  }
0x2e7: {  	_ =	swait.ge [sflag:s22], $0x2000  }
0x2e8: {  	s28 =	sor.u32 $0x2, s5;
	[sflag:s22] =	ssyncset.done $0x0  }
0x2e9: {  	p0 =	sgt.u32 s28, $0x7C;
	[sflag:s22] =	ssyncadd.s32 $0xFFFFE000  }
0x2ea: {  	v0 =	vld.msk @!p0 [tilespmem:s15+$0x28], $0xff;
	_ =	sdelay $0x4  }
0x2eb: {  	v1 =	vshll.u32 @!p0 v0, $0x3  }
0x2ec: {  	v2 =	vlaneseq.u32 @!p0;
	v0 =	vand.u32 @!p0 $0x7, v0;
	v1 =	vand.u32 @!p0 $0xFFFFFFC0, v1  }
0x2ed: {  	v0 =	vor.u32 @!p0 v0, v1;
	v1 =	vand.u32 @!p0 $0x7, v2;
	v2 =	vshrl.u32 @!p0 v2, $0x3  }
0x2ee: {  	v0 =	vperm.xlane @!p0 v0, v1;
	v2 =	vmul.u32 @!p0 $0x8, v2;
	_ =	sdelay $0x1  }
0x2ef: {  	v0 =	vadd.s32 @!p0 v2, v0;
	_ =	sdelay $0x3  }
0x2f0: {  	vm1 =	vmmov @!p0 $0xffff;
	s29 =	simm.s32 @!p0 $0x0;
	s30 =	simm.s32 @!p0 $0x2800  }
0x2f1: {  	[tilespmem:s30], [sflag:$0x2] =	stream.indirect_vreg.gather @!p0 [hbm4b:s1+s29], $0x80, v0, vm1, $0xb8;
	[tilespmem:$0x10800] =	vst v63  }
0x2f2: {  	s30 =	simm.s32 @!p0 $0x3000  }
0x2f3: {  	[tilespmem:s30], [sflag:$0x2] =	stream.indirect_vreg.gather @!p0 [hbm4b:s7+s29], $0x80, v0, vm1, $0xb8;
	[tilespmem:$0x10800] =	vst v63  }
0x2f4: {  	s30 =	simm.s32 @!p0 $0x3800  }
0x2f5: {  	[tilespmem:s30], [sflag:$0x2] =	stream.indirect_vreg.gather @!p0 [hbm4b:s8+s29], $0x80, v0, vm1, $0xb8;
	[tilespmem:$0x10800] =	vst v63  }
0x2f6: {  	s30 =	simm.s32 @!p0 $0x4000  }
0x2f7: {  	[tilespmem:s30], [sflag:$0x2] =	stream.indirect_vreg.gather @!p0 [hbm4b:s9+s29], $0x80, v0, vm1, $0xb8;
	[tilespmem:$0x10800] =	vst v63  }
0x2f8: {  	v0 =	vld.msk @!p0 [tilespmem:s15+$0x428], $0xff;
	_ =	sdelay $0x4  }
0x2f9: {  	v3 =	vshll.u32 @!p0 v0, $0x3  }
0x2fa: {  	v0 =	vand.u32 @!p0 $0x7, v0;
	v3 =	vand.u32 @!p0 $0xFFFFFFC0, v3  }
0x2fb: {  	v0 =	vor.u32 @!p0 v0, v3  }
0x2fc: {  	v0 =	vperm.xlane @!p0 v0, v1;
	_ =	sdelay $0x1  }
0x2fd: {  	v0 =	vadd.s32 @!p0 v2, v0;
	_ =	sdelay $0x3  }
0x2fe: {  	s30 =	simm.s32 @!p0 $0xA800  }
0x2ff: {  	[tilespmem:s30], [sflag:$0x2] =	stream.indirect_vreg.gather @!p0 [hbm4b:s3+s29], $0x80, v0, vm1, $0xb8;
	[tilespmem:$0x10800] =	vst v63  }
0x300: {  	s30 =	simm.s32 @!p0 $0xB000  }
0x301: {  	[tilespmem:s30], [sflag:$0x2] =	stream.indirect_vreg.gather @!p0 [hbm4b:s10+s29], $0x80, v0, vm1, $0xb8;
	[tilespmem:$0x10800] =	vst v63  }
0x302: {  	s30 =	simm.s32 @!p0 $0xB800  }
0x303: {  	[tilespmem:s30], [sflag:$0x2] =	stream.indirect_vreg.gather @!p0 [hbm4b:s11+s29], $0x80, v0, vm1, $0xb8;
	[tilespmem:$0x10800] =	vst v63  }
0x304: {  	s30 =	simm.s32 @!p0 $0xC000  }
0x305: {  	[tilespmem:s30], [sflag:$0x2] =	stream.indirect_vreg.gather @!p0 [hbm4b:s12+s29], $0x80, v0, vm1, $0xb8;
	[tilespmem:$0x10800] =	vst v63  }
0x306: {  	_ =	swait.ge [sflag:s23], $0x2000  }
0x307: {  	[sflag:s23] =	ssyncset.done $0x0  }
0x308: {  	[sflag:s23] =	ssyncadd.s32 $0xFFFFE000  }
0x309: {  	_ =	swait.ge [sflag:s23], $0x2000  }
0x30a: {  	[sflag:s23] =	ssyncset.done $0x0  }
0x30b: {  	s29 =	simm.s32 $0x0;
	[sflag:s23] =	ssyncadd.s32 $0xFFFFE000  }
0x30c: {  	v34 =	vld [tilespmem:s29+$0xC800]  }
0x30d: {  	v35 =	vld [tilespmem:s29+$0xC810]  }
0x30e: {  	v36 =	vld [tilespmem:s29+$0xC820]  }
0x30f: {  	v37 =	vld [tilespmem:s29+$0xC830]  }
0x310: {  	v38 =	vld [tilespmem:s29+$0xC840]  }
0x311: {  	v39 =	vld [tilespmem:s29+$0xC850]  }
0x312: {  	v40 =	vld [tilespmem:s29+$0xC860]  }
0x313: {  	v41 =	vld [tilespmem:s29+$0xC870]  }
0x314: {  	v42 =	vld [tilespmem:s29+$0xCC00]  }
0x315: {  	v43 =	vld [tilespmem:s29+$0xCC10]  }
0x316: {  	v44 =	vld [tilespmem:s29+$0xCC20]  }
0x317: {  	v45 =	vld [tilespmem:s29+$0xCC30]  }
0x318: {  	v46 =	vld [tilespmem:s29+$0xCC40]  }
0x319: {  	v47 =	vld [tilespmem:s29+$0xCC50]  }
0x31a: {  	v48 =	vld [tilespmem:s29+$0xCC60]  }
0x31b: {  	v49 =	vld [tilespmem:s29+$0xCC70]  }
0x31c: {  	v50 =	vld [tilespmem:s29+$0xD000]  }
0x31d: {  	v51 =	vld [tilespmem:s29+$0xD010]  }
0x31e: {  	v52 =	vld [tilespmem:s29+$0xD020]  }
0x31f: {  	v53 =	vld [tilespmem:s29+$0xD030]  }
0x320: {  	v54 =	vld [tilespmem:s29+$0xD040]  }
0x321: {  	v55 =	vld [tilespmem:s29+$0xD050]  }
0x322: {  	v0 =	vld [tilespmem:s29+$0xE040]  }
0x323: {  	v56 =	vld [tilespmem:s29+$0xD060]  }
0x324: {  	v57 =	vld [tilespmem:s29+$0xD070]  }
0x325: {  	v58 =	vld [tilespmem:s29+$0xD400]  }
0x326: {  	v59 =	vld [tilespmem:s29+$0xD410]  }
0x327: {  	[tilespmem:$0x1FE20] =	vst v0;
	v0 =	vld [tilespmem:s29+$0xE050]  }
0x328: {  	v60 =	vld [tilespmem:s29+$0xD420]  }
0x329: {  	v61 =	vld [tilespmem:s29+$0xD430]  }
0x32a: {  	v62 =	vld [tilespmem:s29+$0xD440]  }
0x32b: {  	v63 =	vld [tilespmem:s29+$0xD450]  }
0x32c: {  	[tilespmem:$0x1FE30] =	vst v0;
	v0 =	vld [tilespmem:s29+$0xE060]  }
0x32d: {  	v33 =	vld [tilespmem:s29+$0xD460]  }
0x32e: {  	v32 =	vld [tilespmem:s29+$0xD470]  }
0x32f: {  	v31 =	vld [tilespmem:s29+$0xD800]  }
0x330: {  	v30 =	vld [tilespmem:s29+$0xD810]  }
0x331: {  	[tilespmem:$0x1FE40] =	vst v0;
	v0 =	vld [tilespmem:s29+$0xE070]  }
0x332: {  	v29 =	vld [tilespmem:s29+$0xD820]  }
0x333: {  	v28 =	vld [tilespmem:s29+$0xD830]  }
0x334: {  	v27 =	vld [tilespmem:s29+$0xD840]  }
0x335: {  	v26 =	vld [tilespmem:s29+$0xD850]  }
0x336: {  	[tilespmem:$0x1FE50] =	vst v0;
	v0 =	vld [tilespmem:s29+$0xE400]  }
0x337: {  	v25 =	vld [tilespmem:s29+$0xD860]  }
0x338: {  	v12 =	vld [tilespmem:s29+$0xD870]  }
0x339: {  	v2 =	vld [tilespmem:s29+$0xDC00]  }
0x33a: {  	v24 =	vld [tilespmem:s29+$0xDC10]  }
0x33b: {  	[tilespmem:$0x1FE60] =	vst v0;
	v0 =	vld [tilespmem:s29+$0xE410]  }
0x33c: {  	v23 =	vld [tilespmem:s29+$0xDC20]  }
0x33d: {  	v22 =	vld [tilespmem:s29+$0xDC30]  }
0x33e: {  	v21 =	vld [tilespmem:s29+$0xDC40]  }
0x33f: {  	v20 =	vld [tilespmem:s29+$0xDC50]  }
0x340: {  	[tilespmem:$0x1FE70] =	vst v0;
	v0 =	vld [tilespmem:s29+$0x4800]  }
0x341: {  	v1 =	vld [tilespmem:s29+$0x4810]  }
0x342: {  	v8 =	vld [tilespmem:s29+$0x4820]  }
0x343: {  	v19 =	vld [tilespmem:s29+$0xDC60]  }
0x344: {  	v18 =	vld [tilespmem:s29+$0xDC70]  }
0x345: {  	v9 =	vld [tilespmem:s29+$0x4830];
	v0 =	vadd.f32 v34, v0  }
0x346: {  	v10 =	vld [tilespmem:s29+$0x4840];
	v1 =	vadd.f32 v35, v1  }
0x347: {  	v8 =	vadd.f32 v36, v8;
	[tilespmem:s29+$0x4800] =	vst v0;
	v0 =	vld [tilespmem:s29+$0x4870]  }
0x348: {  	[tilespmem:s29+$0x4810] =	vst v1;
	v1 =	vld [tilespmem:s29+$0x4C00]  }
0x349: {  	[tilespmem:s29+$0x4820] =	vst v8;
	v8 =	vld [tilespmem:s29+$0x4C10]  }
0x34a: {  	v16 =	vld [tilespmem:s29+$0xE000];
	v9 =	vadd.f32 v37, v9  }
0x34b: {  	v15 =	vld [tilespmem:s29+$0xE010];
	v10 =	vadd.f32 v38, v10  }
0x34c: {  	[tilespmem:s29+$0x4830] =	vst v9;
	v9 =	vld [tilespmem:s29+$0x4C20];
	v0 =	vadd.f32 v41, v0  }
0x34d: {  	[tilespmem:s29+$0x4840] =	vst v10;
	v10 =	vld [tilespmem:s29+$0x4C30];
	v1 =	vadd.f32 v42, v1  }
0x34e: {  	v8 =	vadd.f32 v43, v8;
	[tilespmem:s29+$0x4870] =	vst v0;
	v0 =	vld [tilespmem:s29+$0x4C60]  }
0x34f: {  	[tilespmem:s29+$0x4C00] =	vst v1;
	v1 =	vld [tilespmem:s29+$0x4C70]  }
0x350: {  	[tilespmem:s29+$0x4C10] =	vst v8;
	v8 =	vld [tilespmem:s29+$0x5000]  }
0x351: {  	v14 =	vld [tilespmem:s29+$0xE020];
	v9 =	vadd.f32 v44, v9  }
0x352: {  	v13 =	vld [tilespmem:s29+$0xE030];
	v10 =	vadd.f32 v45, v10  }
0x353: {  	[tilespmem:s29+$0x4C20] =	vst v9;
	v9 =	vld [tilespmem:s29+$0x5010];
	v0 =	vadd.f32 v48, v0  }
0x354: {  	[tilespmem:s29+$0x4C30] =	vst v10;
	v10 =	vld [tilespmem:s29+$0x5020];
	v1 =	vadd.f32 v49, v1  }
0x355: {  	v8 =	vadd.f32 v50, v8;
	[tilespmem:s29+$0x4C60] =	vst v0;
	v0 =	vld [tilespmem:s29+$0x5050]  }
0x356: {  	[tilespmem:s29+$0x4C70] =	vst v1;
	v1 =	vld [tilespmem:s29+$0x5060]  }
0x357: {  	[tilespmem:s29+$0x5000] =	vst v8;
	v8 =	vld [tilespmem:s29+$0x5070]  }
0x358: {  	v11 =	vld [tilespmem:s29+$0x4860];
	v9 =	vadd.f32 v51, v9  }
0x359: {  	v7 =	vld [tilespmem:s29+$0xE420];
	v10 =	vadd.f32 v52, v10  }
0x35a: {  	[tilespmem:s29+$0x5010] =	vst v9;
	v9 =	vld [tilespmem:s29+$0x5400];
	v0 =	vadd.f32 v55, v0  }
0x35b: {  	[tilespmem:s29+$0x5020] =	vst v10;
	v10 =	vld [tilespmem:s29+$0x5410];
	v1 =	vadd.f32 v56, v1  }
0x35c: {  	v8 =	vadd.f32 v57, v8;
	[tilespmem:s29+$0x5050] =	vst v0;
	v0 =	vld [tilespmem:s29+$0x5440]  }
0x35d: {  	v11 =	vadd.f32 v40, v11;
	[tilespmem:s29+$0x5060] =	vst v1;
	v1 =	vld [tilespmem:s29+$0x5450]  }
0x35e: {  	[tilespmem:s29+$0x5070] =	vst v8;
	v8 =	vld [tilespmem:s29+$0x5460]  }
0x35f: {  	[tilespmem:s29+$0x4860] =	vst v11;
	v11 =	vld [tilespmem:s29+$0x4C50];
	v9 =	vadd.f32 v58, v9  }
0x360: {  	v6 =	vld [tilespmem:s29+$0xE430];
	v10 =	vadd.f32 v59, v10  }
0x361: {  	[tilespmem:s29+$0x5400] =	vst v9;
	v9 =	vld [tilespmem:s29+$0x5470];
	v0 =	vadd.f32 v62, v0  }
0x362: {  	[tilespmem:s29+$0x5410] =	vst v10;
	v10 =	vld [tilespmem:s29+$0x5800];
	v1 =	vadd.f32 v63, v1  }
0x363: {  	v8 =	vadd.f32 v33, v8;
	[tilespmem:s29+$0x5440] =	vst v0;
	v0 =	vld [tilespmem:s29+$0x5830]  }
0x364: {  	v11 =	vadd.f32 v47, v11;
	[tilespmem:s29+$0x5450] =	vst v1;
	v1 =	vld [tilespmem:s29+$0x5840]  }
0x365: {  	[tilespmem:s29+$0x5460] =	vst v8;
	v8 =	vld [tilespmem:s29+$0x5850]  }
0x366: {  	[tilespmem:s29+$0x4C50] =	vst v11;
	v11 =	vld [tilespmem:s29+$0x5040];
	v9 =	vadd.f32 v32, v9  }
0x367: {  	v5 =	vld [tilespmem:s29+$0xE440];
	v10 =	vadd.f32 v31, v10  }
0x368: {  	[tilespmem:s29+$0x5470] =	vst v9;
	v9 =	vld [tilespmem:s29+$0x5860];
	v0 =	vadd.f32 v28, v0  }
0x369: {  	[tilespmem:s29+$0x5800] =	vst v10;
	v10 =	vld [tilespmem:s29+$0x5870];
	v1 =	vadd.f32 v27, v1  }
0x36a: {  	v8 =	vadd.f32 v26, v8;
	[tilespmem:s29+$0x5830] =	vst v0;
	v0 =	vld [tilespmem:s29+$0x5C20]  }
0x36b: {  	v11 =	vadd.f32 v54, v11;
	[tilespmem:s29+$0x5840] =	vst v1;
	v1 =	vld [tilespmem:s29+$0x5C30]  }
0x36c: {  	[tilespmem:s29+$0x5850] =	vst v8;
	v8 =	vld [tilespmem:s29+$0x5C40]  }
0x36d: {  	[tilespmem:s29+$0x5040] =	vst v11;
	v11 =	vld [tilespmem:s29+$0x5430];
	v9 =	vadd.f32 v25, v9  }
0x36e: {  	v63 =	vld [tilespmem:s29+$0x5C00];
	v10 =	vadd.f32 v12, v10  }
0x36f: {  	[tilespmem:s29+$0x5860] =	vst v9;
	v9 =	vld [tilespmem:s29+$0x5C50];
	v0 =	vadd.f32 v23, v0  }
0x370: {  	[tilespmem:s29+$0x5870] =	vst v10;
	v10 =	vld [tilespmem:s29+$0x5C60];
	v1 =	vadd.f32 v22, v1  }
0x371: {  	v8 =	vadd.f32 v21, v8;
	[tilespmem:s29+$0x5C20] =	vst v0;
	v0 =	vld [tilespmem:s29+$0x6010]  }
0x372: {  	v11 =	vadd.f32 v61, v11;
	[tilespmem:s29+$0x5C30] =	vst v1;
	v1 =	vld [tilespmem:s29+$0x6020]  }
0x373: {  	v12 =	vadd.f32 v2, v63;
	[tilespmem:s29+$0x5C40] =	vst v8;
	v8 =	vld [tilespmem:s29+$0x6030]  }
0x374: {  	v4 =	vld [tilespmem:s29+$0xE450];
	[tilespmem:s29+$0x5430] =	vst v11;
	v9 =	vadd.f32 v20, v9  }
0x375: {  	v11 =	vld [tilespmem:s29+$0x5820];
	[tilespmem:s29+$0x5C00] =	vst v12;
	v10 =	vadd.f32 v19, v10  }
0x376: {  	v12 =	vld [tilespmem:s29+$0x5C70];
	[tilespmem:s29+$0x5C50] =	vst v9;
	v0 =	vadd.f32 v15, v0  }
0x377: {  	v9 =	vld [tilespmem:s29+$0x6040];
	[tilespmem:s29+$0x5C60] =	vst v10;
	v1 =	vadd.f32 v14, v1  }
0x378: {  	v10 =	vld [tilespmem:s29+$0x6050];
	[tilespmem:s29+$0x6010] =	vst v0;
	v0 =	vadd.f32 v13, v8  }
0x379: {  	[tilespmem:s29+$0x6020] =	vst v1;
	v1 =	vld [tilespmem:$0x1FE20]  }
0x37a: {  	[tilespmem:s29+$0x6030] =	vst v0;
	v0 =	vld [tilespmem:$0x1FE30]  }
0x37b: {  	v3 =	vld [tilespmem:s29+$0xE460];
	v11 =	vadd.f32 v29, v11  }
0x37c: {  	v34 =	vld [tilespmem:s29+$0x4850]  }
0x37d: {  	[tilespmem:s29+$0x5820] =	vst v11;
	v11 =	vld [tilespmem:s29+$0x5C10];
	v12 =	vadd.f32 v18, v12  }
0x37e: {  	v2 =	vld [tilespmem:s29+$0x6070];
	v9 =	vadd.f32 v1, v9  }
0x37f: {  	[tilespmem:s29+$0x5C70] =	vst v12;
	v12 =	vld [tilespmem:s29+$0x6060];
	v10 =	vadd.f32 v0, v10  }
0x380: {  	[tilespmem:s29+$0x6040] =	vst v9;
	v9 =	vld [tilespmem:$0x1FE40]  }
0x381: {  	[tilespmem:s29+$0x6050] =	vst v10;
	v10 =	vld [tilespmem:$0x1FE50]  }
0x382: {  	v40 =	vld [tilespmem:s29+$0x4C40];
	v11 =	vadd.f32 v24, v11  }
0x383: {  	v47 =	vld [tilespmem:s29+$0x5030]  }
0x384: {  	[tilespmem:s29+$0x5C10] =	vst v11;
	v11 =	vld [tilespmem:s29+$0x6000]  }
0x385: {  	v34 =	vadd.f32 v39, v34;
	v14 =	vld [tilespmem:s29+$0x6400]  }
0x386: {  	v9 =	vadd.f32 v9, v12;
	v12 =	vadd.f32 v10, v2;
	v2 =	vld [tilespmem:$0x1FE60]  }
0x387: {  	v61 =	vld [tilespmem:s29+$0x5810]  }
0x388: {  	v54 =	vld [tilespmem:s29+$0x5420];
	[tilespmem:s29+$0x4850] =	vst v34;
	v34 =	vadd.f32 v46, v40  }
0x389: {  	v17 =	vld [tilespmem:s29+$0xE470]  }
0x38a: {  	[tilespmem:s29+$0x4C40] =	vst v34;
	v11 =	vadd.f32 v16, v11;
	v8 =	vld [tilespmem:s29+$0x6410]  }
0x38b: {  	v34 =	vadd.f32 v53, v47;
	[tilespmem:s29+$0x6070] =	vst v12;
	v12 =	vadd.f32 v2, v14;
	v2 =	vld [tilespmem:$0x1FE70]  }
0x38c: {  	v30 =	vadd.f32 v30, v61;
	[tilespmem:s29+$0x6000] =	vst v11;
	v11 =	vld [tilespmem:s29+$0x6440]  }
0x38d: {  	[tilespmem:s29+$0x5030] =	vst v34;
	v34 =	vadd.f32 v60, v54;
	v1 =	vld [tilespmem:s29+$0x6420]  }
0x38e: {  	[tilespmem:s29+$0x5810] =	vst v30;
	v0 =	vld [tilespmem:s29+$0x6430]  }
0x38f: {  	[tilespmem:s29+$0x5420] =	vst v34;
	v10 =	vld [tilespmem:s29+$0x6450]  }
0x390: {  	s30 =	simm.s32 $0x200;
	[tilespmem:s29+$0x6060] =	vst v9;
	v9 =	vadd.f32 v2, v8;
	v8 =	vld [tilespmem:s29+$0x6460]  }
.LBB2_7:
0x391: {  	_ = 	snop  }
0x392: {  	s31 =	sshra.s32 s30, $0x2;
	[tilespmem:s29+$0x6400] =	vst v12;
	v1 =	vadd.f32 v7, v1;
	v7 =	vld [tilespmem:s29+$0x6470]  }
0x393: {  	v58 =	vld [tilespmem:s31+$0xC800];
	[tilespmem:s29+$0x6410] =	vst v9;
	v6 =	vadd.f32 v6, v0  }
0x394: {  	v0 =	vld [tilespmem:s31+$0xC810];
	v5 =	vadd.f32 v5, v11;
	[tilespmem:s29+$0x6420] =	vst v1  }
0x395: {  	v4 =	vadd.f32 v4, v10;
	v1 =	vld [tilespmem:s31+$0xC820];
	[tilespmem:s29+$0x6430] =	vst v6  }
0x396: {  	v3 =	vadd.f32 v3, v8;
	v61 =	vld [tilespmem:s31+$0xC830];
	[tilespmem:s29+$0x6440] =	vst v5  }
0x397: {  	v62 =	vld [tilespmem:s31+$0xC840];
	[tilespmem:s29+$0x6450] =	vst v4;
	v2 =	vadd.f32 v17, v7  }
0x398: {  	v63 =	vld [tilespmem:s31+$0xC850];
	[tilespmem:s29+$0x6460] =	vst v3  }
0x399: {  	v59 =	vld [tilespmem:s31+$0xC860];
	[tilespmem:s29+$0x6470] =	vst v2;
	s29 =	smov.u32 s31  }
0x39a: {  	v60 =	vld [tilespmem:s29+$0xC870]  }
0x39b: {  	v57 =	vld [tilespmem:s29+$0xCC00]  }
0x39c: {  	v56 =	vld [tilespmem:s29+$0xCC10]  }
0x39d: {  	v55 =	vld [tilespmem:s29+$0xCC20]  }
0x39e: {  	v54 =	vld [tilespmem:s29+$0xCC30]  }
0x39f: {  	v53 =	vld [tilespmem:s29+$0xCC40]  }
0x3a0: {  	v52 =	vld [tilespmem:s29+$0xCC50]  }
0x3a1: {  	v51 =	vld [tilespmem:s29+$0xCC60]  }
0x3a2: {  	v50 =	vld [tilespmem:s29+$0xCC70]  }
0x3a3: {  	v49 =	vld [tilespmem:s29+$0xD000]  }
0x3a4: {  	v48 =	vld [tilespmem:s29+$0xD010]  }
0x3a5: {  	v47 =	vld [tilespmem:s29+$0xD020]  }
0x3a6: {  	v46 =	vld [tilespmem:s29+$0xD030]  }
0x3a7: {  	v45 =	vld [tilespmem:s29+$0xD040]  }
0x3a8: {  	v44 =	vld [tilespmem:s29+$0xD050]  }
0x3a9: {  	v43 =	vld [tilespmem:s29+$0xD060]  }
0x3aa: {  	v42 =	vld [tilespmem:s29+$0xD070]  }
0x3ab: {  	v41 =	vld [tilespmem:s29+$0xD400]  }
0x3ac: {  	v40 =	vld [tilespmem:s29+$0xD410]  }
0x3ad: {  	v39 =	vld [tilespmem:s29+$0xD420]  }
0x3ae: {  	v38 =	vld [tilespmem:s29+$0xD430]  }
0x3af: {  	v37 =	vld [tilespmem:s29+$0xD440]  }
0x3b0: {  	v2 =	vld [tilespmem:s29+$0xE050]  }
0x3b1: {  	v36 =	vld [tilespmem:s29+$0xD450]  }
0x3b2: {  	v35 =	vld [tilespmem:s29+$0xD460]  }
0x3b3: {  	v34 =	vld [tilespmem:s29+$0xD470]  }
0x3b4: {  	v33 =	vld [tilespmem:s29+$0xD800]  }
0x3b5: {  	[tilespmem:$0x1FDD0] =	vst v2;
	v2 =	vld [tilespmem:s29+$0xE060]  }
0x3b6: {  	v32 =	vld [tilespmem:s29+$0xD810]  }
0x3b7: {  	v31 =	vld [tilespmem:s29+$0xD820]  }
0x3b8: {  	v30 =	vld [tilespmem:s29+$0xD830]  }
0x3b9: {  	v29 =	vld [tilespmem:s29+$0xD840]  }
0x3ba: {  	[tilespmem:$0x1FDE0] =	vst v2;
	v2 =	vld [tilespmem:s29+$0xE070]  }
0x3bb: {  	v28 =	vld [tilespmem:s29+$0xD850]  }
0x3bc: {  	v27 =	vld [tilespmem:s29+$0xD860]  }
0x3bd: {  	v26 =	vld [tilespmem:s29+$0xD870]  }
0x3be: {  	v25 =	vld [tilespmem:s29+$0xDC00]  }
0x3bf: {  	[tilespmem:$0x1FDF0] =	vst v2;
	v2 =	vld [tilespmem:s29+$0xE400]  }
0x3c0: {  	v24 =	vld [tilespmem:s29+$0xDC10]  }
0x3c1: {  	v23 =	vld [tilespmem:s29+$0xDC20]  }
0x3c2: {  	v22 =	vld [tilespmem:s29+$0xDC30]  }
0x3c3: {  	v21 =	vld [tilespmem:s29+$0xDC40]  }
0x3c4: {  	[tilespmem:$0x1FE00] =	vst v2;
	v2 =	vld [tilespmem:s29+$0xE410]  }
0x3c5: {  	v20 =	vld [tilespmem:s29+$0xDC50]  }
0x3c6: {  	v19 =	vld [tilespmem:s29+$0xDC60]  }
0x3c7: {  	v18 =	vld [tilespmem:s29+$0xDC70]  }
0x3c8: {  	v8 =	vld [tilespmem:s29+$0xE000]  }
0x3c9: {  	[tilespmem:$0x1FE10] =	vst v2;
	v2 =	vld [tilespmem:s29+$0x4800]  }
0x3ca: {  	v13 =	vld [tilespmem:s29+$0x4810]  }
0x3cb: {  	v14 =	vld [tilespmem:s29+$0x4820]  }
0x3cc: {  	v15 =	vld [tilespmem:s29+$0x4830]  }
0x3cd: {  	v16 =	vld [tilespmem:s29+$0x4840]  }
0x3ce: {  	v2 =	vadd.f32 v58, v2;
	v58 =	vld [tilespmem:s29+$0x4850]  }
0x3cf: {  	v0 =	vadd.f32 v0, v13;
	v13 =	vld [tilespmem:s29+$0x4860]  }
0x3d0: {  	v1 =	vadd.f32 v1, v14;
	[tilespmem:s29+$0x4800] =	vst v2;
	v2 =	vld [tilespmem:s29+$0x4870]  }
0x3d1: {  	v14 =	vld [tilespmem:s29+$0x4C00];
	[tilespmem:s29+$0x4810] =	vst v0;
	v0 =	vadd.f32 v61, v15  }
0x3d2: {  	[tilespmem:s29+$0x4820] =	vst v1;
	v1 =	vadd.f32 v62, v16;
	v15 =	vld [tilespmem:s29+$0x4C10]  }
0x3d3: {  	v16 =	vld [tilespmem:s29+$0x4C20];
	[tilespmem:s29+$0x4830] =	vst v0;
	v0 =	vadd.f32 v63, v58  }
0x3d4: {  	[tilespmem:s29+$0x4840] =	vst v1;
	v1 =	vadd.f32 v59, v13;
	v13 =	vld [tilespmem:s29+$0x4C30]  }
0x3d5: {  	[tilespmem:s29+$0x4850] =	vst v0;
	v0 =	vadd.f32 v60, v2;
	v2 =	vld [tilespmem:s29+$0x4C40]  }
0x3d6: {  	[tilespmem:s29+$0x4860] =	vst v1;
	v1 =	vadd.f32 v57, v14;
	v14 =	vld [tilespmem:s29+$0x4C50]  }
0x3d7: {  	[tilespmem:s29+$0x4870] =	vst v0;
	v0 =	vadd.f32 v56, v15;
	v15 =	vld [tilespmem:s29+$0x4C60]  }
0x3d8: {  	[tilespmem:s29+$0x4C00] =	vst v1;
	v1 =	vadd.f32 v55, v16;
	v16 =	vld [tilespmem:s29+$0x4C70]  }
0x3d9: {  	[tilespmem:s29+$0x4C10] =	vst v0;
	v0 =	vadd.f32 v54, v13;
	v13 =	vld [tilespmem:s29+$0x5000]  }
0x3da: {  	[tilespmem:s29+$0x4C20] =	vst v1;
	v1 =	vadd.f32 v53, v2;
	v2 =	vld [tilespmem:s29+$0x5010]  }
0x3db: {  	[tilespmem:s29+$0x4C30] =	vst v0;
	v0 =	vadd.f32 v52, v14;
	v14 =	vld [tilespmem:s29+$0x5020]  }
0x3dc: {  	[tilespmem:s29+$0x4C40] =	vst v1;
	v1 =	vadd.f32 v51, v15;
	v15 =	vld [tilespmem:s29+$0x5030]  }
0x3dd: {  	[tilespmem:s29+$0x4C50] =	vst v0;
	v0 =	vadd.f32 v50, v16;
	v16 =	vld [tilespmem:s29+$0x5040]  }
0x3de: {  	[tilespmem:s29+$0x4C60] =	vst v1;
	v1 =	vadd.f32 v49, v13;
	v13 =	vld [tilespmem:s29+$0x5050]  }
0x3df: {  	[tilespmem:s29+$0x4C70] =	vst v0;
	v0 =	vadd.f32 v48, v2;
	v2 =	vld [tilespmem:s29+$0x5060]  }
0x3e0: {  	[tilespmem:s29+$0x5000] =	vst v1;
	v1 =	vadd.f32 v47, v14;
	v14 =	vld [tilespmem:s29+$0x5070]  }
0x3e1: {  	[tilespmem:s29+$0x5010] =	vst v0;
	v0 =	vadd.f32 v46, v15;
	v15 =	vld [tilespmem:s29+$0x5400]  }
0x3e2: {  	[tilespmem:s29+$0x5020] =	vst v1;
	v1 =	vadd.f32 v45, v16;
	v16 =	vld [tilespmem:s29+$0x5410]  }
0x3e3: {  	[tilespmem:s29+$0x5030] =	vst v0;
	v0 =	vadd.f32 v44, v13;
	v13 =	vld [tilespmem:s29+$0x5420]  }
0x3e4: {  	[tilespmem:s29+$0x5040] =	vst v1;
	v1 =	vadd.f32 v43, v2;
	v2 =	vld [tilespmem:s29+$0x5430]  }
0x3e5: {  	[tilespmem:s29+$0x5050] =	vst v0;
	v0 =	vadd.f32 v42, v14;
	v14 =	vld [tilespmem:s29+$0x5440]  }
0x3e6: {  	[tilespmem:s29+$0x5060] =	vst v1;
	v1 =	vadd.f32 v41, v15;
	v15 =	vld [tilespmem:s29+$0x5450]  }
0x3e7: {  	[tilespmem:s29+$0x5070] =	vst v0;
	v0 =	vadd.f32 v40, v16;
	v16 =	vld [tilespmem:s29+$0x5460]  }
0x3e8: {  	[tilespmem:s29+$0x5400] =	vst v1;
	v1 =	vadd.f32 v39, v13;
	v13 =	vld [tilespmem:s29+$0x5470]  }
0x3e9: {  	[tilespmem:s29+$0x5410] =	vst v0;
	v0 =	vadd.f32 v38, v2;
	v2 =	vld [tilespmem:s29+$0x5800]  }
0x3ea: {  	[tilespmem:s29+$0x5420] =	vst v1;
	v1 =	vadd.f32 v37, v14;
	v14 =	vld [tilespmem:s29+$0x5810]  }
0x3eb: {  	[tilespmem:s29+$0x5430] =	vst v0;
	v0 =	vadd.f32 v36, v15;
	v15 =	vld [tilespmem:s29+$0x5820]  }
0x3ec: {  	[tilespmem:s29+$0x5440] =	vst v1;
	v1 =	vadd.f32 v35, v16;
	v16 =	vld [tilespmem:s29+$0x5830]  }
0x3ed: {  	[tilespmem:s29+$0x5450] =	vst v0;
	v0 =	vadd.f32 v34, v13;
	v13 =	vld [tilespmem:s29+$0x5840]  }
0x3ee: {  	[tilespmem:s29+$0x5460] =	vst v1;
	v1 =	vadd.f32 v33, v2;
	v2 =	vld [tilespmem:s29+$0x5850]  }
0x3ef: {  	[tilespmem:s29+$0x5470] =	vst v0;
	v0 =	vadd.f32 v32, v14;
	v14 =	vld [tilespmem:s29+$0x5860]  }
0x3f0: {  	[tilespmem:s29+$0x5800] =	vst v1;
	v1 =	vadd.f32 v31, v15;
	v15 =	vld [tilespmem:s29+$0x5870]  }
0x3f1: {  	[tilespmem:s29+$0x5810] =	vst v0;
	v0 =	vadd.f32 v30, v16;
	v16 =	vld [tilespmem:s29+$0x5C00]  }
0x3f2: {  	[tilespmem:s29+$0x5820] =	vst v1;
	v1 =	vadd.f32 v29, v13;
	v13 =	vld [tilespmem:s29+$0x5C10]  }
0x3f3: {  	[tilespmem:s29+$0x5830] =	vst v0;
	v0 =	vadd.f32 v28, v2;
	v2 =	vld [tilespmem:s29+$0x5C20]  }
0x3f4: {  	[tilespmem:s29+$0x5840] =	vst v1;
	v1 =	vadd.f32 v27, v14;
	v14 =	vld [tilespmem:s29+$0x5C30]  }
0x3f5: {  	[tilespmem:s29+$0x5850] =	vst v0;
	v0 =	vadd.f32 v26, v15;
	v15 =	vld [tilespmem:s29+$0x5C40]  }
0x3f6: {  	[tilespmem:s29+$0x5860] =	vst v1;
	v1 =	vadd.f32 v25, v16;
	v16 =	vld [tilespmem:s29+$0x5C50]  }
0x3f7: {  	[tilespmem:s29+$0x5870] =	vst v0;
	v0 =	vadd.f32 v24, v13;
	v13 =	vld [tilespmem:s29+$0x5C60]  }
0x3f8: {  	[tilespmem:s29+$0x5C00] =	vst v1;
	v1 =	vadd.f32 v23, v2;
	v2 =	vld [tilespmem:s29+$0x5C70]  }
0x3f9: {  	v9 =	vld [tilespmem:s29+$0xE010];
	[tilespmem:s29+$0x5C10] =	vst v0;
	v0 =	vadd.f32 v22, v14  }
0x3fa: {  	[tilespmem:s29+$0x5C20] =	vst v1;
	v1 =	vadd.f32 v21, v15;
	v15 =	vld [tilespmem:s29+$0x6010]  }
0x3fb: {  	v11 =	vld [tilespmem:s29+$0xE030];
	[tilespmem:s29+$0x5C30] =	vst v0;
	v0 =	vadd.f32 v20, v16  }
0x3fc: {  	[tilespmem:s29+$0x5C40] =	vst v1;
	v1 =	vadd.f32 v19, v13;
	v13 =	vld [tilespmem:s29+$0x6030]  }
0x3fd: {  	v14 =	vld [tilespmem:s29+$0x6000];
	[tilespmem:s29+$0x5C50] =	vst v0;
	v0 =	vadd.f32 v18, v2;
	_ =	sdelay $0x1  }
0x3fe: {  	[tilespmem:s29+$0x5C70] =	vst v0;
	v0 =	vadd.f32 v9, v15;
	_ =	sdelay $0x1  }
0x3ff: {  	v10 =	vld [tilespmem:s29+$0xE020];
	[tilespmem:s29+$0x6010] =	vst v0;
	v0 =	vadd.f32 v11, v13  }
0x400: {  	[tilespmem:s29+$0x5C60] =	vst v1;
	v1 =	vadd.f32 v8, v14;
	v8 =	vld [tilespmem:s29+$0x6050]  }
0x401: {  	[tilespmem:s29+$0x6030] =	vst v0;
	v0 =	vld [tilespmem:$0x1FDD0]  }
0x402: {  	v12 =	vld [tilespmem:s29+$0xE040]  }
0x403: {  	v7 =	vld [tilespmem:s29+$0xE420]  }
0x404: {  	v2 =	vld [tilespmem:s29+$0x6040]  }
0x405: {  	v9 =	vld [tilespmem:s29+$0x6060]  }
0x406: {  	v8 =	vadd.f32 v0, v8;
	v0 =	vld [tilespmem:$0x1FDE0]  }
0x407: {  	v6 =	vld [tilespmem:s29+$0xE430]  }
0x408: {  	v5 =	vld [tilespmem:s29+$0xE440]  }
0x409: {  	v4 =	vld [tilespmem:s29+$0xE450];
	v2 =	vadd.f32 v12, v2  }
0x40a: {  	v16 =	vld [tilespmem:s29+$0x6020]  }
0x40b: {  	v3 =	vld [tilespmem:s29+$0xE460];
	[tilespmem:s29+$0x6040] =	vst v2;
	v2 =	vadd.f32 v0, v9  }
0x40c: {  	v13 =	vld [tilespmem:s29+$0x6400]  }
0x40d: {  	[tilespmem:s29+$0x6060] =	vst v2;
	v2 =	vld [tilespmem:$0x1FE00]  }
0x40e: {  	v17 =	vld [tilespmem:s29+$0xE470]  }
0x40f: {  	[tilespmem:s29+$0x6000] =	vst v1;
	v1 =	vadd.f32 v10, v16;
	v10 =	vld [tilespmem:s29+$0x6070]  }
0x410: {  	[tilespmem:s29+$0x6050] =	vst v8;
	v8 =	vld [tilespmem:$0x1FDF0]  }
0x411: {  	v14 =	vld [tilespmem:s29+$0x6410]  }
0x412: {  	p0 =	sne.s32 s30, $0xE00;
	v12 =	vadd.f32 v2, v13;
	v2 =	vld [tilespmem:$0x1FE10]  }
.Ltmp2:
0x413: {  	v11 =	vld [tilespmem:s29+$0x6440];
	(pc) =	sbr.rel @p0 .LBB2_7-.Ltmp2, $4  }
0x414: {  	[tilespmem:s29+$0x6020] =	vst v1;
	v1 =	vld [tilespmem:s29+$0x6420]  }
0x415: {  	v0 =	vld [tilespmem:s29+$0x6430];
	v8 =	vadd.f32 v8, v10  }
0x416: {  	v10 =	vld [tilespmem:s29+$0x6450]  }
0x417: {  	s30 =	sadd.s32 $0x200, s30;
	[tilespmem:s29+$0x6070] =	vst v8;
	v8 =	vld [tilespmem:s29+$0x6460];
	v9 =	vadd.f32 v2, v14  }
0x418: {  	_ = 	snop  }
0x419: {  	[tilespmem:s29+$0x6400] =	vst v12;
	v2 =	vld [tilespmem:s29+$0x6470];
	v1 =	vadd.f32 v7, v1  }
0x41a: {  	[tilespmem:s29+$0x6410] =	vst v9;
	v0 =	vadd.f32 v6, v0  }
0x41b: {  	[tilespmem:s29+$0x6420] =	vst v1;
	v1 =	vadd.f32 v5, v11  }
0x41c: {  	[tilespmem:s29+$0x6430] =	vst v0;
	v0 =	vadd.f32 v4, v10  }
0x41d: {  	[tilespmem:s29+$0x6440] =	vst v1;
	v1 =	vadd.f32 v3, v8  }
0x41e: {  	[tilespmem:s29+$0x6450] =	vst v0;
	v0 =	vadd.f32 v17, v2  }
0x41f: {  	s28 =	sshll.u32 s28, $0xA;
	[tilespmem:s29+$0x6460] =	vst v1  }
0x420: {  	s28 =	sadd.s32 s28, s13;
	[tilespmem:s29+$0x6470] =	vst v0  }
0x421: {  	[hbm4b:s28+s4] =	stream.linear.scatter [tilespmem:s16], [sflag:$0x7], $0x2000, $0x38;
	[tilespmem:$0x10800] =	vst v63  }
0x422: {  	_ =	swait.ge [sflag:s24], $0x2000  }
0x423: {  	s5 =	sor.u32 $0x3, s5;
	[sflag:s24] =	ssyncset.done $0x0  }
0x424: {  	p0 =	sgt.u32 s5, $0x7C;
	[sflag:s24] =	ssyncadd.s32 $0xFFFFE000  }
0x425: {  	v0 =	vld.msk @!p0 [tilespmem:s15+$0x30], $0xff;
	_ =	sdelay $0x4  }
0x426: {  	v1 =	vshll.u32 @!p0 v0, $0x3  }
0x427: {  	v2 =	vlaneseq.u32 @!p0;
	v0 =	vand.u32 @!p0 $0x7, v0;
	v1 =	vand.u32 @!p0 $0xFFFFFFC0, v1  }
0x428: {  	v0 =	vor.u32 @!p0 v0, v1;
	v1 =	vand.u32 @!p0 $0x7, v2;
	v2 =	vshrl.u32 @!p0 v2, $0x3  }
0x429: {  	v0 =	vperm.xlane @!p0 v0, v1;
	v2 =	vmul.u32 @!p0 $0x8, v2;
	_ =	sdelay $0x1  }
0x42a: {  	v0 =	vadd.s32 @!p0 v2, v0;
	_ =	sdelay $0x3  }
0x42b: {  	vm1 =	vmmov @!p0 $0xffff;
	s29 =	simm.s32 @!p0 $0x4800;
	s28 =	simm.s32 @!p0 $0x0  }
0x42c: {  	[tilespmem:s29], [sflag:$0x3] =	stream.indirect_vreg.gather @!p0 [hbm4b:s1+s28], $0x80, v0, vm1, $0xb8;
	[tilespmem:$0x10800] =	vst v63  }
0x42d: {  	s29 =	simm.s32 @!p0 $0x5000  }
0x42e: {  	[tilespmem:s29], [sflag:$0x3] =	stream.indirect_vreg.gather @!p0 [hbm4b:s7+s28], $0x80, v0, vm1, $0xb8;
	[tilespmem:$0x10800] =	vst v63  }
0x42f: {  	s29 =	simm.s32 @!p0 $0x5800  }
0x430: {  	[tilespmem:s29], [sflag:$0x3] =	stream.indirect_vreg.gather @!p0 [hbm4b:s8+s28], $0x80, v0, vm1, $0xb8;
	[tilespmem:$0x10800] =	vst v63  }
0x431: {  	s29 =	simm.s32 @!p0 $0x6000  }
0x432: {  	[tilespmem:s29], [sflag:$0x3] =	stream.indirect_vreg.gather @!p0 [hbm4b:s9+s28], $0x80, v0, vm1, $0xb8;
	[tilespmem:$0x10800] =	vst v63  }
0x433: {  	v0 =	vld.msk @!p0 [tilespmem:s15+$0x430], $0xff;
	_ =	sdelay $0x4  }
0x434: {  	v3 =	vshll.u32 @!p0 v0, $0x3  }
0x435: {  	v0 =	vand.u32 @!p0 $0x7, v0;
	v3 =	vand.u32 @!p0 $0xFFFFFFC0, v3  }
0x436: {  	v0 =	vor.u32 @!p0 v0, v3  }
0x437: {  	v0 =	vperm.xlane @!p0 v0, v1;
	_ =	sdelay $0x1  }
0x438: {  	v0 =	vadd.s32 @!p0 v2, v0;
	_ =	sdelay $0x3  }
0x439: {  	s15 =	simm.s32 @!p0 $0xC800  }
0x43a: {  	[tilespmem:s15], [sflag:$0x3] =	stream.indirect_vreg.gather @!p0 [hbm4b:s3+s28], $0x80, v0, vm1, $0xb8;
	[tilespmem:$0x10800] =	vst v63  }
0x43b: {  	s15 =	simm.s32 @!p0 $0xD000  }
0x43c: {  	[tilespmem:s15], [sflag:$0x3] =	stream.indirect_vreg.gather @!p0 [hbm4b:s10+s28], $0x80, v0, vm1, $0xb8;
	[tilespmem:$0x10800] =	vst v63  }
0x43d: {  	s15 =	simm.s32 @!p0 $0xD800  }
0x43e: {  	[tilespmem:s15], [sflag:$0x3] =	stream.indirect_vreg.gather @!p0 [hbm4b:s11+s28], $0x80, v0, vm1, $0xb8;
	[tilespmem:$0x10800] =	vst v63  }
0x43f: {  	s15 =	simm.s32 @!p0 $0xE000  }
0x440: {  	[tilespmem:s15], [sflag:$0x3] =	stream.indirect_vreg.gather @!p0 [hbm4b:s12+s28], $0x80, v0, vm1, $0xb8;
	[tilespmem:$0x10800] =	vst v63  }
0x441: {  	_ =	swait.ge [sflag:s6], $0x2000  }
0x442: {  	[sflag:s6] =	ssyncset.done $0x0  }
0x443: {  	[sflag:s6] =	ssyncadd.s32 $0xFFFFE000  }
0x444: {  	_ =	swait.ge [sflag:s6], $0x2000  }
0x445: {  	[sflag:s6] =	ssyncset.done $0x0  }
0x446: {  	s15 =	simm.s32 $0x0;
	[sflag:s6] =	ssyncadd.s32 $0xFFFFE000  }
0x447: {  	v34 =	vld [tilespmem:s15+$0xE800]  }
0x448: {  	v35 =	vld [tilespmem:s15+$0xE810]  }
0x449: {  	v36 =	vld [tilespmem:s15+$0xE820]  }
0x44a: {  	v37 =	vld [tilespmem:s15+$0xE830]  }
0x44b: {  	v38 =	vld [tilespmem:s15+$0xE840]  }
0x44c: {  	v39 =	vld [tilespmem:s15+$0xE850]  }
0x44d: {  	v40 =	vld [tilespmem:s15+$0xE860]  }
0x44e: {  	v41 =	vld [tilespmem:s15+$0xE870]  }
0x44f: {  	v42 =	vld [tilespmem:s15+$0xEC00]  }
0x450: {  	v43 =	vld [tilespmem:s15+$0xEC10]  }
0x451: {  	v44 =	vld [tilespmem:s15+$0xEC20]  }
0x452: {  	v45 =	vld [tilespmem:s15+$0xEC30]  }
0x453: {  	v46 =	vld [tilespmem:s15+$0xEC40]  }
0x454: {  	v47 =	vld [tilespmem:s15+$0xEC50]  }
0x455: {  	v48 =	vld [tilespmem:s15+$0xEC60]  }
0x456: {  	v49 =	vld [tilespmem:s15+$0xEC70]  }
0x457: {  	v50 =	vld [tilespmem:s15+$0xF000]  }
0x458: {  	v51 =	vld [tilespmem:s15+$0xF010]  }
0x459: {  	v52 =	vld [tilespmem:s15+$0xF020]  }
0x45a: {  	v53 =	vld [tilespmem:s15+$0xF030]  }
0x45b: {  	v54 =	vld [tilespmem:s15+$0xF040]  }
0x45c: {  	v55 =	vld [tilespmem:s15+$0xF050]  }
0x45d: {  	v0 =	vld [tilespmem:s15+$0x10040]  }
0x45e: {  	v56 =	vld [tilespmem:s15+$0xF060]  }
0x45f: {  	v57 =	vld [tilespmem:s15+$0xF070]  }
0x460: {  	v58 =	vld [tilespmem:s15+$0xF400]  }
0x461: {  	v59 =	vld [tilespmem:s15+$0xF410]  }
0x462: {  	[tilespmem:$0x1FD70] =	vst v0;
	v0 =	vld [tilespmem:s15+$0x10050]  }
0x463: {  	v60 =	vld [tilespmem:s15+$0xF420]  }
0x464: {  	v61 =	vld [tilespmem:s15+$0xF430]  }
0x465: {  	v62 =	vld [tilespmem:s15+$0xF440]  }
0x466: {  	v63 =	vld [tilespmem:s15+$0xF450]  }
0x467: {  	[tilespmem:$0x1FD80] =	vst v0;
	v0 =	vld [tilespmem:s15+$0x10060]  }
0x468: {  	v33 =	vld [tilespmem:s15+$0xF460]  }
0x469: {  	v32 =	vld [tilespmem:s15+$0xF470]  }
0x46a: {  	v31 =	vld [tilespmem:s15+$0xF800]  }
0x46b: {  	v30 =	vld [tilespmem:s15+$0xF810]  }
0x46c: {  	[tilespmem:$0x1FD90] =	vst v0;
	v0 =	vld [tilespmem:s15+$0x10070]  }
0x46d: {  	v29 =	vld [tilespmem:s15+$0xF820]  }
0x46e: {  	v28 =	vld [tilespmem:s15+$0xF830]  }
0x46f: {  	v27 =	vld [tilespmem:s15+$0xF840]  }
0x470: {  	v26 =	vld [tilespmem:s15+$0xF850]  }
0x471: {  	[tilespmem:$0x1FDA0] =	vst v0;
	v0 =	vld [tilespmem:s15+$0x10400]  }
0x472: {  	v25 =	vld [tilespmem:s15+$0xF860]  }
0x473: {  	v12 =	vld [tilespmem:s15+$0xF870]  }
0x474: {  	v2 =	vld [tilespmem:s15+$0xFC00]  }
0x475: {  	v24 =	vld [tilespmem:s15+$0xFC10]  }
0x476: {  	[tilespmem:$0x1FDB0] =	vst v0;
	v0 =	vld [tilespmem:s15+$0x10410]  }
0x477: {  	v23 =	vld [tilespmem:s15+$0xFC20]  }
0x478: {  	v22 =	vld [tilespmem:s15+$0xFC30]  }
0x479: {  	v21 =	vld [tilespmem:s15+$0xFC40]  }
0x47a: {  	v20 =	vld [tilespmem:s15+$0xFC50]  }
0x47b: {  	[tilespmem:$0x1FDC0] =	vst v0;
	v0 =	vld [tilespmem:s15+$0x6800]  }
0x47c: {  	v1 =	vld [tilespmem:s15+$0x6810]  }
0x47d: {  	v8 =	vld [tilespmem:s15+$0x6820]  }
0x47e: {  	v19 =	vld [tilespmem:s15+$0xFC60]  }
0x47f: {  	v18 =	vld [tilespmem:s15+$0xFC70]  }
0x480: {  	v9 =	vld [tilespmem:s15+$0x6830];
	v0 =	vadd.f32 v34, v0  }
0x481: {  	v10 =	vld [tilespmem:s15+$0x6840];
	v1 =	vadd.f32 v35, v1  }
0x482: {  	v8 =	vadd.f32 v36, v8;
	[tilespmem:s15+$0x6800] =	vst v0;
	v0 =	vld [tilespmem:s15+$0x6870]  }
0x483: {  	[tilespmem:s15+$0x6810] =	vst v1;
	v1 =	vld [tilespmem:s15+$0x6C00]  }
0x484: {  	[tilespmem:s15+$0x6820] =	vst v8;
	v8 =	vld [tilespmem:s15+$0x6C10]  }
0x485: {  	v16 =	vld [tilespmem:s15+$0x10000];
	v9 =	vadd.f32 v37, v9  }
0x486: {  	v15 =	vld [tilespmem:s15+$0x10010];
	v10 =	vadd.f32 v38, v10  }
0x487: {  	[tilespmem:s15+$0x6830] =	vst v9;
	v9 =	vld [tilespmem:s15+$0x6C20];
	v0 =	vadd.f32 v41, v0  }
0x488: {  	[tilespmem:s15+$0x6840] =	vst v10;
	v10 =	vld [tilespmem:s15+$0x6C30];
	v1 =	vadd.f32 v42, v1  }
0x489: {  	v8 =	vadd.f32 v43, v8;
	[tilespmem:s15+$0x6870] =	vst v0;
	v0 =	vld [tilespmem:s15+$0x6C60]  }
0x48a: {  	[tilespmem:s15+$0x6C00] =	vst v1;
	v1 =	vld [tilespmem:s15+$0x6C70]  }
0x48b: {  	[tilespmem:s15+$0x6C10] =	vst v8;
	v8 =	vld [tilespmem:s15+$0x7000]  }
0x48c: {  	v14 =	vld [tilespmem:s15+$0x10020];
	v9 =	vadd.f32 v44, v9  }
0x48d: {  	v13 =	vld [tilespmem:s15+$0x10030];
	v10 =	vadd.f32 v45, v10  }
0x48e: {  	[tilespmem:s15+$0x6C20] =	vst v9;
	v9 =	vld [tilespmem:s15+$0x7010];
	v0 =	vadd.f32 v48, v0  }
0x48f: {  	[tilespmem:s15+$0x6C30] =	vst v10;
	v10 =	vld [tilespmem:s15+$0x7020];
	v1 =	vadd.f32 v49, v1  }
0x490: {  	v8 =	vadd.f32 v50, v8;
	[tilespmem:s15+$0x6C60] =	vst v0;
	v0 =	vld [tilespmem:s15+$0x7050]  }
0x491: {  	[tilespmem:s15+$0x6C70] =	vst v1;
	v1 =	vld [tilespmem:s15+$0x7060]  }
0x492: {  	[tilespmem:s15+$0x7000] =	vst v8;
	v8 =	vld [tilespmem:s15+$0x7070]  }
0x493: {  	v11 =	vld [tilespmem:s15+$0x6860];
	v9 =	vadd.f32 v51, v9  }
0x494: {  	v7 =	vld [tilespmem:s15+$0x10420];
	v10 =	vadd.f32 v52, v10  }
0x495: {  	[tilespmem:s15+$0x7010] =	vst v9;
	v9 =	vld [tilespmem:s15+$0x7400];
	v0 =	vadd.f32 v55, v0  }
0x496: {  	[tilespmem:s15+$0x7020] =	vst v10;
	v10 =	vld [tilespmem:s15+$0x7410];
	v1 =	vadd.f32 v56, v1  }
0x497: {  	v8 =	vadd.f32 v57, v8;
	[tilespmem:s15+$0x7050] =	vst v0;
	v0 =	vld [tilespmem:s15+$0x7440]  }
0x498: {  	v11 =	vadd.f32 v40, v11;
	[tilespmem:s15+$0x7060] =	vst v1;
	v1 =	vld [tilespmem:s15+$0x7450]  }
0x499: {  	[tilespmem:s15+$0x7070] =	vst v8;
	v8 =	vld [tilespmem:s15+$0x7460]  }
0x49a: {  	[tilespmem:s15+$0x6860] =	vst v11;
	v11 =	vld [tilespmem:s15+$0x6C50];
	v9 =	vadd.f32 v58, v9  }
0x49b: {  	v6 =	vld [tilespmem:s15+$0x10430];
	v10 =	vadd.f32 v59, v10  }
0x49c: {  	[tilespmem:s15+$0x7400] =	vst v9;
	v9 =	vld [tilespmem:s15+$0x7470];
	v0 =	vadd.f32 v62, v0  }
0x49d: {  	[tilespmem:s15+$0x7410] =	vst v10;
	v10 =	vld [tilespmem:s15+$0x7800];
	v1 =	vadd.f32 v63, v1  }
0x49e: {  	v8 =	vadd.f32 v33, v8;
	[tilespmem:s15+$0x7440] =	vst v0;
	v0 =	vld [tilespmem:s15+$0x7830]  }
0x49f: {  	v11 =	vadd.f32 v47, v11;
	[tilespmem:s15+$0x7450] =	vst v1;
	v1 =	vld [tilespmem:s15+$0x7840]  }
0x4a0: {  	[tilespmem:s15+$0x7460] =	vst v8;
	v8 =	vld [tilespmem:s15+$0x7850]  }
0x4a1: {  	[tilespmem:s15+$0x6C50] =	vst v11;
	v11 =	vld [tilespmem:s15+$0x7040];
	v9 =	vadd.f32 v32, v9  }
0x4a2: {  	v5 =	vld [tilespmem:s15+$0x10440];
	v10 =	vadd.f32 v31, v10  }
0x4a3: {  	[tilespmem:s15+$0x7470] =	vst v9;
	v9 =	vld [tilespmem:s15+$0x7860];
	v0 =	vadd.f32 v28, v0  }
0x4a4: {  	[tilespmem:s15+$0x7800] =	vst v10;
	v10 =	vld [tilespmem:s15+$0x7870];
	v1 =	vadd.f32 v27, v1  }
0x4a5: {  	v8 =	vadd.f32 v26, v8;
	[tilespmem:s15+$0x7830] =	vst v0;
	v0 =	vld [tilespmem:s15+$0x7C20]  }
0x4a6: {  	v11 =	vadd.f32 v54, v11;
	[tilespmem:s15+$0x7840] =	vst v1;
	v1 =	vld [tilespmem:s15+$0x7C30]  }
0x4a7: {  	[tilespmem:s15+$0x7850] =	vst v8;
	v8 =	vld [tilespmem:s15+$0x7C40]  }
0x4a8: {  	[tilespmem:s15+$0x7040] =	vst v11;
	v11 =	vld [tilespmem:s15+$0x7430];
	v9 =	vadd.f32 v25, v9  }
0x4a9: {  	v63 =	vld [tilespmem:s15+$0x7C00];
	v10 =	vadd.f32 v12, v10  }
0x4aa: {  	[tilespmem:s15+$0x7860] =	vst v9;
	v9 =	vld [tilespmem:s15+$0x7C50];
	v0 =	vadd.f32 v23, v0  }
0x4ab: {  	[tilespmem:s15+$0x7870] =	vst v10;
	v10 =	vld [tilespmem:s15+$0x7C60];
	v1 =	vadd.f32 v22, v1  }
0x4ac: {  	v8 =	vadd.f32 v21, v8;
	[tilespmem:s15+$0x7C20] =	vst v0;
	v0 =	vld [tilespmem:s15+$0x8010]  }
0x4ad: {  	v11 =	vadd.f32 v61, v11;
	[tilespmem:s15+$0x7C30] =	vst v1;
	v1 =	vld [tilespmem:s15+$0x8020]  }
0x4ae: {  	v12 =	vadd.f32 v2, v63;
	[tilespmem:s15+$0x7C40] =	vst v8;
	v8 =	vld [tilespmem:s15+$0x8030]  }
0x4af: {  	v4 =	vld [tilespmem:s15+$0x10450];
	[tilespmem:s15+$0x7430] =	vst v11;
	v9 =	vadd.f32 v20, v9  }
0x4b0: {  	v11 =	vld [tilespmem:s15+$0x7820];
	[tilespmem:s15+$0x7C00] =	vst v12;
	v10 =	vadd.f32 v19, v10  }
0x4b1: {  	v12 =	vld [tilespmem:s15+$0x7C70];
	[tilespmem:s15+$0x7C50] =	vst v9;
	v0 =	vadd.f32 v15, v0  }
0x4b2: {  	v9 =	vld [tilespmem:s15+$0x8040];
	[tilespmem:s15+$0x7C60] =	vst v10;
	v1 =	vadd.f32 v14, v1  }
0x4b3: {  	v10 =	vld [tilespmem:s15+$0x8050];
	[tilespmem:s15+$0x8010] =	vst v0;
	v0 =	vadd.f32 v13, v8  }
0x4b4: {  	[tilespmem:s15+$0x8020] =	vst v1;
	v1 =	vld [tilespmem:$0x1FD70]  }
0x4b5: {  	[tilespmem:s15+$0x8030] =	vst v0;
	v0 =	vld [tilespmem:$0x1FD80]  }
0x4b6: {  	v3 =	vld [tilespmem:s15+$0x10460];
	v11 =	vadd.f32 v29, v11  }
0x4b7: {  	v34 =	vld [tilespmem:s15+$0x6850]  }
0x4b8: {  	[tilespmem:s15+$0x7820] =	vst v11;
	v11 =	vld [tilespmem:s15+$0x7C10];
	v12 =	vadd.f32 v18, v12  }
0x4b9: {  	v2 =	vld [tilespmem:s15+$0x8070];
	v9 =	vadd.f32 v1, v9  }
0x4ba: {  	[tilespmem:s15+$0x7C70] =	vst v12;
	v12 =	vld [tilespmem:s15+$0x8060];
	v10 =	vadd.f32 v0, v10  }
0x4bb: {  	[tilespmem:s15+$0x8040] =	vst v9;
	v9 =	vld [tilespmem:$0x1FD90]  }
0x4bc: {  	[tilespmem:s15+$0x8050] =	vst v10;
	v10 =	vld [tilespmem:$0x1FDA0]  }
0x4bd: {  	v40 =	vld [tilespmem:s15+$0x6C40];
	v11 =	vadd.f32 v24, v11  }
0x4be: {  	v47 =	vld [tilespmem:s15+$0x7030]  }
0x4bf: {  	[tilespmem:s15+$0x7C10] =	vst v11;
	v11 =	vld [tilespmem:s15+$0x8000]  }
0x4c0: {  	v34 =	vadd.f32 v39, v34;
	v14 =	vld [tilespmem:s15+$0x8400]  }
0x4c1: {  	v9 =	vadd.f32 v9, v12;
	v12 =	vadd.f32 v10, v2;
	v2 =	vld [tilespmem:$0x1FDB0]  }
0x4c2: {  	v61 =	vld [tilespmem:s15+$0x7810]  }
0x4c3: {  	v54 =	vld [tilespmem:s15+$0x7420];
	[tilespmem:s15+$0x6850] =	vst v34;
	v34 =	vadd.f32 v46, v40  }
0x4c4: {  	v17 =	vld [tilespmem:s15+$0x10470]  }
0x4c5: {  	[tilespmem:s15+$0x6C40] =	vst v34;
	v11 =	vadd.f32 v16, v11;
	v8 =	vld [tilespmem:s15+$0x8410]  }
0x4c6: {  	v34 =	vadd.f32 v53, v47;
	[tilespmem:s15+$0x8070] =	vst v12;
	v12 =	vadd.f32 v2, v14;
	v2 =	vld [tilespmem:$0x1FDC0]  }
0x4c7: {  	v30 =	vadd.f32 v30, v61;
	[tilespmem:s15+$0x8000] =	vst v11;
	v11 =	vld [tilespmem:s15+$0x8440]  }
0x4c8: {  	[tilespmem:s15+$0x7030] =	vst v34;
	v34 =	vadd.f32 v60, v54;
	v1 =	vld [tilespmem:s15+$0x8420]  }
0x4c9: {  	[tilespmem:s15+$0x7810] =	vst v30;
	v0 =	vld [tilespmem:s15+$0x8430]  }
0x4ca: {  	[tilespmem:s15+$0x7420] =	vst v34;
	v10 =	vld [tilespmem:s15+$0x8450]  }
0x4cb: {  	s28 =	simm.s32 $0x200;
	[tilespmem:s15+$0x8060] =	vst v9;
	v9 =	vadd.f32 v2, v8;
	v8 =	vld [tilespmem:s15+$0x8460]  }
.LBB2_9:
0x4cc: {  	_ = 	snop  }
0x4cd: {  	s29 =	sshra.s32 s28, $0x2;
	[tilespmem:s15+$0x8400] =	vst v12;
	v1 =	vadd.f32 v7, v1;
	v7 =	vld [tilespmem:s15+$0x8470]  }
0x4ce: {  	v58 =	vld [tilespmem:s29+$0xE800];
	[tilespmem:s15+$0x8410] =	vst v9;
	v6 =	vadd.f32 v6, v0  }
0x4cf: {  	v0 =	vld [tilespmem:s29+$0xE810];
	v5 =	vadd.f32 v5, v11;
	[tilespmem:s15+$0x8420] =	vst v1  }
0x4d0: {  	v4 =	vadd.f32 v4, v10;
	v1 =	vld [tilespmem:s29+$0xE820];
	[tilespmem:s15+$0x8430] =	vst v6  }
0x4d1: {  	v3 =	vadd.f32 v3, v8;
	v61 =	vld [tilespmem:s29+$0xE830];
	[tilespmem:s15+$0x8440] =	vst v5  }
0x4d2: {  	v62 =	vld [tilespmem:s29+$0xE840];
	[tilespmem:s15+$0x8450] =	vst v4;
	v2 =	vadd.f32 v17, v7  }
0x4d3: {  	v63 =	vld [tilespmem:s29+$0xE850];
	[tilespmem:s15+$0x8460] =	vst v3  }
0x4d4: {  	v59 =	vld [tilespmem:s29+$0xE860];
	[tilespmem:s15+$0x8470] =	vst v2;
	s15 =	smov.u32 s29  }
0x4d5: {  	v60 =	vld [tilespmem:s15+$0xE870]  }
0x4d6: {  	v57 =	vld [tilespmem:s15+$0xEC00]  }
0x4d7: {  	v56 =	vld [tilespmem:s15+$0xEC10]  }
0x4d8: {  	v55 =	vld [tilespmem:s15+$0xEC20]  }
0x4d9: {  	v54 =	vld [tilespmem:s15+$0xEC30]  }
0x4da: {  	v53 =	vld [tilespmem:s15+$0xEC40]  }
0x4db: {  	v52 =	vld [tilespmem:s15+$0xEC50]  }
0x4dc: {  	v51 =	vld [tilespmem:s15+$0xEC60]  }
0x4dd: {  	v50 =	vld [tilespmem:s15+$0xEC70]  }
0x4de: {  	v49 =	vld [tilespmem:s15+$0xF000]  }
0x4df: {  	v48 =	vld [tilespmem:s15+$0xF010]  }
0x4e0: {  	v47 =	vld [tilespmem:s15+$0xF020]  }
0x4e1: {  	v46 =	vld [tilespmem:s15+$0xF030]  }
0x4e2: {  	v45 =	vld [tilespmem:s15+$0xF040]  }
0x4e3: {  	v44 =	vld [tilespmem:s15+$0xF050]  }
0x4e4: {  	v43 =	vld [tilespmem:s15+$0xF060]  }
0x4e5: {  	v42 =	vld [tilespmem:s15+$0xF070]  }
0x4e6: {  	v41 =	vld [tilespmem:s15+$0xF400]  }
0x4e7: {  	v40 =	vld [tilespmem:s15+$0xF410]  }
0x4e8: {  	v39 =	vld [tilespmem:s15+$0xF420]  }
0x4e9: {  	v38 =	vld [tilespmem:s15+$0xF430]  }
0x4ea: {  	v37 =	vld [tilespmem:s15+$0xF440]  }
0x4eb: {  	v2 =	vld [tilespmem:s15+$0x10050]  }
0x4ec: {  	v36 =	vld [tilespmem:s15+$0xF450]  }
0x4ed: {  	v35 =	vld [tilespmem:s15+$0xF460]  }
0x4ee: {  	v34 =	vld [tilespmem:s15+$0xF470]  }
0x4ef: {  	v33 =	vld [tilespmem:s15+$0xF800]  }
0x4f0: {  	[tilespmem:$0x1FD20] =	vst v2;
	v2 =	vld [tilespmem:s15+$0x10060]  }
0x4f1: {  	v32 =	vld [tilespmem:s15+$0xF810]  }
0x4f2: {  	v31 =	vld [tilespmem:s15+$0xF820]  }
0x4f3: {  	v30 =	vld [tilespmem:s15+$0xF830]  }
0x4f4: {  	v29 =	vld [tilespmem:s15+$0xF840]  }
0x4f5: {  	[tilespmem:$0x1FD30] =	vst v2;
	v2 =	vld [tilespmem:s15+$0x10070]  }
0x4f6: {  	v28 =	vld [tilespmem:s15+$0xF850]  }
0x4f7: {  	v27 =	vld [tilespmem:s15+$0xF860]  }
0x4f8: {  	v26 =	vld [tilespmem:s15+$0xF870]  }
0x4f9: {  	v25 =	vld [tilespmem:s15+$0xFC00]  }
0x4fa: {  	[tilespmem:$0x1FD40] =	vst v2;
	v2 =	vld [tilespmem:s15+$0x10400]  }
0x4fb: {  	v24 =	vld [tilespmem:s15+$0xFC10]  }
0x4fc: {  	v23 =	vld [tilespmem:s15+$0xFC20]  }
0x4fd: {  	v22 =	vld [tilespmem:s15+$0xFC30]  }
0x4fe: {  	v21 =	vld [tilespmem:s15+$0xFC40]  }
0x4ff: {  	[tilespmem:$0x1FD50] =	vst v2;
	v2 =	vld [tilespmem:s15+$0x10410]  }
0x500: {  	v20 =	vld [tilespmem:s15+$0xFC50]  }
0x501: {  	v19 =	vld [tilespmem:s15+$0xFC60]  }
0x502: {  	v18 =	vld [tilespmem:s15+$0xFC70]  }
0x503: {  	v8 =	vld [tilespmem:s15+$0x10000]  }
0x504: {  	[tilespmem:$0x1FD60] =	vst v2;
	v2 =	vld [tilespmem:s15+$0x6800]  }
0x505: {  	v13 =	vld [tilespmem:s15+$0x6810]  }
0x506: {  	v14 =	vld [tilespmem:s15+$0x6820]  }
0x507: {  	v15 =	vld [tilespmem:s15+$0x6830]  }
0x508: {  	v16 =	vld [tilespmem:s15+$0x6840]  }
0x509: {  	v2 =	vadd.f32 v58, v2;
	v58 =	vld [tilespmem:s15+$0x6850]  }
0x50a: {  	v0 =	vadd.f32 v0, v13;
	v13 =	vld [tilespmem:s15+$0x6860]  }
0x50b: {  	v1 =	vadd.f32 v1, v14;
	[tilespmem:s15+$0x6800] =	vst v2;
	v2 =	vld [tilespmem:s15+$0x6870]  }
0x50c: {  	v14 =	vld [tilespmem:s15+$0x6C00];
	[tilespmem:s15+$0x6810] =	vst v0;
	v0 =	vadd.f32 v61, v15  }
0x50d: {  	[tilespmem:s15+$0x6820] =	vst v1;
	v1 =	vadd.f32 v62, v16;
	v15 =	vld [tilespmem:s15+$0x6C10]  }
0x50e: {  	v16 =	vld [tilespmem:s15+$0x6C20];
	[tilespmem:s15+$0x6830] =	vst v0;
	v0 =	vadd.f32 v63, v58  }
0x50f: {  	[tilespmem:s15+$0x6840] =	vst v1;
	v1 =	vadd.f32 v59, v13;
	v13 =	vld [tilespmem:s15+$0x6C30]  }
0x510: {  	[tilespmem:s15+$0x6850] =	vst v0;
	v0 =	vadd.f32 v60, v2;
	v2 =	vld [tilespmem:s15+$0x6C40]  }
0x511: {  	[tilespmem:s15+$0x6860] =	vst v1;
	v1 =	vadd.f32 v57, v14;
	v14 =	vld [tilespmem:s15+$0x6C50]  }
0x512: {  	[tilespmem:s15+$0x6870] =	vst v0;
	v0 =	vadd.f32 v56, v15;
	v15 =	vld [tilespmem:s15+$0x6C60]  }
0x513: {  	[tilespmem:s15+$0x6C00] =	vst v1;
	v1 =	vadd.f32 v55, v16;
	v16 =	vld [tilespmem:s15+$0x6C70]  }
0x514: {  	[tilespmem:s15+$0x6C10] =	vst v0;
	v0 =	vadd.f32 v54, v13;
	v13 =	vld [tilespmem:s15+$0x7000]  }
0x515: {  	[tilespmem:s15+$0x6C20] =	vst v1;
	v1 =	vadd.f32 v53, v2;
	v2 =	vld [tilespmem:s15+$0x7010]  }
0x516: {  	[tilespmem:s15+$0x6C30] =	vst v0;
	v0 =	vadd.f32 v52, v14;
	v14 =	vld [tilespmem:s15+$0x7020]  }
0x517: {  	[tilespmem:s15+$0x6C40] =	vst v1;
	v1 =	vadd.f32 v51, v15;
	v15 =	vld [tilespmem:s15+$0x7030]  }
0x518: {  	[tilespmem:s15+$0x6C50] =	vst v0;
	v0 =	vadd.f32 v50, v16;
	v16 =	vld [tilespmem:s15+$0x7040]  }
0x519: {  	[tilespmem:s15+$0x6C60] =	vst v1;
	v1 =	vadd.f32 v49, v13;
	v13 =	vld [tilespmem:s15+$0x7050]  }
0x51a: {  	[tilespmem:s15+$0x6C70] =	vst v0;
	v0 =	vadd.f32 v48, v2;
	v2 =	vld [tilespmem:s15+$0x7060]  }
0x51b: {  	[tilespmem:s15+$0x7000] =	vst v1;
	v1 =	vadd.f32 v47, v14;
	v14 =	vld [tilespmem:s15+$0x7070]  }
0x51c: {  	[tilespmem:s15+$0x7010] =	vst v0;
	v0 =	vadd.f32 v46, v15;
	v15 =	vld [tilespmem:s15+$0x7400]  }
0x51d: {  	[tilespmem:s15+$0x7020] =	vst v1;
	v1 =	vadd.f32 v45, v16;
	v16 =	vld [tilespmem:s15+$0x7410]  }
0x51e: {  	[tilespmem:s15+$0x7030] =	vst v0;
	v0 =	vadd.f32 v44, v13;
	v13 =	vld [tilespmem:s15+$0x7420]  }
0x51f: {  	[tilespmem:s15+$0x7040] =	vst v1;
	v1 =	vadd.f32 v43, v2;
	v2 =	vld [tilespmem:s15+$0x7430]  }
0x520: {  	[tilespmem:s15+$0x7050] =	vst v0;
	v0 =	vadd.f32 v42, v14;
	v14 =	vld [tilespmem:s15+$0x7440]  }
0x521: {  	[tilespmem:s15+$0x7060] =	vst v1;
	v1 =	vadd.f32 v41, v15;
	v15 =	vld [tilespmem:s15+$0x7450]  }
0x522: {  	[tilespmem:s15+$0x7070] =	vst v0;
	v0 =	vadd.f32 v40, v16;
	v16 =	vld [tilespmem:s15+$0x7460]  }
0x523: {  	[tilespmem:s15+$0x7400] =	vst v1;
	v1 =	vadd.f32 v39, v13;
	v13 =	vld [tilespmem:s15+$0x7470]  }
0x524: {  	[tilespmem:s15+$0x7410] =	vst v0;
	v0 =	vadd.f32 v38, v2;
	v2 =	vld [tilespmem:s15+$0x7800]  }
0x525: {  	[tilespmem:s15+$0x7420] =	vst v1;
	v1 =	vadd.f32 v37, v14;
	v14 =	vld [tilespmem:s15+$0x7810]  }
0x526: {  	[tilespmem:s15+$0x7430] =	vst v0;
	v0 =	vadd.f32 v36, v15;
	v15 =	vld [tilespmem:s15+$0x7820]  }
0x527: {  	[tilespmem:s15+$0x7440] =	vst v1;
	v1 =	vadd.f32 v35, v16;
	v16 =	vld [tilespmem:s15+$0x7830]  }
0x528: {  	[tilespmem:s15+$0x7450] =	vst v0;
	v0 =	vadd.f32 v34, v13;
	v13 =	vld [tilespmem:s15+$0x7840]  }
0x529: {  	[tilespmem:s15+$0x7460] =	vst v1;
	v1 =	vadd.f32 v33, v2;
	v2 =	vld [tilespmem:s15+$0x7850]  }
0x52a: {  	[tilespmem:s15+$0x7470] =	vst v0;
	v0 =	vadd.f32 v32, v14;
	v14 =	vld [tilespmem:s15+$0x7860]  }
0x52b: {  	[tilespmem:s15+$0x7800] =	vst v1;
	v1 =	vadd.f32 v31, v15;
	v15 =	vld [tilespmem:s15+$0x7870]  }
0x52c: {  	[tilespmem:s15+$0x7810] =	vst v0;
	v0 =	vadd.f32 v30, v16;
	v16 =	vld [tilespmem:s15+$0x7C00]  }
0x52d: {  	[tilespmem:s15+$0x7820] =	vst v1;
	v1 =	vadd.f32 v29, v13;
	v13 =	vld [tilespmem:s15+$0x7C10]  }
0x52e: {  	[tilespmem:s15+$0x7830] =	vst v0;
	v0 =	vadd.f32 v28, v2;
	v2 =	vld [tilespmem:s15+$0x7C20]  }
0x52f: {  	[tilespmem:s15+$0x7840] =	vst v1;
	v1 =	vadd.f32 v27, v14;
	v14 =	vld [tilespmem:s15+$0x7C30]  }
0x530: {  	[tilespmem:s15+$0x7850] =	vst v0;
	v0 =	vadd.f32 v26, v15;
	v15 =	vld [tilespmem:s15+$0x7C40]  }
0x531: {  	[tilespmem:s15+$0x7860] =	vst v1;
	v1 =	vadd.f32 v25, v16;
	v16 =	vld [tilespmem:s15+$0x7C50]  }
0x532: {  	[tilespmem:s15+$0x7870] =	vst v0;
	v0 =	vadd.f32 v24, v13;
	v13 =	vld [tilespmem:s15+$0x7C60]  }
0x533: {  	[tilespmem:s15+$0x7C00] =	vst v1;
	v1 =	vadd.f32 v23, v2;
	v2 =	vld [tilespmem:s15+$0x7C70]  }
0x534: {  	v9 =	vld [tilespmem:s15+$0x10010];
	[tilespmem:s15+$0x7C10] =	vst v0;
	v0 =	vadd.f32 v22, v14  }
0x535: {  	[tilespmem:s15+$0x7C20] =	vst v1;
	v1 =	vadd.f32 v21, v15;
	v15 =	vld [tilespmem:s15+$0x8010]  }
0x536: {  	v11 =	vld [tilespmem:s15+$0x10030];
	[tilespmem:s15+$0x7C30] =	vst v0;
	v0 =	vadd.f32 v20, v16  }
0x537: {  	[tilespmem:s15+$0x7C40] =	vst v1;
	v1 =	vadd.f32 v19, v13;
	v13 =	vld [tilespmem:s15+$0x8030]  }
0x538: {  	v14 =	vld [tilespmem:s15+$0x8000];
	[tilespmem:s15+$0x7C50] =	vst v0;
	v0 =	vadd.f32 v18, v2;
	_ =	sdelay $0x1  }
0x539: {  	[tilespmem:s15+$0x7C70] =	vst v0;
	v0 =	vadd.f32 v9, v15;
	_ =	sdelay $0x1  }
0x53a: {  	v10 =	vld [tilespmem:s15+$0x10020];
	[tilespmem:s15+$0x8010] =	vst v0;
	v0 =	vadd.f32 v11, v13  }
0x53b: {  	[tilespmem:s15+$0x7C60] =	vst v1;
	v1 =	vadd.f32 v8, v14;
	v8 =	vld [tilespmem:s15+$0x8050]  }
0x53c: {  	[tilespmem:s15+$0x8030] =	vst v0;
	v0 =	vld [tilespmem:$0x1FD20]  }
0x53d: {  	v12 =	vld [tilespmem:s15+$0x10040]  }
0x53e: {  	v7 =	vld [tilespmem:s15+$0x10420]  }
0x53f: {  	v2 =	vld [tilespmem:s15+$0x8040]  }
0x540: {  	v9 =	vld [tilespmem:s15+$0x8060]  }
0x541: {  	v8 =	vadd.f32 v0, v8;
	v0 =	vld [tilespmem:$0x1FD30]  }
0x542: {  	v6 =	vld [tilespmem:s15+$0x10430]  }
0x543: {  	v5 =	vld [tilespmem:s15+$0x10440]  }
0x544: {  	v4 =	vld [tilespmem:s15+$0x10450];
	v2 =	vadd.f32 v12, v2  }
0x545: {  	v16 =	vld [tilespmem:s15+$0x8020]  }
0x546: {  	v3 =	vld [tilespmem:s15+$0x10460];
	[tilespmem:s15+$0x8040] =	vst v2;
	v2 =	vadd.f32 v0, v9  }
0x547: {  	v13 =	vld [tilespmem:s15+$0x8400]  }
0x548: {  	[tilespmem:s15+$0x8060] =	vst v2;
	v2 =	vld [tilespmem:$0x1FD50]  }
0x549: {  	v17 =	vld [tilespmem:s15+$0x10470]  }
0x54a: {  	[tilespmem:s15+$0x8000] =	vst v1;
	v1 =	vadd.f32 v10, v16;
	v10 =	vld [tilespmem:s15+$0x8070]  }
0x54b: {  	[tilespmem:s15+$0x8050] =	vst v8;
	v8 =	vld [tilespmem:$0x1FD40]  }
0x54c: {  	v14 =	vld [tilespmem:s15+$0x8410]  }
0x54d: {  	p0 =	sne.s32 s28, $0xE00;
	v12 =	vadd.f32 v2, v13;
	v2 =	vld [tilespmem:$0x1FD60]  }
.Ltmp3:
0x54e: {  	v11 =	vld [tilespmem:s15+$0x8440];
	(pc) =	sbr.rel @p0 .LBB2_9-.Ltmp3, $4  }
0x54f: {  	[tilespmem:s15+$0x8020] =	vst v1;
	v1 =	vld [tilespmem:s15+$0x8420]  }
0x550: {  	v0 =	vld [tilespmem:s15+$0x8430];
	v8 =	vadd.f32 v8, v10  }
0x551: {  	v10 =	vld [tilespmem:s15+$0x8450]  }
0x552: {  	s28 =	sadd.s32 $0x200, s28;
	[tilespmem:s15+$0x8070] =	vst v8;
	v8 =	vld [tilespmem:s15+$0x8460];
	v9 =	vadd.f32 v2, v14  }
0x553: {  	[tilespmem:s15+$0x8400] =	vst v12;
	v2 =	vld [tilespmem:s15+$0x8470];
	v60 =	vadd.f32 v5, v11  }
0x554: {  	v1 =	vadd.f32 v7, v1;
	[tilespmem:s15+$0x8410] =	vst v9  }
0x555: {  	s14 =	sadd.s32 $0x1, s14;
	v0 =	vadd.f32 v6, v0;
	[tilespmem:s15+$0x8440] =	vst v60  }
0x556: {  	p0 =	sne.s32 s14, $0x20;
	[tilespmem:s15+$0x8420] =	vst v1;
	v61 =	vadd.f32 v4, v10  }
.Ltmp4:
0x557: {  	[tilespmem:s15+$0x8430] =	vst v0;
	v62 =	vadd.f32 v3, v8;
	(pc) =	sbr.rel @p0 .LBB2_2-.Ltmp4, $4  }
0x558: {  	[tilespmem:s15+$0x8450] =	vst v61;
	v63 =	vadd.f32 v17, v2  }
0x559: {  	s5 =	sshll.u32 s5, $0xA;
	[tilespmem:s15+$0x8460] =	vst v62  }
0x55a: {  	s5 =	sadd.s32 s5, s13;
	[tilespmem:s15+$0x8470] =	vst v63  }
0x55b: {  	[hbm4b:s5+s4] =	stream.linear.scatter [tilespmem:s26], [sflag:$0x8], $0x2000, $0x38;
	[tilespmem:$0x10800] =	vst v63  }
0x55c: {  	s14 =	simm.s32 $0x8  }
0x55d: {  	_ =	swait.ge [sflag:s14], $0x2000  }
0x55e: {  	s15 =	rddreg [dreg:$0x8]  }
0x55f: {  	s5 =	rddreg [dreg:$0x7];
	s15 =	sadd.s32 $0x1, s15  }
0x560: {  	p0 =	sne.s32 s15, s5  }
.Ltmp5:
0x561: {  	_ = 	snop;
	(pc) =	sbr.rel @p0 .LBB2_1-.Ltmp5, $3  }
0x562: {  	_ =	sdelay $0x1  }
0x563: {  	[sflag:s14] =	ssyncset.done $0x0  }
0x564: {  	[sflag:s14] =	ssyncadd.s32 $0xFFFFE000  }
0x565: {  	_ =	sfence.sel $0x180000  }
0x566: {  	[bflag:$0x0] =	sbarrier.arrive $0xFFFF  }
0x567: {  	_ =	strace $0x90000047  }
0x568: {  	s0 =	stileid.u32;
	[bflag:$0x2] =	sbarrier.arrive $0xFFFF  }
0x569: {  	p0 =	sne.s32 s0, $0x0;
	s0 =	rddreg [dreg:$0x4]  }
0x56a: {  	s0 =	sadd.s32 @!p0 $0x100000, s0  }
0x56b: {  	[sflag:s0] =	ssyncadd.tile.s32 @!p0 $0x1;
	_ =	shalt  }
.Lfunc_end2:
_tile_overlayer_lowered:
.L_overlay_start_2:
0x56c: {  	(tag) =	ssettag $0x2  }
0x56d: {  	s0 =	rddreg [dreg:$0x0];
	s2 =	stileid.u32  }
0x56e: {  	s1 =	rddreg [dreg:$0x1];
	p0 =	sne.s32 s2, $0x0  }
0x56f: {  	s3 =	rddreg [dreg:$0x2];
	[bflag:$0x3] =	sbarrier.arrive $0xFFFF;
	s2 =	simm.s32 @!p0 $0x1C09  }
0x570: {  	[timem:s3], [sflag:s2] =	dma.local @!p0 [hbm:s0], s1  }
0x571: {  	s0 =	simm.s32 @!p0 $0x9  }
0x572: {  	_ =	swait.ge @!p0 [sflag:s0], s1  }
0x573: {  	s1 =	ssub.s32 @!p0 $0x0, s1;
	[sflag:s0] =	ssyncset.done @!p0 $0x0  }
0x574: {  	[sflag:s0] =	ssyncadd.s32 @!p0 s1  }
0x575: {  	[bflag:$0x3] =	sbarrier.arrive $0xFFFF  }
0x576: {  	_ =	shalt  }

</sc_bundles>
